<compile_context>
chip_gen: v7x
topology: tpu7x:2x2x1
jax: 0.10.2.dev20260603
libtpu: 0.0.44.dev20260713+nightly
codegen_flags: <defaults>
</compile_context>

<pallas_src>
import functools

import jax
import jax.numpy as jnp
from jax import lax
from jax.experimental import pallas as pl
from jax.experimental.pallas import tpu as pltpu
from jax.experimental.pallas import tpu_sc as plsc

_B = 64
_C = 768
_HW = 1024
_R = _B * _C
_NC = 2
_NS = 16
_NW = _NC * _NS
_RPW = _R // _NW
_CH = 48
_NCH = _RPW // _CH
_NBUF = 2


def _sc_gather(xf, idx3):
    mesh = plsc.VectorSubcoreMesh(core_axis_name="c", subcore_axis_name="s")

    @functools.partial(
        pl.kernel,
        mesh=mesh,
        out_type=jax.ShapeDtypeStruct((_R, _HW), jnp.float32),
        compiler_params=pltpu.CompilerParams(use_tc_tiling_on_sc=True),
        scratch_types=[
            pltpu.VMEM((_NCH, _CH), jnp.int32),
            pltpu.VMEM((_CH, _HW), jnp.float32),
            pltpu.VMEM((_CH, _HW), jnp.float32),
            pltpu.SemaphoreType.DMA,
            pltpu.SemaphoreType.DMA,
            pltpu.SemaphoreType.DMA,
            pltpu.SemaphoreType.DMA,
        ],
    )
    def k(x_hbm, idx_hbm, out_hbm, idx_v, rows0, rows1, g0, g1, s0, s1):
        wid = lax.axis_index("s") * _NC + lax.axis_index("c")
        pltpu.sync_copy(idx_hbm.at[wid], idx_v)
        base = wid * _RPW
        rows = (rows0, rows1)
        gsem = (g0, g1)
        ssem = (s0, s1)

        def start_gather(j):
            p = j % _NBUF
            return pltpu.async_copy(x_hbm.at[idx_v.at[j]], rows[p], gsem[p])

        def start_scatter(j):
            p = j % _NBUF
            return pltpu.async_copy(
                rows[p], out_hbm.at[pl.ds(base + j * _CH, _CH)], ssem[p]
            )

        g = {0: start_gather(0), 1: start_gather(1)}
        s = {}
        for j in range(_NCH):
            g[j].wait()
            s[j] = start_scatter(j)
            if j + _NBUF < _NCH:
                s[j].wait()
                g[j + _NBUF] = start_gather(j + _NBUF)
        for j in range(_NCH - _NBUF, _NCH):
            s[j].wait()

    return k(xf, idx3)


def kernel(x, objective, z_list, indices):
    xf = x.reshape(_R, _HW)
    idx3 = (
        jnp.arange(_B, dtype=jnp.int32)[:, None] * _C + indices[None, :]
    ).reshape(_NW, _NCH, _CH)
    yf = _sc_gather(xf, idx3)
    return (yf.reshape(_B, _C, 32, 32), objective, z_list)

# --- scband reference (transcript-rebuilt; emitter-appended) ---
"""Pipeline reference for scband-shuffle-26989574488656 (READ-ONLY COPY).

The authoritative reference and input builder live on the scoring server;
editing this copy changes nothing except your own understanding.
"""

import jax, jax.numpy as jnp
import numpy as np

NUM_CHANNELS = 768


def setup_inputs(seed: int = 0) -> dict:
    key = jax.random.key(seed)
    k1, _ = jax.random.split(key)
    x = jax.random.normal(k1, (64, NUM_CHANNELS, 32, 32), dtype=jnp.float32)
    objective = jnp.zeros((64,), dtype=jnp.float32)
    z_list = jnp.zeros((64, 1), dtype=jnp.float32)
    # Shuffle.__init__ builds a random channel permutation buffer via numpy.
    # Use a fixed seed so the reference is deterministic.
    rng = np.random.RandomState(0)
    indices = jnp.asarray(rng.permutation(NUM_CHANNELS), dtype=jnp.int32)
    return {"x": x, "objective": objective, "z_list": z_list, "indices": indices}


def reference(x, objective, z_list, indices):
    # forward_: x[:, self.indices] -- a gather along the channel dimension;
    # objective and z_list pass through unchanged.
    y = jnp.take(x, indices, axis=1)
    return (y, objective, z_list)

if __name__ == "__main__":
    import jax
    _d = setup_inputs()
    print(jax.jit(kernel)(*tuple(_d.values())))

</pallas_src>

<mosaic_0001>
#map = affine_map<(d0, d1) -> (0, 0)>
#map1 = affine_map<(d0, d1) -> (0, 0, 0)>
module attributes {stable_mosaic.version = 14 : i64} {
  func.func @k(%arg0: i32, %arg1: i32, %arg2: memref<49152x1024xf32, #tpu.memory_space<hbm>>, %arg3: memref<32x32x48xi32, #tpu.memory_space<hbm>>, %arg4: memref<49152x1024xf32, #tpu.memory_space<hbm>>, %arg5: memref<32x48xi32, #tpu.memory_space<vmem>>, %arg6: memref<48x1024xf32, #tpu.memory_space<vmem>>, %arg7: memref<48x1024xf32, #tpu.memory_space<vmem>>, %arg8: memref<!tpu.dma_semaphore, #tpu.memory_space<semaphore_mem>>, %arg9: memref<!tpu.dma_semaphore, #tpu.memory_space<semaphore_mem>>, %arg10: memref<!tpu.dma_semaphore, #tpu.memory_space<semaphore_mem>>, %arg11: memref<!tpu.dma_semaphore, #tpu.memory_space<semaphore_mem>>) attributes {dimension_semantics = [#tpu.dimension_semantics<core_parallel>, #tpu.dimension_semantics<subcore_parallel>], iteration_bounds = array<i64: 2, 16>, scalar_prefetch = 0 : i64, scratch_operands = 7 : i64, tpu.core_type = #tpu.core_type<sc_vector_subcore>, window_params = [{transform_indices = #map}, {transform_indices = #map1}, {transform_indices = #map}]} {
    %mul3A = arith.constant 2 : i32
    %mul3A_0 = arith.muli %arg1, %mul3A : i32
    %add3A = arith.addi %mul3A_0, %arg0 : i32
    "tpu.region"() ({
      %run_scoped3A = tpu.sem_alloc : memref<!tpu.dma_semaphore, #tpu.memory_space<semaphore_mem>>
      %dma_start3A_769 = arith.constant 0 : i32
      %dma_start3A_770 = arith.constant 0 : i32
      %dma_start3A_771 = tpu.memref_slice %arg3[%add3A, %dma_start3A_769, %dma_start3A_770] : memref<32x32x48xi32, #tpu.memory_space<hbm>> -> memref<1x32x48xi32, #tpu.memory_space<hbm>>
      %dma_start3A_772 = tpu.memref_squeeze %dma_start3A_771 : memref<1x32x48xi32, #tpu.memory_space<hbm>> -> memref<32x48xi32, #tpu.memory_space<hbm>>
      %dma_start3A_773 = arith.constant 0 : i32
      %dma_start3A_774 = arith.constant 0 : i32
      %dma_start3A_775 = tpu.memref_slice %arg3[%add3A, %dma_start3A_773, %dma_start3A_774] : memref<32x32x48xi32, #tpu.memory_space<hbm>> -> memref<1x32x48xi32, #tpu.memory_space<hbm>>
      %dma_start3A_776 = tpu.memref_squeeze %dma_start3A_775 : memref<1x32x48xi32, #tpu.memory_space<hbm>> -> memref<32x48xi32, #tpu.memory_space<hbm>>
      tpu.enqueue_dma source(%dma_start3A_776 : memref<32x48xi32, #tpu.memory_space<hbm>>) target(%arg5 : memref<32x48xi32, #tpu.memory_space<vmem>>) target_semaphore(%run_scoped3A : memref<!tpu.dma_semaphore, #tpu.memory_space<semaphore_mem>>)
      %dma_wait3A_777 = arith.constant 0 : i32
      %dma_wait3A_778 = arith.constant 0 : i32
      %dma_wait3A_779 = tpu.memref_slice %arg3[%add3A, %dma_wait3A_777, %dma_wait3A_778] : memref<32x32x48xi32, #tpu.memory_space<hbm>> -> memref<1x32x48xi32, #tpu.memory_space<hbm>>
      %dma_wait3A_780 = tpu.memref_squeeze %dma_wait3A_779 : memref<1x32x48xi32, #tpu.memory_space<hbm>> -> memref<32x48xi32, #tpu.memory_space<hbm>>
      %dma_wait3A_781 = arith.constant 0 : i32
      %dma_wait3A_782 = arith.constant 0 : i32
      %dma_wait3A_783 = tpu.memref_slice %arg3[%add3A, %dma_wait3A_781, %dma_wait3A_782] : memref<32x32x48xi32, #tpu.memory_space<hbm>> -> memref<1x32x48xi32, #tpu.memory_space<hbm>>
      %dma_wait3A_784 = tpu.memref_squeeze %dma_wait3A_783 : memref<1x32x48xi32, #tpu.memory_space<hbm>> -> memref<32x48xi32, #tpu.memory_space<hbm>>
      tpu.wait_dma2 semaphore(%run_scoped3A : memref<!tpu.dma_semaphore, #tpu.memory_space<semaphore_mem>>) src(%dma_wait3A_784 : memref<32x48xi32, #tpu.memory_space<hbm>>) dst(%arg5 : memref<32x48xi32, #tpu.memory_space<vmem>>)
      tpu.yield
    }) : () -> ()
    %mul3A_1 = arith.constant 1536 : i32
    %mul3A_2 = arith.muli %add3A, %mul3A_1 : i32
    %dma_start3A = arith.constant 0 : i32
    %dma_start3A_3 = arith.constant 0 : i32
    %dma_start3A_4 = tpu.memref_slice %arg5[%dma_start3A, %dma_start3A_3] : memref<32x48xi32, #tpu.memory_space<vmem>> -> memref<1x48xi32, #tpu.memory_space<vmem>>
    %dma_start3A_5 = tpu.memref_squeeze %dma_start3A_4 : memref<1x48xi32, #tpu.memory_space<vmem>> -> memref<48xi32, #tpu.memory_space<vmem>>
    %dma_start3A_6 = arith.constant 0 : i32
    %dma_start3A_7 = arith.constant 0 : i32
    %dma_start3A_8 = tpu.memref_slice %arg2[%dma_start3A_6, %dma_start3A_7] : memref<49152x1024xf32, #tpu.memory_space<hbm>> -> memref<49152x1024xf32, #tpu.memory_space<hbm>>
    tpu.enqueue_indirect_dma source(%dma_start3A_8 : memref<49152x1024xf32, #tpu.memory_space<hbm>>) target(%arg6 : memref<48x1024xf32, #tpu.memory_space<vmem>>) offsets(%dma_start3A_5 : memref<48xi32, #tpu.memory_space<vmem>>) semaphore(%arg8 : memref<!tpu.dma_semaphore, #tpu.memory_space<semaphore_mem>>)
    %dma_start3A_9 = arith.constant 1 : i32
    %dma_start3A_10 = arith.constant 0 : i32
    %dma_start3A_11 = tpu.memref_slice %arg5[%dma_start3A_9, %dma_start3A_10] : memref<32x48xi32, #tpu.memory_space<vmem>> -> memref<1x48xi32, #tpu.memory_space<vmem>>
    %dma_start3A_12 = tpu.memref_squeeze %dma_start3A_11 : memref<1x48xi32, #tpu.memory_space<vmem>> -> memref<48xi32, #tpu.memory_space<vmem>>
    %dma_start3A_13 = arith.constant 0 : i32
    %dma_start3A_14 = arith.constant 0 : i32
    %dma_start3A_15 = tpu.memref_slice %arg2[%dma_start3A_13, %dma_start3A_14] : memref<49152x1024xf32, #tpu.memory_space<hbm>> -> memref<49152x1024xf32, #tpu.memory_space<hbm>>
    tpu.enqueue_indirect_dma source(%dma_start3A_15 : memref<49152x1024xf32, #tpu.memory_space<hbm>>) target(%arg7 : memref<48x1024xf32, #tpu.memory_space<vmem>>) offsets(%dma_start3A_12 : memref<48xi32, #tpu.memory_space<vmem>>) semaphore(%arg9 : memref<!tpu.dma_semaphore, #tpu.memory_space<semaphore_mem>>)
    %dma_wait3A = arith.constant 0 : i32
    %dma_wait3A_16 = arith.constant 0 : i32
    %dma_wait3A_17 = tpu.memref_slice %arg5[%dma_wait3A, %dma_wait3A_16] : memref<32x48xi32, #tpu.memory_space<vmem>> -> memref<1x48xi32, #tpu.memory_space<vmem>>
    %dma_wait3A_18 = tpu.memref_squeeze %dma_wait3A_17 : memref<1x48xi32, #tpu.memory_space<vmem>> -> memref<48xi32, #tpu.memory_space<vmem>>
    %dma_wait3A_19 = arith.constant 0 : i32
    %dma_wait3A_20 = arith.constant 0 : i32
    %dma_wait3A_21 = tpu.memref_slice %arg2[%dma_wait3A_19, %dma_wait3A_20] : memref<49152x1024xf32, #tpu.memory_space<hbm>> -> memref<49152x1024xf32, #tpu.memory_space<hbm>>
    tpu.wait_indirect_dma semaphore(%arg8 : memref<!tpu.dma_semaphore, #tpu.memory_space<semaphore_mem>>) src(%dma_wait3A_21 : memref<49152x1024xf32, #tpu.memory_space<hbm>>) dst(%arg6 : memref<48x1024xf32, #tpu.memory_space<vmem>>)
    %add3A_22 = arith.constant 0 : i32
    %add3A_23 = arith.addi %mul3A_2, %add3A_22 : i32
    %dma_start3A_24 = arith.constant 0 : i32
    %dma_start3A_25 = tpu.memref_slice %arg4[%add3A_23, %dma_start3A_24] : memref<49152x1024xf32, #tpu.memory_space<hbm>> -> memref<48x1024xf32, #tpu.memory_space<hbm>>
    %dma_start3A_26 = arith.constant 0 : i32
    %dma_start3A_27 = tpu.memref_slice %arg4[%add3A_23, %dma_start3A_26] : memref<49152x1024xf32, #tpu.memory_space<hbm>> -> memref<48x1024xf32, #tpu.memory_space<hbm>>
    tpu.enqueue_dma source(%arg6 : memref<48x1024xf32, #tpu.memory_space<vmem>>) target(%dma_start3A_27 : memref<48x1024xf32, #tpu.memory_space<hbm>>) target_semaphore(%arg10 : memref<!tpu.dma_semaphore, #tpu.memory_space<semaphore_mem>>)
    %dma_wait3A_28 = arith.constant 0 : i32
    %dma_wait3A_29 = tpu.memref_slice %arg4[%add3A_23, %dma_wait3A_28] : memref<49152x1024xf32, #tpu.memory_space<hbm>> -> memref<48x1024xf32, #tpu.memory_space<hbm>>
    %dma_wait3A_30 = arith.constant 0 : i32
    %dma_wait3A_31 = tpu.memref_slice %arg4[%add3A_23, %dma_wait3A_30] : memref<49152x1024xf32, #tpu.memory_space<hbm>> -> memref<48x1024xf32, #tpu.memory_space<hbm>>
    tpu.wait_dma2 semaphore(%arg10 : memref<!tpu.dma_semaphore, #tpu.memory_space<semaphore_mem>>) src(%arg6 : memref<48x1024xf32, #tpu.memory_space<vmem>>) dst(%dma_wait3A_31 : memref<48x1024xf32, #tpu.memory_space<hbm>>)
    %dma_start3A_32 = arith.constant 2 : i32
    %dma_start3A_33 = arith.constant 0 : i32
    %dma_start3A_34 = tpu.memref_slice %arg5[%dma_start3A_32, %dma_start3A_33] : memref<32x48xi32, #tpu.memory_space<vmem>> -> memref<1x48xi32, #tpu.memory_space<vmem>>
    %dma_start3A_35 = tpu.memref_squeeze %dma_start3A_34 : memref<1x48xi32, #tpu.memory_space<vmem>> -> memref<48xi32, #tpu.memory_space<vmem>>
    %dma_start3A_36 = arith.constant 0 : i32
    %dma_start3A_37 = arith.constant 0 : i32
    %dma_start3A_38 = tpu.memref_slice %arg2[%dma_start3A_36, %dma_start3A_37] : memref<49152x1024xf32, #tpu.memory_space<hbm>> -> memref<49152x1024xf32, #tpu.memory_space<hbm>>
    tpu.enqueue_indirect_dma source(%dma_start3A_38 : memref<49152x1024xf32, #tpu.memory_space<hbm>>) target(%arg6 : memref<48x1024xf32, #tpu.memory_space<vmem>>) offsets(%dma_start3A_35 : memref<48xi32, #tpu.memory_space<vmem>>) semaphore(%arg8 : memref<!tpu.dma_semaphore, #tpu.memory_space<semaphore_mem>>)
    %dma_wait3A_39 = arith.constant 1 : i32
    %dma_wait3A_40 = arith.constant 0 : i32
    %dma_wait3A_41 = tpu.memref_slice %arg5[%dma_wait3A_39, %dma_wait3A_40] : memref<32x48xi32, #tpu.memory_space<vmem>> -> memref<1x48xi32, #tpu.memory_space<vmem>>
    %dma_wait3A_42 = tpu.memref_squeeze %dma_wait3A_41 : memref<1x48xi32, #tpu.memory_space<vmem>> -> memref<48xi32, #tpu.memory_space<vmem>>
    %dma_wait3A_43 = arith.constant 0 : i32
    %dma_wait3A_44 = arith.constant 0 : i32
    %dma_wait3A_45 = tpu.memref_slice %arg2[%dma_wait3A_43, %dma_wait3A_44] : memref<49152x1024xf32, #tpu.memory_space<hbm>> -> memref<49152x1024xf32, #tpu.memory_space<hbm>>
    tpu.wait_indirect_dma semaphore(%arg9 : memref<!tpu.dma_semaphore, #tpu.memory_space<semaphore_mem>>) src(%dma_wait3A_45 : memref<49152x1024xf32, #tpu.memory_space<hbm>>) dst(%arg7 : memref<48x1024xf32, #tpu.memory_space<vmem>>)
    %add3A_46 = arith.constant 48 : i32
    %add3A_47 = arith.addi %mul3A_2, %add3A_46 : i32
    %dma_start3A_48 = arith.constant 0 : i32
    %dma_start3A_49 = tpu.memref_slice %arg4[%add3A_47, %dma_start3A_48] : memref<49152x1024xf32, #tpu.memory_space<hbm>> -> memref<48x1024xf32, #tpu.memory_space<hbm>>
    %dma_start3A_50 = arith.constant 0 : i32
    %dma_start3A_51 = tpu.memref_slice %arg4[%add3A_47, %dma_start3A_50] : memref<49152x1024xf32, #tpu.memory_space<hbm>> -> memref<48x1024xf32, #tpu.memory_space<hbm>>
    tpu.enqueue_dma source(%arg7 : memref<48x1024xf32, #tpu.memory_space<vmem>>) target(%dma_start3A_51 : memref<48x1024xf32, #tpu.memory_space<hbm>>) target_semaphore(%arg11 : memref<!tpu.dma_semaphore, #tpu.memory_space<semaphore_mem>>)
    %dma_wait3A_52 = arith.constant 0 : i32
    %dma_wait3A_53 = tpu.memref_slice %arg4[%add3A_47, %dma_wait3A_52] : memref<49152x1024xf32, #tpu.memory_space<hbm>> -> memref<48x1024xf32, #tpu.memory_space<hbm>>
    %dma_wait3A_54 = arith.constant 0 : i32
    %dma_wait3A_55 = tpu.memref_slice %arg4[%add3A_47, %dma_wait3A_54] : memref<49152x1024xf32, #tpu.memory_space<hbm>> -> memref<48x1024xf32, #tpu.memory_space<hbm>>
    tpu.wait_dma2 semaphore(%arg11 : memref<!tpu.dma_semaphore, #tpu.memory_space<semaphore_mem>>) src(%arg7 : memref<48x1024xf32, #tpu.memory_space<vmem>>) dst(%dma_wait3A_55 : memref<48x1024xf32, #tpu.memory_space<hbm>>)
    %dma_start3A_56 = arith.constant 3 : i32
    %dma_start3A_57 = arith.constant 0 : i32
    %dma_start3A_58 = tpu.memref_slice %arg5[%dma_start3A_56, %dma_start3A_57] : memref<32x48xi32, #tpu.memory_space<vmem>> -> memref<1x48xi32, #tpu.memory_space<vmem>>
    %dma_start3A_59 = tpu.memref_squeeze %dma_start3A_58 : memref<1x48xi32, #tpu.memory_space<vmem>> -> memref<48xi32, #tpu.memory_space<vmem>>
    %dma_start3A_60 = arith.constant 0 : i32
    %dma_start3A_61 = arith.constant 0 : i32
    %dma_start3A_62 = tpu.memref_slice %arg2[%dma_start3A_60, %dma_start3A_61] : memref<49152x1024xf32, #tpu.memory_space<hbm>> -> memref<49152x1024xf32, #tpu.memory_space<hbm>>
    tpu.enqueue_indirect_dma source(%dma_start3A_62 : memref<49152x1024xf32, #tpu.memory_space<hbm>>) target(%arg7 : memref<48x1024xf32, #tpu.memory_space<vmem>>) offsets(%dma_start3A_59 : memref<48xi32, #tpu.memory_space<vmem>>) semaphore(%arg9 : memref<!tpu.dma_semaphore, #tpu.memory_space<semaphore_mem>>)
    %dma_wait3A_63 = arith.constant 2 : i32
    %dma_wait3A_64 = arith.constant 0 : i32
    %dma_wait3A_65 = tpu.memref_slice %arg5[%dma_wait3A_63, %dma_wait3A_64] : memref<32x48xi32, #tpu.memory_space<vmem>> -> memref<1x48xi32, #tpu.memory_space<vmem>>
    %dma_wait3A_66 = tpu.memref_squeeze %dma_wait3A_65 : memref<1x48xi32, #tpu.memory_space<vmem>> -> memref<48xi32, #tpu.memory_space<vmem>>
    %dma_wait3A_67 = arith.constant 0 : i32
    %dma_wait3A_68 = arith.constant 0 : i32
    %dma_wait3A_69 = tpu.memref_slice %arg2[%dma_wait3A_67, %dma_wait3A_68] : memref<49152x1024xf32, #tpu.memory_space<hbm>> -> memref<49152x1024xf32, #tpu.memory_space<hbm>>
    tpu.wait_indirect_dma semaphore(%arg8 : memref<!tpu.dma_semaphore, #tpu.memory_space<semaphore_mem>>) src(%dma_wait3A_69 : memref<49152x1024xf32, #tpu.memory_space<hbm>>) dst(%arg6 : memref<48x1024xf32, #tpu.memory_space<vmem>>)
    %add3A_70 = arith.constant 96 : i32
    %add3A_71 = arith.addi %mul3A_2, %add3A_70 : i32
    %dma_start3A_72 = arith.constant 0 : i32
    %dma_start3A_73 = tpu.memref_slice %arg4[%add3A_71, %dma_start3A_72] : memref<49152x1024xf32, #tpu.memory_space<hbm>> -> memref<48x1024xf32, #tpu.memory_space<hbm>>
    %dma_start3A_74 = arith.constant 0 : i32
    %dma_start3A_75 = tpu.memref_slice %arg4[%add3A_71, %dma_start3A_74] : memref<49152x1024xf32, #tpu.memory_space<hbm>> -> memref<48x1024xf32, #tpu.memory_space<hbm>>
    tpu.enqueue_dma source(%arg6 : memref<48x1024xf32, #tpu.memory_space<vmem>>) target(%dma_start3A_75 : memref<48x1024xf32, #tpu.memory_space<hbm>>) target_semaphore(%arg10 : memref<!tpu.dma_semaphore, #tpu.memory_space<semaphore_mem>>)
    %dma_wait3A_76 = arith.constant 0 : i32
    %dma_wait3A_77 = tpu.memref_slice %arg4[%add3A_71, %dma_wait3A_76] : memref<49152x1024xf32, #tpu.memory_space<hbm>> -> memref<48x1024xf32, #tpu.memory_space<hbm>>
    %dma_wait3A_78 = arith.constant 0 : i32
    %dma_wait3A_79 = tpu.memref_slice %arg4[%add3A_71, %dma_wait3A_78] : memref<49152x1024xf32, #tpu.memory_space<hbm>> -> memref<48x1024xf32, #tpu.memory_space<hbm>>
    tpu.wait_dma2 semaphore(%arg10 : memref<!tpu.dma_semaphore, #tpu.memory_space<semaphore_mem>>) src(%arg6 : memref<48x1024xf32, #tpu.memory_space<vmem>>) dst(%dma_wait3A_79 : memref<48x1024xf32, #tpu.memory_space<hbm>>)
    %dma_start3A_80 = arith.constant 4 : i32
    %dma_start3A_81 = arith.constant 0 : i32
    %dma_start3A_82 = tpu.memref_slice %arg5[%dma_start3A_80, %dma_start3A_81] : memref<32x48xi32, #tpu.memory_space<vmem>> -> memref<1x48xi32, #tpu.memory_space<vmem>>
    %dma_start3A_83 = tpu.memref_squeeze %dma_start3A_82 : memref<1x48xi32, #tpu.memory_space<vmem>> -> memref<48xi32, #tpu.memory_space<vmem>>
    %dma_start3A_84 = arith.constant 0 : i32
    %dma_start3A_85 = arith.constant 0 : i32
    %dma_start3A_86 = tpu.memref_slice %arg2[%dma_start3A_84, %dma_start3A_85] : memref<49152x1024xf32, #tpu.memory_space<hbm>> -> memref<49152x1024xf32, #tpu.memory_space<hbm>>
    tpu.enqueue_indirect_dma source(%dma_start3A_86 : memref<49152x1024xf32, #tpu.memory_space<hbm>>) target(%arg6 : memref<48x1024xf32, #tpu.memory_space<vmem>>) offsets(%dma_start3A_83 : memref<48xi32, #tpu.memory_space<vmem>>) semaphore(%arg8 : memref<!tpu.dma_semaphore, #tpu.memory_space<semaphore_mem>>)
    %dma_wait3A_87 = arith.constant 3 : i32
    %dma_wait3A_88 = arith.constant 0 : i32
    %dma_wait3A_89 = tpu.memref_slice %arg5[%dma_wait3A_87, %dma_wait3A_88] : memref<32x48xi32, #tpu.memory_space<vmem>> -> memref<1x48xi32, #tpu.memory_space<vmem>>
    %dma_wait3A_90 = tpu.memref_squeeze %dma_wait3A_89 : memref<1x48xi32, #tpu.memory_space<vmem>> -> memref<48xi32, #tpu.memory_space<vmem>>
    %dma_wait3A_91 = arith.constant 0 : i32
    %dma_wait3A_92 = arith.constant 0 : i32
    %dma_wait3A_93 = tpu.memref_slice %arg2[%dma_wait3A_91, %dma_wait3A_92] : memref<49152x1024xf32, #tpu.memory_space<hbm>> -> memref<49152x1024xf32, #tpu.memory_space<hbm>>
    tpu.wait_indirect_dma semaphore(%arg9 : memref<!tpu.dma_semaphore, #tpu.memory_space<semaphore_mem>>) src(%dma_wait3A_93 : memref<49152x1024xf32, #tpu.memory_space<hbm>>) dst(%arg7 : memref<48x1024xf32, #tpu.memory_space<vmem>>)
    %add3A_94 = arith.constant 144 : i32
    %add3A_95 = arith.addi %mul3A_2, %add3A_94 : i32
    %dma_start3A_96 = arith.constant 0 : i32
    %dma_start3A_97 = tpu.memref_slice %arg4[%add3A_95, %dma_start3A_96] : memref<49152x1024xf32, #tpu.memory_space<hbm>> -> memref<48x1024xf32, #tpu.memory_space<hbm>>
    %dma_start3A_98 = arith.constant 0 : i32
    %dma_start3A_99 = tpu.memref_slice %arg4[%add3A_95, %dma_start3A_98] : memref<49152x1024xf32, #tpu.memory_space<hbm>> -> memref<48x1024xf32, #tpu.memory_space<hbm>>
    tpu.enqueue_dma source(%arg7 : memref<48x1024xf32, #tpu.memory_space<vmem>>) target(%dma_start3A_99 : memref<48x1024xf32, #tpu.memory_space<hbm>>) target_semaphore(%arg11 : memref<!tpu.dma_semaphore, #tpu.memory_space<semaphore_mem>>)
    %dma_wait3A_100 = arith.constant 0 : i32
    %dma_wait3A_101 = tpu.memref_slice %arg4[%add3A_95, %dma_wait3A_100] : memref<49152x1024xf32, #tpu.memory_space<hbm>> -> memref<48x1024xf32, #tpu.memory_space<hbm>>
    %dma_wait3A_102 = arith.constant 0 : i32
    %dma_wait3A_103 = tpu.memref_slice %arg4[%add3A_95, %dma_wait3A_102] : memref<49152x1024xf32, #tpu.memory_space<hbm>> -> memref<48x1024xf32, #tpu.memory_space<hbm>>
    tpu.wait_dma2 semaphore(%arg11 : memref<!tpu.dma_semaphore, #tpu.memory_space<semaphore_mem>>) src(%arg7 : memref<48x1024xf32, #tpu.memory_space<vmem>>) dst(%dma_wait3A_103 : memref<48x1024xf32, #tpu.memory_space<hbm>>)
    %dma_start3A_104 = arith.constant 5 : i32
    %dma_start3A_105 = arith.constant 0 : i32
    %dma_start3A_106 = tpu.memref_slice %arg5[%dma_start3A_104, %dma_start3A_105] : memref<32x48xi32, #tpu.memory_space<vmem>> -> memref<1x48xi32, #tpu.memory_space<vmem>>
    %dma_start3A_107 = tpu.memref_squeeze %dma_start3A_106 : memref<1x48xi32, #tpu.memory_space<vmem>> -> memref<48xi32, #tpu.memory_space<vmem>>
    %dma_start3A_108 = arith.constant 0 : i32
    %dma_start3A_109 = arith.constant 0 : i32
    %dma_start3A_110 = tpu.memref_slice %arg2[%dma_start3A_108, %dma_start3A_109] : memref<49152x1024xf32, #tpu.memory_space<hbm>> -> memref<49152x1024xf32, #tpu.memory_space<hbm>>
    tpu.enqueue_indirect_dma source(%dma_start3A_110 : memref<49152x1024xf32, #tpu.memory_space<hbm>>) target(%arg7 : memref<48x1024xf32, #tpu.memory_space<vmem>>) offsets(%dma_start3A_107 : memref<48xi32, #tpu.memory_space<vmem>>) semaphore(%arg9 : memref<!tpu.dma_semaphore, #tpu.memory_space<semaphore_mem>>)
    %dma_wait3A_111 = arith.constant 4 : i32
    %dma_wait3A_112 = arith.constant 0 : i32
    %dma_wait3A_113 = tpu.memref_slice %arg5[%dma_wait3A_111, %dma_wait3A_112] : memref<32x48xi32, #tpu.memory_space<vmem>> -> memref<1x48xi32, #tpu.memory_space<vmem>>
    %dma_wait3A_114 = tpu.memref_squeeze %dma_wait3A_113 : memref<1x48xi32, #tpu.memory_space<vmem>> -> memref<48xi32, #tpu.memory_space<vmem>>
    %dma_wait3A_115 = arith.constant 0 : i32
    %dma_wait3A_116 = arith.constant 0 : i32
    %dma_wait3A_117 = tpu.memref_slice %arg2[%dma_wait3A_115, %dma_wait3A_116] : memref<49152x1024xf32, #tpu.memory_space<hbm>> -> memref<49152x1024xf32, #tpu.memory_space<hbm>>
    tpu.wait_indirect_dma semaphore(%arg8 : memref<!tpu.dma_semaphore, #tpu.memory_space<semaphore_mem>>) src(%dma_wait3A_117 : memref<49152x1024xf32, #tpu.memory_space<hbm>>) dst(%arg6 : memref<48x1024xf32, #tpu.memory_space<vmem>>)
    %add3A_118 = arith.constant 192 : i32
    %add3A_119 = arith.addi %mul3A_2, %add3A_118 : i32
    %dma_start3A_120 = arith.constant 0 : i32
    %dma_start3A_121 = tpu.memref_slice %arg4[%add3A_119, %dma_start3A_120] : memref<49152x1024xf32, #tpu.memory_space<hbm>> -> memref<48x1024xf32, #tpu.memory_space<hbm>>
    %dma_start3A_122 = arith.constant 0 : i32
    %dma_start3A_123 = tpu.memref_slice %arg4[%add3A_119, %dma_start3A_122] : memref<49152x1024xf32, #tpu.memory_space<hbm>> -> memref<48x1024xf32, #tpu.memory_space<hbm>>
    tpu.enqueue_dma source(%arg6 : memref<48x1024xf32, #tpu.memory_space<vmem>>) target(%dma_start3A_123 : memref<48x1024xf32, #tpu.memory_space<hbm>>) target_semaphore(%arg10 : memref<!tpu.dma_semaphore, #tpu.memory_space<semaphore_mem>>)
    %dma_wait3A_124 = arith.constant 0 : i32
    %dma_wait3A_125 = tpu.memref_slice %arg4[%add3A_119, %dma_wait3A_124] : memref<49152x1024xf32, #tpu.memory_space<hbm>> -> memref<48x1024xf32, #tpu.memory_space<hbm>>
    %dma_wait3A_126 = arith.constant 0 : i32
    %dma_wait3A_127 = tpu.memref_slice %arg4[%add3A_119, %dma_wait3A_126] : memref<49152x1024xf32, #tpu.memory_space<hbm>> -> memref<48x1024xf32, #tpu.memory_space<hbm>>
    tpu.wait_dma2 semaphore(%arg10 : memref<!tpu.dma_semaphore, #tpu.memory_space<semaphore_mem>>) src(%arg6 : memref<48x1024xf32, #tpu.memory_space<vmem>>) dst(%dma_wait3A_127 : memref<48x1024xf32, #tpu.memory_space<hbm>>)
    %dma_start3A_128 = arith.constant 6 : i32
    %dma_start3A_129 = arith.constant 0 : i32
    %dma_start3A_130 = tpu.memref_slice %arg5[%dma_start3A_128, %dma_start3A_129] : memref<32x48xi32, #tpu.memory_space<vmem>> -> memref<1x48xi32, #tpu.memory_space<vmem>>
    %dma_start3A_131 = tpu.memref_squeeze %dma_start3A_130 : memref<1x48xi32, #tpu.memory_space<vmem>> -> memref<48xi32, #tpu.memory_space<vmem>>
    %dma_start3A_132 = arith.constant 0 : i32
    %dma_start3A_133 = arith.constant 0 : i32
    %dma_start3A_134 = tpu.memref_slice %arg2[%dma_start3A_132, %dma_start3A_133] : memref<49152x1024xf32, #tpu.memory_space<hbm>> -> memref<49152x1024xf32, #tpu.memory_space<hbm>>
    tpu.enqueue_indirect_dma source(%dma_start3A_134 : memref<49152x1024xf32, #tpu.memory_space<hbm>>) target(%arg6 : memref<48x1024xf32, #tpu.memory_space<vmem>>) offsets(%dma_start3A_131 : memref<48xi32, #tpu.memory_space<vmem>>) semaphore(%arg8 : memref<!tpu.dma_semaphore, #tpu.memory_space<semaphore_mem>>)
    %dma_wait3A_135 = arith.constant 5 : i32
    %dma_wait3A_136 = arith.constant 0 : i32
    %dma_wait3A_137 = tpu.memref_slice %arg5[%dma_wait3A_135, %dma_wait3A_136] : memref<32x48xi32, #tpu.memory_space<vmem>> -> memref<1x48xi32, #tpu.memory_space<vmem>>
    %dma_wait3A_138 = tpu.memref_squeeze %dma_wait3A_137 : memref<1x48xi32, #tpu.memory_space<vmem>> -> memref<48xi32, #tpu.memory_space<vmem>>
    %dma_wait3A_139 = arith.constant 0 : i32
    %dma_wait3A_140 = arith.constant 0 : i32
    %dma_wait3A_141 = tpu.memref_slice %arg2[%dma_wait3A_139, %dma_wait3A_140] : memref<49152x1024xf32, #tpu.memory_space<hbm>> -> memref<49152x1024xf32, #tpu.memory_space<hbm>>
    tpu.wait_indirect_dma semaphore(%arg9 : memref<!tpu.dma_semaphore, #tpu.memory_space<semaphore_mem>>) src(%dma_wait3A_141 : memref<49152x1024xf32, #tpu.memory_space<hbm>>) dst(%arg7 : memref<48x1024xf32, #tpu.memory_space<vmem>>)
    %add3A_142 = arith.constant 240 : i32
    %add3A_143 = arith.addi %mul3A_2, %add3A_142 : i32
    %dma_start3A_144 = arith.constant 0 : i32
    %dma_start3A_145 = tpu.memref_slice %arg4[%add3A_143, %dma_start3A_144] : memref<49152x1024xf32, #tpu.memory_space<hbm>> -> memref<48x1024xf32, #tpu.memory_space<hbm>>
    %dma_start3A_146 = arith.constant 0 : i32
    %dma_start3A_147 = tpu.memref_slice %arg4[%add3A_143, %dma_start3A_146] : memref<49152x1024xf32, #tpu.memory_space<hbm>> -> memref<48x1024xf32, #tpu.memory_space<hbm>>
    tpu.enqueue_dma source(%arg7 : memref<48x1024xf32, #tpu.memory_space<vmem>>) target(%dma_start3A_147 : memref<48x1024xf32, #tpu.memory_space<hbm>>) target_semaphore(%arg11 : memref<!tpu.dma_semaphore, #tpu.memory_space<semaphore_mem>>)
    %dma_wait3A_148 = arith.constant 0 : i32
    %dma_wait3A_149 = tpu.memref_slice %arg4[%add3A_143, %dma_wait3A_148] : memref<49152x1024xf32, #tpu.memory_space<hbm>> -> memref<48x1024xf32, #tpu.memory_space<hbm>>
    %dma_wait3A_150 = arith.constant 0 : i32
    %dma_wait3A_151 = tpu.memref_slice %arg4[%add3A_143, %dma_wait3A_150] : memref<49152x1024xf32, #tpu.memory_space<hbm>> -> memref<48x1024xf32, #tpu.memory_space<hbm>>
    tpu.wait_dma2 semaphore(%arg11 : memref<!tpu.dma_semaphore, #tpu.memory_space<semaphore_mem>>) src(%arg7 : memref<48x1024xf32, #tpu.memory_space<vmem>>) dst(%dma_wait3A_151 : memref<48x1024xf32, #tpu.memory_space<hbm>>)
    %dma_start3A_152 = arith.constant 7 : i32
    %dma_start3A_153 = arith.constant 0 : i32
    %dma_start3A_154 = tpu.memref_slice %arg5[%dma_start3A_152, %dma_start3A_153] : memref<32x48xi32, #tpu.memory_space<vmem>> -> memref<1x48xi32, #tpu.memory_space<vmem>>
    %dma_start3A_155 = tpu.memref_squeeze %dma_start3A_154 : memref<1x48xi32, #tpu.memory_space<vmem>> -> memref<48xi32, #tpu.memory_space<vmem>>
    %dma_start3A_156 = arith.constant 0 : i32
    %dma_start3A_157 = arith.constant 0 : i32
    %dma_start3A_158 = tpu.memref_slice %arg2[%dma_start3A_156, %dma_start3A_157] : memref<49152x1024xf32, #tpu.memory_space<hbm>> -> memref<49152x1024xf32, #tpu.memory_space<hbm>>
    tpu.enqueue_indirect_dma source(%dma_start3A_158 : memref<49152x1024xf32, #tpu.memory_space<hbm>>) target(%arg7 : memref<48x1024xf32, #tpu.memory_space<vmem>>) offsets(%dma_start3A_155 : memref<48xi32, #tpu.memory_space<vmem>>) semaphore(%arg9 : memref<!tpu.dma_semaphore, #tpu.memory_space<semaphore_mem>>)
    %dma_wait3A_159 = arith.constant 6 : i32
    %dma_wait3A_160 = arith.constant 0 : i32
    %dma_wait3A_161 = tpu.memref_slice %arg5[%dma_wait3A_159, %dma_wait3A_160] : memref<32x48xi32, #tpu.memory_space<vmem>> -> memref<1x48xi32, #tpu.memory_space<vmem>>
    %dma_wait3A_162 = tpu.memref_squeeze %dma_wait3A_161 : memref<1x48xi32, #tpu.memory_space<vmem>> -> memref<48xi32, #tpu.memory_space<vmem>>
    %dma_wait3A_163 = arith.constant 0 : i32
    %dma_wait3A_164 = arith.constant 0 : i32
    %dma_wait3A_165 = tpu.memref_slice %arg2[%dma_wait3A_163, %dma_wait3A_164] : memref<49152x1024xf32, #tpu.memory_space<hbm>> -> memref<49152x1024xf32, #tpu.memory_space<hbm>>
    tpu.wait_indirect_dma semaphore(%arg8 : memref<!tpu.dma_semaphore, #tpu.memory_space<semaphore_mem>>) src(%dma_wait3A_165 : memref<49152x1024xf32, #tpu.memory_space<hbm>>) dst(%arg6 : memref<48x1024xf32, #tpu.memory_space<vmem>>)
    %add3A_166 = arith.constant 288 : i32
    %add3A_167 = arith.addi %mul3A_2, %add3A_166 : i32
    %dma_start3A_168 = arith.constant 0 : i32
    %dma_start3A_169 = tpu.memref_slice %arg4[%add3A_167, %dma_start3A_168] : memref<49152x1024xf32, #tpu.memory_space<hbm>> -> memref<48x1024xf32, #tpu.memory_space<hbm>>
    %dma_start3A_170 = arith.constant 0 : i32
    %dma_start3A_171 = tpu.memref_slice %arg4[%add3A_167, %dma_start3A_170] : memref<49152x1024xf32, #tpu.memory_space<hbm>> -> memref<48x1024xf32, #tpu.memory_space<hbm>>
    tpu.enqueue_dma source(%arg6 : memref<48x1024xf32, #tpu.memory_space<vmem>>) target(%dma_start3A_171 : memref<48x1024xf32, #tpu.memory_space<hbm>>) target_semaphore(%arg10 : memref<!tpu.dma_semaphore, #tpu.memory_space<semaphore_mem>>)
    %dma_wait3A_172 = arith.constant 0 : i32
    %dma_wait3A_173 = tpu.memref_slice %arg4[%add3A_167, %dma_wait3A_172] : memref<49152x1024xf32, #tpu.memory_space<hbm>> -> memref<48x1024xf32, #tpu.memory_space<hbm>>
    %dma_wait3A_174 = arith.constant 0 : i32
    %dma_wait3A_175 = tpu.memref_slice %arg4[%add3A_167, %dma_wait3A_174] : memref<49152x1024xf32, #tpu.memory_space<hbm>> -> memref<48x1024xf32, #tpu.memory_space<hbm>>
    tpu.wait_dma2 semaphore(%arg10 : memref<!tpu.dma_semaphore, #tpu.memory_space<semaphore_mem>>) src(%arg6 : memref<48x1024xf32, #tpu.memory_space<vmem>>) dst(%dma_wait3A_175 : memref<48x1024xf32, #tpu.memory_space<hbm>>)
    %dma_start3A_176 = arith.constant 8 : i32
    %dma_start3A_177 = arith.constant 0 : i32
    %dma_start3A_178 = tpu.memref_slice %arg5[%dma_start3A_176, %dma_start3A_177] : memref<32x48xi32, #tpu.memory_space<vmem>> -> memref<1x48xi32, #tpu.memory_space<vmem>>
    %dma_start3A_179 = tpu.memref_squeeze %dma_start3A_178 : memref<1x48xi32, #tpu.memory_space<vmem>> -> memref<48xi32, #tpu.memory_space<vmem>>
    %dma_start3A_180 = arith.constant 0 : i32
    %dma_start3A_181 = arith.constant 0 : i32
    %dma_start3A_182 = tpu.memref_slice %arg2[%dma_start3A_180, %dma_start3A_181] : memref<49152x1024xf32, #tpu.memory_space<hbm>> -> memref<49152x1024xf32, #tpu.memory_space<hbm>>
    tpu.enqueue_indirect_dma source(%dma_start3A_182 : memref<49152x1024xf32, #tpu.memory_space<hbm>>) target(%arg6 : memref<48x1024xf32, #tpu.memory_space<vmem>>) offsets(%dma_start3A_179 : memref<48xi32, #tpu.memory_space<vmem>>) semaphore(%arg8 : memref<!tpu.dma_semaphore, #tpu.memory_space<semaphore_mem>>)
    %dma_wait3A_183 = arith.constant 7 : i32
    %dma_wait3A_184 = arith.constant 0 : i32
    %dma_wait3A_185 = tpu.memref_slice %arg5[%dma_wait3A_183, %dma_wait3A_184] : memref<32x48xi32, #tpu.memory_space<vmem>> -> memref<1x48xi32, #tpu.memory_space<vmem>>
    %dma_wait3A_186 = tpu.memref_squeeze %dma_wait3A_185 : memref<1x48xi32, #tpu.memory_space<vmem>> -> memref<48xi32, #tpu.memory_space<vmem>>
    %dma_wait3A_187 = arith.constant 0 : i32
    %dma_wait3A_188 = arith.constant 0 : i32
    %dma_wait3A_189 = tpu.memref_slice %arg2[%dma_wait3A_187, %dma_wait3A_188] : memref<49152x1024xf32, #tpu.memory_space<hbm>> -> memref<49152x1024xf32, #tpu.memory_space<hbm>>
    tpu.wait_indirect_dma semaphore(%arg9 : memref<!tpu.dma_semaphore, #tpu.memory_space<semaphore_mem>>) src(%dma_wait3A_189 : memref<49152x1024xf32, #tpu.memory_space<hbm>>) dst(%arg7 : memref<48x1024xf32, #tpu.memory_space<vmem>>)
    %add3A_190 = arith.constant 336 : i32
    %add3A_191 = arith.addi %mul3A_2, %add3A_190 : i32
    %dma_start3A_192 = arith.constant 0 : i32
    %dma_start3A_193 = tpu.memref_slice %arg4[%add3A_191, %dma_start3A_192] : memref<49152x1024xf32, #tpu.memory_space<hbm>> -> memref<48x1024xf32, #tpu.memory_space<hbm>>
    %dma_start3A_194 = arith.constant 0 : i32
    %dma_start3A_195 = tpu.memref_slice %arg4[%add3A_191, %dma_start3A_194] : memref<49152x1024xf32, #tpu.memory_space<hbm>> -> memref<48x1024xf32, #tpu.memory_space<hbm>>
    tpu.enqueue_dma source(%arg7 : memref<48x1024xf32, #tpu.memory_space<vmem>>) target(%dma_start3A_195 : memref<48x1024xf32, #tpu.memory_space<hbm>>) target_semaphore(%arg11 : memref<!tpu.dma_semaphore, #tpu.memory_space<semaphore_mem>>)
    %dma_wait3A_196 = arith.constant 0 : i32
    %dma_wait3A_197 = tpu.memref_slice %arg4[%add3A_191, %dma_wait3A_196] : memref<49152x1024xf32, #tpu.memory_space<hbm>> -> memref<48x1024xf32, #tpu.memory_space<hbm>>
    %dma_wait3A_198 = arith.constant 0 : i32
    %dma_wait3A_199 = tpu.memref_slice %arg4[%add3A_191, %dma_wait3A_198] : memref<49152x1024xf32, #tpu.memory_space<hbm>> -> memref<48x1024xf32, #tpu.memory_space<hbm>>
    tpu.wait_dma2 semaphore(%arg11 : memref<!tpu.dma_semaphore, #tpu.memory_space<semaphore_mem>>) src(%arg7 : memref<48x1024xf32, #tpu.memory_space<vmem>>) dst(%dma_wait3A_199 : memref<48x1024xf32, #tpu.memory_space<hbm>>)
    %dma_start3A_200 = arith.constant 9 : i32
    %dma_start3A_201 = arith.constant 0 : i32
    %dma_start3A_202 = tpu.memref_slice %arg5[%dma_start3A_200, %dma_start3A_201] : memref<32x48xi32, #tpu.memory_space<vmem>> -> memref<1x48xi32, #tpu.memory_space<vmem>>
    %dma_start3A_203 = tpu.memref_squeeze %dma_start3A_202 : memref<1x48xi32, #tpu.memory_space<vmem>> -> memref<48xi32, #tpu.memory_space<vmem>>
    %dma_start3A_204 = arith.constant 0 : i32
    %dma_start3A_205 = arith.constant 0 : i32
    %dma_start3A_206 = tpu.memref_slice %arg2[%dma_start3A_204, %dma_start3A_205] : memref<49152x1024xf32, #tpu.memory_space<hbm>> -> memref<49152x1024xf32, #tpu.memory_space<hbm>>
    tpu.enqueue_indirect_dma source(%dma_start3A_206 : memref<49152x1024xf32, #tpu.memory_space<hbm>>) target(%arg7 : memref<48x1024xf32, #tpu.memory_space<vmem>>) offsets(%dma_start3A_203 : memref<48xi32, #tpu.memory_space<vmem>>) semaphore(%arg9 : memref<!tpu.dma_semaphore, #tpu.memory_space<semaphore_mem>>)
    %dma_wait3A_207 = arith.constant 8 : i32
    %dma_wait3A_208 = arith.constant 0 : i32
    %dma_wait3A_209 = tpu.memref_slice %arg5[%dma_wait3A_207, %dma_wait3A_208] : memref<32x48xi32, #tpu.memory_space<vmem>> -> memref<1x48xi32, #tpu.memory_space<vmem>>
    %dma_wait3A_210 = tpu.memref_squeeze %dma_wait3A_209 : memref<1x48xi32, #tpu.memory_space<vmem>> -> memref<48xi32, #tpu.memory_space<vmem>>
    %dma_wait3A_211 = arith.constant 0 : i32
    %dma_wait3A_212 = arith.constant 0 : i32
    %dma_wait3A_213 = tpu.memref_slice %arg2[%dma_wait3A_211, %dma_wait3A_212] : memref<49152x1024xf32, #tpu.memory_space<hbm>> -> memref<49152x1024xf32, #tpu.memory_space<hbm>>
    tpu.wait_indirect_dma semaphore(%arg8 : memref<!tpu.dma_semaphore, #tpu.memory_space<semaphore_mem>>) src(%dma_wait3A_213 : memref<49152x1024xf32, #tpu.memory_space<hbm>>) dst(%arg6 : memref<48x1024xf32, #tpu.memory_space<vmem>>)
    %add3A_214 = arith.constant 384 : i32
    %add3A_215 = arith.addi %mul3A_2, %add3A_214 : i32
    %dma_start3A_216 = arith.constant 0 : i32
    %dma_start3A_217 = tpu.memref_slice %arg4[%add3A_215, %dma_start3A_216] : memref<49152x1024xf32, #tpu.memory_space<hbm>> -> memref<48x1024xf32, #tpu.memory_space<hbm>>
    %dma_start3A_218 = arith.constant 0 : i32
    %dma_start3A_219 = tpu.memref_slice %arg4[%add3A_215, %dma_start3A_218] : memref<49152x1024xf32, #tpu.memory_space<hbm>> -> memref<48x1024xf32, #tpu.memory_space<hbm>>
    tpu.enqueue_dma source(%arg6 : memref<48x1024xf32, #tpu.memory_space<vmem>>) target(%dma_start3A_219 : memref<48x1024xf32, #tpu.memory_space<hbm>>) target_semaphore(%arg10 : memref<!tpu.dma_semaphore, #tpu.memory_space<semaphore_mem>>)
    %dma_wait3A_220 = arith.constant 0 : i32
    %dma_wait3A_221 = tpu.memref_slice %arg4[%add3A_215, %dma_wait3A_220] : memref<49152x1024xf32, #tpu.memory_space<hbm>> -> memref<48x1024xf32, #tpu.memory_space<hbm>>
    %dma_wait3A_222 = arith.constant 0 : i32
    %dma_wait3A_223 = tpu.memref_slice %arg4[%add3A_215, %dma_wait3A_222] : memref<49152x1024xf32, #tpu.memory_space<hbm>> -> memref<48x1024xf32, #tpu.memory_space<hbm>>
    tpu.wait_dma2 semaphore(%arg10 : memref<!tpu.dma_semaphore, #tpu.memory_space<semaphore_mem>>) src(%arg6 : memref<48x1024xf32, #tpu.memory_space<vmem>>) dst(%dma_wait3A_223 : memref<48x1024xf32, #tpu.memory_space<hbm>>)
    %dma_start3A_224 = arith.constant 10 : i32
    %dma_start3A_225 = arith.constant 0 : i32
    %dma_start3A_226 = tpu.memref_slice %arg5[%dma_start3A_224, %dma_start3A_225] : memref<32x48xi32, #tpu.memory_space<vmem>> -> memref<1x48xi32, #tpu.memory_space<vmem>>
    %dma_start3A_227 = tpu.memref_squeeze %dma_start3A_226 : memref<1x48xi32, #tpu.memory_space<vmem>> -> memref<48xi32, #tpu.memory_space<vmem>>
    %dma_start3A_228 = arith.constant 0 : i32
    %dma_start3A_229 = arith.constant 0 : i32
    %dma_start3A_230 = tpu.memref_slice %arg2[%dma_start3A_228, %dma_start3A_229] : memref<49152x1024xf32, #tpu.memory_space<hbm>> -> memref<49152x1024xf32, #tpu.memory_space<hbm>>
    tpu.enqueue_indirect_dma source(%dma_start3A_230 : memref<49152x1024xf32, #tpu.memory_space<hbm>>) target(%arg6 : memref<48x1024xf32, #tpu.memory_space<vmem>>) offsets(%dma_start3A_227 : memref<48xi32, #tpu.memory_space<vmem>>) semaphore(%arg8 : memref<!tpu.dma_semaphore, #tpu.memory_space<semaphore_mem>>)
    %dma_wait3A_231 = arith.constant 9 : i32
    %dma_wait3A_232 = arith.constant 0 : i32
    %dma_wait3A_233 = tpu.memref_slice %arg5[%dma_wait3A_231, %dma_wait3A_232] : memref<32x48xi32, #tpu.memory_space<vmem>> -> memref<1x48xi32, #tpu.memory_space<vmem>>
    %dma_wait3A_234 = tpu.memref_squeeze %dma_wait3A_233 : memref<1x48xi32, #tpu.memory_space<vmem>> -> memref<48xi32, #tpu.memory_space<vmem>>
    %dma_wait3A_235 = arith.constant 0 : i32
    %dma_wait3A_236 = arith.constant 0 : i32
    %dma_wait3A_237 = tpu.memref_slice %arg2[%dma_wait3A_235, %dma_wait3A_236] : memref<49152x1024xf32, #tpu.memory_space<hbm>> -> memref<49152x1024xf32, #tpu.memory_space<hbm>>
    tpu.wait_indirect_dma semaphore(%arg9 : memref<!tpu.dma_semaphore, #tpu.memory_space<semaphore_mem>>) src(%dma_wait3A_237 : memref<49152x1024xf32, #tpu.memory_space<hbm>>) dst(%arg7 : memref<48x1024xf32, #tpu.memory_space<vmem>>)
    %add3A_238 = arith.constant 432 : i32
    %add3A_239 = arith.addi %mul3A_2, %add3A_238 : i32
    %dma_start3A_240 = arith.constant 0 : i32
    %dma_start3A_241 = tpu.memref_slice %arg4[%add3A_239, %dma_start3A_240] : memref<49152x1024xf32, #tpu.memory_space<hbm>> -> memref<48x1024xf32, #tpu.memory_space<hbm>>
    %dma_start3A_242 = arith.constant 0 : i32
    %dma_start3A_243 = tpu.memref_slice %arg4[%add3A_239, %dma_start3A_242] : memref<49152x1024xf32, #tpu.memory_space<hbm>> -> memref<48x1024xf32, #tpu.memory_space<hbm>>
    tpu.enqueue_dma source(%arg7 : memref<48x1024xf32, #tpu.memory_space<vmem>>) target(%dma_start3A_243 : memref<48x1024xf32, #tpu.memory_space<hbm>>) target_semaphore(%arg11 : memref<!tpu.dma_semaphore, #tpu.memory_space<semaphore_mem>>)
    %dma_wait3A_244 = arith.constant 0 : i32
    %dma_wait3A_245 = tpu.memref_slice %arg4[%add3A_239, %dma_wait3A_244] : memref<49152x1024xf32, #tpu.memory_space<hbm>> -> memref<48x1024xf32, #tpu.memory_space<hbm>>
    %dma_wait3A_246 = arith.constant 0 : i32
    %dma_wait3A_247 = tpu.memref_slice %arg4[%add3A_239, %dma_wait3A_246] : memref<49152x1024xf32, #tpu.memory_space<hbm>> -> memref<48x1024xf32, #tpu.memory_space<hbm>>
    tpu.wait_dma2 semaphore(%arg11 : memref<!tpu.dma_semaphore, #tpu.memory_space<semaphore_mem>>) src(%arg7 : memref<48x1024xf32, #tpu.memory_space<vmem>>) dst(%dma_wait3A_247 : memref<48x1024xf32, #tpu.memory_space<hbm>>)
    %dma_start3A_248 = arith.constant 11 : i32
    %dma_start3A_249 = arith.constant 0 : i32
    %dma_start3A_250 = tpu.memref_slice %arg5[%dma_start3A_248, %dma_start3A_249] : memref<32x48xi32, #tpu.memory_space<vmem>> -> memref<1x48xi32, #tpu.memory_space<vmem>>
    %dma_start3A_251 = tpu.memref_squeeze %dma_start3A_250 : memref<1x48xi32, #tpu.memory_space<vmem>> -> memref<48xi32, #tpu.memory_space<vmem>>
    %dma_start3A_252 = arith.constant 0 : i32
    %dma_start3A_253 = arith.constant 0 : i32
    %dma_start3A_254 = tpu.memref_slice %arg2[%dma_start3A_252, %dma_start3A_253] : memref<49152x1024xf32, #tpu.memory_space<hbm>> -> memref<49152x1024xf32, #tpu.memory_space<hbm>>
    tpu.enqueue_indirect_dma source(%dma_start3A_254 : memref<49152x1024xf32, #tpu.memory_space<hbm>>) target(%arg7 : memref<48x1024xf32, #tpu.memory_space<vmem>>) offsets(%dma_start3A_251 : memref<48xi32, #tpu.memory_space<vmem>>) semaphore(%arg9 : memref<!tpu.dma_semaphore, #tpu.memory_space<semaphore_mem>>)
    %dma_wait3A_255 = arith.constant 10 : i32
    %dma_wait3A_256 = arith.constant 0 : i32
    %dma_wait3A_257 = tpu.memref_slice %arg5[%dma_wait3A_255, %dma_wait3A_256] : memref<32x48xi32, #tpu.memory_space<vmem>> -> memref<1x48xi32, #tpu.memory_space<vmem>>
    %dma_wait3A_258 = tpu.memref_squeeze %dma_wait3A_257 : memref<1x48xi32, #tpu.memory_space<vmem>> -> memref<48xi32, #tpu.memory_space<vmem>>
    %dma_wait3A_259 = arith.constant 0 : i32
    %dma_wait3A_260 = arith.constant 0 : i32
    %dma_wait3A_261 = tpu.memref_slice %arg2[%dma_wait3A_259, %dma_wait3A_260] : memref<49152x1024xf32, #tpu.memory_space<hbm>> -> memref<49152x1024xf32, #tpu.memory_space<hbm>>
    tpu.wait_indirect_dma semaphore(%arg8 : memref<!tpu.dma_semaphore, #tpu.memory_space<semaphore_mem>>) src(%dma_wait3A_261 : memref<49152x1024xf32, #tpu.memory_space<hbm>>) dst(%arg6 : memref<48x1024xf32, #tpu.memory_space<vmem>>)
    %add3A_262 = arith.constant 480 : i32
    %add3A_263 = arith.addi %mul3A_2, %add3A_262 : i32
    %dma_start3A_264 = arith.constant 0 : i32
    %dma_start3A_265 = tpu.memref_slice %arg4[%add3A_263, %dma_start3A_264] : memref<49152x1024xf32, #tpu.memory_space<hbm>> -> memref<48x1024xf32, #tpu.memory_space<hbm>>
    %dma_start3A_266 = arith.constant 0 : i32
    %dma_start3A_267 = tpu.memref_slice %arg4[%add3A_263, %dma_start3A_266] : memref<49152x1024xf32, #tpu.memory_space<hbm>> -> memref<48x1024xf32, #tpu.memory_space<hbm>>
    tpu.enqueue_dma source(%arg6 : memref<48x1024xf32, #tpu.memory_space<vmem>>) target(%dma_start3A_267 : memref<48x1024xf32, #tpu.memory_space<hbm>>) target_semaphore(%arg10 : memref<!tpu.dma_semaphore, #tpu.memory_space<semaphore_mem>>)
    %dma_wait3A_268 = arith.constant 0 : i32
    %dma_wait3A_269 = tpu.memref_slice %arg4[%add3A_263, %dma_wait3A_268] : memref<49152x1024xf32, #tpu.memory_space<hbm>> -> memref<48x1024xf32, #tpu.memory_space<hbm>>
    %dma_wait3A_270 = arith.constant 0 : i32
    %dma_wait3A_271 = tpu.memref_slice %arg4[%add3A_263, %dma_wait3A_270] : memref<49152x1024xf32, #tpu.memory_space<hbm>> -> memref<48x1024xf32, #tpu.memory_space<hbm>>
    tpu.wait_dma2 semaphore(%arg10 : memref<!tpu.dma_semaphore, #tpu.memory_space<semaphore_mem>>) src(%arg6 : memref<48x1024xf32, #tpu.memory_space<vmem>>) dst(%dma_wait3A_271 : memref<48x1024xf32, #tpu.memory_space<hbm>>)
    %dma_start3A_272 = arith.constant 12 : i32
    %dma_start3A_273 = arith.constant 0 : i32
    %dma_start3A_274 = tpu.memref_slice %arg5[%dma_start3A_272, %dma_start3A_273] : memref<32x48xi32, #tpu.memory_space<vmem>> -> memref<1x48xi32, #tpu.memory_space<vmem>>
    %dma_start3A_275 = tpu.memref_squeeze %dma_start3A_274 : memref<1x48xi32, #tpu.memory_space<vmem>> -> memref<48xi32, #tpu.memory_space<vmem>>
    %dma_start3A_276 = arith.constant 0 : i32
    %dma_start3A_277 = arith.constant 0 : i32
    %dma_start3A_278 = tpu.memref_slice %arg2[%dma_start3A_276, %dma_start3A_277] : memref<49152x1024xf32, #tpu.memory_space<hbm>> -> memref<49152x1024xf32, #tpu.memory_space<hbm>>
    tpu.enqueue_indirect_dma source(%dma_start3A_278 : memref<49152x1024xf32, #tpu.memory_space<hbm>>) target(%arg6 : memref<48x1024xf32, #tpu.memory_space<vmem>>) offsets(%dma_start3A_275 : memref<48xi32, #tpu.memory_space<vmem>>) semaphore(%arg8 : memref<!tpu.dma_semaphore, #tpu.memory_space<semaphore_mem>>)
    %dma_wait3A_279 = arith.constant 11 : i32
    %dma_wait3A_280 = arith.constant 0 : i32
    %dma_wait3A_281 = tpu.memref_slice %arg5[%dma_wait3A_279, %dma_wait3A_280] : memref<32x48xi32, #tpu.memory_space<vmem>> -> memref<1x48xi32, #tpu.memory_space<vmem>>
    %dma_wait3A_282 = tpu.memref_squeeze %dma_wait3A_281 : memref<1x48xi32, #tpu.memory_space<vmem>> -> memref<48xi32, #tpu.memory_space<vmem>>
    %dma_wait3A_283 = arith.constant 0 : i32
    %dma_wait3A_284 = arith.constant 0 : i32
    %dma_wait3A_285 = tpu.memref_slice %arg2[%dma_wait3A_283, %dma_wait3A_284] : memref<49152x1024xf32, #tpu.memory_space<hbm>> -> memref<49152x1024xf32, #tpu.memory_space<hbm>>
    tpu.wait_indirect_dma semaphore(%arg9 : memref<!tpu.dma_semaphore, #tpu.memory_space<semaphore_mem>>) src(%dma_wait3A_285 : memref<49152x1024xf32, #tpu.memory_space<hbm>>) dst(%arg7 : memref<48x1024xf32, #tpu.memory_space<vmem>>)
    %add3A_286 = arith.constant 528 : i32
    %add3A_287 = arith.addi %mul3A_2, %add3A_286 : i32
    %dma_start3A_288 = arith.constant 0 : i32
    %dma_start3A_289 = tpu.memref_slice %arg4[%add3A_287, %dma_start3A_288] : memref<49152x1024xf32, #tpu.memory_space<hbm>> -> memref<48x1024xf32, #tpu.memory_space<hbm>>
    %dma_start3A_290 = arith.constant 0 : i32
    %dma_start3A_291 = tpu.memref_slice %arg4[%add3A_287, %dma_start3A_290] : memref<49152x1024xf32, #tpu.memory_space<hbm>> -> memref<48x1024xf32, #tpu.memory_space<hbm>>
    tpu.enqueue_dma source(%arg7 : memref<48x1024xf32, #tpu.memory_space<vmem>>) target(%dma_start3A_291 : memref<48x1024xf32, #tpu.memory_space<hbm>>) target_semaphore(%arg11 : memref<!tpu.dma_semaphore, #tpu.memory_space<semaphore_mem>>)
    %dma_wait3A_292 = arith.constant 0 : i32
    %dma_wait3A_293 = tpu.memref_slice %arg4[%add3A_287, %dma_wait3A_292] : memref<49152x1024xf32, #tpu.memory_space<hbm>> -> memref<48x1024xf32, #tpu.memory_space<hbm>>
    %dma_wait3A_294 = arith.constant 0 : i32
    %dma_wait3A_295 = tpu.memref_slice %arg4[%add3A_287, %dma_wait3A_294] : memref<49152x1024xf32, #tpu.memory_space<hbm>> -> memref<48x1024xf32, #tpu.memory_space<hbm>>
    tpu.wait_dma2 semaphore(%arg11 : memref<!tpu.dma_semaphore, #tpu.memory_space<semaphore_mem>>) src(%arg7 : memref<48x1024xf32, #tpu.memory_space<vmem>>) dst(%dma_wait3A_295 : memref<48x1024xf32, #tpu.memory_space<hbm>>)
    %dma_start3A_296 = arith.constant 13 : i32
    %dma_start3A_297 = arith.constant 0 : i32
    %dma_start3A_298 = tpu.memref_slice %arg5[%dma_start3A_296, %dma_start3A_297] : memref<32x48xi32, #tpu.memory_space<vmem>> -> memref<1x48xi32, #tpu.memory_space<vmem>>
    %dma_start3A_299 = tpu.memref_squeeze %dma_start3A_298 : memref<1x48xi32, #tpu.memory_space<vmem>> -> memref<48xi32, #tpu.memory_space<vmem>>
    %dma_start3A_300 = arith.constant 0 : i32
    %dma_start3A_301 = arith.constant 0 : i32
    %dma_start3A_302 = tpu.memref_slice %arg2[%dma_start3A_300, %dma_start3A_301] : memref<49152x1024xf32, #tpu.memory_space<hbm>> -> memref<49152x1024xf32, #tpu.memory_space<hbm>>
    tpu.enqueue_indirect_dma source(%dma_start3A_302 : memref<49152x1024xf32, #tpu.memory_space<hbm>>) target(%arg7 : memref<48x1024xf32, #tpu.memory_space<vmem>>) offsets(%dma_start3A_299 : memref<48xi32, #tpu.memory_space<vmem>>) semaphore(%arg9 : memref<!tpu.dma_semaphore, #tpu.memory_space<semaphore_mem>>)
    %dma_wait3A_303 = arith.constant 12 : i32
    %dma_wait3A_304 = arith.constant 0 : i32
    %dma_wait3A_305 = tpu.memref_slice %arg5[%dma_wait3A_303, %dma_wait3A_304] : memref<32x48xi32, #tpu.memory_space<vmem>> -> memref<1x48xi32, #tpu.memory_space<vmem>>
    %dma_wait3A_306 = tpu.memref_squeeze %dma_wait3A_305 : memref<1x48xi32, #tpu.memory_space<vmem>> -> memref<48xi32, #tpu.memory_space<vmem>>
    %dma_wait3A_307 = arith.constant 0 : i32
    %dma_wait3A_308 = arith.constant 0 : i32
    %dma_wait3A_309 = tpu.memref_slice %arg2[%dma_wait3A_307, %dma_wait3A_308] : memref<49152x1024xf32, #tpu.memory_space<hbm>> -> memref<49152x1024xf32, #tpu.memory_space<hbm>>
    tpu.wait_indirect_dma semaphore(%arg8 : memref<!tpu.dma_semaphore, #tpu.memory_space<semaphore_mem>>) src(%dma_wait3A_309 : memref<49152x1024xf32, #tpu.memory_space<hbm>>) dst(%arg6 : memref<48x1024xf32, #tpu.memory_space<vmem>>)
    %add3A_310 = arith.constant 576 : i32
    %add3A_311 = arith.addi %mul3A_2, %add3A_310 : i32
    %dma_start3A_312 = arith.constant 0 : i32
    %dma_start3A_313 = tpu.memref_slice %arg4[%add3A_311, %dma_start3A_312] : memref<49152x1024xf32, #tpu.memory_space<hbm>> -> memref<48x1024xf32, #tpu.memory_space<hbm>>
    %dma_start3A_314 = arith.constant 0 : i32
    %dma_start3A_315 = tpu.memref_slice %arg4[%add3A_311, %dma_start3A_314] : memref<49152x1024xf32, #tpu.memory_space<hbm>> -> memref<48x1024xf32, #tpu.memory_space<hbm>>
    tpu.enqueue_dma source(%arg6 : memref<48x1024xf32, #tpu.memory_space<vmem>>) target(%dma_start3A_315 : memref<48x1024xf32, #tpu.memory_space<hbm>>) target_semaphore(%arg10 : memref<!tpu.dma_semaphore, #tpu.memory_space<semaphore_mem>>)
    %dma_wait3A_316 = arith.constant 0 : i32
    %dma_wait3A_317 = tpu.memref_slice %arg4[%add3A_311, %dma_wait3A_316] : memref<49152x1024xf32, #tpu.memory_space<hbm>> -> memref<48x1024xf32, #tpu.memory_space<hbm>>
    %dma_wait3A_318 = arith.constant 0 : i32
    %dma_wait3A_319 = tpu.memref_slice %arg4[%add3A_311, %dma_wait3A_318] : memref<49152x1024xf32, #tpu.memory_space<hbm>> -> memref<48x1024xf32, #tpu.memory_space<hbm>>
    tpu.wait_dma2 semaphore(%arg10 : memref<!tpu.dma_semaphore, #tpu.memory_space<semaphore_mem>>) src(%arg6 : memref<48x1024xf32, #tpu.memory_space<vmem>>) dst(%dma_wait3A_319 : memref<48x1024xf32, #tpu.memory_space<hbm>>)
    %dma_start3A_320 = arith.constant 14 : i32
    %dma_start3A_321 = arith.constant 0 : i32
    %dma_start3A_322 = tpu.memref_slice %arg5[%dma_start3A_320, %dma_start3A_321] : memref<32x48xi32, #tpu.memory_space<vmem>> -> memref<1x48xi32, #tpu.memory_space<vmem>>
    %dma_start3A_323 = tpu.memref_squeeze %dma_start3A_322 : memref<1x48xi32, #tpu.memory_space<vmem>> -> memref<48xi32, #tpu.memory_space<vmem>>
    %dma_start3A_324 = arith.constant 0 : i32
    %dma_start3A_325 = arith.constant 0 : i32
    %dma_start3A_326 = tpu.memref_slice %arg2[%dma_start3A_324, %dma_start3A_325] : memref<49152x1024xf32, #tpu.memory_space<hbm>> -> memref<49152x1024xf32, #tpu.memory_space<hbm>>
    tpu.enqueue_indirect_dma source(%dma_start3A_326 : memref<49152x1024xf32, #tpu.memory_space<hbm>>) target(%arg6 : memref<48x1024xf32, #tpu.memory_space<vmem>>) offsets(%dma_start3A_323 : memref<48xi32, #tpu.memory_space<vmem>>) semaphore(%arg8 : memref<!tpu.dma_semaphore, #tpu.memory_space<semaphore_mem>>)
    %dma_wait3A_327 = arith.constant 13 : i32
    %dma_wait3A_328 = arith.constant 0 : i32
    %dma_wait3A_329 = tpu.memref_slice %arg5[%dma_wait3A_327, %dma_wait3A_328] : memref<32x48xi32, #tpu.memory_space<vmem>> -> memref<1x48xi32, #tpu.memory_space<vmem>>
    %dma_wait3A_330 = tpu.memref_squeeze %dma_wait3A_329 : memref<1x48xi32, #tpu.memory_space<vmem>> -> memref<48xi32, #tpu.memory_space<vmem>>
    %dma_wait3A_331 = arith.constant 0 : i32
    %dma_wait3A_332 = arith.constant 0 : i32
    %dma_wait3A_333 = tpu.memref_slice %arg2[%dma_wait3A_331, %dma_wait3A_332] : memref<49152x1024xf32, #tpu.memory_space<hbm>> -> memref<49152x1024xf32, #tpu.memory_space<hbm>>
    tpu.wait_indirect_dma semaphore(%arg9 : memref<!tpu.dma_semaphore, #tpu.memory_space<semaphore_mem>>) src(%dma_wait3A_333 : memref<49152x1024xf32, #tpu.memory_space<hbm>>) dst(%arg7 : memref<48x1024xf32, #tpu.memory_space<vmem>>)
    %add3A_334 = arith.constant 624 : i32
    %add3A_335 = arith.addi %mul3A_2, %add3A_334 : i32
    %dma_start3A_336 = arith.constant 0 : i32
    %dma_start3A_337 = tpu.memref_slice %arg4[%add3A_335, %dma_start3A_336] : memref<49152x1024xf32, #tpu.memory_space<hbm>> -> memref<48x1024xf32, #tpu.memory_space<hbm>>
    %dma_start3A_338 = arith.constant 0 : i32
    %dma_start3A_339 = tpu.memref_slice %arg4[%add3A_335, %dma_start3A_338] : memref<49152x1024xf32, #tpu.memory_space<hbm>> -> memref<48x1024xf32, #tpu.memory_space<hbm>>
    tpu.enqueue_dma source(%arg7 : memref<48x1024xf32, #tpu.memory_space<vmem>>) target(%dma_start3A_339 : memref<48x1024xf32, #tpu.memory_space<hbm>>) target_semaphore(%arg11 : memref<!tpu.dma_semaphore, #tpu.memory_space<semaphore_mem>>)
    %dma_wait3A_340 = arith.constant 0 : i32
    %dma_wait3A_341 = tpu.memref_slice %arg4[%add3A_335, %dma_wait3A_340] : memref<49152x1024xf32, #tpu.memory_space<hbm>> -> memref<48x1024xf32, #tpu.memory_space<hbm>>
    %dma_wait3A_342 = arith.constant 0 : i32
    %dma_wait3A_343 = tpu.memref_slice %arg4[%add3A_335, %dma_wait3A_342] : memref<49152x1024xf32, #tpu.memory_space<hbm>> -> memref<48x1024xf32, #tpu.memory_space<hbm>>
    tpu.wait_dma2 semaphore(%arg11 : memref<!tpu.dma_semaphore, #tpu.memory_space<semaphore_mem>>) src(%arg7 : memref<48x1024xf32, #tpu.memory_space<vmem>>) dst(%dma_wait3A_343 : memref<48x1024xf32, #tpu.memory_space<hbm>>)
    %dma_start3A_344 = arith.constant 15 : i32
    %dma_start3A_345 = arith.constant 0 : i32
    %dma_start3A_346 = tpu.memref_slice %arg5[%dma_start3A_344, %dma_start3A_345] : memref<32x48xi32, #tpu.memory_space<vmem>> -> memref<1x48xi32, #tpu.memory_space<vmem>>
    %dma_start3A_347 = tpu.memref_squeeze %dma_start3A_346 : memref<1x48xi32, #tpu.memory_space<vmem>> -> memref<48xi32, #tpu.memory_space<vmem>>
    %dma_start3A_348 = arith.constant 0 : i32
    %dma_start3A_349 = arith.constant 0 : i32
    %dma_start3A_350 = tpu.memref_slice %arg2[%dma_start3A_348, %dma_start3A_349] : memref<49152x1024xf32, #tpu.memory_space<hbm>> -> memref<49152x1024xf32, #tpu.memory_space<hbm>>
    tpu.enqueue_indirect_dma source(%dma_start3A_350 : memref<49152x1024xf32, #tpu.memory_space<hbm>>) target(%arg7 : memref<48x1024xf32, #tpu.memory_space<vmem>>) offsets(%dma_start3A_347 : memref<48xi32, #tpu.memory_space<vmem>>) semaphore(%arg9 : memref<!tpu.dma_semaphore, #tpu.memory_space<semaphore_mem>>)
    %dma_wait3A_351 = arith.constant 14 : i32
    %dma_wait3A_352 = arith.constant 0 : i32
    %dma_wait3A_353 = tpu.memref_slice %arg5[%dma_wait3A_351, %dma_wait3A_352] : memref<32x48xi32, #tpu.memory_space<vmem>> -> memref<1x48xi32, #tpu.memory_space<vmem>>
    %dma_wait3A_354 = tpu.memref_squeeze %dma_wait3A_353 : memref<1x48xi32, #tpu.memory_space<vmem>> -> memref<48xi32, #tpu.memory_space<vmem>>
    %dma_wait3A_355 = arith.constant 0 : i32
    %dma_wait3A_356 = arith.constant 0 : i32
    %dma_wait3A_357 = tpu.memref_slice %arg2[%dma_wait3A_355, %dma_wait3A_356] : memref<49152x1024xf32, #tpu.memory_space<hbm>> -> memref<49152x1024xf32, #tpu.memory_space<hbm>>
    tpu.wait_indirect_dma semaphore(%arg8 : memref<!tpu.dma_semaphore, #tpu.memory_space<semaphore_mem>>) src(%dma_wait3A_357 : memref<49152x1024xf32, #tpu.memory_space<hbm>>) dst(%arg6 : memref<48x1024xf32, #tpu.memory_space<vmem>>)
    %add3A_358 = arith.constant 672 : i32
    %add3A_359 = arith.addi %mul3A_2, %add3A_358 : i32
    %dma_start3A_360 = arith.constant 0 : i32
    %dma_start3A_361 = tpu.memref_slice %arg4[%add3A_359, %dma_start3A_360] : memref<49152x1024xf32, #tpu.memory_space<hbm>> -> memref<48x1024xf32, #tpu.memory_space<hbm>>
    %dma_start3A_362 = arith.constant 0 : i32
    %dma_start3A_363 = tpu.memref_slice %arg4[%add3A_359, %dma_start3A_362] : memref<49152x1024xf32, #tpu.memory_space<hbm>> -> memref<48x1024xf32, #tpu.memory_space<hbm>>
    tpu.enqueue_dma source(%arg6 : memref<48x1024xf32, #tpu.memory_space<vmem>>) target(%dma_start3A_363 : memref<48x1024xf32, #tpu.memory_space<hbm>>) target_semaphore(%arg10 : memref<!tpu.dma_semaphore, #tpu.memory_space<semaphore_mem>>)
    %dma_wait3A_364 = arith.constant 0 : i32
    %dma_wait3A_365 = tpu.memref_slice %arg4[%add3A_359, %dma_wait3A_364] : memref<49152x1024xf32, #tpu.memory_space<hbm>> -> memref<48x1024xf32, #tpu.memory_space<hbm>>
    %dma_wait3A_366 = arith.constant 0 : i32
    %dma_wait3A_367 = tpu.memref_slice %arg4[%add3A_359, %dma_wait3A_366] : memref<49152x1024xf32, #tpu.memory_space<hbm>> -> memref<48x1024xf32, #tpu.memory_space<hbm>>
    tpu.wait_dma2 semaphore(%arg10 : memref<!tpu.dma_semaphore, #tpu.memory_space<semaphore_mem>>) src(%arg6 : memref<48x1024xf32, #tpu.memory_space<vmem>>) dst(%dma_wait3A_367 : memref<48x1024xf32, #tpu.memory_space<hbm>>)
    %dma_start3A_368 = arith.constant 16 : i32
    %dma_start3A_369 = arith.constant 0 : i32
    %dma_start3A_370 = tpu.memref_slice %arg5[%dma_start3A_368, %dma_start3A_369] : memref<32x48xi32, #tpu.memory_space<vmem>> -> memref<1x48xi32, #tpu.memory_space<vmem>>
    %dma_start3A_371 = tpu.memref_squeeze %dma_start3A_370 : memref<1x48xi32, #tpu.memory_space<vmem>> -> memref<48xi32, #tpu.memory_space<vmem>>
    %dma_start3A_372 = arith.constant 0 : i32
    %dma_start3A_373 = arith.constant 0 : i32
    %dma_start3A_374 = tpu.memref_slice %arg2[%dma_start3A_372, %dma_start3A_373] : memref<49152x1024xf32, #tpu.memory_space<hbm>> -> memref<49152x1024xf32, #tpu.memory_space<hbm>>
    tpu.enqueue_indirect_dma source(%dma_start3A_374 : memref<49152x1024xf32, #tpu.memory_space<hbm>>) target(%arg6 : memref<48x1024xf32, #tpu.memory_space<vmem>>) offsets(%dma_start3A_371 : memref<48xi32, #tpu.memory_space<vmem>>) semaphore(%arg8 : memref<!tpu.dma_semaphore, #tpu.memory_space<semaphore_mem>>)
    %dma_wait3A_375 = arith.constant 15 : i32
    %dma_wait3A_376 = arith.constant 0 : i32
    %dma_wait3A_377 = tpu.memref_slice %arg5[%dma_wait3A_375, %dma_wait3A_376] : memref<32x48xi32, #tpu.memory_space<vmem>> -> memref<1x48xi32, #tpu.memory_space<vmem>>
    %dma_wait3A_378 = tpu.memref_squeeze %dma_wait3A_377 : memref<1x48xi32, #tpu.memory_space<vmem>> -> memref<48xi32, #tpu.memory_space<vmem>>
    %dma_wait3A_379 = arith.constant 0 : i32
    %dma_wait3A_380 = arith.constant 0 : i32
    %dma_wait3A_381 = tpu.memref_slice %arg2[%dma_wait3A_379, %dma_wait3A_380] : memref<49152x1024xf32, #tpu.memory_space<hbm>> -> memref<49152x1024xf32, #tpu.memory_space<hbm>>
    tpu.wait_indirect_dma semaphore(%arg9 : memref<!tpu.dma_semaphore, #tpu.memory_space<semaphore_mem>>) src(%dma_wait3A_381 : memref<49152x1024xf32, #tpu.memory_space<hbm>>) dst(%arg7 : memref<48x1024xf32, #tpu.memory_space<vmem>>)
    %add3A_382 = arith.constant 720 : i32
    %add3A_383 = arith.addi %mul3A_2, %add3A_382 : i32
    %dma_start3A_384 = arith.constant 0 : i32
    %dma_start3A_385 = tpu.memref_slice %arg4[%add3A_383, %dma_start3A_384] : memref<49152x1024xf32, #tpu.memory_space<hbm>> -> memref<48x1024xf32, #tpu.memory_space<hbm>>
    %dma_start3A_386 = arith.constant 0 : i32
    %dma_start3A_387 = tpu.memref_slice %arg4[%add3A_383, %dma_start3A_386] : memref<49152x1024xf32, #tpu.memory_space<hbm>> -> memref<48x1024xf32, #tpu.memory_space<hbm>>
    tpu.enqueue_dma source(%arg7 : memref<48x1024xf32, #tpu.memory_space<vmem>>) target(%dma_start3A_387 : memref<48x1024xf32, #tpu.memory_space<hbm>>) target_semaphore(%arg11 : memref<!tpu.dma_semaphore, #tpu.memory_space<semaphore_mem>>)
    %dma_wait3A_388 = arith.constant 0 : i32
    %dma_wait3A_389 = tpu.memref_slice %arg4[%add3A_383, %dma_wait3A_388] : memref<49152x1024xf32, #tpu.memory_space<hbm>> -> memref<48x1024xf32, #tpu.memory_space<hbm>>
    %dma_wait3A_390 = arith.constant 0 : i32
    %dma_wait3A_391 = tpu.memref_slice %arg4[%add3A_383, %dma_wait3A_390] : memref<49152x1024xf32, #tpu.memory_space<hbm>> -> memref<48x1024xf32, #tpu.memory_space<hbm>>
    tpu.wait_dma2 semaphore(%arg11 : memref<!tpu.dma_semaphore, #tpu.memory_space<semaphore_mem>>) src(%arg7 : memref<48x1024xf32, #tpu.memory_space<vmem>>) dst(%dma_wait3A_391 : memref<48x1024xf32, #tpu.memory_space<hbm>>)
    %dma_start3A_392 = arith.constant 17 : i32
    %dma_start3A_393 = arith.constant 0 : i32
    %dma_start3A_394 = tpu.memref_slice %arg5[%dma_start3A_392, %dma_start3A_393] : memref<32x48xi32, #tpu.memory_space<vmem>> -> memref<1x48xi32, #tpu.memory_space<vmem>>
    %dma_start3A_395 = tpu.memref_squeeze %dma_start3A_394 : memref<1x48xi32, #tpu.memory_space<vmem>> -> memref<48xi32, #tpu.memory_space<vmem>>
    %dma_start3A_396 = arith.constant 0 : i32
    %dma_start3A_397 = arith.constant 0 : i32
    %dma_start3A_398 = tpu.memref_slice %arg2[%dma_start3A_396, %dma_start3A_397] : memref<49152x1024xf32, #tpu.memory_space<hbm>> -> memref<49152x1024xf32, #tpu.memory_space<hbm>>
    tpu.enqueue_indirect_dma source(%dma_start3A_398 : memref<49152x1024xf32, #tpu.memory_space<hbm>>) target(%arg7 : memref<48x1024xf32, #tpu.memory_space<vmem>>) offsets(%dma_start3A_395 : memref<48xi32, #tpu.memory_space<vmem>>) semaphore(%arg9 : memref<!tpu.dma_semaphore, #tpu.memory_space<semaphore_mem>>)
    %dma_wait3A_399 = arith.constant 16 : i32
    %dma_wait3A_400 = arith.constant 0 : i32
    %dma_wait3A_401 = tpu.memref_slice %arg5[%dma_wait3A_399, %dma_wait3A_400] : memref<32x48xi32, #tpu.memory_space<vmem>> -> memref<1x48xi32, #tpu.memory_space<vmem>>
    %dma_wait3A_402 = tpu.memref_squeeze %dma_wait3A_401 : memref<1x48xi32, #tpu.memory_space<vmem>> -> memref<48xi32, #tpu.memory_space<vmem>>
    %dma_wait3A_403 = arith.constant 0 : i32
    %dma_wait3A_404 = arith.constant 0 : i32
    %dma_wait3A_405 = tpu.memref_slice %arg2[%dma_wait3A_403, %dma_wait3A_404] : memref<49152x1024xf32, #tpu.memory_space<hbm>> -> memref<49152x1024xf32, #tpu.memory_space<hbm>>
    tpu.wait_indirect_dma semaphore(%arg8 : memref<!tpu.dma_semaphore, #tpu.memory_space<semaphore_mem>>) src(%dma_wait3A_405 : memref<49152x1024xf32, #tpu.memory_space<hbm>>) dst(%arg6 : memref<48x1024xf32, #tpu.memory_space<vmem>>)
    %add3A_406 = arith.constant 768 : i32
    %add3A_407 = arith.addi %mul3A_2, %add3A_406 : i32
    %dma_start3A_408 = arith.constant 0 : i32
    %dma_start3A_409 = tpu.memref_slice %arg4[%add3A_407, %dma_start3A_408] : memref<49152x1024xf32, #tpu.memory_space<hbm>> -> memref<48x1024xf32, #tpu.memory_space<hbm>>
    %dma_start3A_410 = arith.constant 0 : i32
    %dma_start3A_411 = tpu.memref_slice %arg4[%add3A_407, %dma_start3A_410] : memref<49152x1024xf32, #tpu.memory_space<hbm>> -> memref<48x1024xf32, #tpu.memory_space<hbm>>
    tpu.enqueue_dma source(%arg6 : memref<48x1024xf32, #tpu.memory_space<vmem>>) target(%dma_start3A_411 : memref<48x1024xf32, #tpu.memory_space<hbm>>) target_semaphore(%arg10 : memref<!tpu.dma_semaphore, #tpu.memory_space<semaphore_mem>>)
    %dma_wait3A_412 = arith.constant 0 : i32
    %dma_wait3A_413 = tpu.memref_slice %arg4[%add3A_407, %dma_wait3A_412] : memref<49152x1024xf32, #tpu.memory_space<hbm>> -> memref<48x1024xf32, #tpu.memory_space<hbm>>
    %dma_wait3A_414 = arith.constant 0 : i32
    %dma_wait3A_415 = tpu.memref_slice %arg4[%add3A_407, %dma_wait3A_414] : memref<49152x1024xf32, #tpu.memory_space<hbm>> -> memref<48x1024xf32, #tpu.memory_space<hbm>>
    tpu.wait_dma2 semaphore(%arg10 : memref<!tpu.dma_semaphore, #tpu.memory_space<semaphore_mem>>) src(%arg6 : memref<48x1024xf32, #tpu.memory_space<vmem>>) dst(%dma_wait3A_415 : memref<48x1024xf32, #tpu.memory_space<hbm>>)
    %dma_start3A_416 = arith.constant 18 : i32
    %dma_start3A_417 = arith.constant 0 : i32
    %dma_start3A_418 = tpu.memref_slice %arg5[%dma_start3A_416, %dma_start3A_417] : memref<32x48xi32, #tpu.memory_space<vmem>> -> memref<1x48xi32, #tpu.memory_space<vmem>>
    %dma_start3A_419 = tpu.memref_squeeze %dma_start3A_418 : memref<1x48xi32, #tpu.memory_space<vmem>> -> memref<48xi32, #tpu.memory_space<vmem>>
    %dma_start3A_420 = arith.constant 0 : i32
    %dma_start3A_421 = arith.constant 0 : i32
    %dma_start3A_422 = tpu.memref_slice %arg2[%dma_start3A_420, %dma_start3A_421] : memref<49152x1024xf32, #tpu.memory_space<hbm>> -> memref<49152x1024xf32, #tpu.memory_space<hbm>>
    tpu.enqueue_indirect_dma source(%dma_start3A_422 : memref<49152x1024xf32, #tpu.memory_space<hbm>>) target(%arg6 : memref<48x1024xf32, #tpu.memory_space<vmem>>) offsets(%dma_start3A_419 : memref<48xi32, #tpu.memory_space<vmem>>) semaphore(%arg8 : memref<!tpu.dma_semaphore, #tpu.memory_space<semaphore_mem>>)
    %dma_wait3A_423 = arith.constant 17 : i32
    %dma_wait3A_424 = arith.constant 0 : i32
    %dma_wait3A_425 = tpu.memref_slice %arg5[%dma_wait3A_423, %dma_wait3A_424] : memref<32x48xi32, #tpu.memory_space<vmem>> -> memref<1x48xi32, #tpu.memory_space<vmem>>
    %dma_wait3A_426 = tpu.memref_squeeze %dma_wait3A_425 : memref<1x48xi32, #tpu.memory_space<vmem>> -> memref<48xi32, #tpu.memory_space<vmem>>
    %dma_wait3A_427 = arith.constant 0 : i32
    %dma_wait3A_428 = arith.constant 0 : i32
    %dma_wait3A_429 = tpu.memref_slice %arg2[%dma_wait3A_427, %dma_wait3A_428] : memref<49152x1024xf32, #tpu.memory_space<hbm>> -> memref<49152x1024xf32, #tpu.memory_space<hbm>>
    tpu.wait_indirect_dma semaphore(%arg9 : memref<!tpu.dma_semaphore, #tpu.memory_space<semaphore_mem>>) src(%dma_wait3A_429 : memref<49152x1024xf32, #tpu.memory_space<hbm>>) dst(%arg7 : memref<48x1024xf32, #tpu.memory_space<vmem>>)
    %add3A_430 = arith.constant 816 : i32
    %add3A_431 = arith.addi %mul3A_2, %add3A_430 : i32
    %dma_start3A_432 = arith.constant 0 : i32
    %dma_start3A_433 = tpu.memref_slice %arg4[%add3A_431, %dma_start3A_432] : memref<49152x1024xf32, #tpu.memory_space<hbm>> -> memref<48x1024xf32, #tpu.memory_space<hbm>>
    %dma_start3A_434 = arith.constant 0 : i32
    %dma_start3A_435 = tpu.memref_slice %arg4[%add3A_431, %dma_start3A_434] : memref<49152x1024xf32, #tpu.memory_space<hbm>> -> memref<48x1024xf32, #tpu.memory_space<hbm>>
    tpu.enqueue_dma source(%arg7 : memref<48x1024xf32, #tpu.memory_space<vmem>>) target(%dma_start3A_435 : memref<48x1024xf32, #tpu.memory_space<hbm>>) target_semaphore(%arg11 : memref<!tpu.dma_semaphore, #tpu.memory_space<semaphore_mem>>)
    %dma_wait3A_436 = arith.constant 0 : i32
    %dma_wait3A_437 = tpu.memref_slice %arg4[%add3A_431, %dma_wait3A_436] : memref<49152x1024xf32, #tpu.memory_space<hbm>> -> memref<48x1024xf32, #tpu.memory_space<hbm>>
    %dma_wait3A_438 = arith.constant 0 : i32
    %dma_wait3A_439 = tpu.memref_slice %arg4[%add3A_431, %dma_wait3A_438] : memref<49152x1024xf32, #tpu.memory_space<hbm>> -> memref<48x1024xf32, #tpu.memory_space<hbm>>
    tpu.wait_dma2 semaphore(%arg11 : memref<!tpu.dma_semaphore, #tpu.memory_space<semaphore_mem>>) src(%arg7 : memref<48x1024xf32, #tpu.memory_space<vmem>>) dst(%dma_wait3A_439 : memref<48x1024xf32, #tpu.memory_space<hbm>>)
    %dma_start3A_440 = arith.constant 19 : i32
    %dma_start3A_441 = arith.constant 0 : i32
    %dma_start3A_442 = tpu.memref_slice %arg5[%dma_start3A_440, %dma_start3A_441] : memref<32x48xi32, #tpu.memory_space<vmem>> -> memref<1x48xi32, #tpu.memory_space<vmem>>
    %dma_start3A_443 = tpu.memref_squeeze %dma_start3A_442 : memref<1x48xi32, #tpu.memory_space<vmem>> -> memref<48xi32, #tpu.memory_space<vmem>>
    %dma_start3A_444 = arith.constant 0 : i32
    %dma_start3A_445 = arith.constant 0 : i32
    %dma_start3A_446 = tpu.memref_slice %arg2[%dma_start3A_444, %dma_start3A_445] : memref<49152x1024xf32, #tpu.memory_space<hbm>> -> memref<49152x1024xf32, #tpu.memory_space<hbm>>
    tpu.enqueue_indirect_dma source(%dma_start3A_446 : memref<49152x1024xf32, #tpu.memory_space<hbm>>) target(%arg7 : memref<48x1024xf32, #tpu.memory_space<vmem>>) offsets(%dma_start3A_443 : memref<48xi32, #tpu.memory_space<vmem>>) semaphore(%arg9 : memref<!tpu.dma_semaphore, #tpu.memory_space<semaphore_mem>>)
    %dma_wait3A_447 = arith.constant 18 : i32
    %dma_wait3A_448 = arith.constant 0 : i32
    %dma_wait3A_449 = tpu.memref_slice %arg5[%dma_wait3A_447, %dma_wait3A_448] : memref<32x48xi32, #tpu.memory_space<vmem>> -> memref<1x48xi32, #tpu.memory_space<vmem>>
    %dma_wait3A_450 = tpu.memref_squeeze %dma_wait3A_449 : memref<1x48xi32, #tpu.memory_space<vmem>> -> memref<48xi32, #tpu.memory_space<vmem>>
    %dma_wait3A_451 = arith.constant 0 : i32
    %dma_wait3A_452 = arith.constant 0 : i32
    %dma_wait3A_453 = tpu.memref_slice %arg2[%dma_wait3A_451, %dma_wait3A_452] : memref<49152x1024xf32, #tpu.memory_space<hbm>> -> memref<49152x1024xf32, #tpu.memory_space<hbm>>
    tpu.wait_indirect_dma semaphore(%arg8 : memref<!tpu.dma_semaphore, #tpu.memory_space<semaphore_mem>>) src(%dma_wait3A_453 : memref<49152x1024xf32, #tpu.memory_space<hbm>>) dst(%arg6 : memref<48x1024xf32, #tpu.memory_space<vmem>>)
    %add3A_454 = arith.constant 864 : i32
    %add3A_455 = arith.addi %mul3A_2, %add3A_454 : i32
    %dma_start3A_456 = arith.constant 0 : i32
    %dma_start3A_457 = tpu.memref_slice %arg4[%add3A_455, %dma_start3A_456] : memref<49152x1024xf32, #tpu.memory_space<hbm>> -> memref<48x1024xf32, #tpu.memory_space<hbm>>
    %dma_start3A_458 = arith.constant 0 : i32
    %dma_start3A_459 = tpu.memref_slice %arg4[%add3A_455, %dma_start3A_458] : memref<49152x1024xf32, #tpu.memory_space<hbm>> -> memref<48x1024xf32, #tpu.memory_space<hbm>>
    tpu.enqueue_dma source(%arg6 : memref<48x1024xf32, #tpu.memory_space<vmem>>) target(%dma_start3A_459 : memref<48x1024xf32, #tpu.memory_space<hbm>>) target_semaphore(%arg10 : memref<!tpu.dma_semaphore, #tpu.memory_space<semaphore_mem>>)
    %dma_wait3A_460 = arith.constant 0 : i32
    %dma_wait3A_461 = tpu.memref_slice %arg4[%add3A_455, %dma_wait3A_460] : memref<49152x1024xf32, #tpu.memory_space<hbm>> -> memref<48x1024xf32, #tpu.memory_space<hbm>>
    %dma_wait3A_462 = arith.constant 0 : i32
    %dma_wait3A_463 = tpu.memref_slice %arg4[%add3A_455, %dma_wait3A_462] : memref<49152x1024xf32, #tpu.memory_space<hbm>> -> memref<48x1024xf32, #tpu.memory_space<hbm>>
    tpu.wait_dma2 semaphore(%arg10 : memref<!tpu.dma_semaphore, #tpu.memory_space<semaphore_mem>>) src(%arg6 : memref<48x1024xf32, #tpu.memory_space<vmem>>) dst(%dma_wait3A_463 : memref<48x1024xf32, #tpu.memory_space<hbm>>)
    %dma_start3A_464 = arith.constant 20 : i32
    %dma_start3A_465 = arith.constant 0 : i32
    %dma_start3A_466 = tpu.memref_slice %arg5[%dma_start3A_464, %dma_start3A_465] : memref<32x48xi32, #tpu.memory_space<vmem>> -> memref<1x48xi32, #tpu.memory_space<vmem>>
    %dma_start3A_467 = tpu.memref_squeeze %dma_start3A_466 : memref<1x48xi32, #tpu.memory_space<vmem>> -> memref<48xi32, #tpu.memory_space<vmem>>
    %dma_start3A_468 = arith.constant 0 : i32
    %dma_start3A_469 = arith.constant 0 : i32
    %dma_start3A_470 = tpu.memref_slice %arg2[%dma_start3A_468, %dma_start3A_469] : memref<49152x1024xf32, #tpu.memory_space<hbm>> -> memref<49152x1024xf32, #tpu.memory_space<hbm>>
    tpu.enqueue_indirect_dma source(%dma_start3A_470 : memref<49152x1024xf32, #tpu.memory_space<hbm>>) target(%arg6 : memref<48x1024xf32, #tpu.memory_space<vmem>>) offsets(%dma_start3A_467 : memref<48xi32, #tpu.memory_space<vmem>>) semaphore(%arg8 : memref<!tpu.dma_semaphore, #tpu.memory_space<semaphore_mem>>)
    %dma_wait3A_471 = arith.constant 19 : i32
    %dma_wait3A_472 = arith.constant 0 : i32
    %dma_wait3A_473 = tpu.memref_slice %arg5[%dma_wait3A_471, %dma_wait3A_472] : memref<32x48xi32, #tpu.memory_space<vmem>> -> memref<1x48xi32, #tpu.memory_space<vmem>>
    %dma_wait3A_474 = tpu.memref_squeeze %dma_wait3A_473 : memref<1x48xi32, #tpu.memory_space<vmem>> -> memref<48xi32, #tpu.memory_space<vmem>>
    %dma_wait3A_475 = arith.constant 0 : i32
    %dma_wait3A_476 = arith.constant 0 : i32
    %dma_wait3A_477 = tpu.memref_slice %arg2[%dma_wait3A_475, %dma_wait3A_476] : memref<49152x1024xf32, #tpu.memory_space<hbm>> -> memref<49152x1024xf32, #tpu.memory_space<hbm>>
    tpu.wait_indirect_dma semaphore(%arg9 : memref<!tpu.dma_semaphore, #tpu.memory_space<semaphore_mem>>) src(%dma_wait3A_477 : memref<49152x1024xf32, #tpu.memory_space<hbm>>) dst(%arg7 : memref<48x1024xf32, #tpu.memory_space<vmem>>)
    %add3A_478 = arith.constant 912 : i32
    %add3A_479 = arith.addi %mul3A_2, %add3A_478 : i32
    %dma_start3A_480 = arith.constant 0 : i32
    %dma_start3A_481 = tpu.memref_slice %arg4[%add3A_479, %dma_start3A_480] : memref<49152x1024xf32, #tpu.memory_space<hbm>> -> memref<48x1024xf32, #tpu.memory_space<hbm>>
    %dma_start3A_482 = arith.constant 0 : i32
    %dma_start3A_483 = tpu.memref_slice %arg4[%add3A_479, %dma_start3A_482] : memref<49152x1024xf32, #tpu.memory_space<hbm>> -> memref<48x1024xf32, #tpu.memory_space<hbm>>
    tpu.enqueue_dma source(%arg7 : memref<48x1024xf32, #tpu.memory_space<vmem>>) target(%dma_start3A_483 : memref<48x1024xf32, #tpu.memory_space<hbm>>) target_semaphore(%arg11 : memref<!tpu.dma_semaphore, #tpu.memory_space<semaphore_mem>>)
    %dma_wait3A_484 = arith.constant 0 : i32
    %dma_wait3A_485 = tpu.memref_slice %arg4[%add3A_479, %dma_wait3A_484] : memref<49152x1024xf32, #tpu.memory_space<hbm>> -> memref<48x1024xf32, #tpu.memory_space<hbm>>
    %dma_wait3A_486 = arith.constant 0 : i32
    %dma_wait3A_487 = tpu.memref_slice %arg4[%add3A_479, %dma_wait3A_486] : memref<49152x1024xf32, #tpu.memory_space<hbm>> -> memref<48x1024xf32, #tpu.memory_space<hbm>>
    tpu.wait_dma2 semaphore(%arg11 : memref<!tpu.dma_semaphore, #tpu.memory_space<semaphore_mem>>) src(%arg7 : memref<48x1024xf32, #tpu.memory_space<vmem>>) dst(%dma_wait3A_487 : memref<48x1024xf32, #tpu.memory_space<hbm>>)
    %dma_start3A_488 = arith.constant 21 : i32
    %dma_start3A_489 = arith.constant 0 : i32
    %dma_start3A_490 = tpu.memref_slice %arg5[%dma_start3A_488, %dma_start3A_489] : memref<32x48xi32, #tpu.memory_space<vmem>> -> memref<1x48xi32, #tpu.memory_space<vmem>>
    %dma_start3A_491 = tpu.memref_squeeze %dma_start3A_490 : memref<1x48xi32, #tpu.memory_space<vmem>> -> memref<48xi32, #tpu.memory_space<vmem>>
    %dma_start3A_492 = arith.constant 0 : i32
    %dma_start3A_493 = arith.constant 0 : i32
    %dma_start3A_494 = tpu.memref_slice %arg2[%dma_start3A_492, %dma_start3A_493] : memref<49152x1024xf32, #tpu.memory_space<hbm>> -> memref<49152x1024xf32, #tpu.memory_space<hbm>>
    tpu.enqueue_indirect_dma source(%dma_start3A_494 : memref<49152x1024xf32, #tpu.memory_space<hbm>>) target(%arg7 : memref<48x1024xf32, #tpu.memory_space<vmem>>) offsets(%dma_start3A_491 : memref<48xi32, #tpu.memory_space<vmem>>) semaphore(%arg9 : memref<!tpu.dma_semaphore, #tpu.memory_space<semaphore_mem>>)
    %dma_wait3A_495 = arith.constant 20 : i32
    %dma_wait3A_496 = arith.constant 0 : i32
    %dma_wait3A_497 = tpu.memref_slice %arg5[%dma_wait3A_495, %dma_wait3A_496] : memref<32x48xi32, #tpu.memory_space<vmem>> -> memref<1x48xi32, #tpu.memory_space<vmem>>
    %dma_wait3A_498 = tpu.memref_squeeze %dma_wait3A_497 : memref<1x48xi32, #tpu.memory_space<vmem>> -> memref<48xi32, #tpu.memory_space<vmem>>
    %dma_wait3A_499 = arith.constant 0 : i32
    %dma_wait3A_500 = arith.constant 0 : i32
    %dma_wait3A_501 = tpu.memref_slice %arg2[%dma_wait3A_499, %dma_wait3A_500] : memref<49152x1024xf32, #tpu.memory_space<hbm>> -> memref<49152x1024xf32, #tpu.memory_space<hbm>>
    tpu.wait_indirect_dma semaphore(%arg8 : memref<!tpu.dma_semaphore, #tpu.memory_space<semaphore_mem>>) src(%dma_wait3A_501 : memref<49152x1024xf32, #tpu.memory_space<hbm>>) dst(%arg6 : memref<48x1024xf32, #tpu.memory_space<vmem>>)
    %add3A_502 = arith.constant 960 : i32
    %add3A_503 = arith.addi %mul3A_2, %add3A_502 : i32
    %dma_start3A_504 = arith.constant 0 : i32
    %dma_start3A_505 = tpu.memref_slice %arg4[%add3A_503, %dma_start3A_504] : memref<49152x1024xf32, #tpu.memory_space<hbm>> -> memref<48x1024xf32, #tpu.memory_space<hbm>>
    %dma_start3A_506 = arith.constant 0 : i32
    %dma_start3A_507 = tpu.memref_slice %arg4[%add3A_503, %dma_start3A_506] : memref<49152x1024xf32, #tpu.memory_space<hbm>> -> memref<48x1024xf32, #tpu.memory_space<hbm>>
    tpu.enqueue_dma source(%arg6 : memref<48x1024xf32, #tpu.memory_space<vmem>>) target(%dma_start3A_507 : memref<48x1024xf32, #tpu.memory_space<hbm>>) target_semaphore(%arg10 : memref<!tpu.dma_semaphore, #tpu.memory_space<semaphore_mem>>)
    %dma_wait3A_508 = arith.constant 0 : i32
    %dma_wait3A_509 = tpu.memref_slice %arg4[%add3A_503, %dma_wait3A_508] : memref<49152x1024xf32, #tpu.memory_space<hbm>> -> memref<48x1024xf32, #tpu.memory_space<hbm>>
    %dma_wait3A_510 = arith.constant 0 : i32
    %dma_wait3A_511 = tpu.memref_slice %arg4[%add3A_503, %dma_wait3A_510] : memref<49152x1024xf32, #tpu.memory_space<hbm>> -> memref<48x1024xf32, #tpu.memory_space<hbm>>
    tpu.wait_dma2 semaphore(%arg10 : memref<!tpu.dma_semaphore, #tpu.memory_space<semaphore_mem>>) src(%arg6 : memref<48x1024xf32, #tpu.memory_space<vmem>>) dst(%dma_wait3A_511 : memref<48x1024xf32, #tpu.memory_space<hbm>>)
    %dma_start3A_512 = arith.constant 22 : i32
    %dma_start3A_513 = arith.constant 0 : i32
    %dma_start3A_514 = tpu.memref_slice %arg5[%dma_start3A_512, %dma_start3A_513] : memref<32x48xi32, #tpu.memory_space<vmem>> -> memref<1x48xi32, #tpu.memory_space<vmem>>
    %dma_start3A_515 = tpu.memref_squeeze %dma_start3A_514 : memref<1x48xi32, #tpu.memory_space<vmem>> -> memref<48xi32, #tpu.memory_space<vmem>>
    %dma_start3A_516 = arith.constant 0 : i32
    %dma_start3A_517 = arith.constant 0 : i32
    %dma_start3A_518 = tpu.memref_slice %arg2[%dma_start3A_516, %dma_start3A_517] : memref<49152x1024xf32, #tpu.memory_space<hbm>> -> memref<49152x1024xf32, #tpu.memory_space<hbm>>
    tpu.enqueue_indirect_dma source(%dma_start3A_518 : memref<49152x1024xf32, #tpu.memory_space<hbm>>) target(%arg6 : memref<48x1024xf32, #tpu.memory_space<vmem>>) offsets(%dma_start3A_515 : memref<48xi32, #tpu.memory_space<vmem>>) semaphore(%arg8 : memref<!tpu.dma_semaphore, #tpu.memory_space<semaphore_mem>>)
    %dma_wait3A_519 = arith.constant 21 : i32
    %dma_wait3A_520 = arith.constant 0 : i32
    %dma_wait3A_521 = tpu.memref_slice %arg5[%dma_wait3A_519, %dma_wait3A_520] : memref<32x48xi32, #tpu.memory_space<vmem>> -> memref<1x48xi32, #tpu.memory_space<vmem>>
    %dma_wait3A_522 = tpu.memref_squeeze %dma_wait3A_521 : memref<1x48xi32, #tpu.memory_space<vmem>> -> memref<48xi32, #tpu.memory_space<vmem>>
    %dma_wait3A_523 = arith.constant 0 : i32
    %dma_wait3A_524 = arith.constant 0 : i32
    %dma_wait3A_525 = tpu.memref_slice %arg2[%dma_wait3A_523, %dma_wait3A_524] : memref<49152x1024xf32, #tpu.memory_space<hbm>> -> memref<49152x1024xf32, #tpu.memory_space<hbm>>
    tpu.wait_indirect_dma semaphore(%arg9 : memref<!tpu.dma_semaphore, #tpu.memory_space<semaphore_mem>>) src(%dma_wait3A_525 : memref<49152x1024xf32, #tpu.memory_space<hbm>>) dst(%arg7 : memref<48x1024xf32, #tpu.memory_space<vmem>>)
    %add3A_526 = arith.constant 1008 : i32
    %add3A_527 = arith.addi %mul3A_2, %add3A_526 : i32
    %dma_start3A_528 = arith.constant 0 : i32
    %dma_start3A_529 = tpu.memref_slice %arg4[%add3A_527, %dma_start3A_528] : memref<49152x1024xf32, #tpu.memory_space<hbm>> -> memref<48x1024xf32, #tpu.memory_space<hbm>>
    %dma_start3A_530 = arith.constant 0 : i32
    %dma_start3A_531 = tpu.memref_slice %arg4[%add3A_527, %dma_start3A_530] : memref<49152x1024xf32, #tpu.memory_space<hbm>> -> memref<48x1024xf32, #tpu.memory_space<hbm>>
    tpu.enqueue_dma source(%arg7 : memref<48x1024xf32, #tpu.memory_space<vmem>>) target(%dma_start3A_531 : memref<48x1024xf32, #tpu.memory_space<hbm>>) target_semaphore(%arg11 : memref<!tpu.dma_semaphore, #tpu.memory_space<semaphore_mem>>)
    %dma_wait3A_532 = arith.constant 0 : i32
    %dma_wait3A_533 = tpu.memref_slice %arg4[%add3A_527, %dma_wait3A_532] : memref<49152x1024xf32, #tpu.memory_space<hbm>> -> memref<48x1024xf32, #tpu.memory_space<hbm>>
    %dma_wait3A_534 = arith.constant 0 : i32
    %dma_wait3A_535 = tpu.memref_slice %arg4[%add3A_527, %dma_wait3A_534] : memref<49152x1024xf32, #tpu.memory_space<hbm>> -> memref<48x1024xf32, #tpu.memory_space<hbm>>
    tpu.wait_dma2 semaphore(%arg11 : memref<!tpu.dma_semaphore, #tpu.memory_space<semaphore_mem>>) src(%arg7 : memref<48x1024xf32, #tpu.memory_space<vmem>>) dst(%dma_wait3A_535 : memref<48x1024xf32, #tpu.memory_space<hbm>>)
    %dma_start3A_536 = arith.constant 23 : i32
    %dma_start3A_537 = arith.constant 0 : i32
    %dma_start3A_538 = tpu.memref_slice %arg5[%dma_start3A_536, %dma_start3A_537] : memref<32x48xi32, #tpu.memory_space<vmem>> -> memref<1x48xi32, #tpu.memory_space<vmem>>
    %dma_start3A_539 = tpu.memref_squeeze %dma_start3A_538 : memref<1x48xi32, #tpu.memory_space<vmem>> -> memref<48xi32, #tpu.memory_space<vmem>>
    %dma_start3A_540 = arith.constant 0 : i32
    %dma_start3A_541 = arith.constant 0 : i32
    %dma_start3A_542 = tpu.memref_slice %arg2[%dma_start3A_540, %dma_start3A_541] : memref<49152x1024xf32, #tpu.memory_space<hbm>> -> memref<49152x1024xf32, #tpu.memory_space<hbm>>
    tpu.enqueue_indirect_dma source(%dma_start3A_542 : memref<49152x1024xf32, #tpu.memory_space<hbm>>) target(%arg7 : memref<48x1024xf32, #tpu.memory_space<vmem>>) offsets(%dma_start3A_539 : memref<48xi32, #tpu.memory_space<vmem>>) semaphore(%arg9 : memref<!tpu.dma_semaphore, #tpu.memory_space<semaphore_mem>>)
    %dma_wait3A_543 = arith.constant 22 : i32
    %dma_wait3A_544 = arith.constant 0 : i32
    %dma_wait3A_545 = tpu.memref_slice %arg5[%dma_wait3A_543, %dma_wait3A_544] : memref<32x48xi32, #tpu.memory_space<vmem>> -> memref<1x48xi32, #tpu.memory_space<vmem>>
    %dma_wait3A_546 = tpu.memref_squeeze %dma_wait3A_545 : memref<1x48xi32, #tpu.memory_space<vmem>> -> memref<48xi32, #tpu.memory_space<vmem>>
    %dma_wait3A_547 = arith.constant 0 : i32
    %dma_wait3A_548 = arith.constant 0 : i32
    %dma_wait3A_549 = tpu.memref_slice %arg2[%dma_wait3A_547, %dma_wait3A_548] : memref<49152x1024xf32, #tpu.memory_space<hbm>> -> memref<49152x1024xf32, #tpu.memory_space<hbm>>
    tpu.wait_indirect_dma semaphore(%arg8 : memref<!tpu.dma_semaphore, #tpu.memory_space<semaphore_mem>>) src(%dma_wait3A_549 : memref<49152x1024xf32, #tpu.memory_space<hbm>>) dst(%arg6 : memref<48x1024xf32, #tpu.memory_space<vmem>>)
    %add3A_550 = arith.constant 1056 : i32
    %add3A_551 = arith.addi %mul3A_2, %add3A_550 : i32
    %dma_start3A_552 = arith.constant 0 : i32
    %dma_start3A_553 = tpu.memref_slice %arg4[%add3A_551, %dma_start3A_552] : memref<49152x1024xf32, #tpu.memory_space<hbm>> -> memref<48x1024xf32, #tpu.memory_space<hbm>>
    %dma_start3A_554 = arith.constant 0 : i32
    %dma_start3A_555 = tpu.memref_slice %arg4[%add3A_551, %dma_start3A_554] : memref<49152x1024xf32, #tpu.memory_space<hbm>> -> memref<48x1024xf32, #tpu.memory_space<hbm>>
    tpu.enqueue_dma source(%arg6 : memref<48x1024xf32, #tpu.memory_space<vmem>>) target(%dma_start3A_555 : memref<48x1024xf32, #tpu.memory_space<hbm>>) target_semaphore(%arg10 : memref<!tpu.dma_semaphore, #tpu.memory_space<semaphore_mem>>)
    %dma_wait3A_556 = arith.constant 0 : i32
    %dma_wait3A_557 = tpu.memref_slice %arg4[%add3A_551, %dma_wait3A_556] : memref<49152x1024xf32, #tpu.memory_space<hbm>> -> memref<48x1024xf32, #tpu.memory_space<hbm>>
    %dma_wait3A_558 = arith.constant 0 : i32
    %dma_wait3A_559 = tpu.memref_slice %arg4[%add3A_551, %dma_wait3A_558] : memref<49152x1024xf32, #tpu.memory_space<hbm>> -> memref<48x1024xf32, #tpu.memory_space<hbm>>
    tpu.wait_dma2 semaphore(%arg10 : memref<!tpu.dma_semaphore, #tpu.memory_space<semaphore_mem>>) src(%arg6 : memref<48x1024xf32, #tpu.memory_space<vmem>>) dst(%dma_wait3A_559 : memref<48x1024xf32, #tpu.memory_space<hbm>>)
    %dma_start3A_560 = arith.constant 24 : i32
    %dma_start3A_561 = arith.constant 0 : i32
    %dma_start3A_562 = tpu.memref_slice %arg5[%dma_start3A_560, %dma_start3A_561] : memref<32x48xi32, #tpu.memory_space<vmem>> -> memref<1x48xi32, #tpu.memory_space<vmem>>
    %dma_start3A_563 = tpu.memref_squeeze %dma_start3A_562 : memref<1x48xi32, #tpu.memory_space<vmem>> -> memref<48xi32, #tpu.memory_space<vmem>>
    %dma_start3A_564 = arith.constant 0 : i32
    %dma_start3A_565 = arith.constant 0 : i32
    %dma_start3A_566 = tpu.memref_slice %arg2[%dma_start3A_564, %dma_start3A_565] : memref<49152x1024xf32, #tpu.memory_space<hbm>> -> memref<49152x1024xf32, #tpu.memory_space<hbm>>
    tpu.enqueue_indirect_dma source(%dma_start3A_566 : memref<49152x1024xf32, #tpu.memory_space<hbm>>) target(%arg6 : memref<48x1024xf32, #tpu.memory_space<vmem>>) offsets(%dma_start3A_563 : memref<48xi32, #tpu.memory_space<vmem>>) semaphore(%arg8 : memref<!tpu.dma_semaphore, #tpu.memory_space<semaphore_mem>>)
    %dma_wait3A_567 = arith.constant 23 : i32
    %dma_wait3A_568 = arith.constant 0 : i32
    %dma_wait3A_569 = tpu.memref_slice %arg5[%dma_wait3A_567, %dma_wait3A_568] : memref<32x48xi32, #tpu.memory_space<vmem>> -> memref<1x48xi32, #tpu.memory_space<vmem>>
    %dma_wait3A_570 = tpu.memref_squeeze %dma_wait3A_569 : memref<1x48xi32, #tpu.memory_space<vmem>> -> memref<48xi32, #tpu.memory_space<vmem>>
    %dma_wait3A_571 = arith.constant 0 : i32
    %dma_wait3A_572 = arith.constant 0 : i32
    %dma_wait3A_573 = tpu.memref_slice %arg2[%dma_wait3A_571, %dma_wait3A_572] : memref<49152x1024xf32, #tpu.memory_space<hbm>> -> memref<49152x1024xf32, #tpu.memory_space<hbm>>
    tpu.wait_indirect_dma semaphore(%arg9 : memref<!tpu.dma_semaphore, #tpu.memory_space<semaphore_mem>>) src(%dma_wait3A_573 : memref<49152x1024xf32, #tpu.memory_space<hbm>>) dst(%arg7 : memref<48x1024xf32, #tpu.memory_space<vmem>>)
    %add3A_574 = arith.constant 1104 : i32
    %add3A_575 = arith.addi %mul3A_2, %add3A_574 : i32
    %dma_start3A_576 = arith.constant 0 : i32
    %dma_start3A_577 = tpu.memref_slice %arg4[%add3A_575, %dma_start3A_576] : memref<49152x1024xf32, #tpu.memory_space<hbm>> -> memref<48x1024xf32, #tpu.memory_space<hbm>>
    %dma_start3A_578 = arith.constant 0 : i32
    %dma_start3A_579 = tpu.memref_slice %arg4[%add3A_575, %dma_start3A_578] : memref<49152x1024xf32, #tpu.memory_space<hbm>> -> memref<48x1024xf32, #tpu.memory_space<hbm>>
    tpu.enqueue_dma source(%arg7 : memref<48x1024xf32, #tpu.memory_space<vmem>>) target(%dma_start3A_579 : memref<48x1024xf32, #tpu.memory_space<hbm>>) target_semaphore(%arg11 : memref<!tpu.dma_semaphore, #tpu.memory_space<semaphore_mem>>)
    %dma_wait3A_580 = arith.constant 0 : i32
    %dma_wait3A_581 = tpu.memref_slice %arg4[%add3A_575, %dma_wait3A_580] : memref<49152x1024xf32, #tpu.memory_space<hbm>> -> memref<48x1024xf32, #tpu.memory_space<hbm>>
    %dma_wait3A_582 = arith.constant 0 : i32
    %dma_wait3A_583 = tpu.memref_slice %arg4[%add3A_575, %dma_wait3A_582] : memref<49152x1024xf32, #tpu.memory_space<hbm>> -> memref<48x1024xf32, #tpu.memory_space<hbm>>
    tpu.wait_dma2 semaphore(%arg11 : memref<!tpu.dma_semaphore, #tpu.memory_space<semaphore_mem>>) src(%arg7 : memref<48x1024xf32, #tpu.memory_space<vmem>>) dst(%dma_wait3A_583 : memref<48x1024xf32, #tpu.memory_space<hbm>>)
    %dma_start3A_584 = arith.constant 25 : i32
    %dma_start3A_585 = arith.constant 0 : i32
    %dma_start3A_586 = tpu.memref_slice %arg5[%dma_start3A_584, %dma_start3A_585] : memref<32x48xi32, #tpu.memory_space<vmem>> -> memref<1x48xi32, #tpu.memory_space<vmem>>
    %dma_start3A_587 = tpu.memref_squeeze %dma_start3A_586 : memref<1x48xi32, #tpu.memory_space<vmem>> -> memref<48xi32, #tpu.memory_space<vmem>>
    %dma_start3A_588 = arith.constant 0 : i32
    %dma_start3A_589 = arith.constant 0 : i32
    %dma_start3A_590 = tpu.memref_slice %arg2[%dma_start3A_588, %dma_start3A_589] : memref<49152x1024xf32, #tpu.memory_space<hbm>> -> memref<49152x1024xf32, #tpu.memory_space<hbm>>
    tpu.enqueue_indirect_dma source(%dma_start3A_590 : memref<49152x1024xf32, #tpu.memory_space<hbm>>) target(%arg7 : memref<48x1024xf32, #tpu.memory_space<vmem>>) offsets(%dma_start3A_587 : memref<48xi32, #tpu.memory_space<vmem>>) semaphore(%arg9 : memref<!tpu.dma_semaphore, #tpu.memory_space<semaphore_mem>>)
    %dma_wait3A_591 = arith.constant 24 : i32
    %dma_wait3A_592 = arith.constant 0 : i32
    %dma_wait3A_593 = tpu.memref_slice %arg5[%dma_wait3A_591, %dma_wait3A_592] : memref<32x48xi32, #tpu.memory_space<vmem>> -> memref<1x48xi32, #tpu.memory_space<vmem>>
    %dma_wait3A_594 = tpu.memref_squeeze %dma_wait3A_593 : memref<1x48xi32, #tpu.memory_space<vmem>> -> memref<48xi32, #tpu.memory_space<vmem>>
    %dma_wait3A_595 = arith.constant 0 : i32
    %dma_wait3A_596 = arith.constant 0 : i32
    %dma_wait3A_597 = tpu.memref_slice %arg2[%dma_wait3A_595, %dma_wait3A_596] : memref<49152x1024xf32, #tpu.memory_space<hbm>> -> memref<49152x1024xf32, #tpu.memory_space<hbm>>
    tpu.wait_indirect_dma semaphore(%arg8 : memref<!tpu.dma_semaphore, #tpu.memory_space<semaphore_mem>>) src(%dma_wait3A_597 : memref<49152x1024xf32, #tpu.memory_space<hbm>>) dst(%arg6 : memref<48x1024xf32, #tpu.memory_space<vmem>>)
    %add3A_598 = arith.constant 1152 : i32
    %add3A_599 = arith.addi %mul3A_2, %add3A_598 : i32
    %dma_start3A_600 = arith.constant 0 : i32
    %dma_start3A_601 = tpu.memref_slice %arg4[%add3A_599, %dma_start3A_600] : memref<49152x1024xf32, #tpu.memory_space<hbm>> -> memref<48x1024xf32, #tpu.memory_space<hbm>>
    %dma_start3A_602 = arith.constant 0 : i32
    %dma_start3A_603 = tpu.memref_slice %arg4[%add3A_599, %dma_start3A_602] : memref<49152x1024xf32, #tpu.memory_space<hbm>> -> memref<48x1024xf32, #tpu.memory_space<hbm>>
    tpu.enqueue_dma source(%arg6 : memref<48x1024xf32, #tpu.memory_space<vmem>>) target(%dma_start3A_603 : memref<48x1024xf32, #tpu.memory_space<hbm>>) target_semaphore(%arg10 : memref<!tpu.dma_semaphore, #tpu.memory_space<semaphore_mem>>)
    %dma_wait3A_604 = arith.constant 0 : i32
    %dma_wait3A_605 = tpu.memref_slice %arg4[%add3A_599, %dma_wait3A_604] : memref<49152x1024xf32, #tpu.memory_space<hbm>> -> memref<48x1024xf32, #tpu.memory_space<hbm>>
    %dma_wait3A_606 = arith.constant 0 : i32
    %dma_wait3A_607 = tpu.memref_slice %arg4[%add3A_599, %dma_wait3A_606] : memref<49152x1024xf32, #tpu.memory_space<hbm>> -> memref<48x1024xf32, #tpu.memory_space<hbm>>
    tpu.wait_dma2 semaphore(%arg10 : memref<!tpu.dma_semaphore, #tpu.memory_space<semaphore_mem>>) src(%arg6 : memref<48x1024xf32, #tpu.memory_space<vmem>>) dst(%dma_wait3A_607 : memref<48x1024xf32, #tpu.memory_space<hbm>>)
    %dma_start3A_608 = arith.constant 26 : i32
    %dma_start3A_609 = arith.constant 0 : i32
    %dma_start3A_610 = tpu.memref_slice %arg5[%dma_start3A_608, %dma_start3A_609] : memref<32x48xi32, #tpu.memory_space<vmem>> -> memref<1x48xi32, #tpu.memory_space<vmem>>
    %dma_start3A_611 = tpu.memref_squeeze %dma_start3A_610 : memref<1x48xi32, #tpu.memory_space<vmem>> -> memref<48xi32, #tpu.memory_space<vmem>>
    %dma_start3A_612 = arith.constant 0 : i32
    %dma_start3A_613 = arith.constant 0 : i32
    %dma_start3A_614 = tpu.memref_slice %arg2[%dma_start3A_612, %dma_start3A_613] : memref<49152x1024xf32, #tpu.memory_space<hbm>> -> memref<49152x1024xf32, #tpu.memory_space<hbm>>
    tpu.enqueue_indirect_dma source(%dma_start3A_614 : memref<49152x1024xf32, #tpu.memory_space<hbm>>) target(%arg6 : memref<48x1024xf32, #tpu.memory_space<vmem>>) offsets(%dma_start3A_611 : memref<48xi32, #tpu.memory_space<vmem>>) semaphore(%arg8 : memref<!tpu.dma_semaphore, #tpu.memory_space<semaphore_mem>>)
    %dma_wait3A_615 = arith.constant 25 : i32
    %dma_wait3A_616 = arith.constant 0 : i32
    %dma_wait3A_617 = tpu.memref_slice %arg5[%dma_wait3A_615, %dma_wait3A_616] : memref<32x48xi32, #tpu.memory_space<vmem>> -> memref<1x48xi32, #tpu.memory_space<vmem>>
    %dma_wait3A_618 = tpu.memref_squeeze %dma_wait3A_617 : memref<1x48xi32, #tpu.memory_space<vmem>> -> memref<48xi32, #tpu.memory_space<vmem>>
    %dma_wait3A_619 = arith.constant 0 : i32
    %dma_wait3A_620 = arith.constant 0 : i32
    %dma_wait3A_621 = tpu.memref_slice %arg2[%dma_wait3A_619, %dma_wait3A_620] : memref<49152x1024xf32, #tpu.memory_space<hbm>> -> memref<49152x1024xf32, #tpu.memory_space<hbm>>
    tpu.wait_indirect_dma semaphore(%arg9 : memref<!tpu.dma_semaphore, #tpu.memory_space<semaphore_mem>>) src(%dma_wait3A_621 : memref<49152x1024xf32, #tpu.memory_space<hbm>>) dst(%arg7 : memref<48x1024xf32, #tpu.memory_space<vmem>>)
    %add3A_622 = arith.constant 1200 : i32
    %add3A_623 = arith.addi %mul3A_2, %add3A_622 : i32
    %dma_start3A_624 = arith.constant 0 : i32
    %dma_start3A_625 = tpu.memref_slice %arg4[%add3A_623, %dma_start3A_624] : memref<49152x1024xf32, #tpu.memory_space<hbm>> -> memref<48x1024xf32, #tpu.memory_space<hbm>>
    %dma_start3A_626 = arith.constant 0 : i32
    %dma_start3A_627 = tpu.memref_slice %arg4[%add3A_623, %dma_start3A_626] : memref<49152x1024xf32, #tpu.memory_space<hbm>> -> memref<48x1024xf32, #tpu.memory_space<hbm>>
    tpu.enqueue_dma source(%arg7 : memref<48x1024xf32, #tpu.memory_space<vmem>>) target(%dma_start3A_627 : memref<48x1024xf32, #tpu.memory_space<hbm>>) target_semaphore(%arg11 : memref<!tpu.dma_semaphore, #tpu.memory_space<semaphore_mem>>)
    %dma_wait3A_628 = arith.constant 0 : i32
    %dma_wait3A_629 = tpu.memref_slice %arg4[%add3A_623, %dma_wait3A_628] : memref<49152x1024xf32, #tpu.memory_space<hbm>> -> memref<48x1024xf32, #tpu.memory_space<hbm>>
    %dma_wait3A_630 = arith.constant 0 : i32
    %dma_wait3A_631 = tpu.memref_slice %arg4[%add3A_623, %dma_wait3A_630] : memref<49152x1024xf32, #tpu.memory_space<hbm>> -> memref<48x1024xf32, #tpu.memory_space<hbm>>
    tpu.wait_dma2 semaphore(%arg11 : memref<!tpu.dma_semaphore, #tpu.memory_space<semaphore_mem>>) src(%arg7 : memref<48x1024xf32, #tpu.memory_space<vmem>>) dst(%dma_wait3A_631 : memref<48x1024xf32, #tpu.memory_space<hbm>>)
    %dma_start3A_632 = arith.constant 27 : i32
    %dma_start3A_633 = arith.constant 0 : i32
    %dma_start3A_634 = tpu.memref_slice %arg5[%dma_start3A_632, %dma_start3A_633] : memref<32x48xi32, #tpu.memory_space<vmem>> -> memref<1x48xi32, #tpu.memory_space<vmem>>
    %dma_start3A_635 = tpu.memref_squeeze %dma_start3A_634 : memref<1x48xi32, #tpu.memory_space<vmem>> -> memref<48xi32, #tpu.memory_space<vmem>>
    %dma_start3A_636 = arith.constant 0 : i32
    %dma_start3A_637 = arith.constant 0 : i32
    %dma_start3A_638 = tpu.memref_slice %arg2[%dma_start3A_636, %dma_start3A_637] : memref<49152x1024xf32, #tpu.memory_space<hbm>> -> memref<49152x1024xf32, #tpu.memory_space<hbm>>
    tpu.enqueue_indirect_dma source(%dma_start3A_638 : memref<49152x1024xf32, #tpu.memory_space<hbm>>) target(%arg7 : memref<48x1024xf32, #tpu.memory_space<vmem>>) offsets(%dma_start3A_635 : memref<48xi32, #tpu.memory_space<vmem>>) semaphore(%arg9 : memref<!tpu.dma_semaphore, #tpu.memory_space<semaphore_mem>>)
    %dma_wait3A_639 = arith.constant 26 : i32
    %dma_wait3A_640 = arith.constant 0 : i32
    %dma_wait3A_641 = tpu.memref_slice %arg5[%dma_wait3A_639, %dma_wait3A_640] : memref<32x48xi32, #tpu.memory_space<vmem>> -> memref<1x48xi32, #tpu.memory_space<vmem>>
    %dma_wait3A_642 = tpu.memref_squeeze %dma_wait3A_641 : memref<1x48xi32, #tpu.memory_space<vmem>> -> memref<48xi32, #tpu.memory_space<vmem>>
    %dma_wait3A_643 = arith.constant 0 : i32
    %dma_wait3A_644 = arith.constant 0 : i32
    %dma_wait3A_645 = tpu.memref_slice %arg2[%dma_wait3A_643, %dma_wait3A_644] : memref<49152x1024xf32, #tpu.memory_space<hbm>> -> memref<49152x1024xf32, #tpu.memory_space<hbm>>
    tpu.wait_indirect_dma semaphore(%arg8 : memref<!tpu.dma_semaphore, #tpu.memory_space<semaphore_mem>>) src(%dma_wait3A_645 : memref<49152x1024xf32, #tpu.memory_space<hbm>>) dst(%arg6 : memref<48x1024xf32, #tpu.memory_space<vmem>>)
    %add3A_646 = arith.constant 1248 : i32
    %add3A_647 = arith.addi %mul3A_2, %add3A_646 : i32
    %dma_start3A_648 = arith.constant 0 : i32
    %dma_start3A_649 = tpu.memref_slice %arg4[%add3A_647, %dma_start3A_648] : memref<49152x1024xf32, #tpu.memory_space<hbm>> -> memref<48x1024xf32, #tpu.memory_space<hbm>>
    %dma_start3A_650 = arith.constant 0 : i32
    %dma_start3A_651 = tpu.memref_slice %arg4[%add3A_647, %dma_start3A_650] : memref<49152x1024xf32, #tpu.memory_space<hbm>> -> memref<48x1024xf32, #tpu.memory_space<hbm>>
    tpu.enqueue_dma source(%arg6 : memref<48x1024xf32, #tpu.memory_space<vmem>>) target(%dma_start3A_651 : memref<48x1024xf32, #tpu.memory_space<hbm>>) target_semaphore(%arg10 : memref<!tpu.dma_semaphore, #tpu.memory_space<semaphore_mem>>)
    %dma_wait3A_652 = arith.constant 0 : i32
    %dma_wait3A_653 = tpu.memref_slice %arg4[%add3A_647, %dma_wait3A_652] : memref<49152x1024xf32, #tpu.memory_space<hbm>> -> memref<48x1024xf32, #tpu.memory_space<hbm>>
    %dma_wait3A_654 = arith.constant 0 : i32
    %dma_wait3A_655 = tpu.memref_slice %arg4[%add3A_647, %dma_wait3A_654] : memref<49152x1024xf32, #tpu.memory_space<hbm>> -> memref<48x1024xf32, #tpu.memory_space<hbm>>
    tpu.wait_dma2 semaphore(%arg10 : memref<!tpu.dma_semaphore, #tpu.memory_space<semaphore_mem>>) src(%arg6 : memref<48x1024xf32, #tpu.memory_space<vmem>>) dst(%dma_wait3A_655 : memref<48x1024xf32, #tpu.memory_space<hbm>>)
    %dma_start3A_656 = arith.constant 28 : i32
    %dma_start3A_657 = arith.constant 0 : i32
    %dma_start3A_658 = tpu.memref_slice %arg5[%dma_start3A_656, %dma_start3A_657] : memref<32x48xi32, #tpu.memory_space<vmem>> -> memref<1x48xi32, #tpu.memory_space<vmem>>
    %dma_start3A_659 = tpu.memref_squeeze %dma_start3A_658 : memref<1x48xi32, #tpu.memory_space<vmem>> -> memref<48xi32, #tpu.memory_space<vmem>>
    %dma_start3A_660 = arith.constant 0 : i32
    %dma_start3A_661 = arith.constant 0 : i32
    %dma_start3A_662 = tpu.memref_slice %arg2[%dma_start3A_660, %dma_start3A_661] : memref<49152x1024xf32, #tpu.memory_space<hbm>> -> memref<49152x1024xf32, #tpu.memory_space<hbm>>
    tpu.enqueue_indirect_dma source(%dma_start3A_662 : memref<49152x1024xf32, #tpu.memory_space<hbm>>) target(%arg6 : memref<48x1024xf32, #tpu.memory_space<vmem>>) offsets(%dma_start3A_659 : memref<48xi32, #tpu.memory_space<vmem>>) semaphore(%arg8 : memref<!tpu.dma_semaphore, #tpu.memory_space<semaphore_mem>>)
    %dma_wait3A_663 = arith.constant 27 : i32
    %dma_wait3A_664 = arith.constant 0 : i32
    %dma_wait3A_665 = tpu.memref_slice %arg5[%dma_wait3A_663, %dma_wait3A_664] : memref<32x48xi32, #tpu.memory_space<vmem>> -> memref<1x48xi32, #tpu.memory_space<vmem>>
    %dma_wait3A_666 = tpu.memref_squeeze %dma_wait3A_665 : memref<1x48xi32, #tpu.memory_space<vmem>> -> memref<48xi32, #tpu.memory_space<vmem>>
    %dma_wait3A_667 = arith.constant 0 : i32
    %dma_wait3A_668 = arith.constant 0 : i32
    %dma_wait3A_669 = tpu.memref_slice %arg2[%dma_wait3A_667, %dma_wait3A_668] : memref<49152x1024xf32, #tpu.memory_space<hbm>> -> memref<49152x1024xf32, #tpu.memory_space<hbm>>
    tpu.wait_indirect_dma semaphore(%arg9 : memref<!tpu.dma_semaphore, #tpu.memory_space<semaphore_mem>>) src(%dma_wait3A_669 : memref<49152x1024xf32, #tpu.memory_space<hbm>>) dst(%arg7 : memref<48x1024xf32, #tpu.memory_space<vmem>>)
    %add3A_670 = arith.constant 1296 : i32
    %add3A_671 = arith.addi %mul3A_2, %add3A_670 : i32
    %dma_start3A_672 = arith.constant 0 : i32
    %dma_start3A_673 = tpu.memref_slice %arg4[%add3A_671, %dma_start3A_672] : memref<49152x1024xf32, #tpu.memory_space<hbm>> -> memref<48x1024xf32, #tpu.memory_space<hbm>>
    %dma_start3A_674 = arith.constant 0 : i32
    %dma_start3A_675 = tpu.memref_slice %arg4[%add3A_671, %dma_start3A_674] : memref<49152x1024xf32, #tpu.memory_space<hbm>> -> memref<48x1024xf32, #tpu.memory_space<hbm>>
    tpu.enqueue_dma source(%arg7 : memref<48x1024xf32, #tpu.memory_space<vmem>>) target(%dma_start3A_675 : memref<48x1024xf32, #tpu.memory_space<hbm>>) target_semaphore(%arg11 : memref<!tpu.dma_semaphore, #tpu.memory_space<semaphore_mem>>)
    %dma_wait3A_676 = arith.constant 0 : i32
    %dma_wait3A_677 = tpu.memref_slice %arg4[%add3A_671, %dma_wait3A_676] : memref<49152x1024xf32, #tpu.memory_space<hbm>> -> memref<48x1024xf32, #tpu.memory_space<hbm>>
    %dma_wait3A_678 = arith.constant 0 : i32
    %dma_wait3A_679 = tpu.memref_slice %arg4[%add3A_671, %dma_wait3A_678] : memref<49152x1024xf32, #tpu.memory_space<hbm>> -> memref<48x1024xf32, #tpu.memory_space<hbm>>
    tpu.wait_dma2 semaphore(%arg11 : memref<!tpu.dma_semaphore, #tpu.memory_space<semaphore_mem>>) src(%arg7 : memref<48x1024xf32, #tpu.memory_space<vmem>>) dst(%dma_wait3A_679 : memref<48x1024xf32, #tpu.memory_space<hbm>>)
    %dma_start3A_680 = arith.constant 29 : i32
    %dma_start3A_681 = arith.constant 0 : i32
    %dma_start3A_682 = tpu.memref_slice %arg5[%dma_start3A_680, %dma_start3A_681] : memref<32x48xi32, #tpu.memory_space<vmem>> -> memref<1x48xi32, #tpu.memory_space<vmem>>
    %dma_start3A_683 = tpu.memref_squeeze %dma_start3A_682 : memref<1x48xi32, #tpu.memory_space<vmem>> -> memref<48xi32, #tpu.memory_space<vmem>>
    %dma_start3A_684 = arith.constant 0 : i32
    %dma_start3A_685 = arith.constant 0 : i32
    %dma_start3A_686 = tpu.memref_slice %arg2[%dma_start3A_684, %dma_start3A_685] : memref<49152x1024xf32, #tpu.memory_space<hbm>> -> memref<49152x1024xf32, #tpu.memory_space<hbm>>
    tpu.enqueue_indirect_dma source(%dma_start3A_686 : memref<49152x1024xf32, #tpu.memory_space<hbm>>) target(%arg7 : memref<48x1024xf32, #tpu.memory_space<vmem>>) offsets(%dma_start3A_683 : memref<48xi32, #tpu.memory_space<vmem>>) semaphore(%arg9 : memref<!tpu.dma_semaphore, #tpu.memory_space<semaphore_mem>>)
    %dma_wait3A_687 = arith.constant 28 : i32
    %dma_wait3A_688 = arith.constant 0 : i32
    %dma_wait3A_689 = tpu.memref_slice %arg5[%dma_wait3A_687, %dma_wait3A_688] : memref<32x48xi32, #tpu.memory_space<vmem>> -> memref<1x48xi32, #tpu.memory_space<vmem>>
    %dma_wait3A_690 = tpu.memref_squeeze %dma_wait3A_689 : memref<1x48xi32, #tpu.memory_space<vmem>> -> memref<48xi32, #tpu.memory_space<vmem>>
    %dma_wait3A_691 = arith.constant 0 : i32
    %dma_wait3A_692 = arith.constant 0 : i32
    %dma_wait3A_693 = tpu.memref_slice %arg2[%dma_wait3A_691, %dma_wait3A_692] : memref<49152x1024xf32, #tpu.memory_space<hbm>> -> memref<49152x1024xf32, #tpu.memory_space<hbm>>
    tpu.wait_indirect_dma semaphore(%arg8 : memref<!tpu.dma_semaphore, #tpu.memory_space<semaphore_mem>>) src(%dma_wait3A_693 : memref<49152x1024xf32, #tpu.memory_space<hbm>>) dst(%arg6 : memref<48x1024xf32, #tpu.memory_space<vmem>>)
    %add3A_694 = arith.constant 1344 : i32
    %add3A_695 = arith.addi %mul3A_2, %add3A_694 : i32
    %dma_start3A_696 = arith.constant 0 : i32
    %dma_start3A_697 = tpu.memref_slice %arg4[%add3A_695, %dma_start3A_696] : memref<49152x1024xf32, #tpu.memory_space<hbm>> -> memref<48x1024xf32, #tpu.memory_space<hbm>>
    %dma_start3A_698 = arith.constant 0 : i32
    %dma_start3A_699 = tpu.memref_slice %arg4[%add3A_695, %dma_start3A_698] : memref<49152x1024xf32, #tpu.memory_space<hbm>> -> memref<48x1024xf32, #tpu.memory_space<hbm>>
    tpu.enqueue_dma source(%arg6 : memref<48x1024xf32, #tpu.memory_space<vmem>>) target(%dma_start3A_699 : memref<48x1024xf32, #tpu.memory_space<hbm>>) target_semaphore(%arg10 : memref<!tpu.dma_semaphore, #tpu.memory_space<semaphore_mem>>)
    %dma_wait3A_700 = arith.constant 0 : i32
    %dma_wait3A_701 = tpu.memref_slice %arg4[%add3A_695, %dma_wait3A_700] : memref<49152x1024xf32, #tpu.memory_space<hbm>> -> memref<48x1024xf32, #tpu.memory_space<hbm>>
    %dma_wait3A_702 = arith.constant 0 : i32
    %dma_wait3A_703 = tpu.memref_slice %arg4[%add3A_695, %dma_wait3A_702] : memref<49152x1024xf32, #tpu.memory_space<hbm>> -> memref<48x1024xf32, #tpu.memory_space<hbm>>
    tpu.wait_dma2 semaphore(%arg10 : memref<!tpu.dma_semaphore, #tpu.memory_space<semaphore_mem>>) src(%arg6 : memref<48x1024xf32, #tpu.memory_space<vmem>>) dst(%dma_wait3A_703 : memref<48x1024xf32, #tpu.memory_space<hbm>>)
    %dma_start3A_704 = arith.constant 30 : i32
    %dma_start3A_705 = arith.constant 0 : i32
    %dma_start3A_706 = tpu.memref_slice %arg5[%dma_start3A_704, %dma_start3A_705] : memref<32x48xi32, #tpu.memory_space<vmem>> -> memref<1x48xi32, #tpu.memory_space<vmem>>
    %dma_start3A_707 = tpu.memref_squeeze %dma_start3A_706 : memref<1x48xi32, #tpu.memory_space<vmem>> -> memref<48xi32, #tpu.memory_space<vmem>>
    %dma_start3A_708 = arith.constant 0 : i32
    %dma_start3A_709 = arith.constant 0 : i32
    %dma_start3A_710 = tpu.memref_slice %arg2[%dma_start3A_708, %dma_start3A_709] : memref<49152x1024xf32, #tpu.memory_space<hbm>> -> memref<49152x1024xf32, #tpu.memory_space<hbm>>
    tpu.enqueue_indirect_dma source(%dma_start3A_710 : memref<49152x1024xf32, #tpu.memory_space<hbm>>) target(%arg6 : memref<48x1024xf32, #tpu.memory_space<vmem>>) offsets(%dma_start3A_707 : memref<48xi32, #tpu.memory_space<vmem>>) semaphore(%arg8 : memref<!tpu.dma_semaphore, #tpu.memory_space<semaphore_mem>>)
    %dma_wait3A_711 = arith.constant 29 : i32
    %dma_wait3A_712 = arith.constant 0 : i32
    %dma_wait3A_713 = tpu.memref_slice %arg5[%dma_wait3A_711, %dma_wait3A_712] : memref<32x48xi32, #tpu.memory_space<vmem>> -> memref<1x48xi32, #tpu.memory_space<vmem>>
    %dma_wait3A_714 = tpu.memref_squeeze %dma_wait3A_713 : memref<1x48xi32, #tpu.memory_space<vmem>> -> memref<48xi32, #tpu.memory_space<vmem>>
    %dma_wait3A_715 = arith.constant 0 : i32
    %dma_wait3A_716 = arith.constant 0 : i32
    %dma_wait3A_717 = tpu.memref_slice %arg2[%dma_wait3A_715, %dma_wait3A_716] : memref<49152x1024xf32, #tpu.memory_space<hbm>> -> memref<49152x1024xf32, #tpu.memory_space<hbm>>
    tpu.wait_indirect_dma semaphore(%arg9 : memref<!tpu.dma_semaphore, #tpu.memory_space<semaphore_mem>>) src(%dma_wait3A_717 : memref<49152x1024xf32, #tpu.memory_space<hbm>>) dst(%arg7 : memref<48x1024xf32, #tpu.memory_space<vmem>>)
    %add3A_718 = arith.constant 1392 : i32
    %add3A_719 = arith.addi %mul3A_2, %add3A_718 : i32
    %dma_start3A_720 = arith.constant 0 : i32
    %dma_start3A_721 = tpu.memref_slice %arg4[%add3A_719, %dma_start3A_720] : memref<49152x1024xf32, #tpu.memory_space<hbm>> -> memref<48x1024xf32, #tpu.memory_space<hbm>>
    %dma_start3A_722 = arith.constant 0 : i32
    %dma_start3A_723 = tpu.memref_slice %arg4[%add3A_719, %dma_start3A_722] : memref<49152x1024xf32, #tpu.memory_space<hbm>> -> memref<48x1024xf32, #tpu.memory_space<hbm>>
    tpu.enqueue_dma source(%arg7 : memref<48x1024xf32, #tpu.memory_space<vmem>>) target(%dma_start3A_723 : memref<48x1024xf32, #tpu.memory_space<hbm>>) target_semaphore(%arg11 : memref<!tpu.dma_semaphore, #tpu.memory_space<semaphore_mem>>)
    %dma_wait3A_724 = arith.constant 0 : i32
    %dma_wait3A_725 = tpu.memref_slice %arg4[%add3A_719, %dma_wait3A_724] : memref<49152x1024xf32, #tpu.memory_space<hbm>> -> memref<48x1024xf32, #tpu.memory_space<hbm>>
    %dma_wait3A_726 = arith.constant 0 : i32
    %dma_wait3A_727 = tpu.memref_slice %arg4[%add3A_719, %dma_wait3A_726] : memref<49152x1024xf32, #tpu.memory_space<hbm>> -> memref<48x1024xf32, #tpu.memory_space<hbm>>
    tpu.wait_dma2 semaphore(%arg11 : memref<!tpu.dma_semaphore, #tpu.memory_space<semaphore_mem>>) src(%arg7 : memref<48x1024xf32, #tpu.memory_space<vmem>>) dst(%dma_wait3A_727 : memref<48x1024xf32, #tpu.memory_space<hbm>>)
    %dma_start3A_728 = arith.constant 31 : i32
    %dma_start3A_729 = arith.constant 0 : i32
    %dma_start3A_730 = tpu.memref_slice %arg5[%dma_start3A_728, %dma_start3A_729] : memref<32x48xi32, #tpu.memory_space<vmem>> -> memref<1x48xi32, #tpu.memory_space<vmem>>
    %dma_start3A_731 = tpu.memref_squeeze %dma_start3A_730 : memref<1x48xi32, #tpu.memory_space<vmem>> -> memref<48xi32, #tpu.memory_space<vmem>>
    %dma_start3A_732 = arith.constant 0 : i32
    %dma_start3A_733 = arith.constant 0 : i32
    %dma_start3A_734 = tpu.memref_slice %arg2[%dma_start3A_732, %dma_start3A_733] : memref<49152x1024xf32, #tpu.memory_space<hbm>> -> memref<49152x1024xf32, #tpu.memory_space<hbm>>
    tpu.enqueue_indirect_dma source(%dma_start3A_734 : memref<49152x1024xf32, #tpu.memory_space<hbm>>) target(%arg7 : memref<48x1024xf32, #tpu.memory_space<vmem>>) offsets(%dma_start3A_731 : memref<48xi32, #tpu.memory_space<vmem>>) semaphore(%arg9 : memref<!tpu.dma_semaphore, #tpu.memory_space<semaphore_mem>>)
    %dma_wait3A_735 = arith.constant 30 : i32
    %dma_wait3A_736 = arith.constant 0 : i32
    %dma_wait3A_737 = tpu.memref_slice %arg5[%dma_wait3A_735, %dma_wait3A_736] : memref<32x48xi32, #tpu.memory_space<vmem>> -> memref<1x48xi32, #tpu.memory_space<vmem>>
    %dma_wait3A_738 = tpu.memref_squeeze %dma_wait3A_737 : memref<1x48xi32, #tpu.memory_space<vmem>> -> memref<48xi32, #tpu.memory_space<vmem>>
    %dma_wait3A_739 = arith.constant 0 : i32
    %dma_wait3A_740 = arith.constant 0 : i32
    %dma_wait3A_741 = tpu.memref_slice %arg2[%dma_wait3A_739, %dma_wait3A_740] : memref<49152x1024xf32, #tpu.memory_space<hbm>> -> memref<49152x1024xf32, #tpu.memory_space<hbm>>
    tpu.wait_indirect_dma semaphore(%arg8 : memref<!tpu.dma_semaphore, #tpu.memory_space<semaphore_mem>>) src(%dma_wait3A_741 : memref<49152x1024xf32, #tpu.memory_space<hbm>>) dst(%arg6 : memref<48x1024xf32, #tpu.memory_space<vmem>>)
    %add3A_742 = arith.constant 1440 : i32
    %add3A_743 = arith.addi %mul3A_2, %add3A_742 : i32
    %dma_start3A_744 = arith.constant 0 : i32
    %dma_start3A_745 = tpu.memref_slice %arg4[%add3A_743, %dma_start3A_744] : memref<49152x1024xf32, #tpu.memory_space<hbm>> -> memref<48x1024xf32, #tpu.memory_space<hbm>>
    %dma_start3A_746 = arith.constant 0 : i32
    %dma_start3A_747 = tpu.memref_slice %arg4[%add3A_743, %dma_start3A_746] : memref<49152x1024xf32, #tpu.memory_space<hbm>> -> memref<48x1024xf32, #tpu.memory_space<hbm>>
    tpu.enqueue_dma source(%arg6 : memref<48x1024xf32, #tpu.memory_space<vmem>>) target(%dma_start3A_747 : memref<48x1024xf32, #tpu.memory_space<hbm>>) target_semaphore(%arg10 : memref<!tpu.dma_semaphore, #tpu.memory_space<semaphore_mem>>)
    %dma_wait3A_748 = arith.constant 31 : i32
    %dma_wait3A_749 = arith.constant 0 : i32
    %dma_wait3A_750 = tpu.memref_slice %arg5[%dma_wait3A_748, %dma_wait3A_749] : memref<32x48xi32, #tpu.memory_space<vmem>> -> memref<1x48xi32, #tpu.memory_space<vmem>>
    %dma_wait3A_751 = tpu.memref_squeeze %dma_wait3A_750 : memref<1x48xi32, #tpu.memory_space<vmem>> -> memref<48xi32, #tpu.memory_space<vmem>>
    %dma_wait3A_752 = arith.constant 0 : i32
    %dma_wait3A_753 = arith.constant 0 : i32
    %dma_wait3A_754 = tpu.memref_slice %arg2[%dma_wait3A_752, %dma_wait3A_753] : memref<49152x1024xf32, #tpu.memory_space<hbm>> -> memref<49152x1024xf32, #tpu.memory_space<hbm>>
    tpu.wait_indirect_dma semaphore(%arg9 : memref<!tpu.dma_semaphore, #tpu.memory_space<semaphore_mem>>) src(%dma_wait3A_754 : memref<49152x1024xf32, #tpu.memory_space<hbm>>) dst(%arg7 : memref<48x1024xf32, #tpu.memory_space<vmem>>)
    %add3A_755 = arith.constant 1488 : i32
    %add3A_756 = arith.addi %mul3A_2, %add3A_755 : i32
    %dma_start3A_757 = arith.constant 0 : i32
    %dma_start3A_758 = tpu.memref_slice %arg4[%add3A_756, %dma_start3A_757] : memref<49152x1024xf32, #tpu.memory_space<hbm>> -> memref<48x1024xf32, #tpu.memory_space<hbm>>
    %dma_start3A_759 = arith.constant 0 : i32
    %dma_start3A_760 = tpu.memref_slice %arg4[%add3A_756, %dma_start3A_759] : memref<49152x1024xf32, #tpu.memory_space<hbm>> -> memref<48x1024xf32, #tpu.memory_space<hbm>>
    tpu.enqueue_dma source(%arg7 : memref<48x1024xf32, #tpu.memory_space<vmem>>) target(%dma_start3A_760 : memref<48x1024xf32, #tpu.memory_space<hbm>>) target_semaphore(%arg11 : memref<!tpu.dma_semaphore, #tpu.memory_space<semaphore_mem>>)
    %dma_wait3A_761 = arith.constant 0 : i32
    %dma_wait3A_762 = tpu.memref_slice %arg4[%add3A_743, %dma_wait3A_761] : memref<49152x1024xf32, #tpu.memory_space<hbm>> -> memref<48x1024xf32, #tpu.memory_space<hbm>>
    %dma_wait3A_763 = arith.constant 0 : i32
    %dma_wait3A_764 = tpu.memref_slice %arg4[%add3A_743, %dma_wait3A_763] : memref<49152x1024xf32, #tpu.memory_space<hbm>> -> memref<48x1024xf32, #tpu.memory_space<hbm>>
    tpu.wait_dma2 semaphore(%arg10 : memref<!tpu.dma_semaphore, #tpu.memory_space<semaphore_mem>>) src(%arg6 : memref<48x1024xf32, #tpu.memory_space<vmem>>) dst(%dma_wait3A_764 : memref<48x1024xf32, #tpu.memory_space<hbm>>)
    %dma_wait3A_765 = arith.constant 0 : i32
    %dma_wait3A_766 = tpu.memref_slice %arg4[%add3A_756, %dma_wait3A_765] : memref<49152x1024xf32, #tpu.memory_space<hbm>> -> memref<48x1024xf32, #tpu.memory_space<hbm>>
    %dma_wait3A_767 = arith.constant 0 : i32
    %dma_wait3A_768 = tpu.memref_slice %arg4[%add3A_756, %dma_wait3A_767] : memref<49152x1024xf32, #tpu.memory_space<hbm>> -> memref<48x1024xf32, #tpu.memory_space<hbm>>
    tpu.wait_dma2 semaphore(%arg11 : memref<!tpu.dma_semaphore, #tpu.memory_space<semaphore_mem>>) src(%arg7 : memref<48x1024xf32, #tpu.memory_space<vmem>>) dst(%dma_wait3A_768 : memref<48x1024xf32, #tpu.memory_space<hbm>>)
    return
  }
}

</mosaic_0001>

<sc_bundles>
// kernel: kernel.3.cloned.1.call-start
scs
__scs_entry_jumppad:
0x0: {  	(pc) =	sbr.rel $0x88, $3  }
0x1: {  	(tag) =	ssettag $0x0;
	lr =	simm.s32 $0x1  }
0x2: {  	[smem:$0x3F9D] =	sst lr;
	_ =	strace $0xD0000000  }
0x3: {  	_ = 	snop  }
0x4: {  	_ = 	snop  }
0x5: {  	_ = 	snop  }
0x6: {  	_ = 	snop  }
0x7: {  	_ = 	snop  }
__scs_overlays_trampoline_lowered:
0x8: {  	[smem:$0x3FAC] =	sst s0  }
0x9: {  	[smem:$0x3FAD] =	sst s1  }
0xa: {  	[smem:$0x3FAE] =	sst s2  }
0xb: {  	[smem:$0x3FAF] =	sst s3  }
0xc: {  	[smem:$0x3FB0] =	sst s4  }
0xd: {  	[smem:$0x3FB1] =	sst s5  }
0xe: {  	[smem:$0x3FB2] =	sst s6  }
0xf: {  	[smem:$0x3FB3] =	sst s7  }
0x10: {  	[smem:$0x3FB4] =	sst s8  }
0x11: {  	[smem:$0x3FB5] =	sst s9;
	s0 =	simm.s32 @!p0 $0x0  }
0x12: {  	s1 =	sld [smem:$0x3F9B];
	s0 =	simm.s32 @p0 $0x1  }
0x13: {  	[smem:$0x3FB6] =	sst s0;
	s0 =	simm.s32 @!p1 $0x0  }
0x14: {  	s2 =	sld [smem:$0x3F9A];
	s0 =	simm.s32 @p1 $0x1  }
0x15: {  	[smem:$0x3FB7] =	sst s0;
	s0 =	simm.s32 @!p2 $0x0  }
0x16: {  	s3 =	sld [smem:$0x3FDB];
	s0 =	simm.s32 @p2 $0x1  }
0x17: {  	s4 =	simm.s32 $0x1BF5;
	[smem:$0x3FB9] =	sst s0  }
0x18: {  	s0 =	sld [smem:$0x3F9C];
	_ =	swait.ge [sflag:s4], $0x0  }
0x19: {  	s7 =	sld [smem:$0x3F9D]  }
0x1a: {  	s8 =	sadd.s32 $0xFFFFE003, lr  }
0x1b: {  	s9 =	sadd.s32 $0xFFFFFEF7, lr;
	s5 =	simm.s32 $0xFFFFFFFF;
	p2 =	slt.u32 s8, $0xFFFFF086  }
0x1c: {  	p1 =	slt.u32 s9, $0xF7A;
	s5 =	simm.s32 @!p2 $0x0  }
0x1d: {  	s5 =	simm.s32 @p1 $0x1;
	p0 =	seq.s32 s7, s2  }
0x1e: {  	s7 =	smul.u32 @!p0 $0xF7A, s2;
	p2 =	seq.s32 @!p0 s5, $0x0  }
0x1f: {  	s9 =	smul.u32 $0xF7A, s1;
	s8 =	simm.s32 @!p0 $0x1BF5;
	p2 =	por !p2, p0  }
0x20: {  	[sflag:s8] =	ssyncset.s32 @!p0 $0xFFFFF086;
	s6 =	sadd.s32 @!p0 s3, s7;
	s7 =	simm.s32 @!p0 $0x108  }
0x21: {  	s3 =	sadd.s32 s3, s9;
	s6 =	sadd.s32 @!p0 $0x88, s6;
	s7 =	simm.s32 @p2 $0x1082  }
0x22: {  	[simem:s7], [sflag:s8] =	dma.local @!p0 [hbm:s6], $0xF7A  }
0x23: {  	s9 =	sor.u32 $0xD0000000, s2;
	s6 =	simm.s32 $0x108;
	_ =	swait.ge @!p0 [sflag:s8], $0x0  }
0x24: {  	s3 =	sadd.s32 $0x88, s3;
	s6 =	simm.s32 @!p1 $0x1082;
	[sflag:s4] =	ssyncset.s32 $0xFFFFF086  }
0x25: {  	[simem:s6], [sflag:s4] =	dma.local [hbm:s3], $0xF7A  }
0x26: {  	[smem:$0x3F9D] =	sst s1;
	(tag) =	ssettag s2;
	_ =	strace s9  }
0x27: {  	s1 =	sld [smem:$0x3FAD]  }
0x28: {  	s2 =	sld [smem:$0x3FAE]  }
0x29: {  	s4 =	sld [smem:$0x3FB0]  }
0x2a: {  	p0 =	seq.s32 s5, $0x0;
	s5 =	sld [smem:$0x3FB1]  }
0x2b: {  	s6 =	sld [smem:$0x3FB2]  }
0x2c: {  	s7 =	sld [smem:$0x3FB3]  }
0x2d: {  	s3 =	simm.s32 $0x108;
	s8 =	sld [smem:$0x3FB4]  }
0x2e: {  	s3 =	simm.s32 @!p0 $0x1082;
	s9 =	sld [smem:$0x3FB5]  }
0x2f: {  	lr =	sadd.s32 s0, s3;
	s0 =	sld [smem:$0x3FAC]  }
0x30: {  	s3 =	sld [smem:$0x3FAF]  }
0x31: {  	[smem:$0x3FB8] =	sst s10  }
0x32: {  	s10 =	sld [smem:$0x3FB6];
	_ =	sdelay $0x3  }
0x33: {  	p0 =	seq.s32 s10, $0x1;
	s10 =	sld [smem:$0x3FB8];
	_ =	sdelay $0x3  }
0x34: {  	[smem:$0x3FB8] =	sst s10  }
0x35: {  	s10 =	sld [smem:$0x3FB7];
	_ =	sdelay $0x3  }
0x36: {  	p1 =	seq.s32 s10, $0x1;
	s10 =	sld [smem:$0x3FB8];
	_ =	sdelay $0x3  }
0x37: {  	[smem:$0x3FB8] =	sst s10  }
0x38: {  	s10 =	sld [smem:$0x3FB9]  }
0x39: {  	_ = 	snop;
	(pc) =	sbr.ind lr, $3  }
0x3a: {  	_ = 	snop  }
0x3b: {  	_ = 	snop  }
0x3c: {  	p2 =	seq.s32 s10, $0x1;
	s10 =	sld [smem:$0x3FB8]  }
0x3d: {  	_ =	shalt  }
0x3e: {  	_ =	shalt  }
0x3f: {  	_ =	shalt  }
0x40: {  	_ =	shalt  }
0x41: {  	_ =	shalt  }
0x42: {  	_ =	shalt  }
0x43: {  	_ =	shalt  }
0x44: {  	_ =	shalt  }
0x45: {  	_ =	shalt  }
0x46: {  	_ =	shalt  }
0x47: {  	_ =	shalt  }
0x48: {  	_ =	shalt  }
0x49: {  	_ =	shalt  }
0x4a: {  	_ =	shalt  }
0x4b: {  	_ =	shalt  }
0x4c: {  	_ =	shalt  }
0x4d: {  	_ =	shalt  }
0x4e: {  	_ =	shalt  }
0x4f: {  	_ =	shalt  }
0x50: {  	_ =	shalt  }
0x51: {  	_ =	shalt  }
0x52: {  	_ =	shalt  }
0x53: {  	_ =	shalt  }
0x54: {  	_ =	shalt  }
0x55: {  	_ =	shalt  }
0x56: {  	_ =	shalt  }
0x57: {  	_ =	shalt  }
0x58: {  	_ =	shalt  }
0x59: {  	_ =	shalt  }
0x5a: {  	_ =	shalt  }
0x5b: {  	_ =	shalt  }
0x5c: {  	_ =	shalt  }
0x5d: {  	_ =	shalt  }
0x5e: {  	_ =	shalt  }
0x5f: {  	_ =	shalt  }
0x60: {  	_ =	shalt  }
0x61: {  	_ =	shalt  }
0x62: {  	_ =	shalt  }
0x63: {  	_ =	shalt  }
0x64: {  	_ =	shalt  }
0x65: {  	_ =	shalt  }
0x66: {  	_ =	shalt  }
0x67: {  	_ =	shalt  }
0x68: {  	_ =	shalt  }
0x69: {  	_ =	shalt  }
0x6a: {  	_ =	shalt  }
0x6b: {  	_ =	shalt  }
0x6c: {  	_ =	shalt  }
0x6d: {  	_ =	shalt  }
0x6e: {  	_ =	shalt  }
0x6f: {  	_ =	shalt  }
0x70: {  	_ =	shalt  }
0x71: {  	_ =	shalt  }
0x72: {  	_ =	shalt  }
0x73: {  	_ =	shalt  }
0x74: {  	_ =	shalt  }
0x75: {  	_ =	shalt  }
0x76: {  	_ =	shalt  }
0x77: {  	_ =	shalt  }
0x78: {  	_ =	shalt  }
0x79: {  	_ =	shalt  }
0x7a: {  	_ =	shalt  }
0x7b: {  	_ =	shalt  }
0x7c: {  	_ =	shalt  }
0x7d: {  	_ =	shalt  }
0x7e: {  	_ =	shalt  }
0x7f: {  	_ =	shalt  }
0x80: {  	_ =	shalt  }
0x81: {  	_ =	shalt  }
0x82: {  	_ =	shalt  }
0x83: {  	_ =	shalt  }
0x84: {  	_ =	shalt  }
0x85: {  	_ =	shalt  }
0x86: {  	_ =	shalt  }
0x87: {  	_ =	shalt  }
.Lfunc_end0:
.L_simem_size_0:
called_computation.3_lowered:
.L_overlay_start_0:
0x88: {  	s2 =	sld [smem:$0x3FD9]  }
0x89: {  	s3 =	sld [smem:$0x3FFE];
	_ =	sdelay $0x1  }
0x8a: {  	s1 =	srdreg.scid  }
0x8b: {  	s0 =	sand.u32 $0x1, s1  }
0x8c: {  	s14 =	sshll.u32 s0, $0xA;
	s2 =	sadd.s32 s3, s2  }
0x8d: {  	s2 =	sadd.s32 s2, s14  }
0x8e: {  	[smem:$0x3FC4] =	sst s2  }
0x8f: {  	_ = 	snop  }
0x90: {  	s2 =	sld [smem:$0x3FD0];
	_ =	sdelay $0x2  }
0x91: {  	s15 =	simm.s32 $0xA;
	s4 =	simm.s32 $0x10  }
0x92: {  	[smem:s4], [sflag:s15] =	dma.local [hbm:s2], $0x1  }
0x93: {  	_ =	swait.eq [sflag:s15], $0x1  }
0x94: {  	[sflag:s15] =	ssyncset.done $0x0  }
0x95: {  	[sflag:s15] =	ssyncadd.s32 $0xFFFFFFFF  }
0x96: {  	s16 =	sld [smem:$0x10];
	(tm) =	ssettm $0x1  }
0x97: {  	s17 =	sld [smem:$0x3FFB];
	_ =	sdelay $0x3  }
0x98: {  	_ =	strace s17  }
0x99: {  	s3 =	sld [smem:$0x3FFC];
	_ =	sdelay $0x3  }
0x9a: {  	_ =	strace s3  }
0x9b: {  	s3 =	sld [smem:$0x3FFD];
	_ =	sdelay $0x3  }
0x9c: {  	_ =	strace s3  }
0x9d: {  	_ =	strace $0x8FFFFFFF  }
0x9e: {  	s18 =	sld [smem:$0x3FDB];
	_ =	sdelay $0x1  }
0x9f: {  	s19 =	simm.s32 $_scs_section_size  }
0xa0: {  	s5 =	simm.s32 $_size__tile_overlayer_lowered;
	s6 =	simm.s32 $_tile_overlayer_lowered  }
0xa1: {  	s22 =	simm.s32 $0x1BFF;
	s21 =	sshll.u32 s6, $0x1;
	s3 =	sadd.s32 s19, s18  }
0xa2: {  	s7 =	simm.s32 $0x0;
	s20 =	sshll.u32 s5, $0x1;
	s5 =	sadd.s32 s21, s3  }
0xa3: {  	[timem:s7], [sflag:s22] =	dma.local [hbm:s5], s20  }
0xa4: {  	_ =	swait.ge [sflag:s22], s20  }
0xa5: {  	s4 =	ssub.s32 $0x0, s20;
	[sflag:s22] =	ssyncset.done $0x0  }
0xa6: {  	[sflag:s22] =	ssyncadd.s32 s4;
	_ =	sdelay $0x1  }
0xa7: {  	s23 =	simm.s32 $0x1B8B  }
0xa8: {  	_ =	swait.ge [sflag:s23], $0x1  }
0xa9: {  	[sflag:s23] =	ssyncset.done $0x0  }
0xaa: {  	s25 =	simm.s32 $0x1B8E;
	s24 =	sld [smem:$0x3FFE];
	[sflag:s23] =	ssyncadd.s32 $0xFFFFFFFF  }
0xab: {  	s26 =	simm.s32 $execute0_lowered;
	[smem:$0x3FD2] =	sst s25  }
0xac: {  	s5 =	sshll.u32 s26, $0x1;
	_ =	strace $0x80000049;
	[dreg:$0x1] =	wrdreg $0xFFFFFFFF  }
0xad: {  	s28 =	simm.s32 $_size_execute0_lowered;
	s3 =	sadd.s32 s3, s5;
	[dreg:$0x0] =	wrdreg $0x0  }
0xae: {  	s5 =	sshll.u32 s28, $0x1;
	[dreg:$0x2] =	wrdreg s3  }
0xaf: {  	[dreg:$0x3] =	wrdreg s5  }
0xb0: {  	[dreg:$0x4] =	wrdreg $0xC0  }
0xb1: {  	_ =	task [dreg:s7], $0x5FFFF  }
0xb2: {  	[dreg:$0x1] =	wrdreg $0xFFFFFFFF  }
0xb3: {  	[dreg:$0x0] =	wrdreg $0x60  }
0xb4: {  	[dreg:$0x2] =	wrdreg s16  }
0xb5: {  	[dreg:$0x3] =	wrdreg s24  }
0xb6: {  	[dreg:$0x4] =	wrdreg $0x9  }
0xb7: {  	_ =	task.clear_ibuf [dreg:s7], $0x5FFFF;
	_ =	strace $0x90000049  }
0xb8: {  	s29 =	simm.s32 $0x9;
	_ =	strace $0x8000004B  }
0xb9: {  	_ =	swait.ge [sflag:s29], $0x1  }
0xba: {  	[sflag:s29] =	ssyncadd.s32 $0xFFFFFFFF  }
0xbb: {  	_ =	strace $0x9000004B  }
0xbc: {  	_ =	sfence  }
0xbd: {  	s30 =	sld [smem:$0x0];
	_ =	sdelay $0x2  }
0xbe: {  	s31 =	sshll.u32 s1, $0xD;
	s1 =	sshrl.u32 s1, $0x2  }
0xbf: {  	s3 =	sand.u32 $0x4000, s31;
	s1 =	sadd.s32 s1, s30  }
0xc0: {  	s0 =	sor.u32 s3, s0;
	s1 =	sshll.u32 s1, $0x11  }
0xc1: {  	s0 =	sor.u32 s1, s0  }
0xc2: {  	s0 =	sadd.s32 $0x8F2B, s0  }
0xc3: {  	[sflag:s0] =	ssyncadd.remote.s32 $0x1  }
0xc4: {  	_ =	sfence.sel $0xFFFF  }
0xc5: {  	[dreg:$0x0] =	wrdreg $0xFFFFFFFF;
	(pc) =	sbr.abs _section_cstart, $3  }
0xc6: {  	[dreg:$0x1] =	wrdreg $0xFFFFFFFF  }
0xc7: {  	_ =	task.clear_ibuf [dreg:s7], $0x2FFFF;
	_ =	strace $0x9FFFFFFF  }
0xc8: {  	(tm) =	ssettm $0x7FFFFFFF  }
0xc9: {  	_ =	shalt  }
tec
execute0_lowered:
.L_overlay_start_1:
0x0: {  	(tag) =	ssettag $0x1  }
0x1: {  	s0 =	srdreg.scid;
	s3 =	stileid.u32  }
0x2: {  	s0 =	sand.u32 $0x1, s0;
	s3 =	sshll.u32 s3, $0x1  }
0x3: {  	s2 =	rddreg [dreg:$0x0];
	s4 =	sor.u32 s0, s3  }
0x4: {  	s1 =	rddreg [dreg:$0x1];
	s5 =	sshll.u32 s4, $0x9  }
0x5: {  	s3 =	simm.s32 $0x0;
	s6 =	smul.u32 $0x30000, s4;
	s5 =	sadd.s32 s5, s1  }
0x6: {  	[smem:$0x7FF] =	sst s3;
	s1 =	sadd.s32 $0x1600, s1;
	s5 =	sadd.s32 $0x601600, s5  }
0x7: {  	_ =	strace $0x8000004A;
	s6 =	sadd.s32 s1, s6;
	[dreg:$0x3] =	wrdreg s5  }
0x8: {  	s25 =	sadd.s32 $0x1800, s6;
	[smem:$0x7FA] =	sst s6  }
0x9: {  	s26 =	sadd.s32 $0x3000, s6;
	[dreg:$0x4] =	wrdreg s25  }
0xa: {  	s28 =	sadd.s32 $0x4800, s6;
	[dreg:$0x5] =	wrdreg s26  }
0xb: {  	s29 =	sadd.s32 $0x6000, s6;
	[dreg:$0x6] =	wrdreg s28  }
0xc: {  	s30 =	sadd.s32 $0x7800, s6;
	[dreg:$0x7] =	wrdreg s29  }
0xd: {  	s31 =	sadd.s32 $0x9000, s6;
	[dreg:$0x8] =	wrdreg s30  }
0xe: {  	s4 =	smul.u32 $0x180000, s4;
	s7 =	sadd.s32 $0xA800, s6;
	[dreg:$0x9] =	wrdreg s31  }
0xf: {  	s8 =	sadd.s32 $0xC000, s6;
	[dreg:$0xa] =	wrdreg s7  }
0x10: {  	s4 =	sshrl.u32 s4, $0x3;
	s9 =	sadd.s32 $0xD800, s6;
	[dreg:$0xb] =	wrdreg s8  }
0x11: {  	s10 =	sadd.s32 $0xF000, s6;
	s1 =	sadd.s32 s1, s4;
	[dreg:$0xc] =	wrdreg s9  }
0x12: {  	[dreg:$0xd] =	wrdreg s10;
	s4 =	sadd.s32 $0x10800, s1  }
0x13: {  	s11 =	sadd.s32 $0x12000, s1;
	[dreg:$0xe] =	wrdreg s4  }
0x14: {  	s12 =	sadd.s32 $0x13800, s1;
	[dreg:$0xf] =	wrdreg s11  }
0x15: {  	s13 =	sadd.s32 $0x15000, s1;
	[dreg:$0x10] =	wrdreg s12  }
0x16: {  	s14 =	sadd.s32 $0x16800, s1;
	[dreg:$0x11] =	wrdreg s13  }
0x17: {  	s15 =	sadd.s32 $0x18000, s1;
	[dreg:$0x12] =	wrdreg s14  }
0x18: {  	s16 =	sadd.s32 $0x19800, s1;
	[dreg:$0x13] =	wrdreg s15  }
0x19: {  	s17 =	sadd.s32 $0x1B000, s1;
	[dreg:$0x14] =	wrdreg s16  }
0x1a: {  	s18 =	sadd.s32 $0x1C800, s1;
	[dreg:$0x15] =	wrdreg s17  }
0x1b: {  	s19 =	sadd.s32 $0x1E000, s1;
	[dreg:$0x16] =	wrdreg s18  }
0x1c: {  	s20 =	sadd.s32 $0x1F800, s1;
	[dreg:$0x17] =	wrdreg s19  }
0x1d: {  	s21 =	sadd.s32 $0x21000, s1;
	[dreg:$0x18] =	wrdreg s20  }
0x1e: {  	s22 =	sadd.s32 $0x22800, s1;
	[dreg:$0x19] =	wrdreg s21  }
0x1f: {  	s0 =	ssub.s32 $0x2, s0;
	s23 =	sadd.s32 $0x24000, s1;
	[dreg:$0x1a] =	wrdreg s22  }
0x20: {  	s5 =	sadd.s32 $0x100, s2;
	s24 =	sadd.s32 $0x25800, s1;
	[dreg:$0x1b] =	wrdreg s23  }
0x21: {  	s6 =	sadd.s32 $0x200, s2;
	s25 =	sadd.s32 $0x27000, s1;
	[dreg:$0x1c] =	wrdreg s24  }
0x22: {  	s26 =	sadd.s32 $0x28800, s1;
	s28 =	sadd.s32 $0x2A000, s1;
	[dreg:$0x1d] =	wrdreg s25  }
0x23: {  	s29 =	sshrl.u32 s0, $0x1;
	s30 =	sadd.s32 $0x2B800, s1;
	[dreg:$0x1e] =	wrdreg s26  }
0x24: {  	s31 =	sadd.s32 $0x2D000, s1;
	s1 =	sadd.s32 $0x2E800, s1;
	[dreg:$0x1f] =	wrdreg s28  }
0x25: {  	s7 =	sadd.s32 $0x300, s2;
	s9 =	simm.s32 $0xD000;
	[smem:$0x7FB] =	sst s30  }
0x26: {  	v2 =	vlaneseq.u32;
	s8 =	simm.s32 $0x3;
	s0 =	ssub.s32 s0, s29;
	[smem:$0x7FC] =	sst s31  }
0x27: {  	vm0 =	vmmov $0xffff;
	v1 =	vshrl.u32 v2, $0x3;
	[smem:$0x7FD] =	sst s1;
	s18 =	simm.s32 $0x1000;
	s4 =	simm.s32 $0x1  }
0x28: {  	v0 =	vand.u32 $0x7, v2;
	v2 =	vor.u32 $0x8, v2;
	v1 =	vmul.u32 $0x8, v1;
	s11 =	simm.s32 $0x2;
	s12 =	simm.s32 $0x4;
	s13 =	smax.u32 s0, $0x1  }
.LBB2_1:
0x29: {  	[smem:$0x7F9] =	sst s13  }
0x2a: {  	s20 =	rddreg [dreg:$0x3];
	s21 =	simm.s32 $0x5  }
0x2b: {  	[tilespmem:s3], [sflag:$0x5] =	stream.linear.gather [hbm4b:s20+s3], $0x1000, $0x38;
	[tilespmem:$0x19000] =	vst v63  }
0x2c: {  	_ =	swait.ge [sflag:s21], $0x1000  }
0x2d: {  	[sflag:s21] =	ssyncset.done $0x0  }
0x2e: {  	[sflag:s21] =	ssyncadd.s32 $0xFFFFF000  }
0x2f: {  	v3 =	vld [tilespmem:$0x0];
	_ =	sdelay $0x4  }
0x30: {  	v4 =	vshll.u32 v3, $0x3  }
0x31: {  	v3 =	vand.u32 $0x7, v3;
	v4 =	vand.u32 $0xFFFFFFC0, v4  }
0x32: {  	v3 =	vor.u32 v3, v4  }
0x33: {  	v4 =	vperm.xlane v3, v0;
	_ =	sdelay $0x1  }
0x34: {  	v4 =	vadd.s32 v1, v4;
	_ =	sdelay $0x4  }
0x35: {  	[tilespmem:s18], [sflag:$0x1] =	stream.indirect_vreg.gather [hbm4b:s2+s3], $0x80, v4, vm0, $0xb8;
	[tilespmem:$0x19000] =	vst v63  }
0x36: {  	s0 =	simm.s32 $0x1800;
	v3 =	vperm.xlane v3, v2  }
0x37: {  	[tilespmem:s0], [sflag:$0x1] =	stream.indirect_vreg.gather [hbm4b:s5+s3], $0x80, v4, vm0, $0xb8;
	[tilespmem:$0x19000] =	vst v63  }
0x38: {  	s22 =	simm.s32 $0x2000;
	v3 =	vadd.s32 v1, v3  }
0x39: {  	[tilespmem:s22], [sflag:$0x1] =	stream.indirect_vreg.gather [hbm4b:s6+s3], $0x80, v4, vm0, $0xb8;
	[tilespmem:$0x19000] =	vst v63  }
0x3a: {  	s23 =	simm.s32 $0x2800  }
0x3b: {  	[tilespmem:s23], [sflag:$0x1] =	stream.indirect_vreg.gather [hbm4b:s7+s3], $0x80, v4, vm0, $0xb8;
	[tilespmem:$0x19000] =	vst v63  }
0x3c: {  	s24 =	simm.s32 $0x3000  }
0x3d: {  	[tilespmem:s24], [sflag:$0x1] =	stream.indirect_vreg.gather [hbm4b:s2+s3], $0x80, v3, vm0, $0xb8;
	[tilespmem:$0x19000] =	vst v63  }
0x3e: {  	s25 =	simm.s32 $0x3800  }
0x3f: {  	[tilespmem:s25], [sflag:$0x1] =	stream.indirect_vreg.gather [hbm4b:s5+s3], $0x80, v3, vm0, $0xb8;
	[tilespmem:$0x19000] =	vst v63  }
0x40: {  	s26 =	simm.s32 $0x4000  }
0x41: {  	[tilespmem:s26], [sflag:$0x1] =	stream.indirect_vreg.gather [hbm4b:s6+s3], $0x80, v3, vm0, $0xb8;
	[tilespmem:$0x19000] =	vst v63  }
0x42: {  	s28 =	simm.s32 $0x4800  }
0x43: {  	[tilespmem:s28], [sflag:$0x1] =	stream.indirect_vreg.gather [hbm4b:s7+s3], $0x80, v3, vm0, $0xb8;
	[tilespmem:$0x19000] =	vst v63  }
0x44: {  	v3 =	vld [tilespmem:$0x10];
	_ =	sdelay $0x4  }
0x45: {  	v25 =	vshll.u32 v3, $0x3  }
0x46: {  	v3 =	vand.u32 $0x7, v3;
	v4 =	vand.u32 $0xFFFFFFC0, v25  }
0x47: {  	v3 =	vor.u32 v3, v4  }
0x48: {  	v4 =	vperm.xlane v3, v0;
	_ =	sdelay $0x1  }
0x49: {  	v4 =	vadd.s32 v1, v4;
	_ =	sdelay $0x3  }
0x4a: {  	s29 =	simm.s32 $0x5000  }
0x4b: {  	[tilespmem:s29], [sflag:$0x1] =	stream.indirect_vreg.gather [hbm4b:s2+s3], $0x80, v4, vm0, $0xb8;
	[tilespmem:$0x19000] =	vst v63  }
0x4c: {  	s30 =	simm.s32 $0x5800;
	v3 =	vperm.xlane v3, v2  }
0x4d: {  	[tilespmem:s30], [sflag:$0x1] =	stream.indirect_vreg.gather [hbm4b:s5+s3], $0x80, v4, vm0, $0xb8;
	[tilespmem:$0x19000] =	vst v63  }
0x4e: {  	s31 =	simm.s32 $0x6000;
	v3 =	vadd.s32 v1, v3  }
0x4f: {  	[tilespmem:s31], [sflag:$0x1] =	stream.indirect_vreg.gather [hbm4b:s6+s3], $0x80, v4, vm0, $0xb8;
	[tilespmem:$0x19000] =	vst v63  }
0x50: {  	s10 =	simm.s32 $0x6800  }
0x51: {  	[tilespmem:s10], [sflag:$0x1] =	stream.indirect_vreg.gather [hbm4b:s7+s3], $0x80, v4, vm0, $0xb8;
	[tilespmem:$0x19000] =	vst v63  }
0x52: {  	s13 =	simm.s32 $0x7000  }
0x53: {  	[tilespmem:s13], [sflag:$0x1] =	stream.indirect_vreg.gather [hbm4b:s2+s3], $0x80, v3, vm0, $0xb8;
	[tilespmem:$0x19000] =	vst v63  }
0x54: {  	s17 =	simm.s32 $0x7800  }
0x55: {  	[tilespmem:s17], [sflag:$0x1] =	stream.indirect_vreg.gather [hbm4b:s5+s3], $0x80, v3, vm0, $0xb8;
	[tilespmem:$0x19000] =	vst v63  }
0x56: {  	s19 =	simm.s32 $0x8000  }
0x57: {  	[tilespmem:s19], [sflag:$0x1] =	stream.indirect_vreg.gather [hbm4b:s6+s3], $0x80, v3, vm0, $0xb8;
	[tilespmem:$0x19000] =	vst v63  }
0x58: {  	s20 =	simm.s32 $0x8800  }
0x59: {  	[tilespmem:s20], [sflag:$0x1] =	stream.indirect_vreg.gather [hbm4b:s7+s3], $0x80, v3, vm0, $0xb8;
	[tilespmem:$0x19000] =	vst v63  }
0x5a: {  	v3 =	vld [tilespmem:$0x20];
	_ =	sdelay $0x4  }
0x5b: {  	v26 =	vshll.u32 v3, $0x3  }
0x5c: {  	v3 =	vand.u32 $0x7, v3;
	v4 =	vand.u32 $0xFFFFFFC0, v26  }
0x5d: {  	v3 =	vor.u32 v3, v4  }
0x5e: {  	v4 =	vperm.xlane v3, v0;
	_ =	sdelay $0x1  }
0x5f: {  	v4 =	vadd.s32 v1, v4;
	_ =	sdelay $0x3  }
0x60: {  	s21 =	simm.s32 $0x9000  }
0x61: {  	[tilespmem:s21], [sflag:$0x1] =	stream.indirect_vreg.gather [hbm4b:s2+s3], $0x80, v4, vm0, $0xb8;
	[tilespmem:$0x19000] =	vst v63  }
0x62: {  	s22 =	simm.s32 $0x9800;
	v3 =	vperm.xlane v3, v2  }
0x63: {  	[tilespmem:s22], [sflag:$0x1] =	stream.indirect_vreg.gather [hbm4b:s5+s3], $0x80, v4, vm0, $0xb8;
	[tilespmem:$0x19000] =	vst v63  }
0x64: {  	s23 =	simm.s32 $0xA000;
	v3 =	vadd.s32 v1, v3  }
0x65: {  	[tilespmem:s23], [sflag:$0x1] =	stream.indirect_vreg.gather [hbm4b:s6+s3], $0x80, v4, vm0, $0xb8;
	[tilespmem:$0x19000] =	vst v63  }
0x66: {  	s24 =	simm.s32 $0xA800  }
0x67: {  	[tilespmem:s24], [sflag:$0x1] =	stream.indirect_vreg.gather [hbm4b:s7+s3], $0x80, v4, vm0, $0xb8;
	[tilespmem:$0x19000] =	vst v63  }
0x68: {  	s25 =	simm.s32 $0xB000  }
0x69: {  	[tilespmem:s25], [sflag:$0x1] =	stream.indirect_vreg.gather [hbm4b:s2+s3], $0x80, v3, vm0, $0xb8;
	[tilespmem:$0x19000] =	vst v63  }
0x6a: {  	s26 =	simm.s32 $0xB800  }
0x6b: {  	[tilespmem:s26], [sflag:$0x1] =	stream.indirect_vreg.gather [hbm4b:s5+s3], $0x80, v3, vm0, $0xb8;
	[tilespmem:$0x19000] =	vst v63  }
0x6c: {  	s28 =	simm.s32 $0xC000  }
0x6d: {  	[tilespmem:s28], [sflag:$0x1] =	stream.indirect_vreg.gather [hbm4b:s6+s3], $0x80, v3, vm0, $0xb8;
	[tilespmem:$0x19000] =	vst v63  }
0x6e: {  	s29 =	simm.s32 $0xC800  }
0x6f: {  	[tilespmem:s29], [sflag:$0x1] =	stream.indirect_vreg.gather [hbm4b:s7+s3], $0x80, v3, vm0, $0xb8;
	[tilespmem:$0x19000] =	vst v63  }
0x70: {  	v3 =	vld [tilespmem:$0x80];
	_ =	sdelay $0x4  }
0x71: {  	v27 =	vshll.u32 v3, $0x3  }
0x72: {  	v3 =	vand.u32 $0x7, v3;
	v4 =	vand.u32 $0xFFFFFFC0, v27  }
0x73: {  	v3 =	vor.u32 v3, v4  }
0x74: {  	v4 =	vperm.xlane v3, v0;
	_ =	sdelay $0x1  }
0x75: {  	v4 =	vadd.s32 v1, v4;
	_ =	sdelay $0x4  }
0x76: {  	[tilespmem:s9], [sflag:$0x2] =	stream.indirect_vreg.gather [hbm4b:s2+s3], $0x80, v4, vm0, $0xb8;
	[tilespmem:$0x19000] =	vst v63  }
0x77: {  	s0 =	simm.s32 $0xD800;
	v3 =	vperm.xlane v3, v2  }
0x78: {  	[tilespmem:s0], [sflag:$0x2] =	stream.indirect_vreg.gather [hbm4b:s5+s3], $0x80, v4, vm0, $0xb8;
	[tilespmem:$0x19000] =	vst v63  }
0x79: {  	s10 =	simm.s32 $0xE000;
	v3 =	vadd.s32 v1, v3  }
0x7a: {  	[tilespmem:s10], [sflag:$0x2] =	stream.indirect_vreg.gather [hbm4b:s6+s3], $0x80, v4, vm0, $0xb8;
	[tilespmem:$0x19000] =	vst v63  }
0x7b: {  	s17 =	simm.s32 $0xE800  }
0x7c: {  	[tilespmem:s17], [sflag:$0x2] =	stream.indirect_vreg.gather [hbm4b:s7+s3], $0x80, v4, vm0, $0xb8;
	[tilespmem:$0x19000] =	vst v63  }
0x7d: {  	s21 =	simm.s32 $0xF000  }
0x7e: {  	[tilespmem:s21], [sflag:$0x2] =	stream.indirect_vreg.gather [hbm4b:s2+s3], $0x80, v3, vm0, $0xb8;
	[tilespmem:$0x19000] =	vst v63  }
0x7f: {  	s22 =	simm.s32 $0xF800  }
0x80: {  	[tilespmem:s22], [sflag:$0x2] =	stream.indirect_vreg.gather [hbm4b:s5+s3], $0x80, v3, vm0, $0xb8;
	[tilespmem:$0x19000] =	vst v63  }
0x81: {  	s23 =	simm.s32 $0x10000  }
0x82: {  	[tilespmem:s23], [sflag:$0x2] =	stream.indirect_vreg.gather [hbm4b:s6+s3], $0x80, v3, vm0, $0xb8;
	[tilespmem:$0x19000] =	vst v63  }
0x83: {  	s24 =	simm.s32 $0x10800  }
0x84: {  	[tilespmem:s24], [sflag:$0x2] =	stream.indirect_vreg.gather [hbm4b:s7+s3], $0x80, v3, vm0, $0xb8;
	[tilespmem:$0x19000] =	vst v63  }
0x85: {  	v3 =	vld [tilespmem:$0x90];
	_ =	sdelay $0x4  }
0x86: {  	v28 =	vshll.u32 v3, $0x3  }
0x87: {  	v3 =	vand.u32 $0x7, v3;
	v4 =	vand.u32 $0xFFFFFFC0, v28  }
0x88: {  	v3 =	vor.u32 v3, v4  }
0x89: {  	v4 =	vperm.xlane v3, v0;
	_ =	sdelay $0x1  }
0x8a: {  	v4 =	vadd.s32 v1, v4;
	_ =	sdelay $0x3  }
0x8b: {  	s25 =	simm.s32 $0x11000  }
0x8c: {  	[tilespmem:s25], [sflag:$0x2] =	stream.indirect_vreg.gather [hbm4b:s2+s3], $0x80, v4, vm0, $0xb8;
	[tilespmem:$0x19000] =	vst v63  }
0x8d: {  	s26 =	simm.s32 $0x11800;
	v3 =	vperm.xlane v3, v2  }
0x8e: {  	[tilespmem:s26], [sflag:$0x2] =	stream.indirect_vreg.gather [hbm4b:s5+s3], $0x80, v4, vm0, $0xb8;
	[tilespmem:$0x19000] =	vst v63  }
0x8f: {  	s28 =	simm.s32 $0x12000;
	v3 =	vadd.s32 v1, v3  }
0x90: {  	[tilespmem:s28], [sflag:$0x2] =	stream.indirect_vreg.gather [hbm4b:s6+s3], $0x80, v4, vm0, $0xb8;
	[tilespmem:$0x19000] =	vst v63  }
0x91: {  	s29 =	simm.s32 $0x12800  }
0x92: {  	[tilespmem:s29], [sflag:$0x2] =	stream.indirect_vreg.gather [hbm4b:s7+s3], $0x80, v4, vm0, $0xb8;
	[tilespmem:$0x19000] =	vst v63  }
0x93: {  	s0 =	simm.s32 $0x13000  }
0x94: {  	[tilespmem:s0], [sflag:$0x2] =	stream.indirect_vreg.gather [hbm4b:s2+s3], $0x80, v3, vm0, $0xb8;
	[tilespmem:$0x19000] =	vst v63  }
0x95: {  	s10 =	simm.s32 $0x13800  }
0x96: {  	[tilespmem:s10], [sflag:$0x2] =	stream.indirect_vreg.gather [hbm4b:s5+s3], $0x80, v3, vm0, $0xb8;
	[tilespmem:$0x19000] =	vst v63  }
0x97: {  	s17 =	simm.s32 $0x14000  }
0x98: {  	[tilespmem:s17], [sflag:$0x2] =	stream.indirect_vreg.gather [hbm4b:s6+s3], $0x80, v3, vm0, $0xb8;
	[tilespmem:$0x19000] =	vst v63  }
0x99: {  	s22 =	simm.s32 $0x14800  }
0x9a: {  	[tilespmem:s22], [sflag:$0x2] =	stream.indirect_vreg.gather [hbm4b:s7+s3], $0x80, v3, vm0, $0xb8;
	[tilespmem:$0x19000] =	vst v63  }
0x9b: {  	v3 =	vld [tilespmem:$0xA0];
	_ =	sdelay $0x4  }
0x9c: {  	v29 =	vshll.u32 v3, $0x3  }
0x9d: {  	v3 =	vand.u32 $0x7, v3;
	v4 =	vand.u32 $0xFFFFFFC0, v29  }
0x9e: {  	v3 =	vor.u32 v3, v4  }
0x9f: {  	v4 =	vperm.xlane v3, v0;
	_ =	sdelay $0x1  }
0xa0: {  	v4 =	vadd.s32 v1, v4;
	_ =	sdelay $0x3  }
0xa1: {  	s23 =	simm.s32 $0x15000  }
0xa2: {  	[tilespmem:s23], [sflag:$0x2] =	stream.indirect_vreg.gather [hbm4b:s2+s3], $0x80, v4, vm0, $0xb8;
	[tilespmem:$0x19000] =	vst v63  }
0xa3: {  	s24 =	simm.s32 $0x15800;
	v3 =	vperm.xlane v3, v2  }
0xa4: {  	[tilespmem:s24], [sflag:$0x2] =	stream.indirect_vreg.gather [hbm4b:s5+s3], $0x80, v4, vm0, $0xb8;
	[tilespmem:$0x19000] =	vst v63  }
0xa5: {  	s25 =	simm.s32 $0x16000;
	v3 =	vadd.s32 v1, v3  }
0xa6: {  	[tilespmem:s25], [sflag:$0x2] =	stream.indirect_vreg.gather [hbm4b:s6+s3], $0x80, v4, vm0, $0xb8;
	[tilespmem:$0x19000] =	vst v63  }
0xa7: {  	s26 =	simm.s32 $0x16800  }
0xa8: {  	[tilespmem:s26], [sflag:$0x2] =	stream.indirect_vreg.gather [hbm4b:s7+s3], $0x80, v4, vm0, $0xb8;
	[tilespmem:$0x19000] =	vst v63  }
0xa9: {  	s28 =	simm.s32 $0x17000  }
0xaa: {  	[tilespmem:s28], [sflag:$0x2] =	stream.indirect_vreg.gather [hbm4b:s2+s3], $0x80, v3, vm0, $0xb8;
	[tilespmem:$0x19000] =	vst v63  }
0xab: {  	s29 =	simm.s32 $0x17800  }
0xac: {  	[tilespmem:s29], [sflag:$0x2] =	stream.indirect_vreg.gather [hbm4b:s5+s3], $0x80, v3, vm0, $0xb8;
	[tilespmem:$0x19000] =	vst v63  }
0xad: {  	s0 =	simm.s32 $0x18000  }
0xae: {  	[tilespmem:s0], [sflag:$0x2] =	stream.indirect_vreg.gather [hbm4b:s6+s3], $0x80, v3, vm0, $0xb8;
	[tilespmem:$0x19000] =	vst v63  }
0xaf: {  	s10 =	simm.s32 $0x18800  }
0xb0: {  	[tilespmem:s10], [sflag:$0x2] =	stream.indirect_vreg.gather [hbm4b:s7+s3], $0x80, v3, vm0, $0xb8;
	[tilespmem:$0x19000] =	vst v63  }
0xb1: {  	_ =	swait.ge [sflag:s4], $0xC000  }
0xb2: {  	s17 =	sld [smem:$0x7FA]  }
0xb3: {  	[sflag:s4] =	ssyncset.done $0x0  }
0xb4: {  	[sflag:s4] =	ssyncadd.s32 $0xFFFF4000  }
0xb5: {  	[hbm4b:s17+s3] =	stream.linear.scatter [tilespmem:s18], [sflag:$0x3], $0xC000, $0x38;
	[tilespmem:$0x19000] =	vst v63  }
0xb6: {  	_ =	swait.ge [sflag:s8], $0xC000  }
0xb7: {  	[sflag:s8] =	ssyncset.done $0x0  }
0xb8: {  	[sflag:s8] =	ssyncadd.s32 $0xFFFF4000  }
0xb9: {  	v3 =	vld [tilespmem:$0x100];
	_ =	sdelay $0x4  }
0xba: {  	v30 =	vshll.u32 v3, $0x3  }
0xbb: {  	v3 =	vand.u32 $0x7, v3;
	v4 =	vand.u32 $0xFFFFFFC0, v30  }
0xbc: {  	v3 =	vor.u32 v3, v4  }
0xbd: {  	v4 =	vperm.xlane v3, v0;
	_ =	sdelay $0x1  }
0xbe: {  	v4 =	vadd.s32 v1, v4;
	_ =	sdelay $0x4  }
0xbf: {  	[tilespmem:s18], [sflag:$0x1] =	stream.indirect_vreg.gather [hbm4b:s2+s3], $0x80, v4, vm0, $0xb8;
	[tilespmem:$0x19000] =	vst v63  }
0xc0: {  	s1 =	simm.s32 $0x1800;
	v3 =	vperm.xlane v3, v2  }
0xc1: {  	[tilespmem:s1], [sflag:$0x1] =	stream.indirect_vreg.gather [hbm4b:s5+s3], $0x80, v4, vm0, $0xb8;
	[tilespmem:$0x19000] =	vst v63  }
0xc2: {  	s0 =	simm.s32 $0x2000;
	v3 =	vadd.s32 v1, v3  }
0xc3: {  	[tilespmem:s0], [sflag:$0x1] =	stream.indirect_vreg.gather [hbm4b:s6+s3], $0x80, v4, vm0, $0xb8;
	[tilespmem:$0x19000] =	vst v63  }
0xc4: {  	s1 =	simm.s32 $0x2800  }
0xc5: {  	[tilespmem:s1], [sflag:$0x1] =	stream.indirect_vreg.gather [hbm4b:s7+s3], $0x80, v4, vm0, $0xb8;
	[tilespmem:$0x19000] =	vst v63  }
0xc6: {  	s10 =	simm.s32 $0x3000  }
0xc7: {  	[tilespmem:s10], [sflag:$0x1] =	stream.indirect_vreg.gather [hbm4b:s2+s3], $0x80, v3, vm0, $0xb8;
	[tilespmem:$0x19000] =	vst v63  }
0xc8: {  	s22 =	simm.s32 $0x3800  }
0xc9: {  	[tilespmem:s22], [sflag:$0x1] =	stream.indirect_vreg.gather [hbm4b:s5+s3], $0x80, v3, vm0, $0xb8;
	[tilespmem:$0x19000] =	vst v63  }
0xca: {  	s23 =	simm.s32 $0x4000  }
0xcb: {  	[tilespmem:s23], [sflag:$0x1] =	stream.indirect_vreg.gather [hbm4b:s6+s3], $0x80, v3, vm0, $0xb8;
	[tilespmem:$0x19000] =	vst v63  }
0xcc: {  	s14 =	simm.s32 $0x4800  }
0xcd: {  	[tilespmem:s14], [sflag:$0x1] =	stream.indirect_vreg.gather [hbm4b:s7+s3], $0x80, v3, vm0, $0xb8;
	[tilespmem:$0x19000] =	vst v63  }
0xce: {  	v3 =	vld [tilespmem:$0x110];
	_ =	sdelay $0x4  }
0xcf: {  	v31 =	vshll.u32 v3, $0x3  }
0xd0: {  	v3 =	vand.u32 $0x7, v3;
	v4 =	vand.u32 $0xFFFFFFC0, v31  }
0xd1: {  	v3 =	vor.u32 v3, v4  }
0xd2: {  	v4 =	vperm.xlane v3, v0;
	_ =	sdelay $0x1  }
0xd3: {  	v4 =	vadd.s32 v1, v4;
	_ =	sdelay $0x3  }
0xd4: {  	s15 =	simm.s32 $0x5000  }
0xd5: {  	[tilespmem:s15], [sflag:$0x1] =	stream.indirect_vreg.gather [hbm4b:s2+s3], $0x80, v4, vm0, $0xb8;
	[tilespmem:$0x19000] =	vst v63  }
0xd6: {  	s16 =	simm.s32 $0x5800;
	v3 =	vperm.xlane v3, v2  }
0xd7: {  	[tilespmem:s16], [sflag:$0x1] =	stream.indirect_vreg.gather [hbm4b:s5+s3], $0x80, v4, vm0, $0xb8;
	[tilespmem:$0x19000] =	vst v63  }
0xd8: {  	s24 =	simm.s32 $0x6000;
	v3 =	vadd.s32 v1, v3  }
0xd9: {  	[tilespmem:s24], [sflag:$0x1] =	stream.indirect_vreg.gather [hbm4b:s6+s3], $0x80, v4, vm0, $0xb8;
	[tilespmem:$0x19000] =	vst v63  }
0xda: {  	s25 =	simm.s32 $0x6800  }
0xdb: {  	[tilespmem:s25], [sflag:$0x1] =	stream.indirect_vreg.gather [hbm4b:s7+s3], $0x80, v4, vm0, $0xb8;
	[tilespmem:$0x19000] =	vst v63  }
0xdc: {  	s26 =	simm.s32 $0x7000  }
0xdd: {  	[tilespmem:s26], [sflag:$0x1] =	stream.indirect_vreg.gather [hbm4b:s2+s3], $0x80, v3, vm0, $0xb8;
	[tilespmem:$0x19000] =	vst v63  }
0xde: {  	s28 =	simm.s32 $0x7800  }
0xdf: {  	[tilespmem:s28], [sflag:$0x1] =	stream.indirect_vreg.gather [hbm4b:s5+s3], $0x80, v3, vm0, $0xb8;
	[tilespmem:$0x19000] =	vst v63  }
0xe0: {  	s29 =	simm.s32 $0x8000  }
0xe1: {  	[tilespmem:s29], [sflag:$0x1] =	stream.indirect_vreg.gather [hbm4b:s6+s3], $0x80, v3, vm0, $0xb8;
	[tilespmem:$0x19000] =	vst v63  }
0xe2: {  	s30 =	simm.s32 $0x8800  }
0xe3: {  	[tilespmem:s30], [sflag:$0x1] =	stream.indirect_vreg.gather [hbm4b:s7+s3], $0x80, v3, vm0, $0xb8;
	[tilespmem:$0x19000] =	vst v63  }
0xe4: {  	v3 =	vld [tilespmem:$0x120];
	_ =	sdelay $0x4  }
0xe5: {  	v32 =	vshll.u32 v3, $0x3  }
0xe6: {  	v3 =	vand.u32 $0x7, v3;
	v4 =	vand.u32 $0xFFFFFFC0, v32  }
0xe7: {  	v3 =	vor.u32 v3, v4  }
0xe8: {  	v4 =	vperm.xlane v3, v0;
	_ =	sdelay $0x1  }
0xe9: {  	v4 =	vadd.s32 v1, v4;
	_ =	sdelay $0x3  }
0xea: {  	s31 =	simm.s32 $0x9000  }
0xeb: {  	[tilespmem:s31], [sflag:$0x1] =	stream.indirect_vreg.gather [hbm4b:s2+s3], $0x80, v4, vm0, $0xb8;
	[tilespmem:$0x19000] =	vst v63  }
0xec: {  	s17 =	simm.s32 $0x9800;
	v3 =	vperm.xlane v3, v2  }
0xed: {  	[tilespmem:s17], [sflag:$0x1] =	stream.indirect_vreg.gather [hbm4b:s5+s3], $0x80, v4, vm0, $0xb8;
	[tilespmem:$0x19000] =	vst v63  }
0xee: {  	s30 =	simm.s32 $0xA000;
	v3 =	vadd.s32 v1, v3  }
0xef: {  	[tilespmem:s30], [sflag:$0x1] =	stream.indirect_vreg.gather [hbm4b:s6+s3], $0x80, v4, vm0, $0xb8;
	[tilespmem:$0x19000] =	vst v63  }
0xf0: {  	s31 =	simm.s32 $0xA800  }
0xf1: {  	[tilespmem:s31], [sflag:$0x1] =	stream.indirect_vreg.gather [hbm4b:s7+s3], $0x80, v4, vm0, $0xb8;
	[tilespmem:$0x19000] =	vst v63  }
0xf2: {  	s14 =	simm.s32 $0xB000  }
0xf3: {  	[tilespmem:s14], [sflag:$0x1] =	stream.indirect_vreg.gather [hbm4b:s2+s3], $0x80, v3, vm0, $0xb8;
	[tilespmem:$0x19000] =	vst v63  }
0xf4: {  	s15 =	simm.s32 $0xB800  }
0xf5: {  	[tilespmem:s15], [sflag:$0x1] =	stream.indirect_vreg.gather [hbm4b:s5+s3], $0x80, v3, vm0, $0xb8;
	[tilespmem:$0x19000] =	vst v63  }
0xf6: {  	s16 =	simm.s32 $0xC000  }
0xf7: {  	[tilespmem:s16], [sflag:$0x1] =	stream.indirect_vreg.gather [hbm4b:s6+s3], $0x80, v3, vm0, $0xb8;
	[tilespmem:$0x19000] =	vst v63  }
0xf8: {  	s19 =	simm.s32 $0xC800  }
0xf9: {  	[tilespmem:s19], [sflag:$0x1] =	stream.indirect_vreg.gather [hbm4b:s7+s3], $0x80, v3, vm0, $0xb8;
	[tilespmem:$0x19000] =	vst v63  }
0xfa: {  	_ =	swait.ge [sflag:s11], $0xC000  }
0xfb: {  	[sflag:s11] =	ssyncset.done $0x0  }
0xfc: {  	s19 =	rddreg [dreg:$0x4];
	[sflag:s11] =	ssyncadd.s32 $0xFFFF4000  }
0xfd: {  	[hbm4b:s19+s3] =	stream.linear.scatter [tilespmem:s9], [sflag:$0x4], $0xC000, $0x38;
	[tilespmem:$0x19000] =	vst v63  }
0xfe: {  	_ =	swait.ge [sflag:s12], $0xC000  }
0xff: {  	[sflag:s12] =	ssyncset.done $0x0  }
0x100: {  	[sflag:s12] =	ssyncadd.s32 $0xFFFF4000  }
0x101: {  	v3 =	vld [tilespmem:$0x180];
	_ =	sdelay $0x4  }
0x102: {  	v33 =	vshll.u32 v3, $0x3  }
0x103: {  	v3 =	vand.u32 $0x7, v3;
	v4 =	vand.u32 $0xFFFFFFC0, v33  }
0x104: {  	v3 =	vor.u32 v3, v4  }
0x105: {  	v4 =	vperm.xlane v3, v0;
	_ =	sdelay $0x1  }
0x106: {  	v4 =	vadd.s32 v1, v4;
	_ =	sdelay $0x4  }
0x107: {  	[tilespmem:s9], [sflag:$0x2] =	stream.indirect_vreg.gather [hbm4b:s2+s3], $0x80, v4, vm0, $0xb8;
	[tilespmem:$0x19000] =	vst v63  }
0x108: {  	s20 =	simm.s32 $0xD800;
	v3 =	vperm.xlane v3, v2  }
0x109: {  	[tilespmem:s20], [sflag:$0x2] =	stream.indirect_vreg.gather [hbm4b:s5+s3], $0x80, v4, vm0, $0xb8;
	[tilespmem:$0x19000] =	vst v63  }
0x10a: {  	s19 =	simm.s32 $0xE000;
	v3 =	vadd.s32 v1, v3  }
0x10b: {  	[tilespmem:s19], [sflag:$0x2] =	stream.indirect_vreg.gather [hbm4b:s6+s3], $0x80, v4, vm0, $0xb8;
	[tilespmem:$0x19000] =	vst v63  }
0x10c: {  	s20 =	simm.s32 $0xE800  }
0x10d: {  	[tilespmem:s20], [sflag:$0x2] =	stream.indirect_vreg.gather [hbm4b:s7+s3], $0x80, v4, vm0, $0xb8;
	[tilespmem:$0x19000] =	vst v63  }
0x10e: {  	s13 =	simm.s32 $0xF000  }
0x10f: {  	[tilespmem:s13], [sflag:$0x2] =	stream.indirect_vreg.gather [hbm4b:s2+s3], $0x80, v3, vm0, $0xb8;
	[tilespmem:$0x19000] =	vst v63  }
0x110: {  	s13 =	simm.s32 $0xF800  }
0x111: {  	[tilespmem:s13], [sflag:$0x2] =	stream.indirect_vreg.gather [hbm4b:s5+s3], $0x80, v3, vm0, $0xb8;
	[tilespmem:$0x19000] =	vst v63  }
0x112: {  	s13 =	simm.s32 $0x10000  }
0x113: {  	[tilespmem:s13], [sflag:$0x2] =	stream.indirect_vreg.gather [hbm4b:s6+s3], $0x80, v3, vm0, $0xb8;
	[tilespmem:$0x19000] =	vst v63  }
0x114: {  	s21 =	simm.s32 $0x10800  }
0x115: {  	[tilespmem:s21], [sflag:$0x2] =	stream.indirect_vreg.gather [hbm4b:s7+s3], $0x80, v3, vm0, $0xb8;
	[tilespmem:$0x19000] =	vst v63  }
0x116: {  	v3 =	vld [tilespmem:$0x190];
	_ =	sdelay $0x4  }
0x117: {  	v34 =	vshll.u32 v3, $0x3  }
0x118: {  	v3 =	vand.u32 $0x7, v3;
	v4 =	vand.u32 $0xFFFFFFC0, v34  }
0x119: {  	v3 =	vor.u32 v3, v4  }
0x11a: {  	v4 =	vperm.xlane v3, v0;
	_ =	sdelay $0x1  }
0x11b: {  	v4 =	vadd.s32 v1, v4;
	_ =	sdelay $0x3  }
0x11c: {  	s21 =	simm.s32 $0x11000  }
0x11d: {  	[tilespmem:s21], [sflag:$0x2] =	stream.indirect_vreg.gather [hbm4b:s2+s3], $0x80, v4, vm0, $0xb8;
	[tilespmem:$0x19000] =	vst v63  }
0x11e: {  	v3 =	vperm.xlane v3, v2;
	s21 =	simm.s32 $0x11800  }
0x11f: {  	[tilespmem:s21], [sflag:$0x2] =	stream.indirect_vreg.gather [hbm4b:s5+s3], $0x80, v4, vm0, $0xb8;
	[tilespmem:$0x19000] =	vst v63  }
0x120: {  	v3 =	vadd.s32 v1, v3;
	s21 =	simm.s32 $0x12000  }
0x121: {  	[tilespmem:s21], [sflag:$0x2] =	stream.indirect_vreg.gather [hbm4b:s6+s3], $0x80, v4, vm0, $0xb8;
	[tilespmem:$0x19000] =	vst v63  }
0x122: {  	s13 =	simm.s32 $0x12800  }
0x123: {  	[tilespmem:s13], [sflag:$0x2] =	stream.indirect_vreg.gather [hbm4b:s7+s3], $0x80, v4, vm0, $0xb8;
	[tilespmem:$0x19000] =	vst v63  }
0x124: {  	s13 =	simm.s32 $0x13000  }
0x125: {  	[tilespmem:s13], [sflag:$0x2] =	stream.indirect_vreg.gather [hbm4b:s2+s3], $0x80, v3, vm0, $0xb8;
	[tilespmem:$0x19000] =	vst v63  }
0x126: {  	s13 =	simm.s32 $0x13800  }
0x127: {  	[tilespmem:s13], [sflag:$0x2] =	stream.indirect_vreg.gather [hbm4b:s5+s3], $0x80, v3, vm0, $0xb8;
	[tilespmem:$0x19000] =	vst v63  }
0x128: {  	s13 =	simm.s32 $0x14000  }
0x129: {  	[tilespmem:s13], [sflag:$0x2] =	stream.indirect_vreg.gather [hbm4b:s6+s3], $0x80, v3, vm0, $0xb8;
	[tilespmem:$0x19000] =	vst v63  }
0x12a: {  	s13 =	simm.s32 $0x14800  }
0x12b: {  	[tilespmem:s13], [sflag:$0x2] =	stream.indirect_vreg.gather [hbm4b:s7+s3], $0x80, v3, vm0, $0xb8;
	[tilespmem:$0x19000] =	vst v63  }
0x12c: {  	v3 =	vld [tilespmem:$0x1A0];
	_ =	sdelay $0x4  }
0x12d: {  	v35 =	vshll.u32 v3, $0x3  }
0x12e: {  	v3 =	vand.u32 $0x7, v3;
	v4 =	vand.u32 $0xFFFFFFC0, v35  }
0x12f: {  	v3 =	vor.u32 v3, v4  }
0x130: {  	v4 =	vperm.xlane v3, v0;
	_ =	sdelay $0x1  }
0x131: {  	v4 =	vadd.s32 v1, v4;
	_ =	sdelay $0x3  }
0x132: {  	s13 =	simm.s32 $0x15000  }
0x133: {  	[tilespmem:s13], [sflag:$0x2] =	stream.indirect_vreg.gather [hbm4b:s2+s3], $0x80, v4, vm0, $0xb8;
	[tilespmem:$0x19000] =	vst v63  }
0x134: {  	v3 =	vperm.xlane v3, v2;
	s13 =	simm.s32 $0x15800  }
0x135: {  	[tilespmem:s13], [sflag:$0x2] =	stream.indirect_vreg.gather [hbm4b:s5+s3], $0x80, v4, vm0, $0xb8;
	[tilespmem:$0x19000] =	vst v63  }
0x136: {  	v3 =	vadd.s32 v1, v3;
	s13 =	simm.s32 $0x16000  }
0x137: {  	[tilespmem:s13], [sflag:$0x2] =	stream.indirect_vreg.gather [hbm4b:s6+s3], $0x80, v4, vm0, $0xb8;
	[tilespmem:$0x19000] =	vst v63  }
0x138: {  	s13 =	simm.s32 $0x16800  }
0x139: {  	[tilespmem:s13], [sflag:$0x2] =	stream.indirect_vreg.gather [hbm4b:s7+s3], $0x80, v4, vm0, $0xb8;
	[tilespmem:$0x19000] =	vst v63  }
0x13a: {  	s13 =	simm.s32 $0x17000  }
0x13b: {  	[tilespmem:s13], [sflag:$0x2] =	stream.indirect_vreg.gather [hbm4b:s2+s3], $0x80, v3, vm0, $0xb8;
	[tilespmem:$0x19000] =	vst v63  }
0x13c: {  	s13 =	simm.s32 $0x17800  }
0x13d: {  	[tilespmem:s13], [sflag:$0x2] =	stream.indirect_vreg.gather [hbm4b:s5+s3], $0x80, v3, vm0, $0xb8;
	[tilespmem:$0x19000] =	vst v63  }
0x13e: {  	s13 =	simm.s32 $0x18000  }
0x13f: {  	[tilespmem:s13], [sflag:$0x2] =	stream.indirect_vreg.gather [hbm4b:s6+s3], $0x80, v3, vm0, $0xb8;
	[tilespmem:$0x19000] =	vst v63  }
0x140: {  	s13 =	simm.s32 $0x18800  }
0x141: {  	[tilespmem:s13], [sflag:$0x2] =	stream.indirect_vreg.gather [hbm4b:s7+s3], $0x80, v3, vm0, $0xb8;
	[tilespmem:$0x19000] =	vst v63  }
0x142: {  	_ =	swait.ge [sflag:s4], $0xC000  }
0x143: {  	[sflag:s4] =	ssyncset.done $0x0  }
0x144: {  	s13 =	rddreg [dreg:$0x5];
	[sflag:s4] =	ssyncadd.s32 $0xFFFF4000  }
0x145: {  	[hbm4b:s13+s3] =	stream.linear.scatter [tilespmem:s18], [sflag:$0x3], $0xC000, $0x38;
	[tilespmem:$0x19000] =	vst v63  }
0x146: {  	_ =	swait.ge [sflag:s8], $0xC000  }
0x147: {  	[sflag:s8] =	ssyncset.done $0x0  }
0x148: {  	[sflag:s8] =	ssyncadd.s32 $0xFFFF4000  }
0x149: {  	v3 =	vld [tilespmem:$0x200];
	_ =	sdelay $0x4  }
0x14a: {  	v36 =	vshll.u32 v3, $0x3  }
0x14b: {  	v3 =	vand.u32 $0x7, v3;
	v4 =	vand.u32 $0xFFFFFFC0, v36  }
0x14c: {  	v3 =	vor.u32 v3, v4  }
0x14d: {  	v4 =	vperm.xlane v3, v0;
	_ =	sdelay $0x1  }
0x14e: {  	v4 =	vadd.s32 v1, v4;
	_ =	sdelay $0x4  }
0x14f: {  	[tilespmem:s18], [sflag:$0x1] =	stream.indirect_vreg.gather [hbm4b:s2+s3], $0x80, v4, vm0, $0xb8;
	[tilespmem:$0x19000] =	vst v63  }
0x150: {  	s13 =	simm.s32 $0x1800;
	v3 =	vperm.xlane v3, v2  }
0x151: {  	[tilespmem:s13], [sflag:$0x1] =	stream.indirect_vreg.gather [hbm4b:s5+s3], $0x80, v4, vm0, $0xb8;
	[tilespmem:$0x19000] =	vst v63  }
0x152: {  	v3 =	vadd.s32 v1, v3  }
0x153: {  	[tilespmem:s0], [sflag:$0x1] =	stream.indirect_vreg.gather [hbm4b:s6+s3], $0x80, v4, vm0, $0xb8;
	[tilespmem:$0x19000] =	vst v63  }
0x154: {  	_ = 	snop  }
0x155: {  	[tilespmem:s1], [sflag:$0x1] =	stream.indirect_vreg.gather [hbm4b:s7+s3], $0x80, v4, vm0, $0xb8;
	[tilespmem:$0x19000] =	vst v63  }
0x156: {  	_ = 	snop  }
0x157: {  	[tilespmem:s10], [sflag:$0x1] =	stream.indirect_vreg.gather [hbm4b:s2+s3], $0x80, v3, vm0, $0xb8;
	[tilespmem:$0x19000] =	vst v63  }
0x158: {  	_ = 	snop  }
0x159: {  	[tilespmem:s22], [sflag:$0x1] =	stream.indirect_vreg.gather [hbm4b:s5+s3], $0x80, v3, vm0, $0xb8;
	[tilespmem:$0x19000] =	vst v63  }
0x15a: {  	_ = 	snop  }
0x15b: {  	[tilespmem:s23], [sflag:$0x1] =	stream.indirect_vreg.gather [hbm4b:s6+s3], $0x80, v3, vm0, $0xb8;
	[tilespmem:$0x19000] =	vst v63  }
0x15c: {  	s13 =	simm.s32 $0x4800  }
0x15d: {  	[tilespmem:s13], [sflag:$0x1] =	stream.indirect_vreg.gather [hbm4b:s7+s3], $0x80, v3, vm0, $0xb8;
	[tilespmem:$0x19000] =	vst v63  }
0x15e: {  	v3 =	vld [tilespmem:$0x210];
	_ =	sdelay $0x4  }
0x15f: {  	v37 =	vshll.u32 v3, $0x3  }
0x160: {  	v3 =	vand.u32 $0x7, v3;
	v4 =	vand.u32 $0xFFFFFFC0, v37  }
0x161: {  	v3 =	vor.u32 v3, v4  }
0x162: {  	v4 =	vperm.xlane v3, v0;
	_ =	sdelay $0x1  }
0x163: {  	v4 =	vadd.s32 v1, v4;
	_ =	sdelay $0x3  }
0x164: {  	s13 =	simm.s32 $0x5000  }
0x165: {  	[tilespmem:s13], [sflag:$0x1] =	stream.indirect_vreg.gather [hbm4b:s2+s3], $0x80, v4, vm0, $0xb8;
	[tilespmem:$0x19000] =	vst v63  }
0x166: {  	v3 =	vperm.xlane v3, v2;
	s13 =	simm.s32 $0x5800  }
0x167: {  	[tilespmem:s13], [sflag:$0x1] =	stream.indirect_vreg.gather [hbm4b:s5+s3], $0x80, v4, vm0, $0xb8;
	[tilespmem:$0x19000] =	vst v63  }
0x168: {  	v3 =	vadd.s32 v1, v3  }
0x169: {  	[tilespmem:s24], [sflag:$0x1] =	stream.indirect_vreg.gather [hbm4b:s6+s3], $0x80, v4, vm0, $0xb8;
	[tilespmem:$0x19000] =	vst v63  }
0x16a: {  	_ = 	snop  }
0x16b: {  	[tilespmem:s25], [sflag:$0x1] =	stream.indirect_vreg.gather [hbm4b:s7+s3], $0x80, v4, vm0, $0xb8;
	[tilespmem:$0x19000] =	vst v63  }
0x16c: {  	_ = 	snop  }
0x16d: {  	[tilespmem:s26], [sflag:$0x1] =	stream.indirect_vreg.gather [hbm4b:s2+s3], $0x80, v3, vm0, $0xb8;
	[tilespmem:$0x19000] =	vst v63  }
0x16e: {  	_ = 	snop  }
0x16f: {  	[tilespmem:s28], [sflag:$0x1] =	stream.indirect_vreg.gather [hbm4b:s5+s3], $0x80, v3, vm0, $0xb8;
	[tilespmem:$0x19000] =	vst v63  }
0x170: {  	_ = 	snop  }
0x171: {  	[tilespmem:s29], [sflag:$0x1] =	stream.indirect_vreg.gather [hbm4b:s6+s3], $0x80, v3, vm0, $0xb8;
	[tilespmem:$0x19000] =	vst v63  }
0x172: {  	s13 =	simm.s32 $0x8800  }
0x173: {  	[tilespmem:s13], [sflag:$0x1] =	stream.indirect_vreg.gather [hbm4b:s7+s3], $0x80, v3, vm0, $0xb8;
	[tilespmem:$0x19000] =	vst v63  }
0x174: {  	v3 =	vld [tilespmem:$0x220];
	_ =	sdelay $0x4  }
0x175: {  	v38 =	vshll.u32 v3, $0x3  }
0x176: {  	v3 =	vand.u32 $0x7, v3;
	v4 =	vand.u32 $0xFFFFFFC0, v38  }
0x177: {  	v3 =	vor.u32 v3, v4  }
0x178: {  	v4 =	vperm.xlane v3, v0;
	_ =	sdelay $0x1  }
0x179: {  	v4 =	vadd.s32 v1, v4;
	_ =	sdelay $0x3  }
0x17a: {  	s13 =	simm.s32 $0x9000  }
0x17b: {  	[tilespmem:s13], [sflag:$0x1] =	stream.indirect_vreg.gather [hbm4b:s2+s3], $0x80, v4, vm0, $0xb8;
	[tilespmem:$0x19000] =	vst v63  }
0x17c: {  	v3 =	vperm.xlane v3, v2  }
0x17d: {  	[tilespmem:s17], [sflag:$0x1] =	stream.indirect_vreg.gather [hbm4b:s5+s3], $0x80, v4, vm0, $0xb8;
	[tilespmem:$0x19000] =	vst v63  }
0x17e: {  	v3 =	vadd.s32 v1, v3  }
0x17f: {  	[tilespmem:s30], [sflag:$0x1] =	stream.indirect_vreg.gather [hbm4b:s6+s3], $0x80, v4, vm0, $0xb8;
	[tilespmem:$0x19000] =	vst v63  }
0x180: {  	_ = 	snop  }
0x181: {  	[tilespmem:s31], [sflag:$0x1] =	stream.indirect_vreg.gather [hbm4b:s7+s3], $0x80, v4, vm0, $0xb8;
	[tilespmem:$0x19000] =	vst v63  }
0x182: {  	_ = 	snop  }
0x183: {  	[tilespmem:s14], [sflag:$0x1] =	stream.indirect_vreg.gather [hbm4b:s2+s3], $0x80, v3, vm0, $0xb8;
	[tilespmem:$0x19000] =	vst v63  }
0x184: {  	_ = 	snop  }
0x185: {  	[tilespmem:s15], [sflag:$0x1] =	stream.indirect_vreg.gather [hbm4b:s5+s3], $0x80, v3, vm0, $0xb8;
	[tilespmem:$0x19000] =	vst v63  }
0x186: {  	_ = 	snop  }
0x187: {  	[tilespmem:s16], [sflag:$0x1] =	stream.indirect_vreg.gather [hbm4b:s6+s3], $0x80, v3, vm0, $0xb8;
	[tilespmem:$0x19000] =	vst v63  }
0x188: {  	s16 =	simm.s32 $0xC800  }
0x189: {  	[tilespmem:s16], [sflag:$0x1] =	stream.indirect_vreg.gather [hbm4b:s7+s3], $0x80, v3, vm0, $0xb8;
	[tilespmem:$0x19000] =	vst v63  }
0x18a: {  	_ =	swait.ge [sflag:s11], $0xC000  }
0x18b: {  	[sflag:s11] =	ssyncset.done $0x0  }
0x18c: {  	s16 =	rddreg [dreg:$0x6];
	[sflag:s11] =	ssyncadd.s32 $0xFFFF4000  }
0x18d: {  	[hbm4b:s16+s3] =	stream.linear.scatter [tilespmem:s9], [sflag:$0x4], $0xC000, $0x38;
	[tilespmem:$0x19000] =	vst v63  }
0x18e: {  	_ =	swait.ge [sflag:s12], $0xC000  }
0x18f: {  	[sflag:s12] =	ssyncset.done $0x0  }
0x190: {  	[sflag:s12] =	ssyncadd.s32 $0xFFFF4000  }
0x191: {  	v3 =	vld [tilespmem:$0x280];
	_ =	sdelay $0x4  }
0x192: {  	v39 =	vshll.u32 v3, $0x3  }
0x193: {  	v3 =	vand.u32 $0x7, v3;
	v4 =	vand.u32 $0xFFFFFFC0, v39  }
0x194: {  	v3 =	vor.u32 v3, v4  }
0x195: {  	v4 =	vperm.xlane v3, v0;
	_ =	sdelay $0x1  }
0x196: {  	v4 =	vadd.s32 v1, v4;
	_ =	sdelay $0x4  }
0x197: {  	[tilespmem:s9], [sflag:$0x2] =	stream.indirect_vreg.gather [hbm4b:s2+s3], $0x80, v4, vm0, $0xb8;
	[tilespmem:$0x19000] =	vst v63  }
0x198: {  	s16 =	simm.s32 $0xD800;
	v3 =	vperm.xlane v3, v2  }
0x199: {  	[tilespmem:s16], [sflag:$0x2] =	stream.indirect_vreg.gather [hbm4b:s5+s3], $0x80, v4, vm0, $0xb8;
	[tilespmem:$0x19000] =	vst v63  }
0x19a: {  	s19 =	simm.s32 $0xE000;
	v3 =	vadd.s32 v1, v3  }
0x19b: {  	[tilespmem:s19], [sflag:$0x2] =	stream.indirect_vreg.gather [hbm4b:s6+s3], $0x80, v4, vm0, $0xb8;
	[tilespmem:$0x19000] =	vst v63  }
0x19c: {  	s20 =	simm.s32 $0xE800  }
0x19d: {  	[tilespmem:s20], [sflag:$0x2] =	stream.indirect_vreg.gather [hbm4b:s7+s3], $0x80, v4, vm0, $0xb8;
	[tilespmem:$0x19000] =	vst v63  }
0x19e: {  	s20 =	simm.s32 $0xF000  }
0x19f: {  	[tilespmem:s20], [sflag:$0x2] =	stream.indirect_vreg.gather [hbm4b:s2+s3], $0x80, v3, vm0, $0xb8;
	[tilespmem:$0x19000] =	vst v63  }
0x1a0: {  	s13 =	simm.s32 $0xF800  }
0x1a1: {  	[tilespmem:s13], [sflag:$0x2] =	stream.indirect_vreg.gather [hbm4b:s5+s3], $0x80, v3, vm0, $0xb8;
	[tilespmem:$0x19000] =	vst v63  }
0x1a2: {  	s13 =	simm.s32 $0x10000  }
0x1a3: {  	[tilespmem:s13], [sflag:$0x2] =	stream.indirect_vreg.gather [hbm4b:s6+s3], $0x80, v3, vm0, $0xb8;
	[tilespmem:$0x19000] =	vst v63  }
0x1a4: {  	s13 =	simm.s32 $0x10800  }
0x1a5: {  	[tilespmem:s13], [sflag:$0x2] =	stream.indirect_vreg.gather [hbm4b:s7+s3], $0x80, v3, vm0, $0xb8;
	[tilespmem:$0x19000] =	vst v63  }
0x1a6: {  	v3 =	vld [tilespmem:$0x290];
	_ =	sdelay $0x4  }
0x1a7: {  	v40 =	vshll.u32 v3, $0x3  }
0x1a8: {  	v3 =	vand.u32 $0x7, v3;
	v4 =	vand.u32 $0xFFFFFFC0, v40  }
0x1a9: {  	v3 =	vor.u32 v3, v4  }
0x1aa: {  	v4 =	vperm.xlane v3, v0;
	_ =	sdelay $0x1  }
0x1ab: {  	v4 =	vadd.s32 v1, v4;
	_ =	sdelay $0x3  }
0x1ac: {  	s13 =	simm.s32 $0x11000  }
0x1ad: {  	[tilespmem:s13], [sflag:$0x2] =	stream.indirect_vreg.gather [hbm4b:s2+s3], $0x80, v4, vm0, $0xb8;
	[tilespmem:$0x19000] =	vst v63  }
0x1ae: {  	v3 =	vperm.xlane v3, v2;
	s13 =	simm.s32 $0x11800  }
0x1af: {  	[tilespmem:s13], [sflag:$0x2] =	stream.indirect_vreg.gather [hbm4b:s5+s3], $0x80, v4, vm0, $0xb8;
	[tilespmem:$0x19000] =	vst v63  }
0x1b0: {  	s21 =	simm.s32 $0x12000;
	v3 =	vadd.s32 v1, v3  }
0x1b1: {  	[tilespmem:s21], [sflag:$0x2] =	stream.indirect_vreg.gather [hbm4b:s6+s3], $0x80, v4, vm0, $0xb8;
	[tilespmem:$0x19000] =	vst v63  }
0x1b2: {  	s13 =	simm.s32 $0x12800  }
0x1b3: {  	[tilespmem:s13], [sflag:$0x2] =	stream.indirect_vreg.gather [hbm4b:s7+s3], $0x80, v4, vm0, $0xb8;
	[tilespmem:$0x19000] =	vst v63  }
0x1b4: {  	s13 =	simm.s32 $0x13000  }
0x1b5: {  	[tilespmem:s13], [sflag:$0x2] =	stream.indirect_vreg.gather [hbm4b:s2+s3], $0x80, v3, vm0, $0xb8;
	[tilespmem:$0x19000] =	vst v63  }
0x1b6: {  	s13 =	simm.s32 $0x13800  }
0x1b7: {  	[tilespmem:s13], [sflag:$0x2] =	stream.indirect_vreg.gather [hbm4b:s5+s3], $0x80, v3, vm0, $0xb8;
	[tilespmem:$0x19000] =	vst v63  }
0x1b8: {  	s13 =	simm.s32 $0x14000  }
0x1b9: {  	[tilespmem:s13], [sflag:$0x2] =	stream.indirect_vreg.gather [hbm4b:s6+s3], $0x80, v3, vm0, $0xb8;
	[tilespmem:$0x19000] =	vst v63  }
0x1ba: {  	s13 =	simm.s32 $0x14800  }
0x1bb: {  	[tilespmem:s13], [sflag:$0x2] =	stream.indirect_vreg.gather [hbm4b:s7+s3], $0x80, v3, vm0, $0xb8;
	[tilespmem:$0x19000] =	vst v63  }
0x1bc: {  	v3 =	vld [tilespmem:$0x2A0];
	_ =	sdelay $0x4  }
0x1bd: {  	v41 =	vshll.u32 v3, $0x3  }
0x1be: {  	v3 =	vand.u32 $0x7, v3;
	v4 =	vand.u32 $0xFFFFFFC0, v41  }
0x1bf: {  	v3 =	vor.u32 v3, v4  }
0x1c0: {  	v4 =	vperm.xlane v3, v0;
	_ =	sdelay $0x1  }
0x1c1: {  	v4 =	vadd.s32 v1, v4;
	_ =	sdelay $0x3  }
0x1c2: {  	s13 =	simm.s32 $0x15000  }
0x1c3: {  	[tilespmem:s13], [sflag:$0x2] =	stream.indirect_vreg.gather [hbm4b:s2+s3], $0x80, v4, vm0, $0xb8;
	[tilespmem:$0x19000] =	vst v63  }
0x1c4: {  	v3 =	vperm.xlane v3, v2;
	s13 =	simm.s32 $0x15800  }
0x1c5: {  	[tilespmem:s13], [sflag:$0x2] =	stream.indirect_vreg.gather [hbm4b:s5+s3], $0x80, v4, vm0, $0xb8;
	[tilespmem:$0x19000] =	vst v63  }
0x1c6: {  	v3 =	vadd.s32 v1, v3;
	s13 =	simm.s32 $0x16000  }
0x1c7: {  	[tilespmem:s13], [sflag:$0x2] =	stream.indirect_vreg.gather [hbm4b:s6+s3], $0x80, v4, vm0, $0xb8;
	[tilespmem:$0x19000] =	vst v63  }
0x1c8: {  	s13 =	simm.s32 $0x16800  }
0x1c9: {  	[tilespmem:s13], [sflag:$0x2] =	stream.indirect_vreg.gather [hbm4b:s7+s3], $0x80, v4, vm0, $0xb8;
	[tilespmem:$0x19000] =	vst v63  }
0x1ca: {  	s13 =	simm.s32 $0x17000  }
0x1cb: {  	[tilespmem:s13], [sflag:$0x2] =	stream.indirect_vreg.gather [hbm4b:s2+s3], $0x80, v3, vm0, $0xb8;
	[tilespmem:$0x19000] =	vst v63  }
0x1cc: {  	s13 =	simm.s32 $0x17800  }
0x1cd: {  	[tilespmem:s13], [sflag:$0x2] =	stream.indirect_vreg.gather [hbm4b:s5+s3], $0x80, v3, vm0, $0xb8;
	[tilespmem:$0x19000] =	vst v63  }
0x1ce: {  	s13 =	simm.s32 $0x18000  }
0x1cf: {  	[tilespmem:s13], [sflag:$0x2] =	stream.indirect_vreg.gather [hbm4b:s6+s3], $0x80, v3, vm0, $0xb8;
	[tilespmem:$0x19000] =	vst v63  }
0x1d0: {  	s13 =	simm.s32 $0x18800  }
0x1d1: {  	[tilespmem:s13], [sflag:$0x2] =	stream.indirect_vreg.gather [hbm4b:s7+s3], $0x80, v3, vm0, $0xb8;
	[tilespmem:$0x19000] =	vst v63  }
0x1d2: {  	_ =	swait.ge [sflag:s4], $0xC000  }
0x1d3: {  	[sflag:s4] =	ssyncset.done $0x0  }
0x1d4: {  	s13 =	rddreg [dreg:$0x7];
	[sflag:s4] =	ssyncadd.s32 $0xFFFF4000  }
0x1d5: {  	[hbm4b:s13+s3] =	stream.linear.scatter [tilespmem:s18], [sflag:$0x3], $0xC000, $0x38;
	[tilespmem:$0x19000] =	vst v63  }
0x1d6: {  	_ =	swait.ge [sflag:s8], $0xC000  }
0x1d7: {  	[sflag:s8] =	ssyncset.done $0x0  }
0x1d8: {  	[sflag:s8] =	ssyncadd.s32 $0xFFFF4000  }
0x1d9: {  	v3 =	vld [tilespmem:$0x300];
	_ =	sdelay $0x4  }
0x1da: {  	v42 =	vshll.u32 v3, $0x3  }
0x1db: {  	v3 =	vand.u32 $0x7, v3;
	v4 =	vand.u32 $0xFFFFFFC0, v42  }
0x1dc: {  	v3 =	vor.u32 v3, v4  }
0x1dd: {  	v4 =	vperm.xlane v3, v0;
	_ =	sdelay $0x1  }
0x1de: {  	v4 =	vadd.s32 v1, v4;
	_ =	sdelay $0x4  }
0x1df: {  	[tilespmem:s18], [sflag:$0x1] =	stream.indirect_vreg.gather [hbm4b:s2+s3], $0x80, v4, vm0, $0xb8;
	[tilespmem:$0x19000] =	vst v63  }
0x1e0: {  	s13 =	simm.s32 $0x1800;
	v3 =	vperm.xlane v3, v2  }
0x1e1: {  	[tilespmem:s13], [sflag:$0x1] =	stream.indirect_vreg.gather [hbm4b:s5+s3], $0x80, v4, vm0, $0xb8;
	[tilespmem:$0x19000] =	vst v63  }
0x1e2: {  	s0 =	simm.s32 $0x2000;
	v3 =	vadd.s32 v1, v3  }
0x1e3: {  	[tilespmem:s0], [sflag:$0x1] =	stream.indirect_vreg.gather [hbm4b:s6+s3], $0x80, v4, vm0, $0xb8;
	[tilespmem:$0x19000] =	vst v63  }
0x1e4: {  	s1 =	simm.s32 $0x2800  }
0x1e5: {  	[tilespmem:s1], [sflag:$0x1] =	stream.indirect_vreg.gather [hbm4b:s7+s3], $0x80, v4, vm0, $0xb8;
	[tilespmem:$0x19000] =	vst v63  }
0x1e6: {  	s10 =	simm.s32 $0x3000  }
0x1e7: {  	[tilespmem:s10], [sflag:$0x1] =	stream.indirect_vreg.gather [hbm4b:s2+s3], $0x80, v3, vm0, $0xb8;
	[tilespmem:$0x19000] =	vst v63  }
0x1e8: {  	s22 =	simm.s32 $0x3800  }
0x1e9: {  	[tilespmem:s22], [sflag:$0x1] =	stream.indirect_vreg.gather [hbm4b:s5+s3], $0x80, v3, vm0, $0xb8;
	[tilespmem:$0x19000] =	vst v63  }
0x1ea: {  	s23 =	simm.s32 $0x4000  }
0x1eb: {  	[tilespmem:s23], [sflag:$0x1] =	stream.indirect_vreg.gather [hbm4b:s6+s3], $0x80, v3, vm0, $0xb8;
	[tilespmem:$0x19000] =	vst v63  }
0x1ec: {  	s22 =	simm.s32 $0x4800  }
0x1ed: {  	[tilespmem:s22], [sflag:$0x1] =	stream.indirect_vreg.gather [hbm4b:s7+s3], $0x80, v3, vm0, $0xb8;
	[tilespmem:$0x19000] =	vst v63  }
0x1ee: {  	v3 =	vld [tilespmem:$0x310];
	_ =	sdelay $0x4  }
0x1ef: {  	v43 =	vshll.u32 v3, $0x3  }
0x1f0: {  	v3 =	vand.u32 $0x7, v3;
	v4 =	vand.u32 $0xFFFFFFC0, v43  }
0x1f1: {  	v3 =	vor.u32 v3, v4  }
0x1f2: {  	v4 =	vperm.xlane v3, v0;
	_ =	sdelay $0x1  }
0x1f3: {  	v4 =	vadd.s32 v1, v4;
	_ =	sdelay $0x3  }
0x1f4: {  	s22 =	simm.s32 $0x5000  }
0x1f5: {  	[tilespmem:s22], [sflag:$0x1] =	stream.indirect_vreg.gather [hbm4b:s2+s3], $0x80, v4, vm0, $0xb8;
	[tilespmem:$0x19000] =	vst v63  }
0x1f6: {  	v3 =	vperm.xlane v3, v2;
	s22 =	simm.s32 $0x5800  }
0x1f7: {  	[tilespmem:s22], [sflag:$0x1] =	stream.indirect_vreg.gather [hbm4b:s5+s3], $0x80, v4, vm0, $0xb8;
	[tilespmem:$0x19000] =	vst v63  }
0x1f8: {  	s24 =	simm.s32 $0x6000;
	v3 =	vadd.s32 v1, v3  }
0x1f9: {  	[tilespmem:s24], [sflag:$0x1] =	stream.indirect_vreg.gather [hbm4b:s6+s3], $0x80, v4, vm0, $0xb8;
	[tilespmem:$0x19000] =	vst v63  }
0x1fa: {  	s25 =	simm.s32 $0x6800  }
0x1fb: {  	[tilespmem:s25], [sflag:$0x1] =	stream.indirect_vreg.gather [hbm4b:s7+s3], $0x80, v4, vm0, $0xb8;
	[tilespmem:$0x19000] =	vst v63  }
0x1fc: {  	s26 =	simm.s32 $0x7000  }
0x1fd: {  	[tilespmem:s26], [sflag:$0x1] =	stream.indirect_vreg.gather [hbm4b:s2+s3], $0x80, v3, vm0, $0xb8;
	[tilespmem:$0x19000] =	vst v63  }
0x1fe: {  	s28 =	simm.s32 $0x7800  }
0x1ff: {  	[tilespmem:s28], [sflag:$0x1] =	stream.indirect_vreg.gather [hbm4b:s5+s3], $0x80, v3, vm0, $0xb8;
	[tilespmem:$0x19000] =	vst v63  }
0x200: {  	s29 =	simm.s32 $0x8000  }
0x201: {  	[tilespmem:s29], [sflag:$0x1] =	stream.indirect_vreg.gather [hbm4b:s6+s3], $0x80, v3, vm0, $0xb8;
	[tilespmem:$0x19000] =	vst v63  }
0x202: {  	s22 =	simm.s32 $0x8800  }
0x203: {  	[tilespmem:s22], [sflag:$0x1] =	stream.indirect_vreg.gather [hbm4b:s7+s3], $0x80, v3, vm0, $0xb8;
	[tilespmem:$0x19000] =	vst v63  }
0x204: {  	v3 =	vld [tilespmem:$0x320];
	_ =	sdelay $0x4  }
0x205: {  	v44 =	vshll.u32 v3, $0x3  }
0x206: {  	v3 =	vand.u32 $0x7, v3;
	v4 =	vand.u32 $0xFFFFFFC0, v44  }
0x207: {  	v3 =	vor.u32 v3, v4  }
0x208: {  	v4 =	vperm.xlane v3, v0;
	_ =	sdelay $0x1  }
0x209: {  	v4 =	vadd.s32 v1, v4;
	_ =	sdelay $0x3  }
0x20a: {  	s22 =	simm.s32 $0x9000  }
0x20b: {  	[tilespmem:s22], [sflag:$0x1] =	stream.indirect_vreg.gather [hbm4b:s2+s3], $0x80, v4, vm0, $0xb8;
	[tilespmem:$0x19000] =	vst v63  }
0x20c: {  	v3 =	vperm.xlane v3, v2;
	s22 =	simm.s32 $0x9800  }
0x20d: {  	[tilespmem:s22], [sflag:$0x1] =	stream.indirect_vreg.gather [hbm4b:s5+s3], $0x80, v4, vm0, $0xb8;
	[tilespmem:$0x19000] =	vst v63  }
0x20e: {  	s17 =	simm.s32 $0xA000;
	v3 =	vadd.s32 v1, v3  }
0x20f: {  	[tilespmem:s17], [sflag:$0x1] =	stream.indirect_vreg.gather [hbm4b:s6+s3], $0x80, v4, vm0, $0xb8;
	[tilespmem:$0x19000] =	vst v63  }
0x210: {  	s31 =	simm.s32 $0xA800  }
0x211: {  	[tilespmem:s31], [sflag:$0x1] =	stream.indirect_vreg.gather [hbm4b:s7+s3], $0x80, v4, vm0, $0xb8;
	[tilespmem:$0x19000] =	vst v63  }
0x212: {  	s30 =	simm.s32 $0xB000  }
0x213: {  	[tilespmem:s30], [sflag:$0x1] =	stream.indirect_vreg.gather [hbm4b:s2+s3], $0x80, v3, vm0, $0xb8;
	[tilespmem:$0x19000] =	vst v63  }
0x214: {  	s14 =	simm.s32 $0xB800  }
0x215: {  	[tilespmem:s14], [sflag:$0x1] =	stream.indirect_vreg.gather [hbm4b:s5+s3], $0x80, v3, vm0, $0xb8;
	[tilespmem:$0x19000] =	vst v63  }
0x216: {  	s15 =	simm.s32 $0xC000  }
0x217: {  	[tilespmem:s15], [sflag:$0x1] =	stream.indirect_vreg.gather [hbm4b:s6+s3], $0x80, v3, vm0, $0xb8;
	[tilespmem:$0x19000] =	vst v63  }
0x218: {  	s15 =	simm.s32 $0xC800  }
0x219: {  	[tilespmem:s15], [sflag:$0x1] =	stream.indirect_vreg.gather [hbm4b:s7+s3], $0x80, v3, vm0, $0xb8;
	[tilespmem:$0x19000] =	vst v63  }
0x21a: {  	_ =	swait.ge [sflag:s11], $0xC000  }
0x21b: {  	[sflag:s11] =	ssyncset.done $0x0  }
0x21c: {  	s15 =	rddreg [dreg:$0x8];
	[sflag:s11] =	ssyncadd.s32 $0xFFFF4000  }
0x21d: {  	[hbm4b:s15+s3] =	stream.linear.scatter [tilespmem:s9], [sflag:$0x4], $0xC000, $0x38;
	[tilespmem:$0x19000] =	vst v63  }
0x21e: {  	_ =	swait.ge [sflag:s12], $0xC000  }
0x21f: {  	[sflag:s12] =	ssyncset.done $0x0  }
0x220: {  	[sflag:s12] =	ssyncadd.s32 $0xFFFF4000  }
0x221: {  	v3 =	vld [tilespmem:$0x380];
	_ =	sdelay $0x4  }
0x222: {  	v45 =	vshll.u32 v3, $0x3  }
0x223: {  	v3 =	vand.u32 $0x7, v3;
	v4 =	vand.u32 $0xFFFFFFC0, v45  }
0x224: {  	v3 =	vor.u32 v3, v4  }
0x225: {  	v4 =	vperm.xlane v3, v0;
	_ =	sdelay $0x1  }
0x226: {  	v4 =	vadd.s32 v1, v4;
	_ =	sdelay $0x4  }
0x227: {  	[tilespmem:s9], [sflag:$0x2] =	stream.indirect_vreg.gather [hbm4b:s2+s3], $0x80, v4, vm0, $0xb8;
	[tilespmem:$0x19000] =	vst v63  }
0x228: {  	s15 =	simm.s32 $0xD800;
	v3 =	vperm.xlane v3, v2  }
0x229: {  	[tilespmem:s15], [sflag:$0x2] =	stream.indirect_vreg.gather [hbm4b:s5+s3], $0x80, v4, vm0, $0xb8;
	[tilespmem:$0x19000] =	vst v63  }
0x22a: {  	s16 =	simm.s32 $0xE000;
	v3 =	vadd.s32 v1, v3  }
0x22b: {  	[tilespmem:s16], [sflag:$0x2] =	stream.indirect_vreg.gather [hbm4b:s6+s3], $0x80, v4, vm0, $0xb8;
	[tilespmem:$0x19000] =	vst v63  }
0x22c: {  	s19 =	simm.s32 $0xE800  }
0x22d: {  	[tilespmem:s19], [sflag:$0x2] =	stream.indirect_vreg.gather [hbm4b:s7+s3], $0x80, v4, vm0, $0xb8;
	[tilespmem:$0x19000] =	vst v63  }
0x22e: {  	s20 =	simm.s32 $0xF000  }
0x22f: {  	[tilespmem:s20], [sflag:$0x2] =	stream.indirect_vreg.gather [hbm4b:s2+s3], $0x80, v3, vm0, $0xb8;
	[tilespmem:$0x19000] =	vst v63  }
0x230: {  	s20 =	simm.s32 $0xF800  }
0x231: {  	[tilespmem:s20], [sflag:$0x2] =	stream.indirect_vreg.gather [hbm4b:s5+s3], $0x80, v3, vm0, $0xb8;
	[tilespmem:$0x19000] =	vst v63  }
0x232: {  	s13 =	simm.s32 $0x10000  }
0x233: {  	[tilespmem:s13], [sflag:$0x2] =	stream.indirect_vreg.gather [hbm4b:s6+s3], $0x80, v3, vm0, $0xb8;
	[tilespmem:$0x19000] =	vst v63  }
0x234: {  	s13 =	simm.s32 $0x10800  }
0x235: {  	[tilespmem:s13], [sflag:$0x2] =	stream.indirect_vreg.gather [hbm4b:s7+s3], $0x80, v3, vm0, $0xb8;
	[tilespmem:$0x19000] =	vst v63  }
0x236: {  	v3 =	vld [tilespmem:$0x390];
	_ =	sdelay $0x4  }
0x237: {  	v46 =	vshll.u32 v3, $0x3  }
0x238: {  	v3 =	vand.u32 $0x7, v3;
	v4 =	vand.u32 $0xFFFFFFC0, v46  }
0x239: {  	v3 =	vor.u32 v3, v4  }
0x23a: {  	v4 =	vperm.xlane v3, v0;
	_ =	sdelay $0x1  }
0x23b: {  	v4 =	vadd.s32 v1, v4;
	_ =	sdelay $0x3  }
0x23c: {  	s13 =	simm.s32 $0x11000  }
0x23d: {  	[tilespmem:s13], [sflag:$0x2] =	stream.indirect_vreg.gather [hbm4b:s2+s3], $0x80, v4, vm0, $0xb8;
	[tilespmem:$0x19000] =	vst v63  }
0x23e: {  	v3 =	vperm.xlane v3, v2;
	s13 =	simm.s32 $0x11800  }
0x23f: {  	[tilespmem:s13], [sflag:$0x2] =	stream.indirect_vreg.gather [hbm4b:s5+s3], $0x80, v4, vm0, $0xb8;
	[tilespmem:$0x19000] =	vst v63  }
0x240: {  	s21 =	simm.s32 $0x12000;
	v3 =	vadd.s32 v1, v3  }
0x241: {  	[tilespmem:s21], [sflag:$0x2] =	stream.indirect_vreg.gather [hbm4b:s6+s3], $0x80, v4, vm0, $0xb8;
	[tilespmem:$0x19000] =	vst v63  }
0x242: {  	s13 =	simm.s32 $0x12800  }
0x243: {  	[tilespmem:s13], [sflag:$0x2] =	stream.indirect_vreg.gather [hbm4b:s7+s3], $0x80, v4, vm0, $0xb8;
	[tilespmem:$0x19000] =	vst v63  }
0x244: {  	s13 =	simm.s32 $0x13000  }
0x245: {  	[tilespmem:s13], [sflag:$0x2] =	stream.indirect_vreg.gather [hbm4b:s2+s3], $0x80, v3, vm0, $0xb8;
	[tilespmem:$0x19000] =	vst v63  }
0x246: {  	s13 =	simm.s32 $0x13800  }
0x247: {  	[tilespmem:s13], [sflag:$0x2] =	stream.indirect_vreg.gather [hbm4b:s5+s3], $0x80, v3, vm0, $0xb8;
	[tilespmem:$0x19000] =	vst v63  }
0x248: {  	s13 =	simm.s32 $0x14000  }
0x249: {  	[tilespmem:s13], [sflag:$0x2] =	stream.indirect_vreg.gather [hbm4b:s6+s3], $0x80, v3, vm0, $0xb8;
	[tilespmem:$0x19000] =	vst v63  }
0x24a: {  	s13 =	simm.s32 $0x14800  }
0x24b: {  	[tilespmem:s13], [sflag:$0x2] =	stream.indirect_vreg.gather [hbm4b:s7+s3], $0x80, v3, vm0, $0xb8;
	[tilespmem:$0x19000] =	vst v63  }
0x24c: {  	v3 =	vld [tilespmem:$0x3A0];
	_ =	sdelay $0x4  }
0x24d: {  	v47 =	vshll.u32 v3, $0x3  }
0x24e: {  	v3 =	vand.u32 $0x7, v3;
	v4 =	vand.u32 $0xFFFFFFC0, v47  }
0x24f: {  	v3 =	vor.u32 v3, v4  }
0x250: {  	v4 =	vperm.xlane v3, v0;
	_ =	sdelay $0x1  }
0x251: {  	v4 =	vadd.s32 v1, v4;
	_ =	sdelay $0x3  }
0x252: {  	s13 =	simm.s32 $0x15000  }
0x253: {  	[tilespmem:s13], [sflag:$0x2] =	stream.indirect_vreg.gather [hbm4b:s2+s3], $0x80, v4, vm0, $0xb8;
	[tilespmem:$0x19000] =	vst v63  }
0x254: {  	v3 =	vperm.xlane v3, v2;
	s13 =	simm.s32 $0x15800  }
0x255: {  	[tilespmem:s13], [sflag:$0x2] =	stream.indirect_vreg.gather [hbm4b:s5+s3], $0x80, v4, vm0, $0xb8;
	[tilespmem:$0x19000] =	vst v63  }
0x256: {  	v3 =	vadd.s32 v1, v3;
	s13 =	simm.s32 $0x16000  }
0x257: {  	[tilespmem:s13], [sflag:$0x2] =	stream.indirect_vreg.gather [hbm4b:s6+s3], $0x80, v4, vm0, $0xb8;
	[tilespmem:$0x19000] =	vst v63  }
0x258: {  	s13 =	simm.s32 $0x16800  }
0x259: {  	[tilespmem:s13], [sflag:$0x2] =	stream.indirect_vreg.gather [hbm4b:s7+s3], $0x80, v4, vm0, $0xb8;
	[tilespmem:$0x19000] =	vst v63  }
0x25a: {  	s13 =	simm.s32 $0x17000  }
0x25b: {  	[tilespmem:s13], [sflag:$0x2] =	stream.indirect_vreg.gather [hbm4b:s2+s3], $0x80, v3, vm0, $0xb8;
	[tilespmem:$0x19000] =	vst v63  }
0x25c: {  	s13 =	simm.s32 $0x17800  }
0x25d: {  	[tilespmem:s13], [sflag:$0x2] =	stream.indirect_vreg.gather [hbm4b:s5+s3], $0x80, v3, vm0, $0xb8;
	[tilespmem:$0x19000] =	vst v63  }
0x25e: {  	s13 =	simm.s32 $0x18000  }
0x25f: {  	[tilespmem:s13], [sflag:$0x2] =	stream.indirect_vreg.gather [hbm4b:s6+s3], $0x80, v3, vm0, $0xb8;
	[tilespmem:$0x19000] =	vst v63  }
0x260: {  	s13 =	simm.s32 $0x18800  }
0x261: {  	[tilespmem:s13], [sflag:$0x2] =	stream.indirect_vreg.gather [hbm4b:s7+s3], $0x80, v3, vm0, $0xb8;
	[tilespmem:$0x19000] =	vst v63  }
0x262: {  	_ =	swait.ge [sflag:s4], $0xC000  }
0x263: {  	[sflag:s4] =	ssyncset.done $0x0  }
0x264: {  	s13 =	rddreg [dreg:$0x9];
	[sflag:s4] =	ssyncadd.s32 $0xFFFF4000  }
0x265: {  	[hbm4b:s13+s3] =	stream.linear.scatter [tilespmem:s18], [sflag:$0x3], $0xC000, $0x38;
	[tilespmem:$0x19000] =	vst v63  }
0x266: {  	_ =	swait.ge [sflag:s8], $0xC000  }
0x267: {  	[sflag:s8] =	ssyncset.done $0x0  }
0x268: {  	[sflag:s8] =	ssyncadd.s32 $0xFFFF4000  }
0x269: {  	v3 =	vld [tilespmem:$0x400];
	_ =	sdelay $0x4  }
0x26a: {  	v48 =	vshll.u32 v3, $0x3  }
0x26b: {  	v3 =	vand.u32 $0x7, v3;
	v4 =	vand.u32 $0xFFFFFFC0, v48  }
0x26c: {  	v3 =	vor.u32 v3, v4  }
0x26d: {  	v4 =	vperm.xlane v3, v0;
	_ =	sdelay $0x1  }
0x26e: {  	v4 =	vadd.s32 v1, v4;
	_ =	sdelay $0x4  }
0x26f: {  	[tilespmem:s18], [sflag:$0x1] =	stream.indirect_vreg.gather [hbm4b:s2+s3], $0x80, v4, vm0, $0xb8;
	[tilespmem:$0x19000] =	vst v63  }
0x270: {  	s13 =	simm.s32 $0x1800;
	v3 =	vperm.xlane v3, v2  }
0x271: {  	[tilespmem:s13], [sflag:$0x1] =	stream.indirect_vreg.gather [hbm4b:s5+s3], $0x80, v4, vm0, $0xb8;
	[tilespmem:$0x19000] =	vst v63  }
0x272: {  	v3 =	vadd.s32 v1, v3;
	s13 =	simm.s32 $0x2000  }
0x273: {  	[tilespmem:s13], [sflag:$0x1] =	stream.indirect_vreg.gather [hbm4b:s6+s3], $0x80, v4, vm0, $0xb8;
	[tilespmem:$0x19000] =	vst v63  }
0x274: {  	s1 =	simm.s32 $0x2800  }
0x275: {  	[tilespmem:s1], [sflag:$0x1] =	stream.indirect_vreg.gather [hbm4b:s7+s3], $0x80, v4, vm0, $0xb8;
	[tilespmem:$0x19000] =	vst v63  }
0x276: {  	s10 =	simm.s32 $0x3000  }
0x277: {  	[tilespmem:s10], [sflag:$0x1] =	stream.indirect_vreg.gather [hbm4b:s2+s3], $0x80, v3, vm0, $0xb8;
	[tilespmem:$0x19000] =	vst v63  }
0x278: {  	s0 =	simm.s32 $0x3800  }
0x279: {  	[tilespmem:s0], [sflag:$0x1] =	stream.indirect_vreg.gather [hbm4b:s5+s3], $0x80, v3, vm0, $0xb8;
	[tilespmem:$0x19000] =	vst v63  }
0x27a: {  	s23 =	simm.s32 $0x4000  }
0x27b: {  	[tilespmem:s23], [sflag:$0x1] =	stream.indirect_vreg.gather [hbm4b:s6+s3], $0x80, v3, vm0, $0xb8;
	[tilespmem:$0x19000] =	vst v63  }
0x27c: {  	s13 =	simm.s32 $0x4800  }
0x27d: {  	[tilespmem:s13], [sflag:$0x1] =	stream.indirect_vreg.gather [hbm4b:s7+s3], $0x80, v3, vm0, $0xb8;
	[tilespmem:$0x19000] =	vst v63  }
0x27e: {  	v3 =	vld [tilespmem:$0x410];
	_ =	sdelay $0x4  }
0x27f: {  	v49 =	vshll.u32 v3, $0x3  }
0x280: {  	v3 =	vand.u32 $0x7, v3;
	v4 =	vand.u32 $0xFFFFFFC0, v49  }
0x281: {  	v3 =	vor.u32 v3, v4  }
0x282: {  	v4 =	vperm.xlane v3, v0;
	_ =	sdelay $0x1  }
0x283: {  	v4 =	vadd.s32 v1, v4;
	_ =	sdelay $0x3  }
0x284: {  	s13 =	simm.s32 $0x5000  }
0x285: {  	[tilespmem:s13], [sflag:$0x1] =	stream.indirect_vreg.gather [hbm4b:s2+s3], $0x80, v4, vm0, $0xb8;
	[tilespmem:$0x19000] =	vst v63  }
0x286: {  	v3 =	vperm.xlane v3, v2;
	s13 =	simm.s32 $0x5800  }
0x287: {  	[tilespmem:s13], [sflag:$0x1] =	stream.indirect_vreg.gather [hbm4b:s5+s3], $0x80, v4, vm0, $0xb8;
	[tilespmem:$0x19000] =	vst v63  }
0x288: {  	s24 =	simm.s32 $0x6000;
	v3 =	vadd.s32 v1, v3  }
0x289: {  	[tilespmem:s24], [sflag:$0x1] =	stream.indirect_vreg.gather [hbm4b:s6+s3], $0x80, v4, vm0, $0xb8;
	[tilespmem:$0x19000] =	vst v63  }
0x28a: {  	s25 =	simm.s32 $0x6800  }
0x28b: {  	[tilespmem:s25], [sflag:$0x1] =	stream.indirect_vreg.gather [hbm4b:s7+s3], $0x80, v4, vm0, $0xb8;
	[tilespmem:$0x19000] =	vst v63  }
0x28c: {  	s26 =	simm.s32 $0x7000  }
0x28d: {  	[tilespmem:s26], [sflag:$0x1] =	stream.indirect_vreg.gather [hbm4b:s2+s3], $0x80, v3, vm0, $0xb8;
	[tilespmem:$0x19000] =	vst v63  }
0x28e: {  	s28 =	simm.s32 $0x7800  }
0x28f: {  	[tilespmem:s28], [sflag:$0x1] =	stream.indirect_vreg.gather [hbm4b:s5+s3], $0x80, v3, vm0, $0xb8;
	[tilespmem:$0x19000] =	vst v63  }
0x290: {  	s29 =	simm.s32 $0x8000  }
0x291: {  	[tilespmem:s29], [sflag:$0x1] =	stream.indirect_vreg.gather [hbm4b:s6+s3], $0x80, v3, vm0, $0xb8;
	[tilespmem:$0x19000] =	vst v63  }
0x292: {  	s13 =	simm.s32 $0x8800  }
0x293: {  	[tilespmem:s13], [sflag:$0x1] =	stream.indirect_vreg.gather [hbm4b:s7+s3], $0x80, v3, vm0, $0xb8;
	[tilespmem:$0x19000] =	vst v63  }
0x294: {  	v3 =	vld [tilespmem:$0x420];
	_ =	sdelay $0x4  }
0x295: {  	v50 =	vshll.u32 v3, $0x3  }
0x296: {  	v3 =	vand.u32 $0x7, v3;
	v4 =	vand.u32 $0xFFFFFFC0, v50  }
0x297: {  	v3 =	vor.u32 v3, v4  }
0x298: {  	v4 =	vperm.xlane v3, v0;
	_ =	sdelay $0x1  }
0x299: {  	v4 =	vadd.s32 v1, v4;
	_ =	sdelay $0x3  }
0x29a: {  	s13 =	simm.s32 $0x9000  }
0x29b: {  	[tilespmem:s13], [sflag:$0x1] =	stream.indirect_vreg.gather [hbm4b:s2+s3], $0x80, v4, vm0, $0xb8;
	[tilespmem:$0x19000] =	vst v63  }
0x29c: {  	s22 =	simm.s32 $0x9800;
	v3 =	vperm.xlane v3, v2  }
0x29d: {  	[tilespmem:s22], [sflag:$0x1] =	stream.indirect_vreg.gather [hbm4b:s5+s3], $0x80, v4, vm0, $0xb8;
	[tilespmem:$0x19000] =	vst v63  }
0x29e: {  	s17 =	simm.s32 $0xA000;
	v3 =	vadd.s32 v1, v3  }
0x29f: {  	[tilespmem:s17], [sflag:$0x1] =	stream.indirect_vreg.gather [hbm4b:s6+s3], $0x80, v4, vm0, $0xb8;
	[tilespmem:$0x19000] =	vst v63  }
0x2a0: {  	s31 =	simm.s32 $0xA800  }
0x2a1: {  	[tilespmem:s31], [sflag:$0x1] =	stream.indirect_vreg.gather [hbm4b:s7+s3], $0x80, v4, vm0, $0xb8;
	[tilespmem:$0x19000] =	vst v63  }
0x2a2: {  	s13 =	simm.s32 $0xB000  }
0x2a3: {  	[tilespmem:s13], [sflag:$0x1] =	stream.indirect_vreg.gather [hbm4b:s2+s3], $0x80, v3, vm0, $0xb8;
	[tilespmem:$0x19000] =	vst v63  }
0x2a4: {  	s30 =	simm.s32 $0xB800  }
0x2a5: {  	[tilespmem:s30], [sflag:$0x1] =	stream.indirect_vreg.gather [hbm4b:s5+s3], $0x80, v3, vm0, $0xb8;
	[tilespmem:$0x19000] =	vst v63  }
0x2a6: {  	s14 =	simm.s32 $0xC000  }
0x2a7: {  	[tilespmem:s14], [sflag:$0x1] =	stream.indirect_vreg.gather [hbm4b:s6+s3], $0x80, v3, vm0, $0xb8;
	[tilespmem:$0x19000] =	vst v63  }
0x2a8: {  	s14 =	simm.s32 $0xC800  }
0x2a9: {  	[tilespmem:s14], [sflag:$0x1] =	stream.indirect_vreg.gather [hbm4b:s7+s3], $0x80, v3, vm0, $0xb8;
	[tilespmem:$0x19000] =	vst v63  }
0x2aa: {  	_ =	swait.ge [sflag:s11], $0xC000  }
0x2ab: {  	[sflag:s11] =	ssyncset.done $0x0  }
0x2ac: {  	s14 =	rddreg [dreg:$0xa];
	[sflag:s11] =	ssyncadd.s32 $0xFFFF4000  }
0x2ad: {  	[hbm4b:s14+s3] =	stream.linear.scatter [tilespmem:s9], [sflag:$0x4], $0xC000, $0x38;
	[tilespmem:$0x19000] =	vst v63  }
0x2ae: {  	_ =	swait.ge [sflag:s12], $0xC000  }
0x2af: {  	[sflag:s12] =	ssyncset.done $0x0  }
0x2b0: {  	[sflag:s12] =	ssyncadd.s32 $0xFFFF4000  }
0x2b1: {  	v3 =	vld [tilespmem:$0x480];
	_ =	sdelay $0x4  }
0x2b2: {  	v51 =	vshll.u32 v3, $0x3  }
0x2b3: {  	v3 =	vand.u32 $0x7, v3;
	v4 =	vand.u32 $0xFFFFFFC0, v51  }
0x2b4: {  	v3 =	vor.u32 v3, v4  }
0x2b5: {  	v4 =	vperm.xlane v3, v0;
	_ =	sdelay $0x1  }
0x2b6: {  	v4 =	vadd.s32 v1, v4;
	_ =	sdelay $0x4  }
0x2b7: {  	[tilespmem:s9], [sflag:$0x2] =	stream.indirect_vreg.gather [hbm4b:s2+s3], $0x80, v4, vm0, $0xb8;
	[tilespmem:$0x19000] =	vst v63  }
0x2b8: {  	s14 =	simm.s32 $0xD800;
	v3 =	vperm.xlane v3, v2  }
0x2b9: {  	[tilespmem:s14], [sflag:$0x2] =	stream.indirect_vreg.gather [hbm4b:s5+s3], $0x80, v4, vm0, $0xb8;
	[tilespmem:$0x19000] =	vst v63  }
0x2ba: {  	s15 =	simm.s32 $0xE000;
	v3 =	vadd.s32 v1, v3  }
0x2bb: {  	[tilespmem:s15], [sflag:$0x2] =	stream.indirect_vreg.gather [hbm4b:s6+s3], $0x80, v4, vm0, $0xb8;
	[tilespmem:$0x19000] =	vst v63  }
0x2bc: {  	s16 =	simm.s32 $0xE800  }
0x2bd: {  	[tilespmem:s16], [sflag:$0x2] =	stream.indirect_vreg.gather [hbm4b:s7+s3], $0x80, v4, vm0, $0xb8;
	[tilespmem:$0x19000] =	vst v63  }
0x2be: {  	s19 =	simm.s32 $0xF000  }
0x2bf: {  	[tilespmem:s19], [sflag:$0x2] =	stream.indirect_vreg.gather [hbm4b:s2+s3], $0x80, v3, vm0, $0xb8;
	[tilespmem:$0x19000] =	vst v63  }
0x2c0: {  	s20 =	simm.s32 $0xF800  }
0x2c1: {  	[tilespmem:s20], [sflag:$0x2] =	stream.indirect_vreg.gather [hbm4b:s5+s3], $0x80, v3, vm0, $0xb8;
	[tilespmem:$0x19000] =	vst v63  }
0x2c2: {  	s20 =	simm.s32 $0x10000  }
0x2c3: {  	[tilespmem:s20], [sflag:$0x2] =	stream.indirect_vreg.gather [hbm4b:s6+s3], $0x80, v3, vm0, $0xb8;
	[tilespmem:$0x19000] =	vst v63  }
0x2c4: {  	s13 =	simm.s32 $0x10800  }
0x2c5: {  	[tilespmem:s13], [sflag:$0x2] =	stream.indirect_vreg.gather [hbm4b:s7+s3], $0x80, v3, vm0, $0xb8;
	[tilespmem:$0x19000] =	vst v63  }
0x2c6: {  	v3 =	vld [tilespmem:$0x490];
	_ =	sdelay $0x4  }
0x2c7: {  	v52 =	vshll.u32 v3, $0x3  }
0x2c8: {  	v3 =	vand.u32 $0x7, v3;
	v4 =	vand.u32 $0xFFFFFFC0, v52  }
0x2c9: {  	v3 =	vor.u32 v3, v4  }
0x2ca: {  	v4 =	vperm.xlane v3, v0;
	_ =	sdelay $0x1  }
0x2cb: {  	v4 =	vadd.s32 v1, v4;
	_ =	sdelay $0x3  }
0x2cc: {  	s13 =	simm.s32 $0x11000  }
0x2cd: {  	[tilespmem:s13], [sflag:$0x2] =	stream.indirect_vreg.gather [hbm4b:s2+s3], $0x80, v4, vm0, $0xb8;
	[tilespmem:$0x19000] =	vst v63  }
0x2ce: {  	v3 =	vperm.xlane v3, v2;
	s13 =	simm.s32 $0x11800  }
0x2cf: {  	[tilespmem:s13], [sflag:$0x2] =	stream.indirect_vreg.gather [hbm4b:s5+s3], $0x80, v4, vm0, $0xb8;
	[tilespmem:$0x19000] =	vst v63  }
0x2d0: {  	s21 =	simm.s32 $0x12000;
	v3 =	vadd.s32 v1, v3  }
0x2d1: {  	[tilespmem:s21], [sflag:$0x2] =	stream.indirect_vreg.gather [hbm4b:s6+s3], $0x80, v4, vm0, $0xb8;
	[tilespmem:$0x19000] =	vst v63  }
0x2d2: {  	s13 =	simm.s32 $0x12800  }
0x2d3: {  	[tilespmem:s13], [sflag:$0x2] =	stream.indirect_vreg.gather [hbm4b:s7+s3], $0x80, v4, vm0, $0xb8;
	[tilespmem:$0x19000] =	vst v63  }
0x2d4: {  	s13 =	simm.s32 $0x13000  }
0x2d5: {  	[tilespmem:s13], [sflag:$0x2] =	stream.indirect_vreg.gather [hbm4b:s2+s3], $0x80, v3, vm0, $0xb8;
	[tilespmem:$0x19000] =	vst v63  }
0x2d6: {  	s13 =	simm.s32 $0x13800  }
0x2d7: {  	[tilespmem:s13], [sflag:$0x2] =	stream.indirect_vreg.gather [hbm4b:s5+s3], $0x80, v3, vm0, $0xb8;
	[tilespmem:$0x19000] =	vst v63  }
0x2d8: {  	s13 =	simm.s32 $0x14000  }
0x2d9: {  	[tilespmem:s13], [sflag:$0x2] =	stream.indirect_vreg.gather [hbm4b:s6+s3], $0x80, v3, vm0, $0xb8;
	[tilespmem:$0x19000] =	vst v63  }
0x2da: {  	s13 =	simm.s32 $0x14800  }
0x2db: {  	[tilespmem:s13], [sflag:$0x2] =	stream.indirect_vreg.gather [hbm4b:s7+s3], $0x80, v3, vm0, $0xb8;
	[tilespmem:$0x19000] =	vst v63  }
0x2dc: {  	v3 =	vld [tilespmem:$0x4A0];
	_ =	sdelay $0x4  }
0x2dd: {  	v53 =	vshll.u32 v3, $0x3  }
0x2de: {  	v3 =	vand.u32 $0x7, v3;
	v4 =	vand.u32 $0xFFFFFFC0, v53  }
0x2df: {  	v3 =	vor.u32 v3, v4  }
0x2e0: {  	v4 =	vperm.xlane v3, v0;
	_ =	sdelay $0x1  }
0x2e1: {  	v4 =	vadd.s32 v1, v4;
	_ =	sdelay $0x3  }
0x2e2: {  	s13 =	simm.s32 $0x15000  }
0x2e3: {  	[tilespmem:s13], [sflag:$0x2] =	stream.indirect_vreg.gather [hbm4b:s2+s3], $0x80, v4, vm0, $0xb8;
	[tilespmem:$0x19000] =	vst v63  }
0x2e4: {  	v3 =	vperm.xlane v3, v2;
	s13 =	simm.s32 $0x15800  }
0x2e5: {  	[tilespmem:s13], [sflag:$0x2] =	stream.indirect_vreg.gather [hbm4b:s5+s3], $0x80, v4, vm0, $0xb8;
	[tilespmem:$0x19000] =	vst v63  }
0x2e6: {  	v3 =	vadd.s32 v1, v3;
	s13 =	simm.s32 $0x16000  }
0x2e7: {  	[tilespmem:s13], [sflag:$0x2] =	stream.indirect_vreg.gather [hbm4b:s6+s3], $0x80, v4, vm0, $0xb8;
	[tilespmem:$0x19000] =	vst v63  }
0x2e8: {  	s13 =	simm.s32 $0x16800  }
0x2e9: {  	[tilespmem:s13], [sflag:$0x2] =	stream.indirect_vreg.gather [hbm4b:s7+s3], $0x80, v4, vm0, $0xb8;
	[tilespmem:$0x19000] =	vst v63  }
0x2ea: {  	s13 =	simm.s32 $0x17000  }
0x2eb: {  	[tilespmem:s13], [sflag:$0x2] =	stream.indirect_vreg.gather [hbm4b:s2+s3], $0x80, v3, vm0, $0xb8;
	[tilespmem:$0x19000] =	vst v63  }
0x2ec: {  	s13 =	simm.s32 $0x17800  }
0x2ed: {  	[tilespmem:s13], [sflag:$0x2] =	stream.indirect_vreg.gather [hbm4b:s5+s3], $0x80, v3, vm0, $0xb8;
	[tilespmem:$0x19000] =	vst v63  }
0x2ee: {  	s13 =	simm.s32 $0x18000  }
0x2ef: {  	[tilespmem:s13], [sflag:$0x2] =	stream.indirect_vreg.gather [hbm4b:s6+s3], $0x80, v3, vm0, $0xb8;
	[tilespmem:$0x19000] =	vst v63  }
0x2f0: {  	s13 =	simm.s32 $0x18800  }
0x2f1: {  	[tilespmem:s13], [sflag:$0x2] =	stream.indirect_vreg.gather [hbm4b:s7+s3], $0x80, v3, vm0, $0xb8;
	[tilespmem:$0x19000] =	vst v63  }
0x2f2: {  	_ =	swait.ge [sflag:s4], $0xC000  }
0x2f3: {  	[sflag:s4] =	ssyncset.done $0x0  }
0x2f4: {  	s13 =	rddreg [dreg:$0xb];
	[sflag:s4] =	ssyncadd.s32 $0xFFFF4000  }
0x2f5: {  	[hbm4b:s13+s3] =	stream.linear.scatter [tilespmem:s18], [sflag:$0x3], $0xC000, $0x38;
	[tilespmem:$0x19000] =	vst v63  }
0x2f6: {  	_ =	swait.ge [sflag:s8], $0xC000  }
0x2f7: {  	[sflag:s8] =	ssyncset.done $0x0  }
0x2f8: {  	[sflag:s8] =	ssyncadd.s32 $0xFFFF4000  }
0x2f9: {  	v3 =	vld [tilespmem:$0x500];
	_ =	sdelay $0x4  }
0x2fa: {  	v54 =	vshll.u32 v3, $0x3  }
0x2fb: {  	v3 =	vand.u32 $0x7, v3;
	v4 =	vand.u32 $0xFFFFFFC0, v54  }
0x2fc: {  	v3 =	vor.u32 v3, v4  }
0x2fd: {  	v4 =	vperm.xlane v3, v0;
	_ =	sdelay $0x1  }
0x2fe: {  	v4 =	vadd.s32 v1, v4;
	_ =	sdelay $0x4  }
0x2ff: {  	[tilespmem:s18], [sflag:$0x1] =	stream.indirect_vreg.gather [hbm4b:s2+s3], $0x80, v4, vm0, $0xb8;
	[tilespmem:$0x19000] =	vst v63  }
0x300: {  	s13 =	simm.s32 $0x1800;
	v3 =	vperm.xlane v3, v2  }
0x301: {  	[tilespmem:s13], [sflag:$0x1] =	stream.indirect_vreg.gather [hbm4b:s5+s3], $0x80, v4, vm0, $0xb8;
	[tilespmem:$0x19000] =	vst v63  }
0x302: {  	v3 =	vadd.s32 v1, v3;
	s13 =	simm.s32 $0x2000  }
0x303: {  	[tilespmem:s13], [sflag:$0x1] =	stream.indirect_vreg.gather [hbm4b:s6+s3], $0x80, v4, vm0, $0xb8;
	[tilespmem:$0x19000] =	vst v63  }
0x304: {  	s13 =	simm.s32 $0x2800  }
0x305: {  	[tilespmem:s13], [sflag:$0x1] =	stream.indirect_vreg.gather [hbm4b:s7+s3], $0x80, v4, vm0, $0xb8;
	[tilespmem:$0x19000] =	vst v63  }
0x306: {  	s10 =	simm.s32 $0x3000  }
0x307: {  	[tilespmem:s10], [sflag:$0x1] =	stream.indirect_vreg.gather [hbm4b:s2+s3], $0x80, v3, vm0, $0xb8;
	[tilespmem:$0x19000] =	vst v63  }
0x308: {  	s1 =	simm.s32 $0x3800  }
0x309: {  	[tilespmem:s1], [sflag:$0x1] =	stream.indirect_vreg.gather [hbm4b:s5+s3], $0x80, v3, vm0, $0xb8;
	[tilespmem:$0x19000] =	vst v63  }
0x30a: {  	s23 =	simm.s32 $0x4000  }
0x30b: {  	[tilespmem:s23], [sflag:$0x1] =	stream.indirect_vreg.gather [hbm4b:s6+s3], $0x80, v3, vm0, $0xb8;
	[tilespmem:$0x19000] =	vst v63  }
0x30c: {  	s23 =	simm.s32 $0x4800  }
0x30d: {  	[tilespmem:s23], [sflag:$0x1] =	stream.indirect_vreg.gather [hbm4b:s7+s3], $0x80, v3, vm0, $0xb8;
	[tilespmem:$0x19000] =	vst v63  }
0x30e: {  	v3 =	vld [tilespmem:$0x510];
	_ =	sdelay $0x4  }
0x30f: {  	v55 =	vshll.u32 v3, $0x3  }
0x310: {  	v3 =	vand.u32 $0x7, v3;
	v4 =	vand.u32 $0xFFFFFFC0, v55  }
0x311: {  	v3 =	vor.u32 v3, v4  }
0x312: {  	v4 =	vperm.xlane v3, v0;
	_ =	sdelay $0x1  }
0x313: {  	v4 =	vadd.s32 v1, v4;
	_ =	sdelay $0x3  }
0x314: {  	s23 =	simm.s32 $0x5000  }
0x315: {  	[tilespmem:s23], [sflag:$0x1] =	stream.indirect_vreg.gather [hbm4b:s2+s3], $0x80, v4, vm0, $0xb8;
	[tilespmem:$0x19000] =	vst v63  }
0x316: {  	v3 =	vperm.xlane v3, v2;
	s23 =	simm.s32 $0x5800  }
0x317: {  	[tilespmem:s23], [sflag:$0x1] =	stream.indirect_vreg.gather [hbm4b:s5+s3], $0x80, v4, vm0, $0xb8;
	[tilespmem:$0x19000] =	vst v63  }
0x318: {  	s24 =	simm.s32 $0x6000;
	v3 =	vadd.s32 v1, v3  }
0x319: {  	[tilespmem:s24], [sflag:$0x1] =	stream.indirect_vreg.gather [hbm4b:s6+s3], $0x80, v4, vm0, $0xb8;
	[tilespmem:$0x19000] =	vst v63  }
0x31a: {  	s25 =	simm.s32 $0x6800  }
0x31b: {  	[tilespmem:s25], [sflag:$0x1] =	stream.indirect_vreg.gather [hbm4b:s7+s3], $0x80, v4, vm0, $0xb8;
	[tilespmem:$0x19000] =	vst v63  }
0x31c: {  	s26 =	simm.s32 $0x7000  }
0x31d: {  	[tilespmem:s26], [sflag:$0x1] =	stream.indirect_vreg.gather [hbm4b:s2+s3], $0x80, v3, vm0, $0xb8;
	[tilespmem:$0x19000] =	vst v63  }
0x31e: {  	s28 =	simm.s32 $0x7800  }
0x31f: {  	[tilespmem:s28], [sflag:$0x1] =	stream.indirect_vreg.gather [hbm4b:s5+s3], $0x80, v3, vm0, $0xb8;
	[tilespmem:$0x19000] =	vst v63  }
0x320: {  	s29 =	simm.s32 $0x8000  }
0x321: {  	[tilespmem:s29], [sflag:$0x1] =	stream.indirect_vreg.gather [hbm4b:s6+s3], $0x80, v3, vm0, $0xb8;
	[tilespmem:$0x19000] =	vst v63  }
0x322: {  	s23 =	simm.s32 $0x8800  }
0x323: {  	[tilespmem:s23], [sflag:$0x1] =	stream.indirect_vreg.gather [hbm4b:s7+s3], $0x80, v3, vm0, $0xb8;
	[tilespmem:$0x19000] =	vst v63  }
0x324: {  	v3 =	vld [tilespmem:$0x520];
	_ =	sdelay $0x4  }
0x325: {  	v56 =	vshll.u32 v3, $0x3  }
0x326: {  	v3 =	vand.u32 $0x7, v3;
	v4 =	vand.u32 $0xFFFFFFC0, v56  }
0x327: {  	v3 =	vor.u32 v3, v4  }
0x328: {  	v4 =	vperm.xlane v3, v0;
	_ =	sdelay $0x1  }
0x329: {  	v4 =	vadd.s32 v1, v4;
	_ =	sdelay $0x3  }
0x32a: {  	s23 =	simm.s32 $0x9000  }
0x32b: {  	[tilespmem:s23], [sflag:$0x1] =	stream.indirect_vreg.gather [hbm4b:s2+s3], $0x80, v4, vm0, $0xb8;
	[tilespmem:$0x19000] =	vst v63  }
0x32c: {  	s22 =	simm.s32 $0x9800;
	v3 =	vperm.xlane v3, v2  }
0x32d: {  	[tilespmem:s22], [sflag:$0x1] =	stream.indirect_vreg.gather [hbm4b:s5+s3], $0x80, v4, vm0, $0xb8;
	[tilespmem:$0x19000] =	vst v63  }
0x32e: {  	s17 =	simm.s32 $0xA000;
	v3 =	vadd.s32 v1, v3  }
0x32f: {  	[tilespmem:s17], [sflag:$0x1] =	stream.indirect_vreg.gather [hbm4b:s6+s3], $0x80, v4, vm0, $0xb8;
	[tilespmem:$0x19000] =	vst v63  }
0x330: {  	s31 =	simm.s32 $0xA800  }
0x331: {  	[tilespmem:s31], [sflag:$0x1] =	stream.indirect_vreg.gather [hbm4b:s7+s3], $0x80, v4, vm0, $0xb8;
	[tilespmem:$0x19000] =	vst v63  }
0x332: {  	s17 =	simm.s32 $0xB000  }
0x333: {  	[tilespmem:s17], [sflag:$0x1] =	stream.indirect_vreg.gather [hbm4b:s2+s3], $0x80, v3, vm0, $0xb8;
	[tilespmem:$0x19000] =	vst v63  }
0x334: {  	s30 =	simm.s32 $0xB800  }
0x335: {  	[tilespmem:s30], [sflag:$0x1] =	stream.indirect_vreg.gather [hbm4b:s5+s3], $0x80, v3, vm0, $0xb8;
	[tilespmem:$0x19000] =	vst v63  }
0x336: {  	s0 =	simm.s32 $0xC000  }
0x337: {  	[tilespmem:s0], [sflag:$0x1] =	stream.indirect_vreg.gather [hbm4b:s6+s3], $0x80, v3, vm0, $0xb8;
	[tilespmem:$0x19000] =	vst v63  }
0x338: {  	s30 =	simm.s32 $0xC800  }
0x339: {  	[tilespmem:s30], [sflag:$0x1] =	stream.indirect_vreg.gather [hbm4b:s7+s3], $0x80, v3, vm0, $0xb8;
	[tilespmem:$0x19000] =	vst v63  }
0x33a: {  	_ =	swait.ge [sflag:s11], $0xC000  }
0x33b: {  	[sflag:s11] =	ssyncset.done $0x0  }
0x33c: {  	s30 =	rddreg [dreg:$0xc];
	[sflag:s11] =	ssyncadd.s32 $0xFFFF4000  }
0x33d: {  	[hbm4b:s30+s3] =	stream.linear.scatter [tilespmem:s9], [sflag:$0x4], $0xC000, $0x38;
	[tilespmem:$0x19000] =	vst v63  }
0x33e: {  	_ =	swait.ge [sflag:s12], $0xC000  }
0x33f: {  	[sflag:s12] =	ssyncset.done $0x0  }
0x340: {  	[sflag:s12] =	ssyncadd.s32 $0xFFFF4000  }
0x341: {  	v3 =	vld [tilespmem:$0x580];
	_ =	sdelay $0x4  }
0x342: {  	v57 =	vshll.u32 v3, $0x3  }
0x343: {  	v3 =	vand.u32 $0x7, v3;
	v4 =	vand.u32 $0xFFFFFFC0, v57  }
0x344: {  	v3 =	vor.u32 v3, v4  }
0x345: {  	v4 =	vperm.xlane v3, v0;
	_ =	sdelay $0x1  }
0x346: {  	v4 =	vadd.s32 v1, v4;
	_ =	sdelay $0x4  }
0x347: {  	[tilespmem:s9], [sflag:$0x2] =	stream.indirect_vreg.gather [hbm4b:s2+s3], $0x80, v4, vm0, $0xb8;
	[tilespmem:$0x19000] =	vst v63  }
0x348: {  	s30 =	simm.s32 $0xD800;
	v3 =	vperm.xlane v3, v2  }
0x349: {  	[tilespmem:s30], [sflag:$0x2] =	stream.indirect_vreg.gather [hbm4b:s5+s3], $0x80, v4, vm0, $0xb8;
	[tilespmem:$0x19000] =	vst v63  }
0x34a: {  	s14 =	simm.s32 $0xE000;
	v3 =	vadd.s32 v1, v3  }
0x34b: {  	[tilespmem:s14], [sflag:$0x2] =	stream.indirect_vreg.gather [hbm4b:s6+s3], $0x80, v4, vm0, $0xb8;
	[tilespmem:$0x19000] =	vst v63  }
0x34c: {  	s15 =	simm.s32 $0xE800  }
0x34d: {  	[tilespmem:s15], [sflag:$0x2] =	stream.indirect_vreg.gather [hbm4b:s7+s3], $0x80, v4, vm0, $0xb8;
	[tilespmem:$0x19000] =	vst v63  }
0x34e: {  	s16 =	simm.s32 $0xF000  }
0x34f: {  	[tilespmem:s16], [sflag:$0x2] =	stream.indirect_vreg.gather [hbm4b:s2+s3], $0x80, v3, vm0, $0xb8;
	[tilespmem:$0x19000] =	vst v63  }
0x350: {  	s19 =	simm.s32 $0xF800  }
0x351: {  	[tilespmem:s19], [sflag:$0x2] =	stream.indirect_vreg.gather [hbm4b:s5+s3], $0x80, v3, vm0, $0xb8;
	[tilespmem:$0x19000] =	vst v63  }
0x352: {  	s20 =	simm.s32 $0x10000  }
0x353: {  	[tilespmem:s20], [sflag:$0x2] =	stream.indirect_vreg.gather [hbm4b:s6+s3], $0x80, v3, vm0, $0xb8;
	[tilespmem:$0x19000] =	vst v63  }
0x354: {  	s30 =	simm.s32 $0x10800  }
0x355: {  	[tilespmem:s30], [sflag:$0x2] =	stream.indirect_vreg.gather [hbm4b:s7+s3], $0x80, v3, vm0, $0xb8;
	[tilespmem:$0x19000] =	vst v63  }
0x356: {  	v3 =	vld [tilespmem:$0x590];
	_ =	sdelay $0x4  }
0x357: {  	v58 =	vshll.u32 v3, $0x3  }
0x358: {  	v3 =	vand.u32 $0x7, v3;
	v4 =	vand.u32 $0xFFFFFFC0, v58  }
0x359: {  	v3 =	vor.u32 v3, v4  }
0x35a: {  	v4 =	vperm.xlane v3, v0;
	_ =	sdelay $0x1  }
0x35b: {  	v4 =	vadd.s32 v1, v4;
	_ =	sdelay $0x3  }
0x35c: {  	s30 =	simm.s32 $0x11000  }
0x35d: {  	[tilespmem:s30], [sflag:$0x2] =	stream.indirect_vreg.gather [hbm4b:s2+s3], $0x80, v4, vm0, $0xb8;
	[tilespmem:$0x19000] =	vst v63  }
0x35e: {  	v3 =	vperm.xlane v3, v2;
	s30 =	simm.s32 $0x11800  }
0x35f: {  	[tilespmem:s30], [sflag:$0x2] =	stream.indirect_vreg.gather [hbm4b:s5+s3], $0x80, v4, vm0, $0xb8;
	[tilespmem:$0x19000] =	vst v63  }
0x360: {  	s21 =	simm.s32 $0x12000;
	v3 =	vadd.s32 v1, v3  }
0x361: {  	[tilespmem:s21], [sflag:$0x2] =	stream.indirect_vreg.gather [hbm4b:s6+s3], $0x80, v4, vm0, $0xb8;
	[tilespmem:$0x19000] =	vst v63  }
0x362: {  	s30 =	simm.s32 $0x12800  }
0x363: {  	[tilespmem:s30], [sflag:$0x2] =	stream.indirect_vreg.gather [hbm4b:s7+s3], $0x80, v4, vm0, $0xb8;
	[tilespmem:$0x19000] =	vst v63  }
0x364: {  	s13 =	simm.s32 $0x13000  }
0x365: {  	[tilespmem:s13], [sflag:$0x2] =	stream.indirect_vreg.gather [hbm4b:s2+s3], $0x80, v3, vm0, $0xb8;
	[tilespmem:$0x19000] =	vst v63  }
0x366: {  	s13 =	simm.s32 $0x13800  }
0x367: {  	[tilespmem:s13], [sflag:$0x2] =	stream.indirect_vreg.gather [hbm4b:s5+s3], $0x80, v3, vm0, $0xb8;
	[tilespmem:$0x19000] =	vst v63  }
0x368: {  	s13 =	simm.s32 $0x14000  }
0x369: {  	[tilespmem:s13], [sflag:$0x2] =	stream.indirect_vreg.gather [hbm4b:s6+s3], $0x80, v3, vm0, $0xb8;
	[tilespmem:$0x19000] =	vst v63  }
0x36a: {  	s13 =	simm.s32 $0x14800  }
0x36b: {  	[tilespmem:s13], [sflag:$0x2] =	stream.indirect_vreg.gather [hbm4b:s7+s3], $0x80, v3, vm0, $0xb8;
	[tilespmem:$0x19000] =	vst v63  }
0x36c: {  	v3 =	vld [tilespmem:$0x5A0];
	_ =	sdelay $0x4  }
0x36d: {  	v59 =	vshll.u32 v3, $0x3  }
0x36e: {  	v3 =	vand.u32 $0x7, v3;
	v4 =	vand.u32 $0xFFFFFFC0, v59  }
0x36f: {  	v3 =	vor.u32 v3, v4  }
0x370: {  	v4 =	vperm.xlane v3, v0;
	_ =	sdelay $0x1  }
0x371: {  	v4 =	vadd.s32 v1, v4;
	_ =	sdelay $0x3  }
0x372: {  	s13 =	simm.s32 $0x15000  }
0x373: {  	[tilespmem:s13], [sflag:$0x2] =	stream.indirect_vreg.gather [hbm4b:s2+s3], $0x80, v4, vm0, $0xb8;
	[tilespmem:$0x19000] =	vst v63  }
0x374: {  	v3 =	vperm.xlane v3, v2;
	s13 =	simm.s32 $0x15800  }
0x375: {  	[tilespmem:s13], [sflag:$0x2] =	stream.indirect_vreg.gather [hbm4b:s5+s3], $0x80, v4, vm0, $0xb8;
	[tilespmem:$0x19000] =	vst v63  }
0x376: {  	v3 =	vadd.s32 v1, v3;
	s13 =	simm.s32 $0x16000  }
0x377: {  	[tilespmem:s13], [sflag:$0x2] =	stream.indirect_vreg.gather [hbm4b:s6+s3], $0x80, v4, vm0, $0xb8;
	[tilespmem:$0x19000] =	vst v63  }
0x378: {  	s13 =	simm.s32 $0x16800  }
0x379: {  	[tilespmem:s13], [sflag:$0x2] =	stream.indirect_vreg.gather [hbm4b:s7+s3], $0x80, v4, vm0, $0xb8;
	[tilespmem:$0x19000] =	vst v63  }
0x37a: {  	s13 =	simm.s32 $0x17000  }
0x37b: {  	[tilespmem:s13], [sflag:$0x2] =	stream.indirect_vreg.gather [hbm4b:s2+s3], $0x80, v3, vm0, $0xb8;
	[tilespmem:$0x19000] =	vst v63  }
0x37c: {  	s13 =	simm.s32 $0x17800  }
0x37d: {  	[tilespmem:s13], [sflag:$0x2] =	stream.indirect_vreg.gather [hbm4b:s5+s3], $0x80, v3, vm0, $0xb8;
	[tilespmem:$0x19000] =	vst v63  }
0x37e: {  	s13 =	simm.s32 $0x18000  }
0x37f: {  	[tilespmem:s13], [sflag:$0x2] =	stream.indirect_vreg.gather [hbm4b:s6+s3], $0x80, v3, vm0, $0xb8;
	[tilespmem:$0x19000] =	vst v63  }
0x380: {  	s13 =	simm.s32 $0x18800  }
0x381: {  	[tilespmem:s13], [sflag:$0x2] =	stream.indirect_vreg.gather [hbm4b:s7+s3], $0x80, v3, vm0, $0xb8;
	[tilespmem:$0x19000] =	vst v63  }
0x382: {  	_ =	swait.ge [sflag:s4], $0xC000  }
0x383: {  	[sflag:s4] =	ssyncset.done $0x0  }
0x384: {  	s13 =	rddreg [dreg:$0xd];
	[sflag:s4] =	ssyncadd.s32 $0xFFFF4000  }
0x385: {  	[hbm4b:s13+s3] =	stream.linear.scatter [tilespmem:s18], [sflag:$0x3], $0xC000, $0x38;
	[tilespmem:$0x19000] =	vst v63  }
0x386: {  	_ =	swait.ge [sflag:s8], $0xC000  }
0x387: {  	[sflag:s8] =	ssyncset.done $0x0  }
0x388: {  	[sflag:s8] =	ssyncadd.s32 $0xFFFF4000  }
0x389: {  	v3 =	vld [tilespmem:$0x600];
	_ =	sdelay $0x4  }
0x38a: {  	v60 =	vshll.u32 v3, $0x3  }
0x38b: {  	v3 =	vand.u32 $0x7, v3;
	v4 =	vand.u32 $0xFFFFFFC0, v60  }
0x38c: {  	v3 =	vor.u32 v3, v4  }
0x38d: {  	v4 =	vperm.xlane v3, v0;
	_ =	sdelay $0x1  }
0x38e: {  	v4 =	vadd.s32 v1, v4;
	_ =	sdelay $0x4  }
0x38f: {  	[tilespmem:s18], [sflag:$0x1] =	stream.indirect_vreg.gather [hbm4b:s2+s3], $0x80, v4, vm0, $0xb8;
	[tilespmem:$0x19000] =	vst v63  }
0x390: {  	s13 =	simm.s32 $0x1800;
	v3 =	vperm.xlane v3, v2  }
0x391: {  	[tilespmem:s13], [sflag:$0x1] =	stream.indirect_vreg.gather [hbm4b:s5+s3], $0x80, v4, vm0, $0xb8;
	[tilespmem:$0x19000] =	vst v63  }
0x392: {  	v3 =	vadd.s32 v1, v3;
	s13 =	simm.s32 $0x2000  }
0x393: {  	[tilespmem:s13], [sflag:$0x1] =	stream.indirect_vreg.gather [hbm4b:s6+s3], $0x80, v4, vm0, $0xb8;
	[tilespmem:$0x19000] =	vst v63  }
0x394: {  	s13 =	simm.s32 $0x2800  }
0x395: {  	[tilespmem:s13], [sflag:$0x1] =	stream.indirect_vreg.gather [hbm4b:s7+s3], $0x80, v4, vm0, $0xb8;
	[tilespmem:$0x19000] =	vst v63  }
0x396: {  	s13 =	simm.s32 $0x3000  }
0x397: {  	[tilespmem:s13], [sflag:$0x1] =	stream.indirect_vreg.gather [hbm4b:s2+s3], $0x80, v3, vm0, $0xb8;
	[tilespmem:$0x19000] =	vst v63  }
0x398: {  	s10 =	simm.s32 $0x3800  }
0x399: {  	[tilespmem:s10], [sflag:$0x1] =	stream.indirect_vreg.gather [hbm4b:s5+s3], $0x80, v3, vm0, $0xb8;
	[tilespmem:$0x19000] =	vst v63  }
0x39a: {  	s1 =	simm.s32 $0x4000  }
0x39b: {  	[tilespmem:s1], [sflag:$0x1] =	stream.indirect_vreg.gather [hbm4b:s6+s3], $0x80, v3, vm0, $0xb8;
	[tilespmem:$0x19000] =	vst v63  }
0x39c: {  	s13 =	simm.s32 $0x4800  }
0x39d: {  	[tilespmem:s13], [sflag:$0x1] =	stream.indirect_vreg.gather [hbm4b:s7+s3], $0x80, v3, vm0, $0xb8;
	[tilespmem:$0x19000] =	vst v63  }
0x39e: {  	v3 =	vld [tilespmem:$0x610];
	_ =	sdelay $0x4  }
0x39f: {  	v61 =	vshll.u32 v3, $0x3  }
0x3a0: {  	v3 =	vand.u32 $0x7, v3;
	v4 =	vand.u32 $0xFFFFFFC0, v61  }
0x3a1: {  	v3 =	vor.u32 v3, v4  }
0x3a2: {  	v4 =	vperm.xlane v3, v0;
	_ =	sdelay $0x1  }
0x3a3: {  	v4 =	vadd.s32 v1, v4;
	_ =	sdelay $0x3  }
0x3a4: {  	s13 =	simm.s32 $0x5000  }
0x3a5: {  	[tilespmem:s13], [sflag:$0x1] =	stream.indirect_vreg.gather [hbm4b:s2+s3], $0x80, v4, vm0, $0xb8;
	[tilespmem:$0x19000] =	vst v63  }
0x3a6: {  	v3 =	vperm.xlane v3, v2;
	s13 =	simm.s32 $0x5800  }
0x3a7: {  	[tilespmem:s13], [sflag:$0x1] =	stream.indirect_vreg.gather [hbm4b:s5+s3], $0x80, v4, vm0, $0xb8;
	[tilespmem:$0x19000] =	vst v63  }
0x3a8: {  	s24 =	simm.s32 $0x6000;
	v3 =	vadd.s32 v1, v3  }
0x3a9: {  	[tilespmem:s24], [sflag:$0x1] =	stream.indirect_vreg.gather [hbm4b:s6+s3], $0x80, v4, vm0, $0xb8;
	[tilespmem:$0x19000] =	vst v63  }
0x3aa: {  	s25 =	simm.s32 $0x6800  }
0x3ab: {  	[tilespmem:s25], [sflag:$0x1] =	stream.indirect_vreg.gather [hbm4b:s7+s3], $0x80, v4, vm0, $0xb8;
	[tilespmem:$0x19000] =	vst v63  }
0x3ac: {  	s26 =	simm.s32 $0x7000  }
0x3ad: {  	[tilespmem:s26], [sflag:$0x1] =	stream.indirect_vreg.gather [hbm4b:s2+s3], $0x80, v3, vm0, $0xb8;
	[tilespmem:$0x19000] =	vst v63  }
0x3ae: {  	s28 =	simm.s32 $0x7800  }
0x3af: {  	[tilespmem:s28], [sflag:$0x1] =	stream.indirect_vreg.gather [hbm4b:s5+s3], $0x80, v3, vm0, $0xb8;
	[tilespmem:$0x19000] =	vst v63  }
0x3b0: {  	s29 =	simm.s32 $0x8000  }
0x3b1: {  	[tilespmem:s29], [sflag:$0x1] =	stream.indirect_vreg.gather [hbm4b:s6+s3], $0x80, v3, vm0, $0xb8;
	[tilespmem:$0x19000] =	vst v63  }
0x3b2: {  	s13 =	simm.s32 $0x8800  }
0x3b3: {  	[tilespmem:s13], [sflag:$0x1] =	stream.indirect_vreg.gather [hbm4b:s7+s3], $0x80, v3, vm0, $0xb8;
	[tilespmem:$0x19000] =	vst v63  }
0x3b4: {  	v3 =	vld [tilespmem:$0x620];
	_ =	sdelay $0x4  }
0x3b5: {  	v62 =	vshll.u32 v3, $0x3  }
0x3b6: {  	v3 =	vand.u32 $0x7, v3;
	v4 =	vand.u32 $0xFFFFFFC0, v62  }
0x3b7: {  	v3 =	vor.u32 v3, v4  }
0x3b8: {  	v4 =	vperm.xlane v3, v0;
	_ =	sdelay $0x1  }
0x3b9: {  	v4 =	vadd.s32 v1, v4;
	_ =	sdelay $0x3  }
0x3ba: {  	s13 =	simm.s32 $0x9000  }
0x3bb: {  	[tilespmem:s13], [sflag:$0x1] =	stream.indirect_vreg.gather [hbm4b:s2+s3], $0x80, v4, vm0, $0xb8;
	[tilespmem:$0x19000] =	vst v63  }
0x3bc: {  	s22 =	simm.s32 $0x9800;
	v3 =	vperm.xlane v3, v2  }
0x3bd: {  	[tilespmem:s22], [sflag:$0x1] =	stream.indirect_vreg.gather [hbm4b:s5+s3], $0x80, v4, vm0, $0xb8;
	[tilespmem:$0x19000] =	vst v63  }
0x3be: {  	s23 =	simm.s32 $0xA000;
	v3 =	vadd.s32 v1, v3  }
0x3bf: {  	[tilespmem:s23], [sflag:$0x1] =	stream.indirect_vreg.gather [hbm4b:s6+s3], $0x80, v4, vm0, $0xb8;
	[tilespmem:$0x19000] =	vst v63  }
0x3c0: {  	s31 =	simm.s32 $0xA800  }
0x3c1: {  	[tilespmem:s31], [sflag:$0x1] =	stream.indirect_vreg.gather [hbm4b:s7+s3], $0x80, v4, vm0, $0xb8;
	[tilespmem:$0x19000] =	vst v63  }
0x3c2: {  	s13 =	simm.s32 $0xB000  }
0x3c3: {  	[tilespmem:s13], [sflag:$0x1] =	stream.indirect_vreg.gather [hbm4b:s2+s3], $0x80, v3, vm0, $0xb8;
	[tilespmem:$0x19000] =	vst v63  }
0x3c4: {  	s17 =	simm.s32 $0xB800  }
0x3c5: {  	[tilespmem:s17], [sflag:$0x1] =	stream.indirect_vreg.gather [hbm4b:s5+s3], $0x80, v3, vm0, $0xb8;
	[tilespmem:$0x19000] =	vst v63  }
0x3c6: {  	s0 =	simm.s32 $0xC000  }
0x3c7: {  	[tilespmem:s0], [sflag:$0x1] =	stream.indirect_vreg.gather [hbm4b:s6+s3], $0x80, v3, vm0, $0xb8;
	[tilespmem:$0x19000] =	vst v63  }
0x3c8: {  	s13 =	simm.s32 $0xC800  }
0x3c9: {  	[tilespmem:s13], [sflag:$0x1] =	stream.indirect_vreg.gather [hbm4b:s7+s3], $0x80, v3, vm0, $0xb8;
	[tilespmem:$0x19000] =	vst v63  }
0x3ca: {  	_ =	swait.ge [sflag:s11], $0xC000  }
0x3cb: {  	[sflag:s11] =	ssyncset.done $0x0  }
0x3cc: {  	s13 =	rddreg [dreg:$0xe];
	[sflag:s11] =	ssyncadd.s32 $0xFFFF4000  }
0x3cd: {  	[hbm4b:s13+s3] =	stream.linear.scatter [tilespmem:s9], [sflag:$0x4], $0xC000, $0x38;
	[tilespmem:$0x19000] =	vst v63  }
0x3ce: {  	_ =	swait.ge [sflag:s12], $0xC000  }
0x3cf: {  	[sflag:s12] =	ssyncset.done $0x0  }
0x3d0: {  	[sflag:s12] =	ssyncadd.s32 $0xFFFF4000  }
0x3d1: {  	v3 =	vld [tilespmem:$0x680];
	_ =	sdelay $0x4  }
0x3d2: {  	v63 =	vshll.u32 v3, $0x3  }
0x3d3: {  	v3 =	vand.u32 $0x7, v3;
	v4 =	vand.u32 $0xFFFFFFC0, v63  }
0x3d4: {  	v3 =	vor.u32 v3, v4  }
0x3d5: {  	v4 =	vperm.xlane v3, v0;
	_ =	sdelay $0x1  }
0x3d6: {  	v4 =	vadd.s32 v1, v4;
	_ =	sdelay $0x4  }
0x3d7: {  	[tilespmem:s9], [sflag:$0x2] =	stream.indirect_vreg.gather [hbm4b:s2+s3], $0x80, v4, vm0, $0xb8;
	[tilespmem:$0x19000] =	vst v63  }
0x3d8: {  	s13 =	simm.s32 $0xD800;
	v3 =	vperm.xlane v3, v2  }
0x3d9: {  	[tilespmem:s13], [sflag:$0x2] =	stream.indirect_vreg.gather [hbm4b:s5+s3], $0x80, v4, vm0, $0xb8;
	[tilespmem:$0x19000] =	vst v63  }
0x3da: {  	s14 =	simm.s32 $0xE000;
	v3 =	vadd.s32 v1, v3  }
0x3db: {  	[tilespmem:s14], [sflag:$0x2] =	stream.indirect_vreg.gather [hbm4b:s6+s3], $0x80, v4, vm0, $0xb8;
	[tilespmem:$0x19000] =	vst v63  }
0x3dc: {  	s15 =	simm.s32 $0xE800  }
0x3dd: {  	[tilespmem:s15], [sflag:$0x2] =	stream.indirect_vreg.gather [hbm4b:s7+s3], $0x80, v4, vm0, $0xb8;
	[tilespmem:$0x19000] =	vst v63  }
0x3de: {  	s16 =	simm.s32 $0xF000  }
0x3df: {  	[tilespmem:s16], [sflag:$0x2] =	stream.indirect_vreg.gather [hbm4b:s2+s3], $0x80, v3, vm0, $0xb8;
	[tilespmem:$0x19000] =	vst v63  }
0x3e0: {  	s19 =	simm.s32 $0xF800  }
0x3e1: {  	[tilespmem:s19], [sflag:$0x2] =	stream.indirect_vreg.gather [hbm4b:s5+s3], $0x80, v3, vm0, $0xb8;
	[tilespmem:$0x19000] =	vst v63  }
0x3e2: {  	s20 =	simm.s32 $0x10000  }
0x3e3: {  	[tilespmem:s20], [sflag:$0x2] =	stream.indirect_vreg.gather [hbm4b:s6+s3], $0x80, v3, vm0, $0xb8;
	[tilespmem:$0x19000] =	vst v63  }
0x3e4: {  	s13 =	simm.s32 $0x10800  }
0x3e5: {  	[tilespmem:s13], [sflag:$0x2] =	stream.indirect_vreg.gather [hbm4b:s7+s3], $0x80, v3, vm0, $0xb8;
	[tilespmem:$0x19000] =	vst v63  }
0x3e6: {  	v3 =	vld [tilespmem:$0x690];
	_ =	sdelay $0x4  }
0x3e7: {  	v8 =	vshll.u32 v3, $0x3  }
0x3e8: {  	v3 =	vand.u32 $0x7, v3;
	v4 =	vand.u32 $0xFFFFFFC0, v8  }
0x3e9: {  	v3 =	vor.u32 v3, v4  }
0x3ea: {  	v4 =	vperm.xlane v3, v0;
	_ =	sdelay $0x1  }
0x3eb: {  	v4 =	vadd.s32 v1, v4;
	_ =	sdelay $0x3  }
0x3ec: {  	s13 =	simm.s32 $0x11000  }
0x3ed: {  	[tilespmem:s13], [sflag:$0x2] =	stream.indirect_vreg.gather [hbm4b:s2+s3], $0x80, v4, vm0, $0xb8;
	[tilespmem:$0x19000] =	vst v63  }
0x3ee: {  	v3 =	vperm.xlane v3, v2;
	s13 =	simm.s32 $0x11800  }
0x3ef: {  	[tilespmem:s13], [sflag:$0x2] =	stream.indirect_vreg.gather [hbm4b:s5+s3], $0x80, v4, vm0, $0xb8;
	[tilespmem:$0x19000] =	vst v63  }
0x3f0: {  	s21 =	simm.s32 $0x12000;
	v3 =	vadd.s32 v1, v3  }
0x3f1: {  	[tilespmem:s21], [sflag:$0x2] =	stream.indirect_vreg.gather [hbm4b:s6+s3], $0x80, v4, vm0, $0xb8;
	[tilespmem:$0x19000] =	vst v63  }
0x3f2: {  	s30 =	simm.s32 $0x12800  }
0x3f3: {  	[tilespmem:s30], [sflag:$0x2] =	stream.indirect_vreg.gather [hbm4b:s7+s3], $0x80, v4, vm0, $0xb8;
	[tilespmem:$0x19000] =	vst v63  }
0x3f4: {  	s13 =	simm.s32 $0x13000  }
0x3f5: {  	[tilespmem:s13], [sflag:$0x2] =	stream.indirect_vreg.gather [hbm4b:s2+s3], $0x80, v3, vm0, $0xb8;
	[tilespmem:$0x19000] =	vst v63  }
0x3f6: {  	s13 =	simm.s32 $0x13800  }
0x3f7: {  	[tilespmem:s13], [sflag:$0x2] =	stream.indirect_vreg.gather [hbm4b:s5+s3], $0x80, v3, vm0, $0xb8;
	[tilespmem:$0x19000] =	vst v63  }
0x3f8: {  	s13 =	simm.s32 $0x14000  }
0x3f9: {  	[tilespmem:s13], [sflag:$0x2] =	stream.indirect_vreg.gather [hbm4b:s6+s3], $0x80, v3, vm0, $0xb8;
	[tilespmem:$0x19000] =	vst v63  }
0x3fa: {  	s13 =	simm.s32 $0x14800  }
0x3fb: {  	[tilespmem:s13], [sflag:$0x2] =	stream.indirect_vreg.gather [hbm4b:s7+s3], $0x80, v3, vm0, $0xb8;
	[tilespmem:$0x19000] =	vst v63  }
0x3fc: {  	v3 =	vld [tilespmem:$0x6A0];
	_ =	sdelay $0x4  }
0x3fd: {  	v9 =	vshll.u32 v3, $0x3  }
0x3fe: {  	v3 =	vand.u32 $0x7, v3;
	v4 =	vand.u32 $0xFFFFFFC0, v9  }
0x3ff: {  	v3 =	vor.u32 v3, v4  }
0x400: {  	v4 =	vperm.xlane v3, v0;
	_ =	sdelay $0x1  }
0x401: {  	v4 =	vadd.s32 v1, v4;
	_ =	sdelay $0x3  }
0x402: {  	s13 =	simm.s32 $0x15000  }
0x403: {  	[tilespmem:s13], [sflag:$0x2] =	stream.indirect_vreg.gather [hbm4b:s2+s3], $0x80, v4, vm0, $0xb8;
	[tilespmem:$0x19000] =	vst v63  }
0x404: {  	v3 =	vperm.xlane v3, v2;
	s13 =	simm.s32 $0x15800  }
0x405: {  	[tilespmem:s13], [sflag:$0x2] =	stream.indirect_vreg.gather [hbm4b:s5+s3], $0x80, v4, vm0, $0xb8;
	[tilespmem:$0x19000] =	vst v63  }
0x406: {  	v3 =	vadd.s32 v1, v3;
	s13 =	simm.s32 $0x16000  }
0x407: {  	[tilespmem:s13], [sflag:$0x2] =	stream.indirect_vreg.gather [hbm4b:s6+s3], $0x80, v4, vm0, $0xb8;
	[tilespmem:$0x19000] =	vst v63  }
0x408: {  	s13 =	simm.s32 $0x16800  }
0x409: {  	[tilespmem:s13], [sflag:$0x2] =	stream.indirect_vreg.gather [hbm4b:s7+s3], $0x80, v4, vm0, $0xb8;
	[tilespmem:$0x19000] =	vst v63  }
0x40a: {  	s13 =	simm.s32 $0x17000  }
0x40b: {  	[tilespmem:s13], [sflag:$0x2] =	stream.indirect_vreg.gather [hbm4b:s2+s3], $0x80, v3, vm0, $0xb8;
	[tilespmem:$0x19000] =	vst v63  }
0x40c: {  	s13 =	simm.s32 $0x17800  }
0x40d: {  	[tilespmem:s13], [sflag:$0x2] =	stream.indirect_vreg.gather [hbm4b:s5+s3], $0x80, v3, vm0, $0xb8;
	[tilespmem:$0x19000] =	vst v63  }
0x40e: {  	s13 =	simm.s32 $0x18000  }
0x40f: {  	[tilespmem:s13], [sflag:$0x2] =	stream.indirect_vreg.gather [hbm4b:s6+s3], $0x80, v3, vm0, $0xb8;
	[tilespmem:$0x19000] =	vst v63  }
0x410: {  	s13 =	simm.s32 $0x18800  }
0x411: {  	[tilespmem:s13], [sflag:$0x2] =	stream.indirect_vreg.gather [hbm4b:s7+s3], $0x80, v3, vm0, $0xb8;
	[tilespmem:$0x19000] =	vst v63  }
0x412: {  	_ =	swait.ge [sflag:s4], $0xC000  }
0x413: {  	[sflag:s4] =	ssyncset.done $0x0  }
0x414: {  	s13 =	rddreg [dreg:$0xf];
	[sflag:s4] =	ssyncadd.s32 $0xFFFF4000  }
0x415: {  	[hbm4b:s13+s3] =	stream.linear.scatter [tilespmem:s18], [sflag:$0x3], $0xC000, $0x38;
	[tilespmem:$0x19000] =	vst v63  }
0x416: {  	_ =	swait.ge [sflag:s8], $0xC000  }
0x417: {  	[sflag:s8] =	ssyncset.done $0x0  }
0x418: {  	[sflag:s8] =	ssyncadd.s32 $0xFFFF4000  }
0x419: {  	v3 =	vld [tilespmem:$0x700];
	_ =	sdelay $0x4  }
0x41a: {  	v10 =	vshll.u32 v3, $0x3  }
0x41b: {  	v3 =	vand.u32 $0x7, v3;
	v4 =	vand.u32 $0xFFFFFFC0, v10  }
0x41c: {  	v3 =	vor.u32 v3, v4  }
0x41d: {  	v4 =	vperm.xlane v3, v0;
	_ =	sdelay $0x1  }
0x41e: {  	v4 =	vadd.s32 v1, v4;
	_ =	sdelay $0x4  }
0x41f: {  	[tilespmem:s18], [sflag:$0x1] =	stream.indirect_vreg.gather [hbm4b:s2+s3], $0x80, v4, vm0, $0xb8;
	[tilespmem:$0x19000] =	vst v63  }
0x420: {  	s13 =	simm.s32 $0x1800;
	v3 =	vperm.xlane v3, v2  }
0x421: {  	[tilespmem:s13], [sflag:$0x1] =	stream.indirect_vreg.gather [hbm4b:s5+s3], $0x80, v4, vm0, $0xb8;
	[tilespmem:$0x19000] =	vst v63  }
0x422: {  	v3 =	vadd.s32 v1, v3;
	s13 =	simm.s32 $0x2000  }
0x423: {  	[tilespmem:s13], [sflag:$0x1] =	stream.indirect_vreg.gather [hbm4b:s6+s3], $0x80, v4, vm0, $0xb8;
	[tilespmem:$0x19000] =	vst v63  }
0x424: {  	s13 =	simm.s32 $0x2800  }
0x425: {  	[tilespmem:s13], [sflag:$0x1] =	stream.indirect_vreg.gather [hbm4b:s7+s3], $0x80, v4, vm0, $0xb8;
	[tilespmem:$0x19000] =	vst v63  }
0x426: {  	s13 =	simm.s32 $0x3000  }
0x427: {  	[tilespmem:s13], [sflag:$0x1] =	stream.indirect_vreg.gather [hbm4b:s2+s3], $0x80, v3, vm0, $0xb8;
	[tilespmem:$0x19000] =	vst v63  }
0x428: {  	s10 =	simm.s32 $0x3800  }
0x429: {  	[tilespmem:s10], [sflag:$0x1] =	stream.indirect_vreg.gather [hbm4b:s5+s3], $0x80, v3, vm0, $0xb8;
	[tilespmem:$0x19000] =	vst v63  }
0x42a: {  	s1 =	simm.s32 $0x4000  }
0x42b: {  	[tilespmem:s1], [sflag:$0x1] =	stream.indirect_vreg.gather [hbm4b:s6+s3], $0x80, v3, vm0, $0xb8;
	[tilespmem:$0x19000] =	vst v63  }
0x42c: {  	s13 =	simm.s32 $0x4800  }
0x42d: {  	[tilespmem:s13], [sflag:$0x1] =	stream.indirect_vreg.gather [hbm4b:s7+s3], $0x80, v3, vm0, $0xb8;
	[tilespmem:$0x19000] =	vst v63  }
0x42e: {  	v3 =	vld [tilespmem:$0x710];
	_ =	sdelay $0x4  }
0x42f: {  	v11 =	vshll.u32 v3, $0x3  }
0x430: {  	v3 =	vand.u32 $0x7, v3;
	v4 =	vand.u32 $0xFFFFFFC0, v11  }
0x431: {  	v3 =	vor.u32 v3, v4  }
0x432: {  	v4 =	vperm.xlane v3, v0;
	_ =	sdelay $0x1  }
0x433: {  	v4 =	vadd.s32 v1, v4;
	_ =	sdelay $0x3  }
0x434: {  	s13 =	simm.s32 $0x5000  }
0x435: {  	[tilespmem:s13], [sflag:$0x1] =	stream.indirect_vreg.gather [hbm4b:s2+s3], $0x80, v4, vm0, $0xb8;
	[tilespmem:$0x19000] =	vst v63  }
0x436: {  	v3 =	vperm.xlane v3, v2;
	s13 =	simm.s32 $0x5800  }
0x437: {  	[tilespmem:s13], [sflag:$0x1] =	stream.indirect_vreg.gather [hbm4b:s5+s3], $0x80, v4, vm0, $0xb8;
	[tilespmem:$0x19000] =	vst v63  }
0x438: {  	s24 =	simm.s32 $0x6000;
	v3 =	vadd.s32 v1, v3  }
0x439: {  	[tilespmem:s24], [sflag:$0x1] =	stream.indirect_vreg.gather [hbm4b:s6+s3], $0x80, v4, vm0, $0xb8;
	[tilespmem:$0x19000] =	vst v63  }
0x43a: {  	s25 =	simm.s32 $0x6800  }
0x43b: {  	[tilespmem:s25], [sflag:$0x1] =	stream.indirect_vreg.gather [hbm4b:s7+s3], $0x80, v4, vm0, $0xb8;
	[tilespmem:$0x19000] =	vst v63  }
0x43c: {  	s26 =	simm.s32 $0x7000  }
0x43d: {  	[tilespmem:s26], [sflag:$0x1] =	stream.indirect_vreg.gather [hbm4b:s2+s3], $0x80, v3, vm0, $0xb8;
	[tilespmem:$0x19000] =	vst v63  }
0x43e: {  	s28 =	simm.s32 $0x7800  }
0x43f: {  	[tilespmem:s28], [sflag:$0x1] =	stream.indirect_vreg.gather [hbm4b:s5+s3], $0x80, v3, vm0, $0xb8;
	[tilespmem:$0x19000] =	vst v63  }
0x440: {  	s29 =	simm.s32 $0x8000  }
0x441: {  	[tilespmem:s29], [sflag:$0x1] =	stream.indirect_vreg.gather [hbm4b:s6+s3], $0x80, v3, vm0, $0xb8;
	[tilespmem:$0x19000] =	vst v63  }
0x442: {  	s26 =	simm.s32 $0x8800  }
0x443: {  	[tilespmem:s26], [sflag:$0x1] =	stream.indirect_vreg.gather [hbm4b:s7+s3], $0x80, v3, vm0, $0xb8;
	[tilespmem:$0x19000] =	vst v63  }
0x444: {  	v3 =	vld [tilespmem:$0x720];
	_ =	sdelay $0x4  }
0x445: {  	v12 =	vshll.u32 v3, $0x3  }
0x446: {  	v3 =	vand.u32 $0x7, v3;
	v4 =	vand.u32 $0xFFFFFFC0, v12  }
0x447: {  	v3 =	vor.u32 v3, v4  }
0x448: {  	v4 =	vperm.xlane v3, v0;
	_ =	sdelay $0x1  }
0x449: {  	v4 =	vadd.s32 v1, v4;
	_ =	sdelay $0x3  }
0x44a: {  	s26 =	simm.s32 $0x9000  }
0x44b: {  	[tilespmem:s26], [sflag:$0x1] =	stream.indirect_vreg.gather [hbm4b:s2+s3], $0x80, v4, vm0, $0xb8;
	[tilespmem:$0x19000] =	vst v63  }
0x44c: {  	s22 =	simm.s32 $0x9800;
	v3 =	vperm.xlane v3, v2  }
0x44d: {  	[tilespmem:s22], [sflag:$0x1] =	stream.indirect_vreg.gather [hbm4b:s5+s3], $0x80, v4, vm0, $0xb8;
	[tilespmem:$0x19000] =	vst v63  }
0x44e: {  	s23 =	simm.s32 $0xA000;
	v3 =	vadd.s32 v1, v3  }
0x44f: {  	[tilespmem:s23], [sflag:$0x1] =	stream.indirect_vreg.gather [hbm4b:s6+s3], $0x80, v4, vm0, $0xb8;
	[tilespmem:$0x19000] =	vst v63  }
0x450: {  	s31 =	simm.s32 $0xA800  }
0x451: {  	[tilespmem:s31], [sflag:$0x1] =	stream.indirect_vreg.gather [hbm4b:s7+s3], $0x80, v4, vm0, $0xb8;
	[tilespmem:$0x19000] =	vst v63  }
0x452: {  	s31 =	simm.s32 $0xB000  }
0x453: {  	[tilespmem:s31], [sflag:$0x1] =	stream.indirect_vreg.gather [hbm4b:s2+s3], $0x80, v3, vm0, $0xb8;
	[tilespmem:$0x19000] =	vst v63  }
0x454: {  	s17 =	simm.s32 $0xB800  }
0x455: {  	[tilespmem:s17], [sflag:$0x1] =	stream.indirect_vreg.gather [hbm4b:s5+s3], $0x80, v3, vm0, $0xb8;
	[tilespmem:$0x19000] =	vst v63  }
0x456: {  	s0 =	simm.s32 $0xC000  }
0x457: {  	[tilespmem:s0], [sflag:$0x1] =	stream.indirect_vreg.gather [hbm4b:s6+s3], $0x80, v3, vm0, $0xb8;
	[tilespmem:$0x19000] =	vst v63  }
0x458: {  	s13 =	simm.s32 $0xC800  }
0x459: {  	[tilespmem:s13], [sflag:$0x1] =	stream.indirect_vreg.gather [hbm4b:s7+s3], $0x80, v3, vm0, $0xb8;
	[tilespmem:$0x19000] =	vst v63  }
0x45a: {  	_ =	swait.ge [sflag:s11], $0xC000  }
0x45b: {  	[sflag:s11] =	ssyncset.done $0x0  }
0x45c: {  	s13 =	rddreg [dreg:$0x10];
	[sflag:s11] =	ssyncadd.s32 $0xFFFF4000  }
0x45d: {  	[hbm4b:s13+s3] =	stream.linear.scatter [tilespmem:s9], [sflag:$0x4], $0xC000, $0x38;
	[tilespmem:$0x19000] =	vst v63  }
0x45e: {  	_ =	swait.ge [sflag:s12], $0xC000  }
0x45f: {  	[sflag:s12] =	ssyncset.done $0x0  }
0x460: {  	[sflag:s12] =	ssyncadd.s32 $0xFFFF4000  }
0x461: {  	v3 =	vld [tilespmem:$0x780];
	_ =	sdelay $0x4  }
0x462: {  	v13 =	vshll.u32 v3, $0x3  }
0x463: {  	v3 =	vand.u32 $0x7, v3;
	v4 =	vand.u32 $0xFFFFFFC0, v13  }
0x464: {  	v3 =	vor.u32 v3, v4  }
0x465: {  	v4 =	vperm.xlane v3, v0;
	_ =	sdelay $0x1  }
0x466: {  	v4 =	vadd.s32 v1, v4;
	_ =	sdelay $0x4  }
0x467: {  	[tilespmem:s9], [sflag:$0x2] =	stream.indirect_vreg.gather [hbm4b:s2+s3], $0x80, v4, vm0, $0xb8;
	[tilespmem:$0x19000] =	vst v63  }
0x468: {  	s13 =	simm.s32 $0xD800;
	v3 =	vperm.xlane v3, v2  }
0x469: {  	[tilespmem:s13], [sflag:$0x2] =	stream.indirect_vreg.gather [hbm4b:s5+s3], $0x80, v4, vm0, $0xb8;
	[tilespmem:$0x19000] =	vst v63  }
0x46a: {  	s14 =	simm.s32 $0xE000;
	v3 =	vadd.s32 v1, v3  }
0x46b: {  	[tilespmem:s14], [sflag:$0x2] =	stream.indirect_vreg.gather [hbm4b:s6+s3], $0x80, v4, vm0, $0xb8;
	[tilespmem:$0x19000] =	vst v63  }
0x46c: {  	s15 =	simm.s32 $0xE800  }
0x46d: {  	[tilespmem:s15], [sflag:$0x2] =	stream.indirect_vreg.gather [hbm4b:s7+s3], $0x80, v4, vm0, $0xb8;
	[tilespmem:$0x19000] =	vst v63  }
0x46e: {  	s16 =	simm.s32 $0xF000  }
0x46f: {  	[tilespmem:s16], [sflag:$0x2] =	stream.indirect_vreg.gather [hbm4b:s2+s3], $0x80, v3, vm0, $0xb8;
	[tilespmem:$0x19000] =	vst v63  }
0x470: {  	s19 =	simm.s32 $0xF800  }
0x471: {  	[tilespmem:s19], [sflag:$0x2] =	stream.indirect_vreg.gather [hbm4b:s5+s3], $0x80, v3, vm0, $0xb8;
	[tilespmem:$0x19000] =	vst v63  }
0x472: {  	s20 =	simm.s32 $0x10000  }
0x473: {  	[tilespmem:s20], [sflag:$0x2] =	stream.indirect_vreg.gather [hbm4b:s6+s3], $0x80, v3, vm0, $0xb8;
	[tilespmem:$0x19000] =	vst v63  }
0x474: {  	s13 =	simm.s32 $0x10800  }
0x475: {  	[tilespmem:s13], [sflag:$0x2] =	stream.indirect_vreg.gather [hbm4b:s7+s3], $0x80, v3, vm0, $0xb8;
	[tilespmem:$0x19000] =	vst v63  }
0x476: {  	v3 =	vld [tilespmem:$0x790];
	_ =	sdelay $0x4  }
0x477: {  	v14 =	vshll.u32 v3, $0x3  }
0x478: {  	v3 =	vand.u32 $0x7, v3;
	v4 =	vand.u32 $0xFFFFFFC0, v14  }
0x479: {  	v3 =	vor.u32 v3, v4  }
0x47a: {  	v4 =	vperm.xlane v3, v0;
	_ =	sdelay $0x1  }
0x47b: {  	v4 =	vadd.s32 v1, v4;
	_ =	sdelay $0x3  }
0x47c: {  	s13 =	simm.s32 $0x11000  }
0x47d: {  	[tilespmem:s13], [sflag:$0x2] =	stream.indirect_vreg.gather [hbm4b:s2+s3], $0x80, v4, vm0, $0xb8;
	[tilespmem:$0x19000] =	vst v63  }
0x47e: {  	v3 =	vperm.xlane v3, v2;
	s13 =	simm.s32 $0x11800  }
0x47f: {  	[tilespmem:s13], [sflag:$0x2] =	stream.indirect_vreg.gather [hbm4b:s5+s3], $0x80, v4, vm0, $0xb8;
	[tilespmem:$0x19000] =	vst v63  }
0x480: {  	s21 =	simm.s32 $0x12000;
	v3 =	vadd.s32 v1, v3  }
0x481: {  	[tilespmem:s21], [sflag:$0x2] =	stream.indirect_vreg.gather [hbm4b:s6+s3], $0x80, v4, vm0, $0xb8;
	[tilespmem:$0x19000] =	vst v63  }
0x482: {  	s30 =	simm.s32 $0x12800  }
0x483: {  	[tilespmem:s30], [sflag:$0x2] =	stream.indirect_vreg.gather [hbm4b:s7+s3], $0x80, v4, vm0, $0xb8;
	[tilespmem:$0x19000] =	vst v63  }
0x484: {  	s13 =	simm.s32 $0x13000  }
0x485: {  	[tilespmem:s13], [sflag:$0x2] =	stream.indirect_vreg.gather [hbm4b:s2+s3], $0x80, v3, vm0, $0xb8;
	[tilespmem:$0x19000] =	vst v63  }
0x486: {  	s13 =	simm.s32 $0x13800  }
0x487: {  	[tilespmem:s13], [sflag:$0x2] =	stream.indirect_vreg.gather [hbm4b:s5+s3], $0x80, v3, vm0, $0xb8;
	[tilespmem:$0x19000] =	vst v63  }
0x488: {  	s13 =	simm.s32 $0x14000  }
0x489: {  	[tilespmem:s13], [sflag:$0x2] =	stream.indirect_vreg.gather [hbm4b:s6+s3], $0x80, v3, vm0, $0xb8;
	[tilespmem:$0x19000] =	vst v63  }
0x48a: {  	s13 =	simm.s32 $0x14800  }
0x48b: {  	[tilespmem:s13], [sflag:$0x2] =	stream.indirect_vreg.gather [hbm4b:s7+s3], $0x80, v3, vm0, $0xb8;
	[tilespmem:$0x19000] =	vst v63  }
0x48c: {  	v3 =	vld [tilespmem:$0x7A0];
	_ =	sdelay $0x4  }
0x48d: {  	v15 =	vshll.u32 v3, $0x3  }
0x48e: {  	v3 =	vand.u32 $0x7, v3;
	v4 =	vand.u32 $0xFFFFFFC0, v15  }
0x48f: {  	v3 =	vor.u32 v3, v4  }
0x490: {  	v4 =	vperm.xlane v3, v0;
	_ =	sdelay $0x1  }
0x491: {  	v4 =	vadd.s32 v1, v4;
	_ =	sdelay $0x3  }
0x492: {  	s13 =	simm.s32 $0x15000  }
0x493: {  	[tilespmem:s13], [sflag:$0x2] =	stream.indirect_vreg.gather [hbm4b:s2+s3], $0x80, v4, vm0, $0xb8;
	[tilespmem:$0x19000] =	vst v63  }
0x494: {  	v3 =	vperm.xlane v3, v2;
	s13 =	simm.s32 $0x15800  }
0x495: {  	[tilespmem:s13], [sflag:$0x2] =	stream.indirect_vreg.gather [hbm4b:s5+s3], $0x80, v4, vm0, $0xb8;
	[tilespmem:$0x19000] =	vst v63  }
0x496: {  	v3 =	vadd.s32 v1, v3;
	s13 =	simm.s32 $0x16000  }
0x497: {  	[tilespmem:s13], [sflag:$0x2] =	stream.indirect_vreg.gather [hbm4b:s6+s3], $0x80, v4, vm0, $0xb8;
	[tilespmem:$0x19000] =	vst v63  }
0x498: {  	s13 =	simm.s32 $0x16800  }
0x499: {  	[tilespmem:s13], [sflag:$0x2] =	stream.indirect_vreg.gather [hbm4b:s7+s3], $0x80, v4, vm0, $0xb8;
	[tilespmem:$0x19000] =	vst v63  }
0x49a: {  	s13 =	simm.s32 $0x17000  }
0x49b: {  	[tilespmem:s13], [sflag:$0x2] =	stream.indirect_vreg.gather [hbm4b:s2+s3], $0x80, v3, vm0, $0xb8;
	[tilespmem:$0x19000] =	vst v63  }
0x49c: {  	s13 =	simm.s32 $0x17800  }
0x49d: {  	[tilespmem:s13], [sflag:$0x2] =	stream.indirect_vreg.gather [hbm4b:s5+s3], $0x80, v3, vm0, $0xb8;
	[tilespmem:$0x19000] =	vst v63  }
0x49e: {  	s13 =	simm.s32 $0x18000  }
0x49f: {  	[tilespmem:s13], [sflag:$0x2] =	stream.indirect_vreg.gather [hbm4b:s6+s3], $0x80, v3, vm0, $0xb8;
	[tilespmem:$0x19000] =	vst v63  }
0x4a0: {  	s13 =	simm.s32 $0x18800  }
0x4a1: {  	[tilespmem:s13], [sflag:$0x2] =	stream.indirect_vreg.gather [hbm4b:s7+s3], $0x80, v3, vm0, $0xb8;
	[tilespmem:$0x19000] =	vst v63  }
0x4a2: {  	_ =	swait.ge [sflag:s4], $0xC000  }
0x4a3: {  	[sflag:s4] =	ssyncset.done $0x0  }
0x4a4: {  	s13 =	rddreg [dreg:$0x11];
	[sflag:s4] =	ssyncadd.s32 $0xFFFF4000  }
0x4a5: {  	[hbm4b:s13+s3] =	stream.linear.scatter [tilespmem:s18], [sflag:$0x3], $0xC000, $0x38;
	[tilespmem:$0x19000] =	vst v63  }
0x4a6: {  	_ =	swait.ge [sflag:s8], $0xC000  }
0x4a7: {  	[sflag:s8] =	ssyncset.done $0x0  }
0x4a8: {  	[sflag:s8] =	ssyncadd.s32 $0xFFFF4000  }
0x4a9: {  	v3 =	vld [tilespmem:$0x800];
	_ =	sdelay $0x4  }
0x4aa: {  	v16 =	vshll.u32 v3, $0x3  }
0x4ab: {  	v3 =	vand.u32 $0x7, v3;
	v4 =	vand.u32 $0xFFFFFFC0, v16  }
0x4ac: {  	v3 =	vor.u32 v3, v4  }
0x4ad: {  	v4 =	vperm.xlane v3, v0;
	_ =	sdelay $0x1  }
0x4ae: {  	v4 =	vadd.s32 v1, v4;
	_ =	sdelay $0x4  }
0x4af: {  	[tilespmem:s18], [sflag:$0x1] =	stream.indirect_vreg.gather [hbm4b:s2+s3], $0x80, v4, vm0, $0xb8;
	[tilespmem:$0x19000] =	vst v63  }
0x4b0: {  	s13 =	simm.s32 $0x1800;
	v3 =	vperm.xlane v3, v2  }
0x4b1: {  	[tilespmem:s13], [sflag:$0x1] =	stream.indirect_vreg.gather [hbm4b:s5+s3], $0x80, v4, vm0, $0xb8;
	[tilespmem:$0x19000] =	vst v63  }
0x4b2: {  	v3 =	vadd.s32 v1, v3;
	s13 =	simm.s32 $0x2000  }
0x4b3: {  	[tilespmem:s13], [sflag:$0x1] =	stream.indirect_vreg.gather [hbm4b:s6+s3], $0x80, v4, vm0, $0xb8;
	[tilespmem:$0x19000] =	vst v63  }
0x4b4: {  	s13 =	simm.s32 $0x2800  }
0x4b5: {  	[tilespmem:s13], [sflag:$0x1] =	stream.indirect_vreg.gather [hbm4b:s7+s3], $0x80, v4, vm0, $0xb8;
	[tilespmem:$0x19000] =	vst v63  }
0x4b6: {  	s13 =	simm.s32 $0x3000  }
0x4b7: {  	[tilespmem:s13], [sflag:$0x1] =	stream.indirect_vreg.gather [hbm4b:s2+s3], $0x80, v3, vm0, $0xb8;
	[tilespmem:$0x19000] =	vst v63  }
0x4b8: {  	s10 =	simm.s32 $0x3800  }
0x4b9: {  	[tilespmem:s10], [sflag:$0x1] =	stream.indirect_vreg.gather [hbm4b:s5+s3], $0x80, v3, vm0, $0xb8;
	[tilespmem:$0x19000] =	vst v63  }
0x4ba: {  	s1 =	simm.s32 $0x4000  }
0x4bb: {  	[tilespmem:s1], [sflag:$0x1] =	stream.indirect_vreg.gather [hbm4b:s6+s3], $0x80, v3, vm0, $0xb8;
	[tilespmem:$0x19000] =	vst v63  }
0x4bc: {  	s13 =	simm.s32 $0x4800  }
0x4bd: {  	[tilespmem:s13], [sflag:$0x1] =	stream.indirect_vreg.gather [hbm4b:s7+s3], $0x80, v3, vm0, $0xb8;
	[tilespmem:$0x19000] =	vst v63  }
0x4be: {  	v3 =	vld [tilespmem:$0x810];
	_ =	sdelay $0x4  }
0x4bf: {  	v17 =	vshll.u32 v3, $0x3  }
0x4c0: {  	v3 =	vand.u32 $0x7, v3;
	v4 =	vand.u32 $0xFFFFFFC0, v17  }
0x4c1: {  	v3 =	vor.u32 v3, v4  }
0x4c2: {  	v4 =	vperm.xlane v3, v0;
	_ =	sdelay $0x1  }
0x4c3: {  	v4 =	vadd.s32 v1, v4;
	_ =	sdelay $0x3  }
0x4c4: {  	s13 =	simm.s32 $0x5000  }
0x4c5: {  	[tilespmem:s13], [sflag:$0x1] =	stream.indirect_vreg.gather [hbm4b:s2+s3], $0x80, v4, vm0, $0xb8;
	[tilespmem:$0x19000] =	vst v63  }
0x4c6: {  	v3 =	vperm.xlane v3, v2;
	s13 =	simm.s32 $0x5800  }
0x4c7: {  	[tilespmem:s13], [sflag:$0x1] =	stream.indirect_vreg.gather [hbm4b:s5+s3], $0x80, v4, vm0, $0xb8;
	[tilespmem:$0x19000] =	vst v63  }
0x4c8: {  	s24 =	simm.s32 $0x6000;
	v3 =	vadd.s32 v1, v3  }
0x4c9: {  	[tilespmem:s24], [sflag:$0x1] =	stream.indirect_vreg.gather [hbm4b:s6+s3], $0x80, v4, vm0, $0xb8;
	[tilespmem:$0x19000] =	vst v63  }
0x4ca: {  	s25 =	simm.s32 $0x6800  }
0x4cb: {  	[tilespmem:s25], [sflag:$0x1] =	stream.indirect_vreg.gather [hbm4b:s7+s3], $0x80, v4, vm0, $0xb8;
	[tilespmem:$0x19000] =	vst v63  }
0x4cc: {  	s24 =	simm.s32 $0x7000  }
0x4cd: {  	[tilespmem:s24], [sflag:$0x1] =	stream.indirect_vreg.gather [hbm4b:s2+s3], $0x80, v3, vm0, $0xb8;
	[tilespmem:$0x19000] =	vst v63  }
0x4ce: {  	s28 =	simm.s32 $0x7800  }
0x4cf: {  	[tilespmem:s28], [sflag:$0x1] =	stream.indirect_vreg.gather [hbm4b:s5+s3], $0x80, v3, vm0, $0xb8;
	[tilespmem:$0x19000] =	vst v63  }
0x4d0: {  	s29 =	simm.s32 $0x8000  }
0x4d1: {  	[tilespmem:s29], [sflag:$0x1] =	stream.indirect_vreg.gather [hbm4b:s6+s3], $0x80, v3, vm0, $0xb8;
	[tilespmem:$0x19000] =	vst v63  }
0x4d2: {  	s29 =	simm.s32 $0x8800  }
0x4d3: {  	[tilespmem:s29], [sflag:$0x1] =	stream.indirect_vreg.gather [hbm4b:s7+s3], $0x80, v3, vm0, $0xb8;
	[tilespmem:$0x19000] =	vst v63  }
0x4d4: {  	v3 =	vld [tilespmem:$0x820];
	_ =	sdelay $0x4  }
0x4d5: {  	v18 =	vshll.u32 v3, $0x3  }
0x4d6: {  	v3 =	vand.u32 $0x7, v3;
	v4 =	vand.u32 $0xFFFFFFC0, v18  }
0x4d7: {  	v3 =	vor.u32 v3, v4  }
0x4d8: {  	v4 =	vperm.xlane v3, v0;
	_ =	sdelay $0x1  }
0x4d9: {  	v4 =	vadd.s32 v1, v4;
	_ =	sdelay $0x3  }
0x4da: {  	s29 =	simm.s32 $0x9000  }
0x4db: {  	[tilespmem:s29], [sflag:$0x1] =	stream.indirect_vreg.gather [hbm4b:s2+s3], $0x80, v4, vm0, $0xb8;
	[tilespmem:$0x19000] =	vst v63  }
0x4dc: {  	s26 =	simm.s32 $0x9800;
	v3 =	vperm.xlane v3, v2  }
0x4dd: {  	[tilespmem:s26], [sflag:$0x1] =	stream.indirect_vreg.gather [hbm4b:s5+s3], $0x80, v4, vm0, $0xb8;
	[tilespmem:$0x19000] =	vst v63  }
0x4de: {  	s23 =	simm.s32 $0xA000;
	v3 =	vadd.s32 v1, v3  }
0x4df: {  	[tilespmem:s23], [sflag:$0x1] =	stream.indirect_vreg.gather [hbm4b:s6+s3], $0x80, v4, vm0, $0xb8;
	[tilespmem:$0x19000] =	vst v63  }
0x4e0: {  	s22 =	simm.s32 $0xA800  }
0x4e1: {  	[tilespmem:s22], [sflag:$0x1] =	stream.indirect_vreg.gather [hbm4b:s7+s3], $0x80, v4, vm0, $0xb8;
	[tilespmem:$0x19000] =	vst v63  }
0x4e2: {  	s31 =	simm.s32 $0xB000  }
0x4e3: {  	[tilespmem:s31], [sflag:$0x1] =	stream.indirect_vreg.gather [hbm4b:s2+s3], $0x80, v3, vm0, $0xb8;
	[tilespmem:$0x19000] =	vst v63  }
0x4e4: {  	s17 =	simm.s32 $0xB800  }
0x4e5: {  	[tilespmem:s17], [sflag:$0x1] =	stream.indirect_vreg.gather [hbm4b:s5+s3], $0x80, v3, vm0, $0xb8;
	[tilespmem:$0x19000] =	vst v63  }
0x4e6: {  	s0 =	simm.s32 $0xC000  }
0x4e7: {  	[tilespmem:s0], [sflag:$0x1] =	stream.indirect_vreg.gather [hbm4b:s6+s3], $0x80, v3, vm0, $0xb8;
	[tilespmem:$0x19000] =	vst v63  }
0x4e8: {  	s31 =	simm.s32 $0xC800  }
0x4e9: {  	[tilespmem:s31], [sflag:$0x1] =	stream.indirect_vreg.gather [hbm4b:s7+s3], $0x80, v3, vm0, $0xb8;
	[tilespmem:$0x19000] =	vst v63  }
0x4ea: {  	_ =	swait.ge [sflag:s11], $0xC000  }
0x4eb: {  	[sflag:s11] =	ssyncset.done $0x0  }
0x4ec: {  	s31 =	rddreg [dreg:$0x12];
	[sflag:s11] =	ssyncadd.s32 $0xFFFF4000  }
0x4ed: {  	[hbm4b:s31+s3] =	stream.linear.scatter [tilespmem:s9], [sflag:$0x4], $0xC000, $0x38;
	[tilespmem:$0x19000] =	vst v63  }
0x4ee: {  	_ =	swait.ge [sflag:s12], $0xC000  }
0x4ef: {  	[sflag:s12] =	ssyncset.done $0x0  }
0x4f0: {  	[sflag:s12] =	ssyncadd.s32 $0xFFFF4000  }
0x4f1: {  	v3 =	vld [tilespmem:$0x880];
	_ =	sdelay $0x4  }
0x4f2: {  	v19 =	vshll.u32 v3, $0x3  }
0x4f3: {  	v3 =	vand.u32 $0x7, v3;
	v4 =	vand.u32 $0xFFFFFFC0, v19  }
0x4f4: {  	v3 =	vor.u32 v3, v4  }
0x4f5: {  	v4 =	vperm.xlane v3, v0;
	_ =	sdelay $0x1  }
0x4f6: {  	v4 =	vadd.s32 v1, v4;
	_ =	sdelay $0x4  }
0x4f7: {  	[tilespmem:s9], [sflag:$0x2] =	stream.indirect_vreg.gather [hbm4b:s2+s3], $0x80, v4, vm0, $0xb8;
	[tilespmem:$0x19000] =	vst v63  }
0x4f8: {  	s31 =	simm.s32 $0xD800;
	v3 =	vperm.xlane v3, v2  }
0x4f9: {  	[tilespmem:s31], [sflag:$0x2] =	stream.indirect_vreg.gather [hbm4b:s5+s3], $0x80, v4, vm0, $0xb8;
	[tilespmem:$0x19000] =	vst v63  }
0x4fa: {  	s14 =	simm.s32 $0xE000;
	v3 =	vadd.s32 v1, v3  }
0x4fb: {  	[tilespmem:s14], [sflag:$0x2] =	stream.indirect_vreg.gather [hbm4b:s6+s3], $0x80, v4, vm0, $0xb8;
	[tilespmem:$0x19000] =	vst v63  }
0x4fc: {  	s15 =	simm.s32 $0xE800  }
0x4fd: {  	[tilespmem:s15], [sflag:$0x2] =	stream.indirect_vreg.gather [hbm4b:s7+s3], $0x80, v4, vm0, $0xb8;
	[tilespmem:$0x19000] =	vst v63  }
0x4fe: {  	s16 =	simm.s32 $0xF000  }
0x4ff: {  	[tilespmem:s16], [sflag:$0x2] =	stream.indirect_vreg.gather [hbm4b:s2+s3], $0x80, v3, vm0, $0xb8;
	[tilespmem:$0x19000] =	vst v63  }
0x500: {  	s19 =	simm.s32 $0xF800  }
0x501: {  	[tilespmem:s19], [sflag:$0x2] =	stream.indirect_vreg.gather [hbm4b:s5+s3], $0x80, v3, vm0, $0xb8;
	[tilespmem:$0x19000] =	vst v63  }
0x502: {  	s20 =	simm.s32 $0x10000  }
0x503: {  	[tilespmem:s20], [sflag:$0x2] =	stream.indirect_vreg.gather [hbm4b:s6+s3], $0x80, v3, vm0, $0xb8;
	[tilespmem:$0x19000] =	vst v63  }
0x504: {  	s31 =	simm.s32 $0x10800  }
0x505: {  	[tilespmem:s31], [sflag:$0x2] =	stream.indirect_vreg.gather [hbm4b:s7+s3], $0x80, v3, vm0, $0xb8;
	[tilespmem:$0x19000] =	vst v63  }
0x506: {  	v3 =	vld [tilespmem:$0x890];
	_ =	sdelay $0x4  }
0x507: {  	v20 =	vshll.u32 v3, $0x3  }
0x508: {  	v3 =	vand.u32 $0x7, v3;
	v4 =	vand.u32 $0xFFFFFFC0, v20  }
0x509: {  	v3 =	vor.u32 v3, v4  }
0x50a: {  	v4 =	vperm.xlane v3, v0;
	_ =	sdelay $0x1  }
0x50b: {  	v4 =	vadd.s32 v1, v4;
	_ =	sdelay $0x3  }
0x50c: {  	s31 =	simm.s32 $0x11000  }
0x50d: {  	[tilespmem:s31], [sflag:$0x2] =	stream.indirect_vreg.gather [hbm4b:s2+s3], $0x80, v4, vm0, $0xb8;
	[tilespmem:$0x19000] =	vst v63  }
0x50e: {  	v3 =	vperm.xlane v3, v2;
	s31 =	simm.s32 $0x11800  }
0x50f: {  	[tilespmem:s31], [sflag:$0x2] =	stream.indirect_vreg.gather [hbm4b:s5+s3], $0x80, v4, vm0, $0xb8;
	[tilespmem:$0x19000] =	vst v63  }
0x510: {  	s21 =	simm.s32 $0x12000;
	v3 =	vadd.s32 v1, v3  }
0x511: {  	[tilespmem:s21], [sflag:$0x2] =	stream.indirect_vreg.gather [hbm4b:s6+s3], $0x80, v4, vm0, $0xb8;
	[tilespmem:$0x19000] =	vst v63  }
0x512: {  	s30 =	simm.s32 $0x12800  }
0x513: {  	[tilespmem:s30], [sflag:$0x2] =	stream.indirect_vreg.gather [hbm4b:s7+s3], $0x80, v4, vm0, $0xb8;
	[tilespmem:$0x19000] =	vst v63  }
0x514: {  	s31 =	simm.s32 $0x13000  }
0x515: {  	[tilespmem:s31], [sflag:$0x2] =	stream.indirect_vreg.gather [hbm4b:s2+s3], $0x80, v3, vm0, $0xb8;
	[tilespmem:$0x19000] =	vst v63  }
0x516: {  	s13 =	simm.s32 $0x13800  }
0x517: {  	[tilespmem:s13], [sflag:$0x2] =	stream.indirect_vreg.gather [hbm4b:s5+s3], $0x80, v3, vm0, $0xb8;
	[tilespmem:$0x19000] =	vst v63  }
0x518: {  	s13 =	simm.s32 $0x14000  }
0x519: {  	[tilespmem:s13], [sflag:$0x2] =	stream.indirect_vreg.gather [hbm4b:s6+s3], $0x80, v3, vm0, $0xb8;
	[tilespmem:$0x19000] =	vst v63  }
0x51a: {  	s13 =	simm.s32 $0x14800  }
0x51b: {  	[tilespmem:s13], [sflag:$0x2] =	stream.indirect_vreg.gather [hbm4b:s7+s3], $0x80, v3, vm0, $0xb8;
	[tilespmem:$0x19000] =	vst v63  }
0x51c: {  	v3 =	vld [tilespmem:$0x8A0];
	_ =	sdelay $0x4  }
0x51d: {  	v21 =	vshll.u32 v3, $0x3  }
0x51e: {  	v3 =	vand.u32 $0x7, v3;
	v4 =	vand.u32 $0xFFFFFFC0, v21  }
0x51f: {  	v3 =	vor.u32 v3, v4  }
0x520: {  	v4 =	vperm.xlane v3, v0;
	_ =	sdelay $0x1  }
0x521: {  	v4 =	vadd.s32 v1, v4;
	_ =	sdelay $0x3  }
0x522: {  	s13 =	simm.s32 $0x15000  }
0x523: {  	[tilespmem:s13], [sflag:$0x2] =	stream.indirect_vreg.gather [hbm4b:s2+s3], $0x80, v4, vm0, $0xb8;
	[tilespmem:$0x19000] =	vst v63  }
0x524: {  	v3 =	vperm.xlane v3, v2;
	s13 =	simm.s32 $0x15800  }
0x525: {  	[tilespmem:s13], [sflag:$0x2] =	stream.indirect_vreg.gather [hbm4b:s5+s3], $0x80, v4, vm0, $0xb8;
	[tilespmem:$0x19000] =	vst v63  }
0x526: {  	v3 =	vadd.s32 v1, v3;
	s13 =	simm.s32 $0x16000  }
0x527: {  	[tilespmem:s13], [sflag:$0x2] =	stream.indirect_vreg.gather [hbm4b:s6+s3], $0x80, v4, vm0, $0xb8;
	[tilespmem:$0x19000] =	vst v63  }
0x528: {  	s13 =	simm.s32 $0x16800  }
0x529: {  	[tilespmem:s13], [sflag:$0x2] =	stream.indirect_vreg.gather [hbm4b:s7+s3], $0x80, v4, vm0, $0xb8;
	[tilespmem:$0x19000] =	vst v63  }
0x52a: {  	s13 =	simm.s32 $0x17000  }
0x52b: {  	[tilespmem:s13], [sflag:$0x2] =	stream.indirect_vreg.gather [hbm4b:s2+s3], $0x80, v3, vm0, $0xb8;
	[tilespmem:$0x19000] =	vst v63  }
0x52c: {  	s13 =	simm.s32 $0x17800  }
0x52d: {  	[tilespmem:s13], [sflag:$0x2] =	stream.indirect_vreg.gather [hbm4b:s5+s3], $0x80, v3, vm0, $0xb8;
	[tilespmem:$0x19000] =	vst v63  }
0x52e: {  	s13 =	simm.s32 $0x18000  }
0x52f: {  	[tilespmem:s13], [sflag:$0x2] =	stream.indirect_vreg.gather [hbm4b:s6+s3], $0x80, v3, vm0, $0xb8;
	[tilespmem:$0x19000] =	vst v63  }
0x530: {  	s13 =	simm.s32 $0x18800  }
0x531: {  	[tilespmem:s13], [sflag:$0x2] =	stream.indirect_vreg.gather [hbm4b:s7+s3], $0x80, v3, vm0, $0xb8;
	[tilespmem:$0x19000] =	vst v63  }
0x532: {  	_ =	swait.ge [sflag:s4], $0xC000  }
0x533: {  	[sflag:s4] =	ssyncset.done $0x0  }
0x534: {  	s13 =	rddreg [dreg:$0x13];
	[sflag:s4] =	ssyncadd.s32 $0xFFFF4000  }
0x535: {  	[hbm4b:s13+s3] =	stream.linear.scatter [tilespmem:s18], [sflag:$0x3], $0xC000, $0x38;
	[tilespmem:$0x19000] =	vst v63  }
0x536: {  	_ =	swait.ge [sflag:s8], $0xC000  }
0x537: {  	[sflag:s8] =	ssyncset.done $0x0  }
0x538: {  	[sflag:s8] =	ssyncadd.s32 $0xFFFF4000  }
0x539: {  	v3 =	vld [tilespmem:$0x900];
	_ =	sdelay $0x4  }
0x53a: {  	v22 =	vshll.u32 v3, $0x3  }
0x53b: {  	v3 =	vand.u32 $0x7, v3;
	v4 =	vand.u32 $0xFFFFFFC0, v22  }
0x53c: {  	v3 =	vor.u32 v3, v4  }
0x53d: {  	v4 =	vperm.xlane v3, v0;
	_ =	sdelay $0x1  }
0x53e: {  	v4 =	vadd.s32 v1, v4;
	_ =	sdelay $0x4  }
0x53f: {  	[tilespmem:s18], [sflag:$0x1] =	stream.indirect_vreg.gather [hbm4b:s2+s3], $0x80, v4, vm0, $0xb8;
	[tilespmem:$0x19000] =	vst v63  }
0x540: {  	s13 =	simm.s32 $0x1800;
	v3 =	vperm.xlane v3, v2  }
0x541: {  	[tilespmem:s13], [sflag:$0x1] =	stream.indirect_vreg.gather [hbm4b:s5+s3], $0x80, v4, vm0, $0xb8;
	[tilespmem:$0x19000] =	vst v63  }
0x542: {  	v3 =	vadd.s32 v1, v3;
	s13 =	simm.s32 $0x2000  }
0x543: {  	[tilespmem:s13], [sflag:$0x1] =	stream.indirect_vreg.gather [hbm4b:s6+s3], $0x80, v4, vm0, $0xb8;
	[tilespmem:$0x19000] =	vst v63  }
0x544: {  	s13 =	simm.s32 $0x2800  }
0x545: {  	[tilespmem:s13], [sflag:$0x1] =	stream.indirect_vreg.gather [hbm4b:s7+s3], $0x80, v4, vm0, $0xb8;
	[tilespmem:$0x19000] =	vst v63  }
0x546: {  	s13 =	simm.s32 $0x3000  }
0x547: {  	[tilespmem:s13], [sflag:$0x1] =	stream.indirect_vreg.gather [hbm4b:s2+s3], $0x80, v3, vm0, $0xb8;
	[tilespmem:$0x19000] =	vst v63  }
0x548: {  	s10 =	simm.s32 $0x3800  }
0x549: {  	[tilespmem:s10], [sflag:$0x1] =	stream.indirect_vreg.gather [hbm4b:s5+s3], $0x80, v3, vm0, $0xb8;
	[tilespmem:$0x19000] =	vst v63  }
0x54a: {  	s1 =	simm.s32 $0x4000  }
0x54b: {  	[tilespmem:s1], [sflag:$0x1] =	stream.indirect_vreg.gather [hbm4b:s6+s3], $0x80, v3, vm0, $0xb8;
	[tilespmem:$0x19000] =	vst v63  }
0x54c: {  	s13 =	simm.s32 $0x4800  }
0x54d: {  	[tilespmem:s13], [sflag:$0x1] =	stream.indirect_vreg.gather [hbm4b:s7+s3], $0x80, v3, vm0, $0xb8;
	[tilespmem:$0x19000] =	vst v63  }
0x54e: {  	v3 =	vld [tilespmem:$0x910];
	_ =	sdelay $0x4  }
0x54f: {  	v23 =	vshll.u32 v3, $0x3  }
0x550: {  	v3 =	vand.u32 $0x7, v3;
	v4 =	vand.u32 $0xFFFFFFC0, v23  }
0x551: {  	v3 =	vor.u32 v3, v4  }
0x552: {  	v4 =	vperm.xlane v3, v0;
	_ =	sdelay $0x1  }
0x553: {  	v4 =	vadd.s32 v1, v4;
	_ =	sdelay $0x3  }
0x554: {  	s13 =	simm.s32 $0x5000  }
0x555: {  	[tilespmem:s13], [sflag:$0x1] =	stream.indirect_vreg.gather [hbm4b:s2+s3], $0x80, v4, vm0, $0xb8;
	[tilespmem:$0x19000] =	vst v63  }
0x556: {  	v3 =	vperm.xlane v3, v2;
	s13 =	simm.s32 $0x5800  }
0x557: {  	[tilespmem:s13], [sflag:$0x1] =	stream.indirect_vreg.gather [hbm4b:s5+s3], $0x80, v4, vm0, $0xb8;
	[tilespmem:$0x19000] =	vst v63  }
0x558: {  	v3 =	vadd.s32 v1, v3;
	s13 =	simm.s32 $0x6000  }
0x559: {  	[tilespmem:s13], [sflag:$0x1] =	stream.indirect_vreg.gather [hbm4b:s6+s3], $0x80, v4, vm0, $0xb8;
	[tilespmem:$0x19000] =	vst v63  }
0x55a: {  	s25 =	simm.s32 $0x6800  }
0x55b: {  	[tilespmem:s25], [sflag:$0x1] =	stream.indirect_vreg.gather [hbm4b:s7+s3], $0x80, v4, vm0, $0xb8;
	[tilespmem:$0x19000] =	vst v63  }
0x55c: {  	s24 =	simm.s32 $0x7000  }
0x55d: {  	[tilespmem:s24], [sflag:$0x1] =	stream.indirect_vreg.gather [hbm4b:s2+s3], $0x80, v3, vm0, $0xb8;
	[tilespmem:$0x19000] =	vst v63  }
0x55e: {  	s28 =	simm.s32 $0x7800  }
0x55f: {  	[tilespmem:s28], [sflag:$0x1] =	stream.indirect_vreg.gather [hbm4b:s5+s3], $0x80, v3, vm0, $0xb8;
	[tilespmem:$0x19000] =	vst v63  }
0x560: {  	s13 =	simm.s32 $0x8000  }
0x561: {  	[tilespmem:s13], [sflag:$0x1] =	stream.indirect_vreg.gather [hbm4b:s6+s3], $0x80, v3, vm0, $0xb8;
	[tilespmem:$0x19000] =	vst v63  }
0x562: {  	s13 =	simm.s32 $0x8800  }
0x563: {  	[tilespmem:s13], [sflag:$0x1] =	stream.indirect_vreg.gather [hbm4b:s7+s3], $0x80, v3, vm0, $0xb8;
	[tilespmem:$0x19000] =	vst v63  }
0x564: {  	v3 =	vld [tilespmem:$0x920];
	_ =	sdelay $0x4  }
0x565: {  	v24 =	vshll.u32 v3, $0x3  }
0x566: {  	v3 =	vand.u32 $0x7, v3;
	v4 =	vand.u32 $0xFFFFFFC0, v24  }
0x567: {  	v3 =	vor.u32 v3, v4  }
0x568: {  	v4 =	vperm.xlane v3, v0;
	_ =	sdelay $0x1  }
0x569: {  	v4 =	vadd.s32 v1, v4;
	_ =	sdelay $0x3  }
0x56a: {  	s13 =	simm.s32 $0x9000  }
0x56b: {  	[tilespmem:s13], [sflag:$0x1] =	stream.indirect_vreg.gather [hbm4b:s2+s3], $0x80, v4, vm0, $0xb8;
	[tilespmem:$0x19000] =	vst v63  }
0x56c: {  	s29 =	simm.s32 $0x9800;
	v3 =	vperm.xlane v3, v2  }
0x56d: {  	[tilespmem:s29], [sflag:$0x1] =	stream.indirect_vreg.gather [hbm4b:s5+s3], $0x80, v4, vm0, $0xb8;
	[tilespmem:$0x19000] =	vst v63  }
0x56e: {  	s23 =	simm.s32 $0xA000;
	v3 =	vadd.s32 v1, v3  }
0x56f: {  	[tilespmem:s23], [sflag:$0x1] =	stream.indirect_vreg.gather [hbm4b:s6+s3], $0x80, v4, vm0, $0xb8;
	[tilespmem:$0x19000] =	vst v63  }
0x570: {  	s22 =	simm.s32 $0xA800  }
0x571: {  	[tilespmem:s22], [sflag:$0x1] =	stream.indirect_vreg.gather [hbm4b:s7+s3], $0x80, v4, vm0, $0xb8;
	[tilespmem:$0x19000] =	vst v63  }
0x572: {  	s26 =	simm.s32 $0xB000  }
0x573: {  	[tilespmem:s26], [sflag:$0x1] =	stream.indirect_vreg.gather [hbm4b:s2+s3], $0x80, v3, vm0, $0xb8;
	[tilespmem:$0x19000] =	vst v63  }
0x574: {  	s17 =	simm.s32 $0xB800  }
0x575: {  	[tilespmem:s17], [sflag:$0x1] =	stream.indirect_vreg.gather [hbm4b:s5+s3], $0x80, v3, vm0, $0xb8;
	[tilespmem:$0x19000] =	vst v63  }
0x576: {  	s0 =	simm.s32 $0xC000  }
0x577: {  	[tilespmem:s0], [sflag:$0x1] =	stream.indirect_vreg.gather [hbm4b:s6+s3], $0x80, v3, vm0, $0xb8;
	[tilespmem:$0x19000] =	vst v63  }
0x578: {  	s13 =	simm.s32 $0xC800  }
0x579: {  	[tilespmem:s13], [sflag:$0x1] =	stream.indirect_vreg.gather [hbm4b:s7+s3], $0x80, v3, vm0, $0xb8;
	[tilespmem:$0x19000] =	vst v63  }
0x57a: {  	_ =	swait.ge [sflag:s11], $0xC000  }
0x57b: {  	[sflag:s11] =	ssyncset.done $0x0  }
0x57c: {  	s13 =	rddreg [dreg:$0x14];
	[sflag:s11] =	ssyncadd.s32 $0xFFFF4000  }
0x57d: {  	[hbm4b:s13+s3] =	stream.linear.scatter [tilespmem:s9], [sflag:$0x4], $0xC000, $0x38;
	[tilespmem:$0x19000] =	vst v63  }
0x57e: {  	_ =	swait.ge [sflag:s12], $0xC000  }
0x57f: {  	[sflag:s12] =	ssyncset.done $0x0  }
0x580: {  	[sflag:s12] =	ssyncadd.s32 $0xFFFF4000  }
0x581: {  	v3 =	vld [tilespmem:$0x980];
	_ =	sdelay $0x4  }
0x582: {  	v25 =	vshll.u32 v3, $0x3  }
0x583: {  	v3 =	vand.u32 $0x7, v3;
	v4 =	vand.u32 $0xFFFFFFC0, v25  }
0x584: {  	v3 =	vor.u32 v3, v4  }
0x585: {  	v4 =	vperm.xlane v3, v0;
	_ =	sdelay $0x1  }
0x586: {  	v4 =	vadd.s32 v1, v4;
	_ =	sdelay $0x4  }
0x587: {  	[tilespmem:s9], [sflag:$0x2] =	stream.indirect_vreg.gather [hbm4b:s2+s3], $0x80, v4, vm0, $0xb8;
	[tilespmem:$0x19000] =	vst v63  }
0x588: {  	s13 =	simm.s32 $0xD800;
	v3 =	vperm.xlane v3, v2  }
0x589: {  	[tilespmem:s13], [sflag:$0x2] =	stream.indirect_vreg.gather [hbm4b:s5+s3], $0x80, v4, vm0, $0xb8;
	[tilespmem:$0x19000] =	vst v63  }
0x58a: {  	s14 =	simm.s32 $0xE000;
	v3 =	vadd.s32 v1, v3  }
0x58b: {  	[tilespmem:s14], [sflag:$0x2] =	stream.indirect_vreg.gather [hbm4b:s6+s3], $0x80, v4, vm0, $0xb8;
	[tilespmem:$0x19000] =	vst v63  }
0x58c: {  	s15 =	simm.s32 $0xE800  }
0x58d: {  	[tilespmem:s15], [sflag:$0x2] =	stream.indirect_vreg.gather [hbm4b:s7+s3], $0x80, v4, vm0, $0xb8;
	[tilespmem:$0x19000] =	vst v63  }
0x58e: {  	s16 =	simm.s32 $0xF000  }
0x58f: {  	[tilespmem:s16], [sflag:$0x2] =	stream.indirect_vreg.gather [hbm4b:s2+s3], $0x80, v3, vm0, $0xb8;
	[tilespmem:$0x19000] =	vst v63  }
0x590: {  	s19 =	simm.s32 $0xF800  }
0x591: {  	[tilespmem:s19], [sflag:$0x2] =	stream.indirect_vreg.gather [hbm4b:s5+s3], $0x80, v3, vm0, $0xb8;
	[tilespmem:$0x19000] =	vst v63  }
0x592: {  	s20 =	simm.s32 $0x10000  }
0x593: {  	[tilespmem:s20], [sflag:$0x2] =	stream.indirect_vreg.gather [hbm4b:s6+s3], $0x80, v3, vm0, $0xb8;
	[tilespmem:$0x19000] =	vst v63  }
0x594: {  	s13 =	simm.s32 $0x10800  }
0x595: {  	[tilespmem:s13], [sflag:$0x2] =	stream.indirect_vreg.gather [hbm4b:s7+s3], $0x80, v3, vm0, $0xb8;
	[tilespmem:$0x19000] =	vst v63  }
0x596: {  	v3 =	vld [tilespmem:$0x990];
	_ =	sdelay $0x4  }
0x597: {  	v26 =	vshll.u32 v3, $0x3  }
0x598: {  	v3 =	vand.u32 $0x7, v3;
	v4 =	vand.u32 $0xFFFFFFC0, v26  }
0x599: {  	v3 =	vor.u32 v3, v4  }
0x59a: {  	v4 =	vperm.xlane v3, v0;
	_ =	sdelay $0x1  }
0x59b: {  	v4 =	vadd.s32 v1, v4;
	_ =	sdelay $0x3  }
0x59c: {  	s13 =	simm.s32 $0x11000  }
0x59d: {  	[tilespmem:s13], [sflag:$0x2] =	stream.indirect_vreg.gather [hbm4b:s2+s3], $0x80, v4, vm0, $0xb8;
	[tilespmem:$0x19000] =	vst v63  }
0x59e: {  	v3 =	vperm.xlane v3, v2;
	s13 =	simm.s32 $0x11800  }
0x59f: {  	[tilespmem:s13], [sflag:$0x2] =	stream.indirect_vreg.gather [hbm4b:s5+s3], $0x80, v4, vm0, $0xb8;
	[tilespmem:$0x19000] =	vst v63  }
0x5a0: {  	s21 =	simm.s32 $0x12000;
	v3 =	vadd.s32 v1, v3  }
0x5a1: {  	[tilespmem:s21], [sflag:$0x2] =	stream.indirect_vreg.gather [hbm4b:s6+s3], $0x80, v4, vm0, $0xb8;
	[tilespmem:$0x19000] =	vst v63  }
0x5a2: {  	s30 =	simm.s32 $0x12800  }
0x5a3: {  	[tilespmem:s30], [sflag:$0x2] =	stream.indirect_vreg.gather [hbm4b:s7+s3], $0x80, v4, vm0, $0xb8;
	[tilespmem:$0x19000] =	vst v63  }
0x5a4: {  	s31 =	simm.s32 $0x13000  }
0x5a5: {  	[tilespmem:s31], [sflag:$0x2] =	stream.indirect_vreg.gather [hbm4b:s2+s3], $0x80, v3, vm0, $0xb8;
	[tilespmem:$0x19000] =	vst v63  }
0x5a6: {  	s13 =	simm.s32 $0x13800  }
0x5a7: {  	[tilespmem:s13], [sflag:$0x2] =	stream.indirect_vreg.gather [hbm4b:s5+s3], $0x80, v3, vm0, $0xb8;
	[tilespmem:$0x19000] =	vst v63  }
0x5a8: {  	s13 =	simm.s32 $0x14000  }
0x5a9: {  	[tilespmem:s13], [sflag:$0x2] =	stream.indirect_vreg.gather [hbm4b:s6+s3], $0x80, v3, vm0, $0xb8;
	[tilespmem:$0x19000] =	vst v63  }
0x5aa: {  	s13 =	simm.s32 $0x14800  }
0x5ab: {  	[tilespmem:s13], [sflag:$0x2] =	stream.indirect_vreg.gather [hbm4b:s7+s3], $0x80, v3, vm0, $0xb8;
	[tilespmem:$0x19000] =	vst v63  }
0x5ac: {  	v3 =	vld [tilespmem:$0x9A0];
	_ =	sdelay $0x4  }
0x5ad: {  	v27 =	vshll.u32 v3, $0x3  }
0x5ae: {  	v3 =	vand.u32 $0x7, v3;
	v4 =	vand.u32 $0xFFFFFFC0, v27  }
0x5af: {  	v3 =	vor.u32 v3, v4  }
0x5b0: {  	v4 =	vperm.xlane v3, v0;
	_ =	sdelay $0x1  }
0x5b1: {  	v4 =	vadd.s32 v1, v4;
	_ =	sdelay $0x3  }
0x5b2: {  	s13 =	simm.s32 $0x15000  }
0x5b3: {  	[tilespmem:s13], [sflag:$0x2] =	stream.indirect_vreg.gather [hbm4b:s2+s3], $0x80, v4, vm0, $0xb8;
	[tilespmem:$0x19000] =	vst v63  }
0x5b4: {  	v3 =	vperm.xlane v3, v2;
	s13 =	simm.s32 $0x15800  }
0x5b5: {  	[tilespmem:s13], [sflag:$0x2] =	stream.indirect_vreg.gather [hbm4b:s5+s3], $0x80, v4, vm0, $0xb8;
	[tilespmem:$0x19000] =	vst v63  }
0x5b6: {  	v3 =	vadd.s32 v1, v3;
	s13 =	simm.s32 $0x16000  }
0x5b7: {  	[tilespmem:s13], [sflag:$0x2] =	stream.indirect_vreg.gather [hbm4b:s6+s3], $0x80, v4, vm0, $0xb8;
	[tilespmem:$0x19000] =	vst v63  }
0x5b8: {  	s13 =	simm.s32 $0x16800  }
0x5b9: {  	[tilespmem:s13], [sflag:$0x2] =	stream.indirect_vreg.gather [hbm4b:s7+s3], $0x80, v4, vm0, $0xb8;
	[tilespmem:$0x19000] =	vst v63  }
0x5ba: {  	s13 =	simm.s32 $0x17000  }
0x5bb: {  	[tilespmem:s13], [sflag:$0x2] =	stream.indirect_vreg.gather [hbm4b:s2+s3], $0x80, v3, vm0, $0xb8;
	[tilespmem:$0x19000] =	vst v63  }
0x5bc: {  	s13 =	simm.s32 $0x17800  }
0x5bd: {  	[tilespmem:s13], [sflag:$0x2] =	stream.indirect_vreg.gather [hbm4b:s5+s3], $0x80, v3, vm0, $0xb8;
	[tilespmem:$0x19000] =	vst v63  }
0x5be: {  	s13 =	simm.s32 $0x18000  }
0x5bf: {  	[tilespmem:s13], [sflag:$0x2] =	stream.indirect_vreg.gather [hbm4b:s6+s3], $0x80, v3, vm0, $0xb8;
	[tilespmem:$0x19000] =	vst v63  }
0x5c0: {  	s13 =	simm.s32 $0x18800  }
0x5c1: {  	[tilespmem:s13], [sflag:$0x2] =	stream.indirect_vreg.gather [hbm4b:s7+s3], $0x80, v3, vm0, $0xb8;
	[tilespmem:$0x19000] =	vst v63  }
0x5c2: {  	_ =	swait.ge [sflag:s4], $0xC000  }
0x5c3: {  	[sflag:s4] =	ssyncset.done $0x0  }
0x5c4: {  	s13 =	rddreg [dreg:$0x15];
	[sflag:s4] =	ssyncadd.s32 $0xFFFF4000  }
0x5c5: {  	[hbm4b:s13+s3] =	stream.linear.scatter [tilespmem:s18], [sflag:$0x3], $0xC000, $0x38;
	[tilespmem:$0x19000] =	vst v63  }
0x5c6: {  	_ =	swait.ge [sflag:s8], $0xC000  }
0x5c7: {  	[sflag:s8] =	ssyncset.done $0x0  }
0x5c8: {  	[sflag:s8] =	ssyncadd.s32 $0xFFFF4000  }
0x5c9: {  	v3 =	vld [tilespmem:$0xA00];
	_ =	sdelay $0x4  }
0x5ca: {  	v28 =	vshll.u32 v3, $0x3  }
0x5cb: {  	v3 =	vand.u32 $0x7, v3;
	v4 =	vand.u32 $0xFFFFFFC0, v28  }
0x5cc: {  	v3 =	vor.u32 v3, v4  }
0x5cd: {  	v4 =	vperm.xlane v3, v0;
	_ =	sdelay $0x1  }
0x5ce: {  	v4 =	vadd.s32 v1, v4;
	_ =	sdelay $0x4  }
0x5cf: {  	[tilespmem:s18], [sflag:$0x1] =	stream.indirect_vreg.gather [hbm4b:s2+s3], $0x80, v4, vm0, $0xb8;
	[tilespmem:$0x19000] =	vst v63  }
0x5d0: {  	s13 =	simm.s32 $0x1800;
	v3 =	vperm.xlane v3, v2  }
0x5d1: {  	[tilespmem:s13], [sflag:$0x1] =	stream.indirect_vreg.gather [hbm4b:s5+s3], $0x80, v4, vm0, $0xb8;
	[tilespmem:$0x19000] =	vst v63  }
0x5d2: {  	v3 =	vadd.s32 v1, v3;
	s13 =	simm.s32 $0x2000  }
0x5d3: {  	[tilespmem:s13], [sflag:$0x1] =	stream.indirect_vreg.gather [hbm4b:s6+s3], $0x80, v4, vm0, $0xb8;
	[tilespmem:$0x19000] =	vst v63  }
0x5d4: {  	s13 =	simm.s32 $0x2800  }
0x5d5: {  	[tilespmem:s13], [sflag:$0x1] =	stream.indirect_vreg.gather [hbm4b:s7+s3], $0x80, v4, vm0, $0xb8;
	[tilespmem:$0x19000] =	vst v63  }
0x5d6: {  	s13 =	simm.s32 $0x3000  }
0x5d7: {  	[tilespmem:s13], [sflag:$0x1] =	stream.indirect_vreg.gather [hbm4b:s2+s3], $0x80, v3, vm0, $0xb8;
	[tilespmem:$0x19000] =	vst v63  }
0x5d8: {  	s10 =	simm.s32 $0x3800  }
0x5d9: {  	[tilespmem:s10], [sflag:$0x1] =	stream.indirect_vreg.gather [hbm4b:s5+s3], $0x80, v3, vm0, $0xb8;
	[tilespmem:$0x19000] =	vst v63  }
0x5da: {  	s1 =	simm.s32 $0x4000  }
0x5db: {  	[tilespmem:s1], [sflag:$0x1] =	stream.indirect_vreg.gather [hbm4b:s6+s3], $0x80, v3, vm0, $0xb8;
	[tilespmem:$0x19000] =	vst v63  }
0x5dc: {  	s13 =	simm.s32 $0x4800  }
0x5dd: {  	[tilespmem:s13], [sflag:$0x1] =	stream.indirect_vreg.gather [hbm4b:s7+s3], $0x80, v3, vm0, $0xb8;
	[tilespmem:$0x19000] =	vst v63  }
0x5de: {  	v3 =	vld [tilespmem:$0xA10];
	_ =	sdelay $0x4  }
0x5df: {  	v29 =	vshll.u32 v3, $0x3  }
0x5e0: {  	v3 =	vand.u32 $0x7, v3;
	v4 =	vand.u32 $0xFFFFFFC0, v29  }
0x5e1: {  	v3 =	vor.u32 v3, v4  }
0x5e2: {  	v4 =	vperm.xlane v3, v0;
	_ =	sdelay $0x1  }
0x5e3: {  	v4 =	vadd.s32 v1, v4;
	_ =	sdelay $0x3  }
0x5e4: {  	s13 =	simm.s32 $0x5000  }
0x5e5: {  	[tilespmem:s13], [sflag:$0x1] =	stream.indirect_vreg.gather [hbm4b:s2+s3], $0x80, v4, vm0, $0xb8;
	[tilespmem:$0x19000] =	vst v63  }
0x5e6: {  	v3 =	vperm.xlane v3, v2;
	s13 =	simm.s32 $0x5800  }
0x5e7: {  	[tilespmem:s13], [sflag:$0x1] =	stream.indirect_vreg.gather [hbm4b:s5+s3], $0x80, v4, vm0, $0xb8;
	[tilespmem:$0x19000] =	vst v63  }
0x5e8: {  	v3 =	vadd.s32 v1, v3;
	s13 =	simm.s32 $0x6000  }
0x5e9: {  	[tilespmem:s13], [sflag:$0x1] =	stream.indirect_vreg.gather [hbm4b:s6+s3], $0x80, v4, vm0, $0xb8;
	[tilespmem:$0x19000] =	vst v63  }
0x5ea: {  	s25 =	simm.s32 $0x6800  }
0x5eb: {  	[tilespmem:s25], [sflag:$0x1] =	stream.indirect_vreg.gather [hbm4b:s7+s3], $0x80, v4, vm0, $0xb8;
	[tilespmem:$0x19000] =	vst v63  }
0x5ec: {  	s24 =	simm.s32 $0x7000  }
0x5ed: {  	[tilespmem:s24], [sflag:$0x1] =	stream.indirect_vreg.gather [hbm4b:s2+s3], $0x80, v3, vm0, $0xb8;
	[tilespmem:$0x19000] =	vst v63  }
0x5ee: {  	s28 =	simm.s32 $0x7800  }
0x5ef: {  	[tilespmem:s28], [sflag:$0x1] =	stream.indirect_vreg.gather [hbm4b:s5+s3], $0x80, v3, vm0, $0xb8;
	[tilespmem:$0x19000] =	vst v63  }
0x5f0: {  	s13 =	simm.s32 $0x8000  }
0x5f1: {  	[tilespmem:s13], [sflag:$0x1] =	stream.indirect_vreg.gather [hbm4b:s6+s3], $0x80, v3, vm0, $0xb8;
	[tilespmem:$0x19000] =	vst v63  }
0x5f2: {  	s13 =	simm.s32 $0x8800  }
0x5f3: {  	[tilespmem:s13], [sflag:$0x1] =	stream.indirect_vreg.gather [hbm4b:s7+s3], $0x80, v3, vm0, $0xb8;
	[tilespmem:$0x19000] =	vst v63  }
0x5f4: {  	v3 =	vld [tilespmem:$0xA20];
	_ =	sdelay $0x4  }
0x5f5: {  	v30 =	vshll.u32 v3, $0x3  }
0x5f6: {  	v3 =	vand.u32 $0x7, v3;
	v4 =	vand.u32 $0xFFFFFFC0, v30  }
0x5f7: {  	v3 =	vor.u32 v3, v4  }
0x5f8: {  	v4 =	vperm.xlane v3, v0;
	_ =	sdelay $0x1  }
0x5f9: {  	v4 =	vadd.s32 v1, v4;
	_ =	sdelay $0x3  }
0x5fa: {  	s13 =	simm.s32 $0x9000  }
0x5fb: {  	[tilespmem:s13], [sflag:$0x1] =	stream.indirect_vreg.gather [hbm4b:s2+s3], $0x80, v4, vm0, $0xb8;
	[tilespmem:$0x19000] =	vst v63  }
0x5fc: {  	s29 =	simm.s32 $0x9800;
	v3 =	vperm.xlane v3, v2  }
0x5fd: {  	[tilespmem:s29], [sflag:$0x1] =	stream.indirect_vreg.gather [hbm4b:s5+s3], $0x80, v4, vm0, $0xb8;
	[tilespmem:$0x19000] =	vst v63  }
0x5fe: {  	s23 =	simm.s32 $0xA000;
	v3 =	vadd.s32 v1, v3  }
0x5ff: {  	[tilespmem:s23], [sflag:$0x1] =	stream.indirect_vreg.gather [hbm4b:s6+s3], $0x80, v4, vm0, $0xb8;
	[tilespmem:$0x19000] =	vst v63  }
0x600: {  	s22 =	simm.s32 $0xA800  }
0x601: {  	[tilespmem:s22], [sflag:$0x1] =	stream.indirect_vreg.gather [hbm4b:s7+s3], $0x80, v4, vm0, $0xb8;
	[tilespmem:$0x19000] =	vst v63  }
0x602: {  	s26 =	simm.s32 $0xB000  }
0x603: {  	[tilespmem:s26], [sflag:$0x1] =	stream.indirect_vreg.gather [hbm4b:s2+s3], $0x80, v3, vm0, $0xb8;
	[tilespmem:$0x19000] =	vst v63  }
0x604: {  	s17 =	simm.s32 $0xB800  }
0x605: {  	[tilespmem:s17], [sflag:$0x1] =	stream.indirect_vreg.gather [hbm4b:s5+s3], $0x80, v3, vm0, $0xb8;
	[tilespmem:$0x19000] =	vst v63  }
0x606: {  	s0 =	simm.s32 $0xC000  }
0x607: {  	[tilespmem:s0], [sflag:$0x1] =	stream.indirect_vreg.gather [hbm4b:s6+s3], $0x80, v3, vm0, $0xb8;
	[tilespmem:$0x19000] =	vst v63  }
0x608: {  	s13 =	simm.s32 $0xC800  }
0x609: {  	[tilespmem:s13], [sflag:$0x1] =	stream.indirect_vreg.gather [hbm4b:s7+s3], $0x80, v3, vm0, $0xb8;
	[tilespmem:$0x19000] =	vst v63  }
0x60a: {  	_ =	swait.ge [sflag:s11], $0xC000  }
0x60b: {  	[sflag:s11] =	ssyncset.done $0x0  }
0x60c: {  	s13 =	rddreg [dreg:$0x16];
	[sflag:s11] =	ssyncadd.s32 $0xFFFF4000  }
0x60d: {  	[hbm4b:s13+s3] =	stream.linear.scatter [tilespmem:s9], [sflag:$0x4], $0xC000, $0x38;
	[tilespmem:$0x19000] =	vst v63  }
0x60e: {  	_ =	swait.ge [sflag:s12], $0xC000  }
0x60f: {  	[sflag:s12] =	ssyncset.done $0x0  }
0x610: {  	[sflag:s12] =	ssyncadd.s32 $0xFFFF4000  }
0x611: {  	v3 =	vld [tilespmem:$0xA80];
	_ =	sdelay $0x4  }
0x612: {  	v31 =	vshll.u32 v3, $0x3  }
0x613: {  	v3 =	vand.u32 $0x7, v3;
	v4 =	vand.u32 $0xFFFFFFC0, v31  }
0x614: {  	v3 =	vor.u32 v3, v4  }
0x615: {  	v4 =	vperm.xlane v3, v0;
	_ =	sdelay $0x1  }
0x616: {  	v4 =	vadd.s32 v1, v4;
	_ =	sdelay $0x4  }
0x617: {  	[tilespmem:s9], [sflag:$0x2] =	stream.indirect_vreg.gather [hbm4b:s2+s3], $0x80, v4, vm0, $0xb8;
	[tilespmem:$0x19000] =	vst v63  }
0x618: {  	s13 =	simm.s32 $0xD800;
	v3 =	vperm.xlane v3, v2  }
0x619: {  	[tilespmem:s13], [sflag:$0x2] =	stream.indirect_vreg.gather [hbm4b:s5+s3], $0x80, v4, vm0, $0xb8;
	[tilespmem:$0x19000] =	vst v63  }
0x61a: {  	s14 =	simm.s32 $0xE000;
	v3 =	vadd.s32 v1, v3  }
0x61b: {  	[tilespmem:s14], [sflag:$0x2] =	stream.indirect_vreg.gather [hbm4b:s6+s3], $0x80, v4, vm0, $0xb8;
	[tilespmem:$0x19000] =	vst v63  }
0x61c: {  	s15 =	simm.s32 $0xE800  }
0x61d: {  	[tilespmem:s15], [sflag:$0x2] =	stream.indirect_vreg.gather [hbm4b:s7+s3], $0x80, v4, vm0, $0xb8;
	[tilespmem:$0x19000] =	vst v63  }
0x61e: {  	s16 =	simm.s32 $0xF000  }
0x61f: {  	[tilespmem:s16], [sflag:$0x2] =	stream.indirect_vreg.gather [hbm4b:s2+s3], $0x80, v3, vm0, $0xb8;
	[tilespmem:$0x19000] =	vst v63  }
0x620: {  	s19 =	simm.s32 $0xF800  }
0x621: {  	[tilespmem:s19], [sflag:$0x2] =	stream.indirect_vreg.gather [hbm4b:s5+s3], $0x80, v3, vm0, $0xb8;
	[tilespmem:$0x19000] =	vst v63  }
0x622: {  	s20 =	simm.s32 $0x10000  }
0x623: {  	[tilespmem:s20], [sflag:$0x2] =	stream.indirect_vreg.gather [hbm4b:s6+s3], $0x80, v3, vm0, $0xb8;
	[tilespmem:$0x19000] =	vst v63  }
0x624: {  	s13 =	simm.s32 $0x10800  }
0x625: {  	[tilespmem:s13], [sflag:$0x2] =	stream.indirect_vreg.gather [hbm4b:s7+s3], $0x80, v3, vm0, $0xb8;
	[tilespmem:$0x19000] =	vst v63  }
0x626: {  	v3 =	vld [tilespmem:$0xA90];
	_ =	sdelay $0x4  }
0x627: {  	v32 =	vshll.u32 v3, $0x3  }
0x628: {  	v3 =	vand.u32 $0x7, v3;
	v4 =	vand.u32 $0xFFFFFFC0, v32  }
0x629: {  	v3 =	vor.u32 v3, v4  }
0x62a: {  	v4 =	vperm.xlane v3, v0;
	_ =	sdelay $0x1  }
0x62b: {  	v4 =	vadd.s32 v1, v4;
	_ =	sdelay $0x3  }
0x62c: {  	s13 =	simm.s32 $0x11000  }
0x62d: {  	[tilespmem:s13], [sflag:$0x2] =	stream.indirect_vreg.gather [hbm4b:s2+s3], $0x80, v4, vm0, $0xb8;
	[tilespmem:$0x19000] =	vst v63  }
0x62e: {  	v3 =	vperm.xlane v3, v2;
	s13 =	simm.s32 $0x11800  }
0x62f: {  	[tilespmem:s13], [sflag:$0x2] =	stream.indirect_vreg.gather [hbm4b:s5+s3], $0x80, v4, vm0, $0xb8;
	[tilespmem:$0x19000] =	vst v63  }
0x630: {  	s21 =	simm.s32 $0x12000;
	v3 =	vadd.s32 v1, v3  }
0x631: {  	[tilespmem:s21], [sflag:$0x2] =	stream.indirect_vreg.gather [hbm4b:s6+s3], $0x80, v4, vm0, $0xb8;
	[tilespmem:$0x19000] =	vst v63  }
0x632: {  	s30 =	simm.s32 $0x12800  }
0x633: {  	[tilespmem:s30], [sflag:$0x2] =	stream.indirect_vreg.gather [hbm4b:s7+s3], $0x80, v4, vm0, $0xb8;
	[tilespmem:$0x19000] =	vst v63  }
0x634: {  	s31 =	simm.s32 $0x13000  }
0x635: {  	[tilespmem:s31], [sflag:$0x2] =	stream.indirect_vreg.gather [hbm4b:s2+s3], $0x80, v3, vm0, $0xb8;
	[tilespmem:$0x19000] =	vst v63  }
0x636: {  	s13 =	simm.s32 $0x13800  }
0x637: {  	[tilespmem:s13], [sflag:$0x2] =	stream.indirect_vreg.gather [hbm4b:s5+s3], $0x80, v3, vm0, $0xb8;
	[tilespmem:$0x19000] =	vst v63  }
0x638: {  	s13 =	simm.s32 $0x14000  }
0x639: {  	[tilespmem:s13], [sflag:$0x2] =	stream.indirect_vreg.gather [hbm4b:s6+s3], $0x80, v3, vm0, $0xb8;
	[tilespmem:$0x19000] =	vst v63  }
0x63a: {  	s13 =	simm.s32 $0x14800  }
0x63b: {  	[tilespmem:s13], [sflag:$0x2] =	stream.indirect_vreg.gather [hbm4b:s7+s3], $0x80, v3, vm0, $0xb8;
	[tilespmem:$0x19000] =	vst v63  }
0x63c: {  	v3 =	vld [tilespmem:$0xAA0];
	_ =	sdelay $0x4  }
0x63d: {  	v33 =	vshll.u32 v3, $0x3  }
0x63e: {  	v3 =	vand.u32 $0x7, v3;
	v4 =	vand.u32 $0xFFFFFFC0, v33  }
0x63f: {  	v3 =	vor.u32 v3, v4  }
0x640: {  	v4 =	vperm.xlane v3, v0;
	_ =	sdelay $0x1  }
0x641: {  	v4 =	vadd.s32 v1, v4;
	_ =	sdelay $0x3  }
0x642: {  	s13 =	simm.s32 $0x15000  }
0x643: {  	[tilespmem:s13], [sflag:$0x2] =	stream.indirect_vreg.gather [hbm4b:s2+s3], $0x80, v4, vm0, $0xb8;
	[tilespmem:$0x19000] =	vst v63  }
0x644: {  	v3 =	vperm.xlane v3, v2;
	s13 =	simm.s32 $0x15800  }
0x645: {  	[tilespmem:s13], [sflag:$0x2] =	stream.indirect_vreg.gather [hbm4b:s5+s3], $0x80, v4, vm0, $0xb8;
	[tilespmem:$0x19000] =	vst v63  }
0x646: {  	v3 =	vadd.s32 v1, v3;
	s13 =	simm.s32 $0x16000  }
0x647: {  	[tilespmem:s13], [sflag:$0x2] =	stream.indirect_vreg.gather [hbm4b:s6+s3], $0x80, v4, vm0, $0xb8;
	[tilespmem:$0x19000] =	vst v63  }
0x648: {  	s13 =	simm.s32 $0x16800  }
0x649: {  	[tilespmem:s13], [sflag:$0x2] =	stream.indirect_vreg.gather [hbm4b:s7+s3], $0x80, v4, vm0, $0xb8;
	[tilespmem:$0x19000] =	vst v63  }
0x64a: {  	s13 =	simm.s32 $0x17000  }
0x64b: {  	[tilespmem:s13], [sflag:$0x2] =	stream.indirect_vreg.gather [hbm4b:s2+s3], $0x80, v3, vm0, $0xb8;
	[tilespmem:$0x19000] =	vst v63  }
0x64c: {  	s13 =	simm.s32 $0x17800  }
0x64d: {  	[tilespmem:s13], [sflag:$0x2] =	stream.indirect_vreg.gather [hbm4b:s5+s3], $0x80, v3, vm0, $0xb8;
	[tilespmem:$0x19000] =	vst v63  }
0x64e: {  	s13 =	simm.s32 $0x18000  }
0x64f: {  	[tilespmem:s13], [sflag:$0x2] =	stream.indirect_vreg.gather [hbm4b:s6+s3], $0x80, v3, vm0, $0xb8;
	[tilespmem:$0x19000] =	vst v63  }
0x650: {  	s13 =	simm.s32 $0x18800  }
0x651: {  	[tilespmem:s13], [sflag:$0x2] =	stream.indirect_vreg.gather [hbm4b:s7+s3], $0x80, v3, vm0, $0xb8;
	[tilespmem:$0x19000] =	vst v63  }
0x652: {  	_ =	swait.ge [sflag:s4], $0xC000  }
0x653: {  	[sflag:s4] =	ssyncset.done $0x0  }
0x654: {  	s13 =	rddreg [dreg:$0x17];
	[sflag:s4] =	ssyncadd.s32 $0xFFFF4000  }
0x655: {  	[hbm4b:s13+s3] =	stream.linear.scatter [tilespmem:s18], [sflag:$0x3], $0xC000, $0x38;
	[tilespmem:$0x19000] =	vst v63  }
0x656: {  	_ =	swait.ge [sflag:s8], $0xC000  }
0x657: {  	[sflag:s8] =	ssyncset.done $0x0  }
0x658: {  	[sflag:s8] =	ssyncadd.s32 $0xFFFF4000  }
0x659: {  	v3 =	vld [tilespmem:$0xB00];
	_ =	sdelay $0x4  }
0x65a: {  	v34 =	vshll.u32 v3, $0x3  }
0x65b: {  	v3 =	vand.u32 $0x7, v3;
	v4 =	vand.u32 $0xFFFFFFC0, v34  }
0x65c: {  	v3 =	vor.u32 v3, v4  }
0x65d: {  	v4 =	vperm.xlane v3, v0;
	_ =	sdelay $0x1  }
0x65e: {  	v4 =	vadd.s32 v1, v4;
	_ =	sdelay $0x4  }
0x65f: {  	[tilespmem:s18], [sflag:$0x1] =	stream.indirect_vreg.gather [hbm4b:s2+s3], $0x80, v4, vm0, $0xb8;
	[tilespmem:$0x19000] =	vst v63  }
0x660: {  	s13 =	simm.s32 $0x1800;
	v3 =	vperm.xlane v3, v2  }
0x661: {  	[tilespmem:s13], [sflag:$0x1] =	stream.indirect_vreg.gather [hbm4b:s5+s3], $0x80, v4, vm0, $0xb8;
	[tilespmem:$0x19000] =	vst v63  }
0x662: {  	v3 =	vadd.s32 v1, v3;
	s13 =	simm.s32 $0x2000  }
0x663: {  	[tilespmem:s13], [sflag:$0x1] =	stream.indirect_vreg.gather [hbm4b:s6+s3], $0x80, v4, vm0, $0xb8;
	[tilespmem:$0x19000] =	vst v63  }
0x664: {  	s13 =	simm.s32 $0x2800  }
0x665: {  	[tilespmem:s13], [sflag:$0x1] =	stream.indirect_vreg.gather [hbm4b:s7+s3], $0x80, v4, vm0, $0xb8;
	[tilespmem:$0x19000] =	vst v63  }
0x666: {  	s13 =	simm.s32 $0x3000  }
0x667: {  	[tilespmem:s13], [sflag:$0x1] =	stream.indirect_vreg.gather [hbm4b:s2+s3], $0x80, v3, vm0, $0xb8;
	[tilespmem:$0x19000] =	vst v63  }
0x668: {  	s10 =	simm.s32 $0x3800  }
0x669: {  	[tilespmem:s10], [sflag:$0x1] =	stream.indirect_vreg.gather [hbm4b:s5+s3], $0x80, v3, vm0, $0xb8;
	[tilespmem:$0x19000] =	vst v63  }
0x66a: {  	s1 =	simm.s32 $0x4000  }
0x66b: {  	[tilespmem:s1], [sflag:$0x1] =	stream.indirect_vreg.gather [hbm4b:s6+s3], $0x80, v3, vm0, $0xb8;
	[tilespmem:$0x19000] =	vst v63  }
0x66c: {  	s13 =	simm.s32 $0x4800  }
0x66d: {  	[tilespmem:s13], [sflag:$0x1] =	stream.indirect_vreg.gather [hbm4b:s7+s3], $0x80, v3, vm0, $0xb8;
	[tilespmem:$0x19000] =	vst v63  }
0x66e: {  	v3 =	vld [tilespmem:$0xB10];
	_ =	sdelay $0x4  }
0x66f: {  	v35 =	vshll.u32 v3, $0x3  }
0x670: {  	v3 =	vand.u32 $0x7, v3;
	v4 =	vand.u32 $0xFFFFFFC0, v35  }
0x671: {  	v3 =	vor.u32 v3, v4  }
0x672: {  	v4 =	vperm.xlane v3, v0;
	_ =	sdelay $0x1  }
0x673: {  	v4 =	vadd.s32 v1, v4;
	_ =	sdelay $0x3  }
0x674: {  	s13 =	simm.s32 $0x5000  }
0x675: {  	[tilespmem:s13], [sflag:$0x1] =	stream.indirect_vreg.gather [hbm4b:s2+s3], $0x80, v4, vm0, $0xb8;
	[tilespmem:$0x19000] =	vst v63  }
0x676: {  	v3 =	vperm.xlane v3, v2;
	s13 =	simm.s32 $0x5800  }
0x677: {  	[tilespmem:s13], [sflag:$0x1] =	stream.indirect_vreg.gather [hbm4b:s5+s3], $0x80, v4, vm0, $0xb8;
	[tilespmem:$0x19000] =	vst v63  }
0x678: {  	v3 =	vadd.s32 v1, v3;
	s13 =	simm.s32 $0x6000  }
0x679: {  	[tilespmem:s13], [sflag:$0x1] =	stream.indirect_vreg.gather [hbm4b:s6+s3], $0x80, v4, vm0, $0xb8;
	[tilespmem:$0x19000] =	vst v63  }
0x67a: {  	s25 =	simm.s32 $0x6800  }
0x67b: {  	[tilespmem:s25], [sflag:$0x1] =	stream.indirect_vreg.gather [hbm4b:s7+s3], $0x80, v4, vm0, $0xb8;
	[tilespmem:$0x19000] =	vst v63  }
0x67c: {  	s24 =	simm.s32 $0x7000  }
0x67d: {  	[tilespmem:s24], [sflag:$0x1] =	stream.indirect_vreg.gather [hbm4b:s2+s3], $0x80, v3, vm0, $0xb8;
	[tilespmem:$0x19000] =	vst v63  }
0x67e: {  	s28 =	simm.s32 $0x7800  }
0x67f: {  	[tilespmem:s28], [sflag:$0x1] =	stream.indirect_vreg.gather [hbm4b:s5+s3], $0x80, v3, vm0, $0xb8;
	[tilespmem:$0x19000] =	vst v63  }
0x680: {  	s13 =	simm.s32 $0x8000  }
0x681: {  	[tilespmem:s13], [sflag:$0x1] =	stream.indirect_vreg.gather [hbm4b:s6+s3], $0x80, v3, vm0, $0xb8;
	[tilespmem:$0x19000] =	vst v63  }
0x682: {  	s13 =	simm.s32 $0x8800  }
0x683: {  	[tilespmem:s13], [sflag:$0x1] =	stream.indirect_vreg.gather [hbm4b:s7+s3], $0x80, v3, vm0, $0xb8;
	[tilespmem:$0x19000] =	vst v63  }
0x684: {  	v3 =	vld [tilespmem:$0xB20];
	_ =	sdelay $0x4  }
0x685: {  	v36 =	vshll.u32 v3, $0x3  }
0x686: {  	v3 =	vand.u32 $0x7, v3;
	v4 =	vand.u32 $0xFFFFFFC0, v36  }
0x687: {  	v3 =	vor.u32 v3, v4  }
0x688: {  	v4 =	vperm.xlane v3, v0;
	_ =	sdelay $0x1  }
0x689: {  	v4 =	vadd.s32 v1, v4;
	_ =	sdelay $0x3  }
0x68a: {  	s13 =	simm.s32 $0x9000  }
0x68b: {  	[tilespmem:s13], [sflag:$0x1] =	stream.indirect_vreg.gather [hbm4b:s2+s3], $0x80, v4, vm0, $0xb8;
	[tilespmem:$0x19000] =	vst v63  }
0x68c: {  	s29 =	simm.s32 $0x9800;
	v3 =	vperm.xlane v3, v2  }
0x68d: {  	[tilespmem:s29], [sflag:$0x1] =	stream.indirect_vreg.gather [hbm4b:s5+s3], $0x80, v4, vm0, $0xb8;
	[tilespmem:$0x19000] =	vst v63  }
0x68e: {  	s23 =	simm.s32 $0xA000;
	v3 =	vadd.s32 v1, v3  }
0x68f: {  	[tilespmem:s23], [sflag:$0x1] =	stream.indirect_vreg.gather [hbm4b:s6+s3], $0x80, v4, vm0, $0xb8;
	[tilespmem:$0x19000] =	vst v63  }
0x690: {  	s22 =	simm.s32 $0xA800  }
0x691: {  	[tilespmem:s22], [sflag:$0x1] =	stream.indirect_vreg.gather [hbm4b:s7+s3], $0x80, v4, vm0, $0xb8;
	[tilespmem:$0x19000] =	vst v63  }
0x692: {  	s26 =	simm.s32 $0xB000  }
0x693: {  	[tilespmem:s26], [sflag:$0x1] =	stream.indirect_vreg.gather [hbm4b:s2+s3], $0x80, v3, vm0, $0xb8;
	[tilespmem:$0x19000] =	vst v63  }
0x694: {  	s17 =	simm.s32 $0xB800  }
0x695: {  	[tilespmem:s17], [sflag:$0x1] =	stream.indirect_vreg.gather [hbm4b:s5+s3], $0x80, v3, vm0, $0xb8;
	[tilespmem:$0x19000] =	vst v63  }
0x696: {  	s0 =	simm.s32 $0xC000  }
0x697: {  	[tilespmem:s0], [sflag:$0x1] =	stream.indirect_vreg.gather [hbm4b:s6+s3], $0x80, v3, vm0, $0xb8;
	[tilespmem:$0x19000] =	vst v63  }
0x698: {  	s13 =	simm.s32 $0xC800  }
0x699: {  	[tilespmem:s13], [sflag:$0x1] =	stream.indirect_vreg.gather [hbm4b:s7+s3], $0x80, v3, vm0, $0xb8;
	[tilespmem:$0x19000] =	vst v63  }
0x69a: {  	_ =	swait.ge [sflag:s11], $0xC000  }
0x69b: {  	[sflag:s11] =	ssyncset.done $0x0  }
0x69c: {  	s13 =	rddreg [dreg:$0x18];
	[sflag:s11] =	ssyncadd.s32 $0xFFFF4000  }
0x69d: {  	[hbm4b:s13+s3] =	stream.linear.scatter [tilespmem:s9], [sflag:$0x4], $0xC000, $0x38;
	[tilespmem:$0x19000] =	vst v63  }
0x69e: {  	_ =	swait.ge [sflag:s12], $0xC000  }
0x69f: {  	[sflag:s12] =	ssyncset.done $0x0  }
0x6a0: {  	[sflag:s12] =	ssyncadd.s32 $0xFFFF4000  }
0x6a1: {  	v3 =	vld [tilespmem:$0xB80];
	_ =	sdelay $0x4  }
0x6a2: {  	v37 =	vshll.u32 v3, $0x3  }
0x6a3: {  	v3 =	vand.u32 $0x7, v3;
	v4 =	vand.u32 $0xFFFFFFC0, v37  }
0x6a4: {  	v3 =	vor.u32 v3, v4  }
0x6a5: {  	v4 =	vperm.xlane v3, v0;
	_ =	sdelay $0x1  }
0x6a6: {  	v4 =	vadd.s32 v1, v4;
	_ =	sdelay $0x4  }
0x6a7: {  	[tilespmem:s9], [sflag:$0x2] =	stream.indirect_vreg.gather [hbm4b:s2+s3], $0x80, v4, vm0, $0xb8;
	[tilespmem:$0x19000] =	vst v63  }
0x6a8: {  	s13 =	simm.s32 $0xD800;
	v3 =	vperm.xlane v3, v2  }
0x6a9: {  	[tilespmem:s13], [sflag:$0x2] =	stream.indirect_vreg.gather [hbm4b:s5+s3], $0x80, v4, vm0, $0xb8;
	[tilespmem:$0x19000] =	vst v63  }
0x6aa: {  	s14 =	simm.s32 $0xE000;
	v3 =	vadd.s32 v1, v3  }
0x6ab: {  	[tilespmem:s14], [sflag:$0x2] =	stream.indirect_vreg.gather [hbm4b:s6+s3], $0x80, v4, vm0, $0xb8;
	[tilespmem:$0x19000] =	vst v63  }
0x6ac: {  	s15 =	simm.s32 $0xE800  }
0x6ad: {  	[tilespmem:s15], [sflag:$0x2] =	stream.indirect_vreg.gather [hbm4b:s7+s3], $0x80, v4, vm0, $0xb8;
	[tilespmem:$0x19000] =	vst v63  }
0x6ae: {  	s16 =	simm.s32 $0xF000  }
0x6af: {  	[tilespmem:s16], [sflag:$0x2] =	stream.indirect_vreg.gather [hbm4b:s2+s3], $0x80, v3, vm0, $0xb8;
	[tilespmem:$0x19000] =	vst v63  }
0x6b0: {  	s19 =	simm.s32 $0xF800  }
0x6b1: {  	[tilespmem:s19], [sflag:$0x2] =	stream.indirect_vreg.gather [hbm4b:s5+s3], $0x80, v3, vm0, $0xb8;
	[tilespmem:$0x19000] =	vst v63  }
0x6b2: {  	s20 =	simm.s32 $0x10000  }
0x6b3: {  	[tilespmem:s20], [sflag:$0x2] =	stream.indirect_vreg.gather [hbm4b:s6+s3], $0x80, v3, vm0, $0xb8;
	[tilespmem:$0x19000] =	vst v63  }
0x6b4: {  	s13 =	simm.s32 $0x10800  }
0x6b5: {  	[tilespmem:s13], [sflag:$0x2] =	stream.indirect_vreg.gather [hbm4b:s7+s3], $0x80, v3, vm0, $0xb8;
	[tilespmem:$0x19000] =	vst v63  }
0x6b6: {  	v3 =	vld [tilespmem:$0xB90];
	_ =	sdelay $0x4  }
0x6b7: {  	v38 =	vshll.u32 v3, $0x3  }
0x6b8: {  	v3 =	vand.u32 $0x7, v3;
	v4 =	vand.u32 $0xFFFFFFC0, v38  }
0x6b9: {  	v3 =	vor.u32 v3, v4  }
0x6ba: {  	v4 =	vperm.xlane v3, v0;
	_ =	sdelay $0x1  }
0x6bb: {  	v4 =	vadd.s32 v1, v4;
	_ =	sdelay $0x3  }
0x6bc: {  	s13 =	simm.s32 $0x11000  }
0x6bd: {  	[tilespmem:s13], [sflag:$0x2] =	stream.indirect_vreg.gather [hbm4b:s2+s3], $0x80, v4, vm0, $0xb8;
	[tilespmem:$0x19000] =	vst v63  }
0x6be: {  	v3 =	vperm.xlane v3, v2;
	s13 =	simm.s32 $0x11800  }
0x6bf: {  	[tilespmem:s13], [sflag:$0x2] =	stream.indirect_vreg.gather [hbm4b:s5+s3], $0x80, v4, vm0, $0xb8;
	[tilespmem:$0x19000] =	vst v63  }
0x6c0: {  	s21 =	simm.s32 $0x12000;
	v3 =	vadd.s32 v1, v3  }
0x6c1: {  	[tilespmem:s21], [sflag:$0x2] =	stream.indirect_vreg.gather [hbm4b:s6+s3], $0x80, v4, vm0, $0xb8;
	[tilespmem:$0x19000] =	vst v63  }
0x6c2: {  	s30 =	simm.s32 $0x12800  }
0x6c3: {  	[tilespmem:s30], [sflag:$0x2] =	stream.indirect_vreg.gather [hbm4b:s7+s3], $0x80, v4, vm0, $0xb8;
	[tilespmem:$0x19000] =	vst v63  }
0x6c4: {  	s31 =	simm.s32 $0x13000  }
0x6c5: {  	[tilespmem:s31], [sflag:$0x2] =	stream.indirect_vreg.gather [hbm4b:s2+s3], $0x80, v3, vm0, $0xb8;
	[tilespmem:$0x19000] =	vst v63  }
0x6c6: {  	s13 =	simm.s32 $0x13800  }
0x6c7: {  	[tilespmem:s13], [sflag:$0x2] =	stream.indirect_vreg.gather [hbm4b:s5+s3], $0x80, v3, vm0, $0xb8;
	[tilespmem:$0x19000] =	vst v63  }
0x6c8: {  	s13 =	simm.s32 $0x14000  }
0x6c9: {  	[tilespmem:s13], [sflag:$0x2] =	stream.indirect_vreg.gather [hbm4b:s6+s3], $0x80, v3, vm0, $0xb8;
	[tilespmem:$0x19000] =	vst v63  }
0x6ca: {  	s13 =	simm.s32 $0x14800  }
0x6cb: {  	[tilespmem:s13], [sflag:$0x2] =	stream.indirect_vreg.gather [hbm4b:s7+s3], $0x80, v3, vm0, $0xb8;
	[tilespmem:$0x19000] =	vst v63  }
0x6cc: {  	v3 =	vld [tilespmem:$0xBA0];
	_ =	sdelay $0x4  }
0x6cd: {  	v39 =	vshll.u32 v3, $0x3  }
0x6ce: {  	v3 =	vand.u32 $0x7, v3;
	v4 =	vand.u32 $0xFFFFFFC0, v39  }
0x6cf: {  	v3 =	vor.u32 v3, v4  }
0x6d0: {  	v4 =	vperm.xlane v3, v0;
	_ =	sdelay $0x1  }
0x6d1: {  	v4 =	vadd.s32 v1, v4;
	_ =	sdelay $0x3  }
0x6d2: {  	s13 =	simm.s32 $0x15000  }
0x6d3: {  	[tilespmem:s13], [sflag:$0x2] =	stream.indirect_vreg.gather [hbm4b:s2+s3], $0x80, v4, vm0, $0xb8;
	[tilespmem:$0x19000] =	vst v63  }
0x6d4: {  	v3 =	vperm.xlane v3, v2;
	s13 =	simm.s32 $0x15800  }
0x6d5: {  	[tilespmem:s13], [sflag:$0x2] =	stream.indirect_vreg.gather [hbm4b:s5+s3], $0x80, v4, vm0, $0xb8;
	[tilespmem:$0x19000] =	vst v63  }
0x6d6: {  	v3 =	vadd.s32 v1, v3;
	s13 =	simm.s32 $0x16000  }
0x6d7: {  	[tilespmem:s13], [sflag:$0x2] =	stream.indirect_vreg.gather [hbm4b:s6+s3], $0x80, v4, vm0, $0xb8;
	[tilespmem:$0x19000] =	vst v63  }
0x6d8: {  	s13 =	simm.s32 $0x16800  }
0x6d9: {  	[tilespmem:s13], [sflag:$0x2] =	stream.indirect_vreg.gather [hbm4b:s7+s3], $0x80, v4, vm0, $0xb8;
	[tilespmem:$0x19000] =	vst v63  }
0x6da: {  	s13 =	simm.s32 $0x17000  }
0x6db: {  	[tilespmem:s13], [sflag:$0x2] =	stream.indirect_vreg.gather [hbm4b:s2+s3], $0x80, v3, vm0, $0xb8;
	[tilespmem:$0x19000] =	vst v63  }
0x6dc: {  	s13 =	simm.s32 $0x17800  }
0x6dd: {  	[tilespmem:s13], [sflag:$0x2] =	stream.indirect_vreg.gather [hbm4b:s5+s3], $0x80, v3, vm0, $0xb8;
	[tilespmem:$0x19000] =	vst v63  }
0x6de: {  	s13 =	simm.s32 $0x18000  }
0x6df: {  	[tilespmem:s13], [sflag:$0x2] =	stream.indirect_vreg.gather [hbm4b:s6+s3], $0x80, v3, vm0, $0xb8;
	[tilespmem:$0x19000] =	vst v63  }
0x6e0: {  	s13 =	simm.s32 $0x18800  }
0x6e1: {  	[tilespmem:s13], [sflag:$0x2] =	stream.indirect_vreg.gather [hbm4b:s7+s3], $0x80, v3, vm0, $0xb8;
	[tilespmem:$0x19000] =	vst v63  }
0x6e2: {  	_ =	swait.ge [sflag:s4], $0xC000  }
0x6e3: {  	[sflag:s4] =	ssyncset.done $0x0  }
0x6e4: {  	s13 =	rddreg [dreg:$0x19];
	[sflag:s4] =	ssyncadd.s32 $0xFFFF4000  }
0x6e5: {  	[hbm4b:s13+s3] =	stream.linear.scatter [tilespmem:s18], [sflag:$0x3], $0xC000, $0x38;
	[tilespmem:$0x19000] =	vst v63  }
0x6e6: {  	_ =	swait.ge [sflag:s8], $0xC000  }
0x6e7: {  	[sflag:s8] =	ssyncset.done $0x0  }
0x6e8: {  	[sflag:s8] =	ssyncadd.s32 $0xFFFF4000  }
0x6e9: {  	v3 =	vld [tilespmem:$0xC00];
	_ =	sdelay $0x4  }
0x6ea: {  	v40 =	vshll.u32 v3, $0x3  }
0x6eb: {  	v3 =	vand.u32 $0x7, v3;
	v4 =	vand.u32 $0xFFFFFFC0, v40  }
0x6ec: {  	v3 =	vor.u32 v3, v4  }
0x6ed: {  	v4 =	vperm.xlane v3, v0;
	_ =	sdelay $0x1  }
0x6ee: {  	v4 =	vadd.s32 v1, v4;
	_ =	sdelay $0x4  }
0x6ef: {  	[tilespmem:s18], [sflag:$0x1] =	stream.indirect_vreg.gather [hbm4b:s2+s3], $0x80, v4, vm0, $0xb8;
	[tilespmem:$0x19000] =	vst v63  }
0x6f0: {  	s13 =	simm.s32 $0x1800;
	v3 =	vperm.xlane v3, v2  }
0x6f1: {  	[tilespmem:s13], [sflag:$0x1] =	stream.indirect_vreg.gather [hbm4b:s5+s3], $0x80, v4, vm0, $0xb8;
	[tilespmem:$0x19000] =	vst v63  }
0x6f2: {  	v3 =	vadd.s32 v1, v3;
	s13 =	simm.s32 $0x2000  }
0x6f3: {  	[tilespmem:s13], [sflag:$0x1] =	stream.indirect_vreg.gather [hbm4b:s6+s3], $0x80, v4, vm0, $0xb8;
	[tilespmem:$0x19000] =	vst v63  }
0x6f4: {  	s13 =	simm.s32 $0x2800  }
0x6f5: {  	[tilespmem:s13], [sflag:$0x1] =	stream.indirect_vreg.gather [hbm4b:s7+s3], $0x80, v4, vm0, $0xb8;
	[tilespmem:$0x19000] =	vst v63  }
0x6f6: {  	s13 =	simm.s32 $0x3000  }
0x6f7: {  	[tilespmem:s13], [sflag:$0x1] =	stream.indirect_vreg.gather [hbm4b:s2+s3], $0x80, v3, vm0, $0xb8;
	[tilespmem:$0x19000] =	vst v63  }
0x6f8: {  	s10 =	simm.s32 $0x3800  }
0x6f9: {  	[tilespmem:s10], [sflag:$0x1] =	stream.indirect_vreg.gather [hbm4b:s5+s3], $0x80, v3, vm0, $0xb8;
	[tilespmem:$0x19000] =	vst v63  }
0x6fa: {  	s1 =	simm.s32 $0x4000  }
0x6fb: {  	[tilespmem:s1], [sflag:$0x1] =	stream.indirect_vreg.gather [hbm4b:s6+s3], $0x80, v3, vm0, $0xb8;
	[tilespmem:$0x19000] =	vst v63  }
0x6fc: {  	s13 =	simm.s32 $0x4800  }
0x6fd: {  	[tilespmem:s13], [sflag:$0x1] =	stream.indirect_vreg.gather [hbm4b:s7+s3], $0x80, v3, vm0, $0xb8;
	[tilespmem:$0x19000] =	vst v63  }
0x6fe: {  	v3 =	vld [tilespmem:$0xC10];
	_ =	sdelay $0x4  }
0x6ff: {  	v41 =	vshll.u32 v3, $0x3  }
0x700: {  	v3 =	vand.u32 $0x7, v3;
	v4 =	vand.u32 $0xFFFFFFC0, v41  }
0x701: {  	v3 =	vor.u32 v3, v4  }
0x702: {  	v4 =	vperm.xlane v3, v0;
	_ =	sdelay $0x1  }
0x703: {  	v4 =	vadd.s32 v1, v4;
	_ =	sdelay $0x3  }
0x704: {  	s13 =	simm.s32 $0x5000  }
0x705: {  	[tilespmem:s13], [sflag:$0x1] =	stream.indirect_vreg.gather [hbm4b:s2+s3], $0x80, v4, vm0, $0xb8;
	[tilespmem:$0x19000] =	vst v63  }
0x706: {  	v3 =	vperm.xlane v3, v2;
	s13 =	simm.s32 $0x5800  }
0x707: {  	[tilespmem:s13], [sflag:$0x1] =	stream.indirect_vreg.gather [hbm4b:s5+s3], $0x80, v4, vm0, $0xb8;
	[tilespmem:$0x19000] =	vst v63  }
0x708: {  	v3 =	vadd.s32 v1, v3;
	s13 =	simm.s32 $0x6000  }
0x709: {  	[tilespmem:s13], [sflag:$0x1] =	stream.indirect_vreg.gather [hbm4b:s6+s3], $0x80, v4, vm0, $0xb8;
	[tilespmem:$0x19000] =	vst v63  }
0x70a: {  	s25 =	simm.s32 $0x6800  }
0x70b: {  	[tilespmem:s25], [sflag:$0x1] =	stream.indirect_vreg.gather [hbm4b:s7+s3], $0x80, v4, vm0, $0xb8;
	[tilespmem:$0x19000] =	vst v63  }
0x70c: {  	s24 =	simm.s32 $0x7000  }
0x70d: {  	[tilespmem:s24], [sflag:$0x1] =	stream.indirect_vreg.gather [hbm4b:s2+s3], $0x80, v3, vm0, $0xb8;
	[tilespmem:$0x19000] =	vst v63  }
0x70e: {  	s28 =	simm.s32 $0x7800  }
0x70f: {  	[tilespmem:s28], [sflag:$0x1] =	stream.indirect_vreg.gather [hbm4b:s5+s3], $0x80, v3, vm0, $0xb8;
	[tilespmem:$0x19000] =	vst v63  }
0x710: {  	s13 =	simm.s32 $0x8000  }
0x711: {  	[tilespmem:s13], [sflag:$0x1] =	stream.indirect_vreg.gather [hbm4b:s6+s3], $0x80, v3, vm0, $0xb8;
	[tilespmem:$0x19000] =	vst v63  }
0x712: {  	s13 =	simm.s32 $0x8800  }
0x713: {  	[tilespmem:s13], [sflag:$0x1] =	stream.indirect_vreg.gather [hbm4b:s7+s3], $0x80, v3, vm0, $0xb8;
	[tilespmem:$0x19000] =	vst v63  }
0x714: {  	v3 =	vld [tilespmem:$0xC20];
	_ =	sdelay $0x4  }
0x715: {  	v42 =	vshll.u32 v3, $0x3  }
0x716: {  	v3 =	vand.u32 $0x7, v3;
	v4 =	vand.u32 $0xFFFFFFC0, v42  }
0x717: {  	v3 =	vor.u32 v3, v4  }
0x718: {  	v4 =	vperm.xlane v3, v0;
	_ =	sdelay $0x1  }
0x719: {  	v4 =	vadd.s32 v1, v4;
	_ =	sdelay $0x3  }
0x71a: {  	s13 =	simm.s32 $0x9000  }
0x71b: {  	[tilespmem:s13], [sflag:$0x1] =	stream.indirect_vreg.gather [hbm4b:s2+s3], $0x80, v4, vm0, $0xb8;
	[tilespmem:$0x19000] =	vst v63  }
0x71c: {  	s29 =	simm.s32 $0x9800;
	v3 =	vperm.xlane v3, v2  }
0x71d: {  	[tilespmem:s29], [sflag:$0x1] =	stream.indirect_vreg.gather [hbm4b:s5+s3], $0x80, v4, vm0, $0xb8;
	[tilespmem:$0x19000] =	vst v63  }
0x71e: {  	s23 =	simm.s32 $0xA000;
	v3 =	vadd.s32 v1, v3  }
0x71f: {  	[tilespmem:s23], [sflag:$0x1] =	stream.indirect_vreg.gather [hbm4b:s6+s3], $0x80, v4, vm0, $0xb8;
	[tilespmem:$0x19000] =	vst v63  }
0x720: {  	s22 =	simm.s32 $0xA800  }
0x721: {  	[tilespmem:s22], [sflag:$0x1] =	stream.indirect_vreg.gather [hbm4b:s7+s3], $0x80, v4, vm0, $0xb8;
	[tilespmem:$0x19000] =	vst v63  }
0x722: {  	s26 =	simm.s32 $0xB000  }
0x723: {  	[tilespmem:s26], [sflag:$0x1] =	stream.indirect_vreg.gather [hbm4b:s2+s3], $0x80, v3, vm0, $0xb8;
	[tilespmem:$0x19000] =	vst v63  }
0x724: {  	s17 =	simm.s32 $0xB800  }
0x725: {  	[tilespmem:s17], [sflag:$0x1] =	stream.indirect_vreg.gather [hbm4b:s5+s3], $0x80, v3, vm0, $0xb8;
	[tilespmem:$0x19000] =	vst v63  }
0x726: {  	s0 =	simm.s32 $0xC000  }
0x727: {  	[tilespmem:s0], [sflag:$0x1] =	stream.indirect_vreg.gather [hbm4b:s6+s3], $0x80, v3, vm0, $0xb8;
	[tilespmem:$0x19000] =	vst v63  }
0x728: {  	s13 =	simm.s32 $0xC800  }
0x729: {  	[tilespmem:s13], [sflag:$0x1] =	stream.indirect_vreg.gather [hbm4b:s7+s3], $0x80, v3, vm0, $0xb8;
	[tilespmem:$0x19000] =	vst v63  }
0x72a: {  	_ =	swait.ge [sflag:s11], $0xC000  }
0x72b: {  	[sflag:s11] =	ssyncset.done $0x0  }
0x72c: {  	s13 =	rddreg [dreg:$0x1a];
	[sflag:s11] =	ssyncadd.s32 $0xFFFF4000  }
0x72d: {  	[hbm4b:s13+s3] =	stream.linear.scatter [tilespmem:s9], [sflag:$0x4], $0xC000, $0x38;
	[tilespmem:$0x19000] =	vst v63  }
0x72e: {  	_ =	swait.ge [sflag:s12], $0xC000  }
0x72f: {  	[sflag:s12] =	ssyncset.done $0x0  }
0x730: {  	[sflag:s12] =	ssyncadd.s32 $0xFFFF4000  }
0x731: {  	v3 =	vld [tilespmem:$0xC80];
	_ =	sdelay $0x4  }
0x732: {  	v43 =	vshll.u32 v3, $0x3  }
0x733: {  	v3 =	vand.u32 $0x7, v3;
	v4 =	vand.u32 $0xFFFFFFC0, v43  }
0x734: {  	v3 =	vor.u32 v3, v4  }
0x735: {  	v4 =	vperm.xlane v3, v0;
	_ =	sdelay $0x1  }
0x736: {  	v4 =	vadd.s32 v1, v4;
	_ =	sdelay $0x4  }
0x737: {  	[tilespmem:s9], [sflag:$0x2] =	stream.indirect_vreg.gather [hbm4b:s2+s3], $0x80, v4, vm0, $0xb8;
	[tilespmem:$0x19000] =	vst v63  }
0x738: {  	s13 =	simm.s32 $0xD800;
	v3 =	vperm.xlane v3, v2  }
0x739: {  	[tilespmem:s13], [sflag:$0x2] =	stream.indirect_vreg.gather [hbm4b:s5+s3], $0x80, v4, vm0, $0xb8;
	[tilespmem:$0x19000] =	vst v63  }
0x73a: {  	s14 =	simm.s32 $0xE000;
	v3 =	vadd.s32 v1, v3  }
0x73b: {  	[tilespmem:s14], [sflag:$0x2] =	stream.indirect_vreg.gather [hbm4b:s6+s3], $0x80, v4, vm0, $0xb8;
	[tilespmem:$0x19000] =	vst v63  }
0x73c: {  	s15 =	simm.s32 $0xE800  }
0x73d: {  	[tilespmem:s15], [sflag:$0x2] =	stream.indirect_vreg.gather [hbm4b:s7+s3], $0x80, v4, vm0, $0xb8;
	[tilespmem:$0x19000] =	vst v63  }
0x73e: {  	s16 =	simm.s32 $0xF000  }
0x73f: {  	[tilespmem:s16], [sflag:$0x2] =	stream.indirect_vreg.gather [hbm4b:s2+s3], $0x80, v3, vm0, $0xb8;
	[tilespmem:$0x19000] =	vst v63  }
0x740: {  	s19 =	simm.s32 $0xF800  }
0x741: {  	[tilespmem:s19], [sflag:$0x2] =	stream.indirect_vreg.gather [hbm4b:s5+s3], $0x80, v3, vm0, $0xb8;
	[tilespmem:$0x19000] =	vst v63  }
0x742: {  	s20 =	simm.s32 $0x10000  }
0x743: {  	[tilespmem:s20], [sflag:$0x2] =	stream.indirect_vreg.gather [hbm4b:s6+s3], $0x80, v3, vm0, $0xb8;
	[tilespmem:$0x19000] =	vst v63  }
0x744: {  	s13 =	simm.s32 $0x10800  }
0x745: {  	[tilespmem:s13], [sflag:$0x2] =	stream.indirect_vreg.gather [hbm4b:s7+s3], $0x80, v3, vm0, $0xb8;
	[tilespmem:$0x19000] =	vst v63  }
0x746: {  	v3 =	vld [tilespmem:$0xC90];
	_ =	sdelay $0x4  }
0x747: {  	v44 =	vshll.u32 v3, $0x3  }
0x748: {  	v3 =	vand.u32 $0x7, v3;
	v4 =	vand.u32 $0xFFFFFFC0, v44  }
0x749: {  	v3 =	vor.u32 v3, v4  }
0x74a: {  	v4 =	vperm.xlane v3, v0;
	_ =	sdelay $0x1  }
0x74b: {  	v4 =	vadd.s32 v1, v4;
	_ =	sdelay $0x3  }
0x74c: {  	s13 =	simm.s32 $0x11000  }
0x74d: {  	[tilespmem:s13], [sflag:$0x2] =	stream.indirect_vreg.gather [hbm4b:s2+s3], $0x80, v4, vm0, $0xb8;
	[tilespmem:$0x19000] =	vst v63  }
0x74e: {  	v3 =	vperm.xlane v3, v2;
	s13 =	simm.s32 $0x11800  }
0x74f: {  	[tilespmem:s13], [sflag:$0x2] =	stream.indirect_vreg.gather [hbm4b:s5+s3], $0x80, v4, vm0, $0xb8;
	[tilespmem:$0x19000] =	vst v63  }
0x750: {  	s21 =	simm.s32 $0x12000;
	v3 =	vadd.s32 v1, v3  }
0x751: {  	[tilespmem:s21], [sflag:$0x2] =	stream.indirect_vreg.gather [hbm4b:s6+s3], $0x80, v4, vm0, $0xb8;
	[tilespmem:$0x19000] =	vst v63  }
0x752: {  	s30 =	simm.s32 $0x12800  }
0x753: {  	[tilespmem:s30], [sflag:$0x2] =	stream.indirect_vreg.gather [hbm4b:s7+s3], $0x80, v4, vm0, $0xb8;
	[tilespmem:$0x19000] =	vst v63  }
0x754: {  	s31 =	simm.s32 $0x13000  }
0x755: {  	[tilespmem:s31], [sflag:$0x2] =	stream.indirect_vreg.gather [hbm4b:s2+s3], $0x80, v3, vm0, $0xb8;
	[tilespmem:$0x19000] =	vst v63  }
0x756: {  	s13 =	simm.s32 $0x13800  }
0x757: {  	[tilespmem:s13], [sflag:$0x2] =	stream.indirect_vreg.gather [hbm4b:s5+s3], $0x80, v3, vm0, $0xb8;
	[tilespmem:$0x19000] =	vst v63  }
0x758: {  	s13 =	simm.s32 $0x14000  }
0x759: {  	[tilespmem:s13], [sflag:$0x2] =	stream.indirect_vreg.gather [hbm4b:s6+s3], $0x80, v3, vm0, $0xb8;
	[tilespmem:$0x19000] =	vst v63  }
0x75a: {  	s13 =	simm.s32 $0x14800  }
0x75b: {  	[tilespmem:s13], [sflag:$0x2] =	stream.indirect_vreg.gather [hbm4b:s7+s3], $0x80, v3, vm0, $0xb8;
	[tilespmem:$0x19000] =	vst v63  }
0x75c: {  	v3 =	vld [tilespmem:$0xCA0];
	_ =	sdelay $0x4  }
0x75d: {  	v45 =	vshll.u32 v3, $0x3  }
0x75e: {  	v3 =	vand.u32 $0x7, v3;
	v4 =	vand.u32 $0xFFFFFFC0, v45  }
0x75f: {  	v3 =	vor.u32 v3, v4  }
0x760: {  	v4 =	vperm.xlane v3, v0;
	_ =	sdelay $0x1  }
0x761: {  	v4 =	vadd.s32 v1, v4;
	_ =	sdelay $0x3  }
0x762: {  	s13 =	simm.s32 $0x15000  }
0x763: {  	[tilespmem:s13], [sflag:$0x2] =	stream.indirect_vreg.gather [hbm4b:s2+s3], $0x80, v4, vm0, $0xb8;
	[tilespmem:$0x19000] =	vst v63  }
0x764: {  	v3 =	vperm.xlane v3, v2;
	s13 =	simm.s32 $0x15800  }
0x765: {  	[tilespmem:s13], [sflag:$0x2] =	stream.indirect_vreg.gather [hbm4b:s5+s3], $0x80, v4, vm0, $0xb8;
	[tilespmem:$0x19000] =	vst v63  }
0x766: {  	v3 =	vadd.s32 v1, v3;
	s13 =	simm.s32 $0x16000  }
0x767: {  	[tilespmem:s13], [sflag:$0x2] =	stream.indirect_vreg.gather [hbm4b:s6+s3], $0x80, v4, vm0, $0xb8;
	[tilespmem:$0x19000] =	vst v63  }
0x768: {  	s13 =	simm.s32 $0x16800  }
0x769: {  	[tilespmem:s13], [sflag:$0x2] =	stream.indirect_vreg.gather [hbm4b:s7+s3], $0x80, v4, vm0, $0xb8;
	[tilespmem:$0x19000] =	vst v63  }
0x76a: {  	s13 =	simm.s32 $0x17000  }
0x76b: {  	[tilespmem:s13], [sflag:$0x2] =	stream.indirect_vreg.gather [hbm4b:s2+s3], $0x80, v3, vm0, $0xb8;
	[tilespmem:$0x19000] =	vst v63  }
0x76c: {  	s13 =	simm.s32 $0x17800  }
0x76d: {  	[tilespmem:s13], [sflag:$0x2] =	stream.indirect_vreg.gather [hbm4b:s5+s3], $0x80, v3, vm0, $0xb8;
	[tilespmem:$0x19000] =	vst v63  }
0x76e: {  	s13 =	simm.s32 $0x18000  }
0x76f: {  	[tilespmem:s13], [sflag:$0x2] =	stream.indirect_vreg.gather [hbm4b:s6+s3], $0x80, v3, vm0, $0xb8;
	[tilespmem:$0x19000] =	vst v63  }
0x770: {  	s13 =	simm.s32 $0x18800  }
0x771: {  	[tilespmem:s13], [sflag:$0x2] =	stream.indirect_vreg.gather [hbm4b:s7+s3], $0x80, v3, vm0, $0xb8;
	[tilespmem:$0x19000] =	vst v63  }
0x772: {  	_ =	swait.ge [sflag:s4], $0xC000  }
0x773: {  	[sflag:s4] =	ssyncset.done $0x0  }
0x774: {  	s13 =	rddreg [dreg:$0x1b];
	[sflag:s4] =	ssyncadd.s32 $0xFFFF4000  }
0x775: {  	[hbm4b:s13+s3] =	stream.linear.scatter [tilespmem:s18], [sflag:$0x3], $0xC000, $0x38;
	[tilespmem:$0x19000] =	vst v63  }
0x776: {  	_ =	swait.ge [sflag:s8], $0xC000  }
0x777: {  	[sflag:s8] =	ssyncset.done $0x0  }
0x778: {  	[sflag:s8] =	ssyncadd.s32 $0xFFFF4000  }
0x779: {  	v3 =	vld [tilespmem:$0xD00];
	_ =	sdelay $0x4  }
0x77a: {  	v46 =	vshll.u32 v3, $0x3  }
0x77b: {  	v3 =	vand.u32 $0x7, v3;
	v4 =	vand.u32 $0xFFFFFFC0, v46  }
0x77c: {  	v3 =	vor.u32 v3, v4  }
0x77d: {  	v4 =	vperm.xlane v3, v0;
	_ =	sdelay $0x1  }
0x77e: {  	v4 =	vadd.s32 v1, v4;
	_ =	sdelay $0x4  }
0x77f: {  	[tilespmem:s18], [sflag:$0x1] =	stream.indirect_vreg.gather [hbm4b:s2+s3], $0x80, v4, vm0, $0xb8;
	[tilespmem:$0x19000] =	vst v63  }
0x780: {  	s13 =	simm.s32 $0x1800;
	v3 =	vperm.xlane v3, v2  }
0x781: {  	[tilespmem:s13], [sflag:$0x1] =	stream.indirect_vreg.gather [hbm4b:s5+s3], $0x80, v4, vm0, $0xb8;
	[tilespmem:$0x19000] =	vst v63  }
0x782: {  	v3 =	vadd.s32 v1, v3;
	s13 =	simm.s32 $0x2000  }
0x783: {  	[tilespmem:s13], [sflag:$0x1] =	stream.indirect_vreg.gather [hbm4b:s6+s3], $0x80, v4, vm0, $0xb8;
	[tilespmem:$0x19000] =	vst v63  }
0x784: {  	s13 =	simm.s32 $0x2800  }
0x785: {  	[tilespmem:s13], [sflag:$0x1] =	stream.indirect_vreg.gather [hbm4b:s7+s3], $0x80, v4, vm0, $0xb8;
	[tilespmem:$0x19000] =	vst v63  }
0x786: {  	s13 =	simm.s32 $0x3000  }
0x787: {  	[tilespmem:s13], [sflag:$0x1] =	stream.indirect_vreg.gather [hbm4b:s2+s3], $0x80, v3, vm0, $0xb8;
	[tilespmem:$0x19000] =	vst v63  }
0x788: {  	s10 =	simm.s32 $0x3800  }
0x789: {  	[tilespmem:s10], [sflag:$0x1] =	stream.indirect_vreg.gather [hbm4b:s5+s3], $0x80, v3, vm0, $0xb8;
	[tilespmem:$0x19000] =	vst v63  }
0x78a: {  	s1 =	simm.s32 $0x4000  }
0x78b: {  	[tilespmem:s1], [sflag:$0x1] =	stream.indirect_vreg.gather [hbm4b:s6+s3], $0x80, v3, vm0, $0xb8;
	[tilespmem:$0x19000] =	vst v63  }
0x78c: {  	s10 =	simm.s32 $0x4800  }
0x78d: {  	[tilespmem:s10], [sflag:$0x1] =	stream.indirect_vreg.gather [hbm4b:s7+s3], $0x80, v3, vm0, $0xb8;
	[tilespmem:$0x19000] =	vst v63  }
0x78e: {  	v3 =	vld [tilespmem:$0xD10];
	_ =	sdelay $0x4  }
0x78f: {  	v47 =	vshll.u32 v3, $0x3  }
0x790: {  	v3 =	vand.u32 $0x7, v3;
	v4 =	vand.u32 $0xFFFFFFC0, v47  }
0x791: {  	v3 =	vor.u32 v3, v4  }
0x792: {  	v4 =	vperm.xlane v3, v0;
	_ =	sdelay $0x1  }
0x793: {  	v4 =	vadd.s32 v1, v4;
	_ =	sdelay $0x3  }
0x794: {  	s13 =	simm.s32 $0x5000  }
0x795: {  	[tilespmem:s13], [sflag:$0x1] =	stream.indirect_vreg.gather [hbm4b:s2+s3], $0x80, v4, vm0, $0xb8;
	[tilespmem:$0x19000] =	vst v63  }
0x796: {  	s10 =	simm.s32 $0x5800;
	v3 =	vperm.xlane v3, v2  }
0x797: {  	[tilespmem:s10], [sflag:$0x1] =	stream.indirect_vreg.gather [hbm4b:s5+s3], $0x80, v4, vm0, $0xb8;
	[tilespmem:$0x19000] =	vst v63  }
0x798: {  	v3 =	vadd.s32 v1, v3;
	s13 =	simm.s32 $0x6000  }
0x799: {  	[tilespmem:s13], [sflag:$0x1] =	stream.indirect_vreg.gather [hbm4b:s6+s3], $0x80, v4, vm0, $0xb8;
	[tilespmem:$0x19000] =	vst v63  }
0x79a: {  	s25 =	simm.s32 $0x6800  }
0x79b: {  	[tilespmem:s25], [sflag:$0x1] =	stream.indirect_vreg.gather [hbm4b:s7+s3], $0x80, v4, vm0, $0xb8;
	[tilespmem:$0x19000] =	vst v63  }
0x79c: {  	s24 =	simm.s32 $0x7000  }
0x79d: {  	[tilespmem:s24], [sflag:$0x1] =	stream.indirect_vreg.gather [hbm4b:s2+s3], $0x80, v3, vm0, $0xb8;
	[tilespmem:$0x19000] =	vst v63  }
0x79e: {  	s28 =	simm.s32 $0x7800  }
0x79f: {  	[tilespmem:s28], [sflag:$0x1] =	stream.indirect_vreg.gather [hbm4b:s5+s3], $0x80, v3, vm0, $0xb8;
	[tilespmem:$0x19000] =	vst v63  }
0x7a0: {  	s28 =	simm.s32 $0x8000  }
0x7a1: {  	[tilespmem:s28], [sflag:$0x1] =	stream.indirect_vreg.gather [hbm4b:s6+s3], $0x80, v3, vm0, $0xb8;
	[tilespmem:$0x19000] =	vst v63  }
0x7a2: {  	s10 =	simm.s32 $0x8800  }
0x7a3: {  	[tilespmem:s10], [sflag:$0x1] =	stream.indirect_vreg.gather [hbm4b:s7+s3], $0x80, v3, vm0, $0xb8;
	[tilespmem:$0x19000] =	vst v63  }
0x7a4: {  	v3 =	vld [tilespmem:$0xD20];
	_ =	sdelay $0x4  }
0x7a5: {  	v48 =	vshll.u32 v3, $0x3  }
0x7a6: {  	v3 =	vand.u32 $0x7, v3;
	v4 =	vand.u32 $0xFFFFFFC0, v48  }
0x7a7: {  	v3 =	vor.u32 v3, v4  }
0x7a8: {  	v4 =	vperm.xlane v3, v0;
	_ =	sdelay $0x1  }
0x7a9: {  	v4 =	vadd.s32 v1, v4;
	_ =	sdelay $0x3  }
0x7aa: {  	s13 =	simm.s32 $0x9000  }
0x7ab: {  	[tilespmem:s13], [sflag:$0x1] =	stream.indirect_vreg.gather [hbm4b:s2+s3], $0x80, v4, vm0, $0xb8;
	[tilespmem:$0x19000] =	vst v63  }
0x7ac: {  	s29 =	simm.s32 $0x9800;
	v3 =	vperm.xlane v3, v2  }
0x7ad: {  	[tilespmem:s29], [sflag:$0x1] =	stream.indirect_vreg.gather [hbm4b:s5+s3], $0x80, v4, vm0, $0xb8;
	[tilespmem:$0x19000] =	vst v63  }
0x7ae: {  	s23 =	simm.s32 $0xA000;
	v3 =	vadd.s32 v1, v3  }
0x7af: {  	[tilespmem:s23], [sflag:$0x1] =	stream.indirect_vreg.gather [hbm4b:s6+s3], $0x80, v4, vm0, $0xb8;
	[tilespmem:$0x19000] =	vst v63  }
0x7b0: {  	s22 =	simm.s32 $0xA800  }
0x7b1: {  	[tilespmem:s22], [sflag:$0x1] =	stream.indirect_vreg.gather [hbm4b:s7+s3], $0x80, v4, vm0, $0xb8;
	[tilespmem:$0x19000] =	vst v63  }
0x7b2: {  	s26 =	simm.s32 $0xB000  }
0x7b3: {  	[tilespmem:s26], [sflag:$0x1] =	stream.indirect_vreg.gather [hbm4b:s2+s3], $0x80, v3, vm0, $0xb8;
	[tilespmem:$0x19000] =	vst v63  }
0x7b4: {  	s17 =	simm.s32 $0xB800  }
0x7b5: {  	[tilespmem:s17], [sflag:$0x1] =	stream.indirect_vreg.gather [hbm4b:s5+s3], $0x80, v3, vm0, $0xb8;
	[tilespmem:$0x19000] =	vst v63  }
0x7b6: {  	s0 =	simm.s32 $0xC000  }
0x7b7: {  	[tilespmem:s0], [sflag:$0x1] =	stream.indirect_vreg.gather [hbm4b:s6+s3], $0x80, v3, vm0, $0xb8;
	[tilespmem:$0x19000] =	vst v63  }
0x7b8: {  	s24 =	simm.s32 $0xC800  }
0x7b9: {  	[tilespmem:s24], [sflag:$0x1] =	stream.indirect_vreg.gather [hbm4b:s7+s3], $0x80, v3, vm0, $0xb8;
	[tilespmem:$0x19000] =	vst v63  }
0x7ba: {  	_ =	swait.ge [sflag:s11], $0xC000  }
0x7bb: {  	[sflag:s11] =	ssyncset.done $0x0  }
0x7bc: {  	s25 =	rddreg [dreg:$0x1c];
	[sflag:s11] =	ssyncadd.s32 $0xFFFF4000  }
0x7bd: {  	[hbm4b:s25+s3] =	stream.linear.scatter [tilespmem:s9], [sflag:$0x4], $0xC000, $0x38;
	[tilespmem:$0x19000] =	vst v63  }
0x7be: {  	_ =	swait.ge [sflag:s12], $0xC000  }
0x7bf: {  	[sflag:s12] =	ssyncset.done $0x0  }
0x7c0: {  	[sflag:s12] =	ssyncadd.s32 $0xFFFF4000  }
0x7c1: {  	v3 =	vld [tilespmem:$0xD80];
	_ =	sdelay $0x4  }
0x7c2: {  	v49 =	vshll.u32 v3, $0x3  }
0x7c3: {  	v3 =	vand.u32 $0x7, v3;
	v4 =	vand.u32 $0xFFFFFFC0, v49  }
0x7c4: {  	v3 =	vor.u32 v3, v4  }
0x7c5: {  	v4 =	vperm.xlane v3, v0;
	_ =	sdelay $0x1  }
0x7c6: {  	v4 =	vadd.s32 v1, v4;
	_ =	sdelay $0x4  }
0x7c7: {  	[tilespmem:s9], [sflag:$0x2] =	stream.indirect_vreg.gather [hbm4b:s2+s3], $0x80, v4, vm0, $0xb8;
	[tilespmem:$0x19000] =	vst v63  }
0x7c8: {  	s26 =	simm.s32 $0xD800;
	v3 =	vperm.xlane v3, v2  }
0x7c9: {  	[tilespmem:s26], [sflag:$0x2] =	stream.indirect_vreg.gather [hbm4b:s5+s3], $0x80, v4, vm0, $0xb8;
	[tilespmem:$0x19000] =	vst v63  }
0x7ca: {  	s14 =	simm.s32 $0xE000;
	v3 =	vadd.s32 v1, v3  }
0x7cb: {  	[tilespmem:s14], [sflag:$0x2] =	stream.indirect_vreg.gather [hbm4b:s6+s3], $0x80, v4, vm0, $0xb8;
	[tilespmem:$0x19000] =	vst v63  }
0x7cc: {  	s15 =	simm.s32 $0xE800  }
0x7cd: {  	[tilespmem:s15], [sflag:$0x2] =	stream.indirect_vreg.gather [hbm4b:s7+s3], $0x80, v4, vm0, $0xb8;
	[tilespmem:$0x19000] =	vst v63  }
0x7ce: {  	s16 =	simm.s32 $0xF000  }
0x7cf: {  	[tilespmem:s16], [sflag:$0x2] =	stream.indirect_vreg.gather [hbm4b:s2+s3], $0x80, v3, vm0, $0xb8;
	[tilespmem:$0x19000] =	vst v63  }
0x7d0: {  	s19 =	simm.s32 $0xF800  }
0x7d1: {  	[tilespmem:s19], [sflag:$0x2] =	stream.indirect_vreg.gather [hbm4b:s5+s3], $0x80, v3, vm0, $0xb8;
	[tilespmem:$0x19000] =	vst v63  }
0x7d2: {  	s20 =	simm.s32 $0x10000  }
0x7d3: {  	[tilespmem:s20], [sflag:$0x2] =	stream.indirect_vreg.gather [hbm4b:s6+s3], $0x80, v3, vm0, $0xb8;
	[tilespmem:$0x19000] =	vst v63  }
0x7d4: {  	s29 =	simm.s32 $0x10800  }
0x7d5: {  	[tilespmem:s29], [sflag:$0x2] =	stream.indirect_vreg.gather [hbm4b:s7+s3], $0x80, v3, vm0, $0xb8;
	[tilespmem:$0x19000] =	vst v63  }
0x7d6: {  	v3 =	vld [tilespmem:$0xD90];
	_ =	sdelay $0x4  }
0x7d7: {  	v50 =	vshll.u32 v3, $0x3  }
0x7d8: {  	v3 =	vand.u32 $0x7, v3;
	v4 =	vand.u32 $0xFFFFFFC0, v50  }
0x7d9: {  	v3 =	vor.u32 v3, v4  }
0x7da: {  	v4 =	vperm.xlane v3, v0;
	_ =	sdelay $0x1  }
0x7db: {  	v4 =	vadd.s32 v1, v4;
	_ =	sdelay $0x3  }
0x7dc: {  	s1 =	simm.s32 $0x11000  }
0x7dd: {  	[tilespmem:s1], [sflag:$0x2] =	stream.indirect_vreg.gather [hbm4b:s2+s3], $0x80, v4, vm0, $0xb8;
	[tilespmem:$0x19000] =	vst v63  }
0x7de: {  	s10 =	simm.s32 $0x11800;
	v3 =	vperm.xlane v3, v2  }
0x7df: {  	[tilespmem:s10], [sflag:$0x2] =	stream.indirect_vreg.gather [hbm4b:s5+s3], $0x80, v4, vm0, $0xb8;
	[tilespmem:$0x19000] =	vst v63  }
0x7e0: {  	s21 =	simm.s32 $0x12000;
	v3 =	vadd.s32 v1, v3  }
0x7e1: {  	[tilespmem:s21], [sflag:$0x2] =	stream.indirect_vreg.gather [hbm4b:s6+s3], $0x80, v4, vm0, $0xb8;
	[tilespmem:$0x19000] =	vst v63  }
0x7e2: {  	s30 =	simm.s32 $0x12800  }
0x7e3: {  	[tilespmem:s30], [sflag:$0x2] =	stream.indirect_vreg.gather [hbm4b:s7+s3], $0x80, v4, vm0, $0xb8;
	[tilespmem:$0x19000] =	vst v63  }
0x7e4: {  	s31 =	simm.s32 $0x13000  }
0x7e5: {  	[tilespmem:s31], [sflag:$0x2] =	stream.indirect_vreg.gather [hbm4b:s2+s3], $0x80, v3, vm0, $0xb8;
	[tilespmem:$0x19000] =	vst v63  }
0x7e6: {  	s13 =	simm.s32 $0x13800  }
0x7e7: {  	[tilespmem:s13], [sflag:$0x2] =	stream.indirect_vreg.gather [hbm4b:s5+s3], $0x80, v3, vm0, $0xb8;
	[tilespmem:$0x19000] =	vst v63  }
0x7e8: {  	s14 =	simm.s32 $0x14000  }
0x7e9: {  	[tilespmem:s14], [sflag:$0x2] =	stream.indirect_vreg.gather [hbm4b:s6+s3], $0x80, v3, vm0, $0xb8;
	[tilespmem:$0x19000] =	vst v63  }
0x7ea: {  	s15 =	simm.s32 $0x14800  }
0x7eb: {  	[tilespmem:s15], [sflag:$0x2] =	stream.indirect_vreg.gather [hbm4b:s7+s3], $0x80, v3, vm0, $0xb8;
	[tilespmem:$0x19000] =	vst v63  }
0x7ec: {  	v3 =	vld [tilespmem:$0xDA0];
	_ =	sdelay $0x4  }
0x7ed: {  	v51 =	vshll.u32 v3, $0x3  }
0x7ee: {  	v3 =	vand.u32 $0x7, v3;
	v4 =	vand.u32 $0xFFFFFFC0, v51  }
0x7ef: {  	v3 =	vor.u32 v3, v4  }
0x7f0: {  	v4 =	vperm.xlane v3, v0;
	_ =	sdelay $0x1  }
0x7f1: {  	v4 =	vadd.s32 v1, v4;
	_ =	sdelay $0x3  }
0x7f2: {  	s16 =	simm.s32 $0x15000  }
0x7f3: {  	[tilespmem:s16], [sflag:$0x2] =	stream.indirect_vreg.gather [hbm4b:s2+s3], $0x80, v4, vm0, $0xb8;
	[tilespmem:$0x19000] =	vst v63  }
0x7f4: {  	s19 =	simm.s32 $0x15800;
	v3 =	vperm.xlane v3, v2  }
0x7f5: {  	[tilespmem:s19], [sflag:$0x2] =	stream.indirect_vreg.gather [hbm4b:s5+s3], $0x80, v4, vm0, $0xb8;
	[tilespmem:$0x19000] =	vst v63  }
0x7f6: {  	s20 =	simm.s32 $0x16000;
	v3 =	vadd.s32 v1, v3  }
0x7f7: {  	[tilespmem:s20], [sflag:$0x2] =	stream.indirect_vreg.gather [hbm4b:s6+s3], $0x80, v4, vm0, $0xb8;
	[tilespmem:$0x19000] =	vst v63  }
0x7f8: {  	s21 =	simm.s32 $0x16800  }
0x7f9: {  	[tilespmem:s21], [sflag:$0x2] =	stream.indirect_vreg.gather [hbm4b:s7+s3], $0x80, v4, vm0, $0xb8;
	[tilespmem:$0x19000] =	vst v63  }
0x7fa: {  	s26 =	simm.s32 $0x17000  }
0x7fb: {  	[tilespmem:s26], [sflag:$0x2] =	stream.indirect_vreg.gather [hbm4b:s2+s3], $0x80, v3, vm0, $0xb8;
	[tilespmem:$0x19000] =	vst v63  }
0x7fc: {  	s29 =	simm.s32 $0x17800  }
0x7fd: {  	[tilespmem:s29], [sflag:$0x2] =	stream.indirect_vreg.gather [hbm4b:s5+s3], $0x80, v3, vm0, $0xb8;
	[tilespmem:$0x19000] =	vst v63  }
0x7fe: {  	s30 =	simm.s32 $0x18000  }
0x7ff: {  	[tilespmem:s30], [sflag:$0x2] =	stream.indirect_vreg.gather [hbm4b:s6+s3], $0x80, v3, vm0, $0xb8;
	[tilespmem:$0x19000] =	vst v63  }
0x800: {  	s31 =	simm.s32 $0x18800  }
0x801: {  	[tilespmem:s31], [sflag:$0x2] =	stream.indirect_vreg.gather [hbm4b:s7+s3], $0x80, v3, vm0, $0xb8;
	[tilespmem:$0x19000] =	vst v63  }
0x802: {  	_ =	swait.ge [sflag:s4], $0xC000  }
0x803: {  	[sflag:s4] =	ssyncset.done $0x0  }
0x804: {  	s1 =	rddreg [dreg:$0x1d];
	[sflag:s4] =	ssyncadd.s32 $0xFFFF4000  }
0x805: {  	[hbm4b:s1+s3] =	stream.linear.scatter [tilespmem:s18], [sflag:$0x3], $0xC000, $0x38;
	[tilespmem:$0x19000] =	vst v63  }
0x806: {  	_ =	swait.ge [sflag:s8], $0xC000  }
0x807: {  	[sflag:s8] =	ssyncset.done $0x0  }
0x808: {  	[sflag:s8] =	ssyncadd.s32 $0xFFFF4000  }
0x809: {  	v3 =	vld [tilespmem:$0xE00];
	_ =	sdelay $0x4  }
0x80a: {  	v52 =	vshll.u32 v3, $0x3  }
0x80b: {  	v3 =	vand.u32 $0x7, v3;
	v4 =	vand.u32 $0xFFFFFFC0, v52  }
0x80c: {  	v3 =	vor.u32 v3, v4  }
0x80d: {  	v4 =	vperm.xlane v3, v0;
	_ =	sdelay $0x1  }
0x80e: {  	v4 =	vadd.s32 v1, v4;
	_ =	sdelay $0x4  }
0x80f: {  	[tilespmem:s18], [sflag:$0x1] =	stream.indirect_vreg.gather [hbm4b:s2+s3], $0x80, v4, vm0, $0xb8;
	[tilespmem:$0x19000] =	vst v63  }
0x810: {  	s10 =	simm.s32 $0x1800;
	v3 =	vperm.xlane v3, v2  }
0x811: {  	[tilespmem:s10], [sflag:$0x1] =	stream.indirect_vreg.gather [hbm4b:s5+s3], $0x80, v4, vm0, $0xb8;
	[tilespmem:$0x19000] =	vst v63  }
0x812: {  	s13 =	simm.s32 $0x2000;
	v3 =	vadd.s32 v1, v3  }
0x813: {  	[tilespmem:s13], [sflag:$0x1] =	stream.indirect_vreg.gather [hbm4b:s6+s3], $0x80, v4, vm0, $0xb8;
	[tilespmem:$0x19000] =	vst v63  }
0x814: {  	s14 =	simm.s32 $0x2800  }
0x815: {  	[tilespmem:s14], [sflag:$0x1] =	stream.indirect_vreg.gather [hbm4b:s7+s3], $0x80, v4, vm0, $0xb8;
	[tilespmem:$0x19000] =	vst v63  }
0x816: {  	s15 =	simm.s32 $0x3000  }
0x817: {  	[tilespmem:s15], [sflag:$0x1] =	stream.indirect_vreg.gather [hbm4b:s2+s3], $0x80, v3, vm0, $0xb8;
	[tilespmem:$0x19000] =	vst v63  }
0x818: {  	s16 =	simm.s32 $0x3800  }
0x819: {  	[tilespmem:s16], [sflag:$0x1] =	stream.indirect_vreg.gather [hbm4b:s5+s3], $0x80, v3, vm0, $0xb8;
	[tilespmem:$0x19000] =	vst v63  }
0x81a: {  	s19 =	simm.s32 $0x4000  }
0x81b: {  	[tilespmem:s19], [sflag:$0x1] =	stream.indirect_vreg.gather [hbm4b:s6+s3], $0x80, v3, vm0, $0xb8;
	[tilespmem:$0x19000] =	vst v63  }
0x81c: {  	s20 =	simm.s32 $0x4800  }
0x81d: {  	[tilespmem:s20], [sflag:$0x1] =	stream.indirect_vreg.gather [hbm4b:s7+s3], $0x80, v3, vm0, $0xb8;
	[tilespmem:$0x19000] =	vst v63  }
0x81e: {  	v3 =	vld [tilespmem:$0xE10];
	_ =	sdelay $0x4  }
0x81f: {  	v53 =	vshll.u32 v3, $0x3  }
0x820: {  	v3 =	vand.u32 $0x7, v3;
	v4 =	vand.u32 $0xFFFFFFC0, v53  }
0x821: {  	v3 =	vor.u32 v3, v4  }
0x822: {  	v4 =	vperm.xlane v3, v0;
	_ =	sdelay $0x1  }
0x823: {  	v4 =	vadd.s32 v1, v4;
	_ =	sdelay $0x3  }
0x824: {  	s21 =	simm.s32 $0x5000  }
0x825: {  	[tilespmem:s21], [sflag:$0x1] =	stream.indirect_vreg.gather [hbm4b:s2+s3], $0x80, v4, vm0, $0xb8;
	[tilespmem:$0x19000] =	vst v63  }
0x826: {  	s26 =	simm.s32 $0x5800;
	v3 =	vperm.xlane v3, v2  }
0x827: {  	[tilespmem:s26], [sflag:$0x1] =	stream.indirect_vreg.gather [hbm4b:s5+s3], $0x80, v4, vm0, $0xb8;
	[tilespmem:$0x19000] =	vst v63  }
0x828: {  	s29 =	simm.s32 $0x6000;
	v3 =	vadd.s32 v1, v3  }
0x829: {  	[tilespmem:s29], [sflag:$0x1] =	stream.indirect_vreg.gather [hbm4b:s6+s3], $0x80, v4, vm0, $0xb8;
	[tilespmem:$0x19000] =	vst v63  }
0x82a: {  	s30 =	simm.s32 $0x6800  }
0x82b: {  	[tilespmem:s30], [sflag:$0x1] =	stream.indirect_vreg.gather [hbm4b:s7+s3], $0x80, v4, vm0, $0xb8;
	[tilespmem:$0x19000] =	vst v63  }
0x82c: {  	s31 =	simm.s32 $0x7000  }
0x82d: {  	[tilespmem:s31], [sflag:$0x1] =	stream.indirect_vreg.gather [hbm4b:s2+s3], $0x80, v3, vm0, $0xb8;
	[tilespmem:$0x19000] =	vst v63  }
0x82e: {  	s16 =	simm.s32 $0x7800  }
0x82f: {  	[tilespmem:s16], [sflag:$0x1] =	stream.indirect_vreg.gather [hbm4b:s5+s3], $0x80, v3, vm0, $0xb8;
	[tilespmem:$0x19000] =	vst v63  }
0x830: {  	s26 =	simm.s32 $0x8000  }
0x831: {  	[tilespmem:s26], [sflag:$0x1] =	stream.indirect_vreg.gather [hbm4b:s6+s3], $0x80, v3, vm0, $0xb8;
	[tilespmem:$0x19000] =	vst v63  }
0x832: {  	s30 =	simm.s32 $0x8800  }
0x833: {  	[tilespmem:s30], [sflag:$0x1] =	stream.indirect_vreg.gather [hbm4b:s7+s3], $0x80, v3, vm0, $0xb8;
	[tilespmem:$0x19000] =	vst v63  }
0x834: {  	v3 =	vld [tilespmem:$0xE20];
	_ =	sdelay $0x4  }
0x835: {  	v54 =	vshll.u32 v3, $0x3  }
0x836: {  	v3 =	vand.u32 $0x7, v3;
	v4 =	vand.u32 $0xFFFFFFC0, v54  }
0x837: {  	v3 =	vor.u32 v3, v4  }
0x838: {  	v4 =	vperm.xlane v3, v0;
	_ =	sdelay $0x1  }
0x839: {  	v4 =	vadd.s32 v1, v4;
	_ =	sdelay $0x3  }
0x83a: {  	s16 =	simm.s32 $0x9000  }
0x83b: {  	[tilespmem:s16], [sflag:$0x1] =	stream.indirect_vreg.gather [hbm4b:s2+s3], $0x80, v4, vm0, $0xb8;
	[tilespmem:$0x19000] =	vst v63  }
0x83c: {  	s26 =	simm.s32 $0x9800;
	v3 =	vperm.xlane v3, v2  }
0x83d: {  	[tilespmem:s26], [sflag:$0x1] =	stream.indirect_vreg.gather [hbm4b:s5+s3], $0x80, v4, vm0, $0xb8;
	[tilespmem:$0x19000] =	vst v63  }
0x83e: {  	s28 =	simm.s32 $0xA000;
	v3 =	vadd.s32 v1, v3  }
0x83f: {  	[tilespmem:s28], [sflag:$0x1] =	stream.indirect_vreg.gather [hbm4b:s6+s3], $0x80, v4, vm0, $0xb8;
	[tilespmem:$0x19000] =	vst v63  }
0x840: {  	s28 =	simm.s32 $0xA800  }
0x841: {  	[tilespmem:s28], [sflag:$0x1] =	stream.indirect_vreg.gather [hbm4b:s7+s3], $0x80, v4, vm0, $0xb8;
	[tilespmem:$0x19000] =	vst v63  }
0x842: {  	s16 =	simm.s32 $0xB000  }
0x843: {  	[tilespmem:s16], [sflag:$0x1] =	stream.indirect_vreg.gather [hbm4b:s2+s3], $0x80, v3, vm0, $0xb8;
	[tilespmem:$0x19000] =	vst v63  }
0x844: {  	s17 =	simm.s32 $0xB800  }
0x845: {  	[tilespmem:s17], [sflag:$0x1] =	stream.indirect_vreg.gather [hbm4b:s5+s3], $0x80, v3, vm0, $0xb8;
	[tilespmem:$0x19000] =	vst v63  }
0x846: {  	s22 =	simm.s32 $0xC000  }
0x847: {  	[tilespmem:s22], [sflag:$0x1] =	stream.indirect_vreg.gather [hbm4b:s6+s3], $0x80, v3, vm0, $0xb8;
	[tilespmem:$0x19000] =	vst v63  }
0x848: {  	s22 =	simm.s32 $0xC800  }
0x849: {  	[tilespmem:s22], [sflag:$0x1] =	stream.indirect_vreg.gather [hbm4b:s7+s3], $0x80, v3, vm0, $0xb8;
	[tilespmem:$0x19000] =	vst v63  }
0x84a: {  	_ =	swait.ge [sflag:s11], $0xC000  }
0x84b: {  	[sflag:s11] =	ssyncset.done $0x0  }
0x84c: {  	s22 =	rddreg [dreg:$0x1e];
	[sflag:s11] =	ssyncadd.s32 $0xFFFF4000  }
0x84d: {  	[hbm4b:s22+s3] =	stream.linear.scatter [tilespmem:s9], [sflag:$0x4], $0xC000, $0x38;
	[tilespmem:$0x19000] =	vst v63  }
0x84e: {  	_ =	swait.ge [sflag:s12], $0xC000  }
0x84f: {  	[sflag:s12] =	ssyncset.done $0x0  }
0x850: {  	[sflag:s12] =	ssyncadd.s32 $0xFFFF4000  }
0x851: {  	v3 =	vld [tilespmem:$0xE80];
	_ =	sdelay $0x4  }
0x852: {  	v55 =	vshll.u32 v3, $0x3  }
0x853: {  	v3 =	vand.u32 $0x7, v3;
	v4 =	vand.u32 $0xFFFFFFC0, v55  }
0x854: {  	v3 =	vor.u32 v3, v4  }
0x855: {  	v4 =	vperm.xlane v3, v0;
	_ =	sdelay $0x1  }
0x856: {  	v4 =	vadd.s32 v1, v4;
	_ =	sdelay $0x4  }
0x857: {  	[tilespmem:s9], [sflag:$0x2] =	stream.indirect_vreg.gather [hbm4b:s2+s3], $0x80, v4, vm0, $0xb8;
	[tilespmem:$0x19000] =	vst v63  }
0x858: {  	s22 =	simm.s32 $0xD800;
	v3 =	vperm.xlane v3, v2  }
0x859: {  	[tilespmem:s22], [sflag:$0x2] =	stream.indirect_vreg.gather [hbm4b:s5+s3], $0x80, v4, vm0, $0xb8;
	[tilespmem:$0x19000] =	vst v63  }
0x85a: {  	s23 =	simm.s32 $0xE000;
	v3 =	vadd.s32 v1, v3  }
0x85b: {  	[tilespmem:s23], [sflag:$0x2] =	stream.indirect_vreg.gather [hbm4b:s6+s3], $0x80, v4, vm0, $0xb8;
	[tilespmem:$0x19000] =	vst v63  }
0x85c: {  	s24 =	simm.s32 $0xE800  }
0x85d: {  	[tilespmem:s24], [sflag:$0x2] =	stream.indirect_vreg.gather [hbm4b:s7+s3], $0x80, v4, vm0, $0xb8;
	[tilespmem:$0x19000] =	vst v63  }
0x85e: {  	s25 =	simm.s32 $0xF000  }
0x85f: {  	[tilespmem:s25], [sflag:$0x2] =	stream.indirect_vreg.gather [hbm4b:s2+s3], $0x80, v3, vm0, $0xb8;
	[tilespmem:$0x19000] =	vst v63  }
0x860: {  	s25 =	simm.s32 $0xF800  }
0x861: {  	[tilespmem:s25], [sflag:$0x2] =	stream.indirect_vreg.gather [hbm4b:s5+s3], $0x80, v3, vm0, $0xb8;
	[tilespmem:$0x19000] =	vst v63  }
0x862: {  	s13 =	simm.s32 $0x10000  }
0x863: {  	[tilespmem:s13], [sflag:$0x2] =	stream.indirect_vreg.gather [hbm4b:s6+s3], $0x80, v3, vm0, $0xb8;
	[tilespmem:$0x19000] =	vst v63  }
0x864: {  	s13 =	simm.s32 $0x10800  }
0x865: {  	[tilespmem:s13], [sflag:$0x2] =	stream.indirect_vreg.gather [hbm4b:s7+s3], $0x80, v3, vm0, $0xb8;
	[tilespmem:$0x19000] =	vst v63  }
0x866: {  	v3 =	vld [tilespmem:$0xE90];
	_ =	sdelay $0x4  }
0x867: {  	v56 =	vshll.u32 v3, $0x3  }
0x868: {  	v3 =	vand.u32 $0x7, v3;
	v4 =	vand.u32 $0xFFFFFFC0, v56  }
0x869: {  	v3 =	vor.u32 v3, v4  }
0x86a: {  	v4 =	vperm.xlane v3, v0;
	_ =	sdelay $0x1  }
0x86b: {  	v4 =	vadd.s32 v1, v4;
	_ =	sdelay $0x3  }
0x86c: {  	s13 =	simm.s32 $0x11000  }
0x86d: {  	[tilespmem:s13], [sflag:$0x2] =	stream.indirect_vreg.gather [hbm4b:s2+s3], $0x80, v4, vm0, $0xb8;
	[tilespmem:$0x19000] =	vst v63  }
0x86e: {  	v3 =	vperm.xlane v3, v2;
	s13 =	simm.s32 $0x11800  }
0x86f: {  	[tilespmem:s13], [sflag:$0x2] =	stream.indirect_vreg.gather [hbm4b:s5+s3], $0x80, v4, vm0, $0xb8;
	[tilespmem:$0x19000] =	vst v63  }
0x870: {  	v3 =	vadd.s32 v1, v3;
	s13 =	simm.s32 $0x12000  }
0x871: {  	[tilespmem:s13], [sflag:$0x2] =	stream.indirect_vreg.gather [hbm4b:s6+s3], $0x80, v4, vm0, $0xb8;
	[tilespmem:$0x19000] =	vst v63  }
0x872: {  	s13 =	simm.s32 $0x12800  }
0x873: {  	[tilespmem:s13], [sflag:$0x2] =	stream.indirect_vreg.gather [hbm4b:s7+s3], $0x80, v4, vm0, $0xb8;
	[tilespmem:$0x19000] =	vst v63  }
0x874: {  	s13 =	simm.s32 $0x13000  }
0x875: {  	[tilespmem:s13], [sflag:$0x2] =	stream.indirect_vreg.gather [hbm4b:s2+s3], $0x80, v3, vm0, $0xb8;
	[tilespmem:$0x19000] =	vst v63  }
0x876: {  	s13 =	simm.s32 $0x13800  }
0x877: {  	[tilespmem:s13], [sflag:$0x2] =	stream.indirect_vreg.gather [hbm4b:s5+s3], $0x80, v3, vm0, $0xb8;
	[tilespmem:$0x19000] =	vst v63  }
0x878: {  	s13 =	simm.s32 $0x14000  }
0x879: {  	[tilespmem:s13], [sflag:$0x2] =	stream.indirect_vreg.gather [hbm4b:s6+s3], $0x80, v3, vm0, $0xb8;
	[tilespmem:$0x19000] =	vst v63  }
0x87a: {  	s13 =	simm.s32 $0x14800  }
0x87b: {  	[tilespmem:s13], [sflag:$0x2] =	stream.indirect_vreg.gather [hbm4b:s7+s3], $0x80, v3, vm0, $0xb8;
	[tilespmem:$0x19000] =	vst v63  }
0x87c: {  	v3 =	vld [tilespmem:$0xEA0];
	_ =	sdelay $0x4  }
0x87d: {  	v57 =	vshll.u32 v3, $0x3  }
0x87e: {  	v3 =	vand.u32 $0x7, v3;
	v4 =	vand.u32 $0xFFFFFFC0, v57  }
0x87f: {  	v3 =	vor.u32 v3, v4  }
0x880: {  	v4 =	vperm.xlane v3, v0;
	_ =	sdelay $0x1  }
0x881: {  	v4 =	vadd.s32 v1, v4;
	_ =	sdelay $0x3  }
0x882: {  	s13 =	simm.s32 $0x15000  }
0x883: {  	[tilespmem:s13], [sflag:$0x2] =	stream.indirect_vreg.gather [hbm4b:s2+s3], $0x80, v4, vm0, $0xb8;
	[tilespmem:$0x19000] =	vst v63  }
0x884: {  	v3 =	vperm.xlane v3, v2;
	s13 =	simm.s32 $0x15800  }
0x885: {  	[tilespmem:s13], [sflag:$0x2] =	stream.indirect_vreg.gather [hbm4b:s5+s3], $0x80, v4, vm0, $0xb8;
	[tilespmem:$0x19000] =	vst v63  }
0x886: {  	v3 =	vadd.s32 v1, v3;
	s13 =	simm.s32 $0x16000  }
0x887: {  	[tilespmem:s13], [sflag:$0x2] =	stream.indirect_vreg.gather [hbm4b:s6+s3], $0x80, v4, vm0, $0xb8;
	[tilespmem:$0x19000] =	vst v63  }
0x888: {  	s13 =	simm.s32 $0x16800  }
0x889: {  	[tilespmem:s13], [sflag:$0x2] =	stream.indirect_vreg.gather [hbm4b:s7+s3], $0x80, v4, vm0, $0xb8;
	[tilespmem:$0x19000] =	vst v63  }
0x88a: {  	s13 =	simm.s32 $0x17000  }
0x88b: {  	[tilespmem:s13], [sflag:$0x2] =	stream.indirect_vreg.gather [hbm4b:s2+s3], $0x80, v3, vm0, $0xb8;
	[tilespmem:$0x19000] =	vst v63  }
0x88c: {  	s13 =	simm.s32 $0x17800  }
0x88d: {  	[tilespmem:s13], [sflag:$0x2] =	stream.indirect_vreg.gather [hbm4b:s5+s3], $0x80, v3, vm0, $0xb8;
	[tilespmem:$0x19000] =	vst v63  }
0x88e: {  	s13 =	simm.s32 $0x18000  }
0x88f: {  	[tilespmem:s13], [sflag:$0x2] =	stream.indirect_vreg.gather [hbm4b:s6+s3], $0x80, v3, vm0, $0xb8;
	[tilespmem:$0x19000] =	vst v63  }
0x890: {  	s13 =	simm.s32 $0x18800  }
0x891: {  	[tilespmem:s13], [sflag:$0x2] =	stream.indirect_vreg.gather [hbm4b:s7+s3], $0x80, v3, vm0, $0xb8;
	[tilespmem:$0x19000] =	vst v63  }
0x892: {  	_ =	swait.ge [sflag:s4], $0xC000  }
0x893: {  	[sflag:s4] =	ssyncset.done $0x0  }
0x894: {  	s13 =	rddreg [dreg:$0x1f];
	[sflag:s4] =	ssyncadd.s32 $0xFFFF4000  }
0x895: {  	[hbm4b:s13+s3] =	stream.linear.scatter [tilespmem:s18], [sflag:$0x3], $0xC000, $0x38;
	[tilespmem:$0x19000] =	vst v63  }
0x896: {  	_ =	swait.ge [sflag:s8], $0xC000  }
0x897: {  	[sflag:s8] =	ssyncset.done $0x0  }
0x898: {  	[sflag:s8] =	ssyncadd.s32 $0xFFFF4000  }
0x899: {  	v3 =	vld [tilespmem:$0xF00];
	_ =	sdelay $0x4  }
0x89a: {  	v58 =	vshll.u32 v3, $0x3  }
0x89b: {  	v3 =	vand.u32 $0x7, v3;
	v4 =	vand.u32 $0xFFFFFFC0, v58  }
0x89c: {  	v3 =	vor.u32 v3, v4  }
0x89d: {  	v4 =	vperm.xlane v3, v0;
	_ =	sdelay $0x1  }
0x89e: {  	v4 =	vadd.s32 v1, v4;
	_ =	sdelay $0x4  }
0x89f: {  	[tilespmem:s18], [sflag:$0x1] =	stream.indirect_vreg.gather [hbm4b:s2+s3], $0x80, v4, vm0, $0xb8;
	[tilespmem:$0x19000] =	vst v63  }
0x8a0: {  	s13 =	simm.s32 $0x1800;
	v3 =	vperm.xlane v3, v2  }
0x8a1: {  	[tilespmem:s13], [sflag:$0x1] =	stream.indirect_vreg.gather [hbm4b:s5+s3], $0x80, v4, vm0, $0xb8;
	[tilespmem:$0x19000] =	vst v63  }
0x8a2: {  	s0 =	simm.s32 $0x2000;
	v3 =	vadd.s32 v1, v3  }
0x8a3: {  	[tilespmem:s0], [sflag:$0x1] =	stream.indirect_vreg.gather [hbm4b:s6+s3], $0x80, v4, vm0, $0xb8;
	[tilespmem:$0x19000] =	vst v63  }
0x8a4: {  	s1 =	simm.s32 $0x2800  }
0x8a5: {  	[tilespmem:s1], [sflag:$0x1] =	stream.indirect_vreg.gather [hbm4b:s7+s3], $0x80, v4, vm0, $0xb8;
	[tilespmem:$0x19000] =	vst v63  }
0x8a6: {  	s10 =	simm.s32 $0x3000  }
0x8a7: {  	[tilespmem:s10], [sflag:$0x1] =	stream.indirect_vreg.gather [hbm4b:s2+s3], $0x80, v3, vm0, $0xb8;
	[tilespmem:$0x19000] =	vst v63  }
0x8a8: {  	s14 =	simm.s32 $0x3800  }
0x8a9: {  	[tilespmem:s14], [sflag:$0x1] =	stream.indirect_vreg.gather [hbm4b:s5+s3], $0x80, v3, vm0, $0xb8;
	[tilespmem:$0x19000] =	vst v63  }
0x8aa: {  	s15 =	simm.s32 $0x4000  }
0x8ab: {  	[tilespmem:s15], [sflag:$0x1] =	stream.indirect_vreg.gather [hbm4b:s6+s3], $0x80, v3, vm0, $0xb8;
	[tilespmem:$0x19000] =	vst v63  }
0x8ac: {  	s13 =	simm.s32 $0x4800  }
0x8ad: {  	[tilespmem:s13], [sflag:$0x1] =	stream.indirect_vreg.gather [hbm4b:s7+s3], $0x80, v3, vm0, $0xb8;
	[tilespmem:$0x19000] =	vst v63  }
0x8ae: {  	v3 =	vld [tilespmem:$0xF10];
	_ =	sdelay $0x4  }
0x8af: {  	v59 =	vshll.u32 v3, $0x3  }
0x8b0: {  	v3 =	vand.u32 $0x7, v3;
	v4 =	vand.u32 $0xFFFFFFC0, v59  }
0x8b1: {  	v3 =	vor.u32 v3, v4  }
0x8b2: {  	v4 =	vperm.xlane v3, v0;
	_ =	sdelay $0x1  }
0x8b3: {  	v4 =	vadd.s32 v1, v4;
	_ =	sdelay $0x3  }
0x8b4: {  	s14 =	simm.s32 $0x5000  }
0x8b5: {  	[tilespmem:s14], [sflag:$0x1] =	stream.indirect_vreg.gather [hbm4b:s2+s3], $0x80, v4, vm0, $0xb8;
	[tilespmem:$0x19000] =	vst v63  }
0x8b6: {  	s15 =	simm.s32 $0x5800;
	v3 =	vperm.xlane v3, v2  }
0x8b7: {  	[tilespmem:s15], [sflag:$0x1] =	stream.indirect_vreg.gather [hbm4b:s5+s3], $0x80, v4, vm0, $0xb8;
	[tilespmem:$0x19000] =	vst v63  }
0x8b8: {  	s19 =	simm.s32 $0x6000;
	v3 =	vadd.s32 v1, v3  }
0x8b9: {  	[tilespmem:s19], [sflag:$0x1] =	stream.indirect_vreg.gather [hbm4b:s6+s3], $0x80, v4, vm0, $0xb8;
	[tilespmem:$0x19000] =	vst v63  }
0x8ba: {  	s20 =	simm.s32 $0x6800  }
0x8bb: {  	[tilespmem:s20], [sflag:$0x1] =	stream.indirect_vreg.gather [hbm4b:s7+s3], $0x80, v4, vm0, $0xb8;
	[tilespmem:$0x19000] =	vst v63  }
0x8bc: {  	s21 =	simm.s32 $0x7000  }
0x8bd: {  	[tilespmem:s21], [sflag:$0x1] =	stream.indirect_vreg.gather [hbm4b:s2+s3], $0x80, v3, vm0, $0xb8;
	[tilespmem:$0x19000] =	vst v63  }
0x8be: {  	s29 =	simm.s32 $0x7800  }
0x8bf: {  	[tilespmem:s29], [sflag:$0x1] =	stream.indirect_vreg.gather [hbm4b:s5+s3], $0x80, v3, vm0, $0xb8;
	[tilespmem:$0x19000] =	vst v63  }
0x8c0: {  	s31 =	simm.s32 $0x8000  }
0x8c1: {  	[tilespmem:s31], [sflag:$0x1] =	stream.indirect_vreg.gather [hbm4b:s6+s3], $0x80, v3, vm0, $0xb8;
	[tilespmem:$0x19000] =	vst v63  }
0x8c2: {  	s19 =	simm.s32 $0x8800  }
0x8c3: {  	[tilespmem:s19], [sflag:$0x1] =	stream.indirect_vreg.gather [hbm4b:s7+s3], $0x80, v3, vm0, $0xb8;
	[tilespmem:$0x19000] =	vst v63  }
0x8c4: {  	v3 =	vld [tilespmem:$0xF20];
	_ =	sdelay $0x4  }
0x8c5: {  	v60 =	vshll.u32 v3, $0x3  }
0x8c6: {  	v3 =	vand.u32 $0x7, v3;
	v4 =	vand.u32 $0xFFFFFFC0, v60  }
0x8c7: {  	v3 =	vor.u32 v3, v4  }
0x8c8: {  	v4 =	vperm.xlane v3, v0;
	_ =	sdelay $0x1  }
0x8c9: {  	v4 =	vadd.s32 v1, v4;
	_ =	sdelay $0x3  }
0x8ca: {  	s20 =	simm.s32 $0x9000  }
0x8cb: {  	[tilespmem:s20], [sflag:$0x1] =	stream.indirect_vreg.gather [hbm4b:s2+s3], $0x80, v4, vm0, $0xb8;
	[tilespmem:$0x19000] =	vst v63  }
0x8cc: {  	s30 =	simm.s32 $0x9800;
	v3 =	vperm.xlane v3, v2  }
0x8cd: {  	[tilespmem:s30], [sflag:$0x1] =	stream.indirect_vreg.gather [hbm4b:s5+s3], $0x80, v4, vm0, $0xb8;
	[tilespmem:$0x19000] =	vst v63  }
0x8ce: {  	s26 =	simm.s32 $0xA000;
	v3 =	vadd.s32 v1, v3  }
0x8cf: {  	[tilespmem:s26], [sflag:$0x1] =	stream.indirect_vreg.gather [hbm4b:s6+s3], $0x80, v4, vm0, $0xb8;
	[tilespmem:$0x19000] =	vst v63  }
0x8d0: {  	s28 =	simm.s32 $0xA800  }
0x8d1: {  	[tilespmem:s28], [sflag:$0x1] =	stream.indirect_vreg.gather [hbm4b:s7+s3], $0x80, v4, vm0, $0xb8;
	[tilespmem:$0x19000] =	vst v63  }
0x8d2: {  	s21 =	simm.s32 $0xB000  }
0x8d3: {  	[tilespmem:s21], [sflag:$0x1] =	stream.indirect_vreg.gather [hbm4b:s2+s3], $0x80, v3, vm0, $0xb8;
	[tilespmem:$0x19000] =	vst v63  }
0x8d4: {  	s16 =	simm.s32 $0xB800  }
0x8d5: {  	[tilespmem:s16], [sflag:$0x1] =	stream.indirect_vreg.gather [hbm4b:s5+s3], $0x80, v3, vm0, $0xb8;
	[tilespmem:$0x19000] =	vst v63  }
0x8d6: {  	s17 =	simm.s32 $0xC000  }
0x8d7: {  	[tilespmem:s17], [sflag:$0x1] =	stream.indirect_vreg.gather [hbm4b:s6+s3], $0x80, v3, vm0, $0xb8;
	[tilespmem:$0x19000] =	vst v63  }
0x8d8: {  	s26 =	simm.s32 $0xC800  }
0x8d9: {  	[tilespmem:s26], [sflag:$0x1] =	stream.indirect_vreg.gather [hbm4b:s7+s3], $0x80, v3, vm0, $0xb8;
	[tilespmem:$0x19000] =	vst v63  }
0x8da: {  	_ =	swait.ge [sflag:s11], $0xC000  }
0x8db: {  	s28 =	sld [smem:$0x7FB]  }
0x8dc: {  	[sflag:s11] =	ssyncset.done $0x0  }
0x8dd: {  	[sflag:s11] =	ssyncadd.s32 $0xFFFF4000  }
0x8de: {  	[hbm4b:s28+s3] =	stream.linear.scatter [tilespmem:s9], [sflag:$0x4], $0xC000, $0x38;
	[tilespmem:$0x19000] =	vst v63  }
0x8df: {  	_ =	swait.ge [sflag:s12], $0xC000  }
0x8e0: {  	[sflag:s12] =	ssyncset.done $0x0  }
0x8e1: {  	[sflag:s12] =	ssyncadd.s32 $0xFFFF4000  }
0x8e2: {  	v3 =	vld [tilespmem:$0xF80];
	_ =	sdelay $0x4  }
0x8e3: {  	v61 =	vshll.u32 v3, $0x3  }
0x8e4: {  	v3 =	vand.u32 $0x7, v3;
	v4 =	vand.u32 $0xFFFFFFC0, v61  }
0x8e5: {  	v3 =	vor.u32 v3, v4  }
0x8e6: {  	v4 =	vperm.xlane v3, v0;
	_ =	sdelay $0x1  }
0x8e7: {  	v4 =	vadd.s32 v1, v4;
	_ =	sdelay $0x4  }
0x8e8: {  	[tilespmem:s9], [sflag:$0x2] =	stream.indirect_vreg.gather [hbm4b:s2+s3], $0x80, v4, vm0, $0xb8;
	[tilespmem:$0x19000] =	vst v63  }
0x8e9: {  	s29 =	simm.s32 $0xD800;
	v3 =	vperm.xlane v3, v2  }
0x8ea: {  	[tilespmem:s29], [sflag:$0x2] =	stream.indirect_vreg.gather [hbm4b:s5+s3], $0x80, v4, vm0, $0xb8;
	[tilespmem:$0x19000] =	vst v63  }
0x8eb: {  	s22 =	simm.s32 $0xE000;
	v3 =	vadd.s32 v1, v3  }
0x8ec: {  	[tilespmem:s22], [sflag:$0x2] =	stream.indirect_vreg.gather [hbm4b:s6+s3], $0x80, v4, vm0, $0xb8;
	[tilespmem:$0x19000] =	vst v63  }
0x8ed: {  	s23 =	simm.s32 $0xE800  }
0x8ee: {  	[tilespmem:s23], [sflag:$0x2] =	stream.indirect_vreg.gather [hbm4b:s7+s3], $0x80, v4, vm0, $0xb8;
	[tilespmem:$0x19000] =	vst v63  }
0x8ef: {  	s24 =	simm.s32 $0xF000  }
0x8f0: {  	[tilespmem:s24], [sflag:$0x2] =	stream.indirect_vreg.gather [hbm4b:s2+s3], $0x80, v3, vm0, $0xb8;
	[tilespmem:$0x19000] =	vst v63  }
0x8f1: {  	s25 =	simm.s32 $0xF800  }
0x8f2: {  	[tilespmem:s25], [sflag:$0x2] =	stream.indirect_vreg.gather [hbm4b:s5+s3], $0x80, v3, vm0, $0xb8;
	[tilespmem:$0x19000] =	vst v63  }
0x8f3: {  	s30 =	simm.s32 $0x10000  }
0x8f4: {  	[tilespmem:s30], [sflag:$0x2] =	stream.indirect_vreg.gather [hbm4b:s6+s3], $0x80, v3, vm0, $0xb8;
	[tilespmem:$0x19000] =	vst v63  }
0x8f5: {  	s31 =	simm.s32 $0x10800  }
0x8f6: {  	[tilespmem:s31], [sflag:$0x2] =	stream.indirect_vreg.gather [hbm4b:s7+s3], $0x80, v3, vm0, $0xb8;
	[tilespmem:$0x19000] =	vst v63  }
0x8f7: {  	v3 =	vld [tilespmem:$0xF90];
	_ =	sdelay $0x4  }
0x8f8: {  	v62 =	vshll.u32 v3, $0x3  }
0x8f9: {  	v3 =	vand.u32 $0x7, v3;
	v4 =	vand.u32 $0xFFFFFFC0, v62  }
0x8fa: {  	v3 =	vor.u32 v3, v4  }
0x8fb: {  	v4 =	vperm.xlane v3, v0;
	_ =	sdelay $0x1  }
0x8fc: {  	v4 =	vadd.s32 v1, v4;
	_ =	sdelay $0x3  }
0x8fd: {  	s1 =	simm.s32 $0x11000  }
0x8fe: {  	[tilespmem:s1], [sflag:$0x2] =	stream.indirect_vreg.gather [hbm4b:s2+s3], $0x80, v4, vm0, $0xb8;
	[tilespmem:$0x19000] =	vst v63  }
0x8ff: {  	s10 =	simm.s32 $0x11800;
	v3 =	vperm.xlane v3, v2  }
0x900: {  	[tilespmem:s10], [sflag:$0x2] =	stream.indirect_vreg.gather [hbm4b:s5+s3], $0x80, v4, vm0, $0xb8;
	[tilespmem:$0x19000] =	vst v63  }
0x901: {  	s13 =	simm.s32 $0x12000;
	v3 =	vadd.s32 v1, v3  }
0x902: {  	[tilespmem:s13], [sflag:$0x2] =	stream.indirect_vreg.gather [hbm4b:s6+s3], $0x80, v4, vm0, $0xb8;
	[tilespmem:$0x19000] =	vst v63  }
0x903: {  	s14 =	simm.s32 $0x12800  }
0x904: {  	[tilespmem:s14], [sflag:$0x2] =	stream.indirect_vreg.gather [hbm4b:s7+s3], $0x80, v4, vm0, $0xb8;
	[tilespmem:$0x19000] =	vst v63  }
0x905: {  	s15 =	simm.s32 $0x13000  }
0x906: {  	[tilespmem:s15], [sflag:$0x2] =	stream.indirect_vreg.gather [hbm4b:s2+s3], $0x80, v3, vm0, $0xb8;
	[tilespmem:$0x19000] =	vst v63  }
0x907: {  	s16 =	simm.s32 $0x13800  }
0x908: {  	[tilespmem:s16], [sflag:$0x2] =	stream.indirect_vreg.gather [hbm4b:s5+s3], $0x80, v3, vm0, $0xb8;
	[tilespmem:$0x19000] =	vst v63  }
0x909: {  	s17 =	simm.s32 $0x14000  }
0x90a: {  	[tilespmem:s17], [sflag:$0x2] =	stream.indirect_vreg.gather [hbm4b:s6+s3], $0x80, v3, vm0, $0xb8;
	[tilespmem:$0x19000] =	vst v63  }
0x90b: {  	s19 =	simm.s32 $0x14800  }
0x90c: {  	[tilespmem:s19], [sflag:$0x2] =	stream.indirect_vreg.gather [hbm4b:s7+s3], $0x80, v3, vm0, $0xb8;
	[tilespmem:$0x19000] =	vst v63  }
0x90d: {  	v3 =	vld [tilespmem:$0xFA0];
	_ =	sdelay $0x4  }
0x90e: {  	v63 =	vshll.u32 v3, $0x3  }
0x90f: {  	v3 =	vand.u32 $0x7, v3;
	v4 =	vand.u32 $0xFFFFFFC0, v63  }
0x910: {  	v3 =	vor.u32 v3, v4  }
0x911: {  	v4 =	vperm.xlane v3, v0;
	_ =	sdelay $0x1  }
0x912: {  	v4 =	vadd.s32 v1, v4;
	_ =	sdelay $0x3  }
0x913: {  	s20 =	simm.s32 $0x15000  }
0x914: {  	[tilespmem:s20], [sflag:$0x2] =	stream.indirect_vreg.gather [hbm4b:s2+s3], $0x80, v4, vm0, $0xb8;
	[tilespmem:$0x19000] =	vst v63  }
0x915: {  	s21 =	simm.s32 $0x15800;
	v3 =	vperm.xlane v3, v2  }
0x916: {  	[tilespmem:s21], [sflag:$0x2] =	stream.indirect_vreg.gather [hbm4b:s5+s3], $0x80, v4, vm0, $0xb8;
	[tilespmem:$0x19000] =	vst v63  }
0x917: {  	s22 =	simm.s32 $0x16000;
	v3 =	vadd.s32 v1, v3  }
0x918: {  	[tilespmem:s22], [sflag:$0x2] =	stream.indirect_vreg.gather [hbm4b:s6+s3], $0x80, v4, vm0, $0xb8;
	[tilespmem:$0x19000] =	vst v63  }
0x919: {  	s23 =	simm.s32 $0x16800  }
0x91a: {  	[tilespmem:s23], [sflag:$0x2] =	stream.indirect_vreg.gather [hbm4b:s7+s3], $0x80, v4, vm0, $0xb8;
	[tilespmem:$0x19000] =	vst v63  }
0x91b: {  	s24 =	simm.s32 $0x17000  }
0x91c: {  	[tilespmem:s24], [sflag:$0x2] =	stream.indirect_vreg.gather [hbm4b:s2+s3], $0x80, v3, vm0, $0xb8;
	[tilespmem:$0x19000] =	vst v63  }
0x91d: {  	s25 =	simm.s32 $0x17800  }
0x91e: {  	[tilespmem:s25], [sflag:$0x2] =	stream.indirect_vreg.gather [hbm4b:s5+s3], $0x80, v3, vm0, $0xb8;
	[tilespmem:$0x19000] =	vst v63  }
0x91f: {  	s26 =	simm.s32 $0x18000  }
0x920: {  	[tilespmem:s26], [sflag:$0x2] =	stream.indirect_vreg.gather [hbm4b:s6+s3], $0x80, v3, vm0, $0xb8;
	[tilespmem:$0x19000] =	vst v63  }
0x921: {  	s28 =	simm.s32 $0x18800  }
0x922: {  	[tilespmem:s28], [sflag:$0x2] =	stream.indirect_vreg.gather [hbm4b:s7+s3], $0x80, v3, vm0, $0xb8;
	[tilespmem:$0x19000] =	vst v63  }
0x923: {  	_ =	swait.ge [sflag:s4], $0xC000  }
0x924: {  	s29 =	sld [smem:$0x7FC]  }
0x925: {  	[sflag:s4] =	ssyncset.done $0x0  }
0x926: {  	[sflag:s4] =	ssyncadd.s32 $0xFFFF4000  }
0x927: {  	[hbm4b:s29+s3] =	stream.linear.scatter [tilespmem:s18], [sflag:$0x3], $0xC000, $0x38;
	[tilespmem:$0x19000] =	vst v63  }
0x928: {  	_ =	swait.ge [sflag:s11], $0xC000  }
0x929: {  	s30 =	sld [smem:$0x7FD]  }
0x92a: {  	[sflag:s11] =	ssyncset.done $0x0;
	s31 =	sld [smem:$0x7F9]  }
0x92b: {  	[sflag:s11] =	ssyncadd.s32 $0xFFFF4000  }
0x92c: {  	[hbm4b:s30+s3] =	stream.linear.scatter [tilespmem:s9], [sflag:$0x4], $0xC000, $0x38;
	[tilespmem:$0x19000] =	vst v63  }
0x92d: {  	p0 =	sne.s32 s31, $0x1;
	_ =	swait.ge [sflag:s8], $0xC000  }
.Ltmp0:
0x92e: {  	[sflag:s8] =	ssyncset.done $0x0;
	(pc) =	sbr.rel @p0 .LBB2_1-.Ltmp0, $4  }
0x92f: {  	[sflag:s8] =	ssyncadd.s32 $0xFFFF4000  }
0x930: {  	_ =	swait.ge [sflag:s12], $0xC000  }
0x931: {  	[sflag:s12] =	ssyncset.done $0x0  }
0x932: {  	s13 =	sadd.s32 $0xFFFFFFFF, s31;
	[sflag:s12] =	ssyncadd.s32 $0xFFFF4000  }
0x933: {  	_ =	sfence.sel $0x180000  }
0x934: {  	[bflag:$0x0] =	sbarrier.arrive $0xFFFF  }
0x935: {  	_ =	strace $0x9000004A  }
0x936: {  	s0 =	stileid.u32;
	[bflag:$0x2] =	sbarrier.arrive $0xFFFF  }
0x937: {  	p0 =	sne.s32 s0, $0x0;
	s0 =	rddreg [dreg:$0x2]  }
0x938: {  	s0 =	sadd.s32 @!p0 $0x100000, s0  }
0x939: {  	[sflag:s0] =	ssyncadd.tile.s32 @!p0 $0x1;
	_ =	shalt  }
.Lfunc_end2:
_tile_overlayer_lowered:
.L_overlay_start_2:
0x93a: {  	(tag) =	ssettag $0x2  }
0x93b: {  	s0 =	rddreg [dreg:$0x0];
	s2 =	stileid.u32  }
0x93c: {  	s1 =	rddreg [dreg:$0x1];
	p0 =	sne.s32 s2, $0x0  }
0x93d: {  	s3 =	rddreg [dreg:$0x2];
	[bflag:$0x3] =	sbarrier.arrive $0xFFFF;
	s2 =	simm.s32 @!p0 $0x1C05  }
0x93e: {  	[timem:s3], [sflag:s2] =	dma.local @!p0 [hbm:s0], s1  }
0x93f: {  	s0 =	simm.s32 @!p0 $0x5  }
0x940: {  	_ =	swait.ge @!p0 [sflag:s0], s1  }
0x941: {  	s1 =	ssub.s32 @!p0 $0x0, s1;
	[sflag:s0] =	ssyncset.done @!p0 $0x0  }
0x942: {  	[sflag:s0] =	ssyncadd.s32 @!p0 s1  }
0x943: {  	[bflag:$0x3] =	sbarrier.arrive $0xFFFF  }
0x944: {  	_ =	shalt  }

// kernel: sparse-core-data-format-call.1.cloned.1.call-start
scs
called_computation.1_lowered:
.L_overlay_start_0:
0x0: {  	s2 =	sld [smem:$0x3FD9]  }
0x1: {  	s3 =	sld [smem:$0x3FFE];
	_ =	sdelay $0x1  }
0x2: {  	s1 =	srdreg.scid  }
0x3: {  	s0 =	sand.u32 $0x1, s1  }
0x4: {  	s15 =	sshll.u32 s0, $0xA;
	s2 =	sadd.s32 s3, s2  }
0x5: {  	s2 =	sadd.s32 s2, s15  }
0x6: {  	[smem:$0x3FC4] =	sst s2  }
0x7: {  	_ = 	snop  }
0x8: {  	s2 =	sld [smem:$0x3FD0];
	_ =	sdelay $0x2  }
0x9: {  	s16 =	simm.s32 $0xA;
	s4 =	simm.s32 $0x10  }
0xa: {  	[smem:s4], [sflag:s16] =	dma.local [hbm:s2], $0x1  }
0xb: {  	_ =	swait.eq [sflag:s16], $0x1  }
0xc: {  	[sflag:s16] =	ssyncset.done $0x0  }
0xd: {  	[sflag:s16] =	ssyncadd.s32 $0xFFFFFFFF  }
0xe: {  	s17 =	sld [smem:$0x10];
	(tm) =	ssettm $0x1  }
0xf: {  	s18 =	sld [smem:$0x3FFB];
	_ =	sdelay $0x3  }
0x10: {  	_ =	strace s18  }
0x11: {  	s3 =	sld [smem:$0x3FFC];
	_ =	sdelay $0x3  }
0x12: {  	_ =	strace s3  }
0x13: {  	s3 =	sld [smem:$0x3FFD];
	_ =	sdelay $0x3  }
0x14: {  	_ =	strace s3  }
0x15: {  	_ =	strace $0x8FFFFFFF  }
0x16: {  	s19 =	sld [smem:$0x3FDB];
	_ =	sdelay $0x1  }
0x17: {  	s20 =	simm.s32 $_scs_section_size  }
0x18: {  	s5 =	simm.s32 $_size__tile_overlayer_lowered;
	s6 =	simm.s32 $_tile_overlayer_lowered  }
0x19: {  	s23 =	simm.s32 $0x1BFF;
	s22 =	sshll.u32 s6, $0x1;
	s3 =	sadd.s32 s20, s19  }
0x1a: {  	s7 =	simm.s32 $0x0;
	s21 =	sshll.u32 s5, $0x1;
	s5 =	sadd.s32 s22, s3  }
0x1b: {  	[timem:s7], [sflag:s23] =	dma.local [hbm:s5], s21  }
0x1c: {  	_ =	swait.ge [sflag:s23], s21  }
0x1d: {  	s4 =	ssub.s32 $0x0, s21;
	[sflag:s23] =	ssyncset.done $0x0  }
0x1e: {  	[sflag:s23] =	ssyncadd.s32 s4;
	_ =	sdelay $0x1  }
0x1f: {  	s24 =	simm.s32 $0x1B8B  }
0x20: {  	_ =	swait.ge [sflag:s24], $0x1  }
0x21: {  	[sflag:s24] =	ssyncset.done $0x0  }
0x22: {  	s26 =	simm.s32 $0x1B8E;
	s25 =	sld [smem:$0x3FFE];
	[sflag:s24] =	ssyncadd.s32 $0xFFFFFFFF  }
0x23: {  	s27 =	simm.s32 $execute0_lowered;
	[smem:$0x3FD2] =	sst s26  }
0x24: {  	s5 =	sshll.u32 s27, $0x1;
	_ =	strace $0x8000004C;
	[dreg:$0x1] =	wrdreg $0xFFFFFFFF  }
0x25: {  	s28 =	simm.s32 $_size_execute0_lowered;
	s3 =	sadd.s32 s3, s5;
	[dreg:$0x0] =	wrdreg $0x0  }
0x26: {  	s5 =	sshll.u32 s28, $0x1;
	[dreg:$0x2] =	wrdreg s3  }
0x27: {  	[dreg:$0x3] =	wrdreg s5  }
0x28: {  	[dreg:$0x4] =	wrdreg $0xC0  }
0x29: {  	_ =	task [dreg:s7], $0x5FFFF  }
0x2a: {  	[dreg:$0x1] =	wrdreg $0xFFFFFFFF  }
0x2b: {  	[dreg:$0x0] =	wrdreg $0x60  }
0x2c: {  	[dreg:$0x2] =	wrdreg s17  }
0x2d: {  	[dreg:$0x3] =	wrdreg s25  }
0x2e: {  	[dreg:$0x4] =	wrdreg $0x9  }
0x2f: {  	_ =	task.clear_ibuf [dreg:s7], $0x5FFFF;
	_ =	strace $0x9000004C  }
0x30: {  	s29 =	simm.s32 $0x9;
	_ =	strace $0x8000004E  }
0x31: {  	_ =	swait.ge [sflag:s29], $0x1  }
0x32: {  	[sflag:s29] =	ssyncadd.s32 $0xFFFFFFFF  }
0x33: {  	_ =	strace $0x9000004E  }
0x34: {  	_ =	sfence  }
0x35: {  	s30 =	sld [smem:$0x0];
	_ =	sdelay $0x2  }
0x36: {  	s31 =	sshll.u32 s1, $0xD;
	s1 =	sshrl.u32 s1, $0x2  }
0x37: {  	s3 =	sand.u32 $0x4000, s31;
	s1 =	sadd.s32 s1, s30  }
0x38: {  	s0 =	sor.u32 s3, s0;
	s1 =	sshll.u32 s1, $0x11  }
0x39: {  	s0 =	sor.u32 s1, s0  }
0x3a: {  	s0 =	sadd.s32 $0x8F2B, s0  }
0x3b: {  	[sflag:s0] =	ssyncadd.remote.s32 $0x1  }
0x3c: {  	_ =	sfence.sel $0xFFFF  }
0x3d: {  	[dreg:$0x0] =	wrdreg $0xFFFFFFFF;
	(pc) =	sbr.abs _section_cstart, $3  }
0x3e: {  	[dreg:$0x1] =	wrdreg $0xFFFFFFFF  }
0x3f: {  	_ =	task.clear_ibuf [dreg:s7], $0x2FFFF;
	_ =	strace $0x9FFFFFFF  }
0x40: {  	(tm) =	ssettm $0x7FFFFFFF  }
0x41: {  	_ =	shalt  }
tec
execute0_lowered:
.L_overlay_start_1:
0x0: {  	(tag) =	ssettag $0x1  }
0x1: {  	s2 =	rddreg [dreg:$0x0]  }
0x2: {  	s1 =	rddreg [dreg:$0x1]  }
0x3: {  	s0 =	rddreg [dreg:$0x2];
	_ =	strace $0x8000004D;
	s4 =	srdreg.scid  }
0x4: {  	s6 =	simm.s32 $0x2;
	s13 =	simm.s32 $0x0;
	p0 =	por $0x0, $0x0  }
0x5: {  	s12 =	simm.s32 $0x0;
	s15 =	simm.s32 $0x0;
	s14 =	simm.s32 $0x0  }
.Ltmp0:
0x6: {  	s8 =	simm.s32 $0x0;
	s9 =	simm.s32 $0x0;
	(pc) =	sbr.rel .LBB1_1-.Ltmp0, $4  }
0x7: {  	s10 =	simm.s32 $0x0;
	s3 =	sadd.s32 $0x1600, s1;
	s5 =	sshll.u32 s4, $0x4  }
0x8: {  	s1 =	stileid.u32;
	s4 =	simm.s32 $0x1;
	s5 =	sand.u32 $0x10, s5  }
0x9: {  	s7 =	simm.s32 $0x0;
	[sflag:s4] =	ssyncpa.u1 $0x0;
	s5 =	sor.u32 s1, s5  }
0xa: {  	[sflag:s6] =	ssyncpa.u1 $0x0;
	s6 =	simm.s32 $0xC000;
	s11 =	smov.u32 s5  }
.LBB1_7:
0xb: {  	s16 =	sadd.s32 $0x100, s8  }
0xc: {  	s12 =	sadd.s32 $0x8, s9;
	s17 =	smov.u32 s9;
	p2 =	sgt.s32 s16, $0x2FF  }
0xd: {  	s17 =	smov.u32 @p2 s12  }
0xe: {  	s18 =	smov.u32 s10;
	s12 =	sadd.s32 $0x8, s10;
	p3 =	sgt.s32 s17, $0x7  }
0xf: {  	s18 =	smov.u32 @p3 s12  }
0x10: {  	s19 =	smov.u32 s11;
	s12 =	sadd.s32 $0x20, s11;
	p4 =	sgt.s32 s18, $0x3F  }
0x11: {  	p1 =	slt.u32 s7, $0x2;
	s19 =	smov.u32 @p4 s12  }
0x12: {  	s7 =	sadd.s32 $0x1, s7;
	s16 =	simm.s32 @p2 $0x0;
	p2 =	sgt.s32 s19, $0x7F  }
0x13: {  	s13 =	smov.u32 s8;
	s19 =	smov.u32 @p2 s5;
	p2 =	sne.s32 s7, $0x62  }
.Ltmp1:
0x14: {  	s15 =	smov.u32 s10;
	s20 =	simm.s32 @!p1 $0x2;
	(pc) =	sbr.rel @!p2 .LBB1_8-.Ltmp1, $4  }
0x15: {  	s14 =	smov.u32 s11;
	p0 =	por !p0, !p0;
	_ =	swait.ge @!p1 [sflag:s20], $0x4000  }
0x16: {  	[sflag:s20] =	ssyncset.done @!p1 $0x0;
	s8 =	smov.u32 s16;
	s17 =	simm.s32 @p3 $0x0  }
0x17: {  	[sflag:s20] =	ssyncadd.s32 @!p1 $0xFFFFC000;
	s18 =	simm.s32 @p4 $0x0;
	s12 =	smov.u32 s9  }
0x18: {  	s9 =	smov.u32 s17;
	s10 =	smov.u32 s18;
	s11 =	smov.u32 s19  }
.LBB1_1:
0x19: {  	p1 =	sgt.u32 s7, $0x5F  }
0x1a: {  	s16 =	sshrl.u32 @!p1 s9, $0x3  }
0x1b: {  	s17 =	sshll.u32 @!p1 s8, $0x3;
	s16 =	smul.u32 @!p1 $0x1800, s16  }
0x1c: {  	s18 =	sshll.u32 @!p1 s9, $0x7;
	s17 =	sand.u32 @!p1 $0xFFFFFC00, s17  }
0x1d: {  	s16 =	sadd.s32 @!p1 s16, s17;
	s17 =	sand.u32 @!p1 $0x380, s18  }
0x1e: {  	s18 =	sand.u32 @!p1 $0x7F, s8;
	s16 =	sor.u32 @!p1 s17, s16  }
0x1f: {  	s17 =	sor.u32 @!p1 s18, s16  }
0x20: {  	s18 =	smulhi.u32 @!p1 $0xAAAAAAAB, s17  }
0x21: {  	s16 =	smulhi.u32 @!p1 $0xAAAAAAAB, s16  }
0x22: {  	s20 =	smul.u32 @!p1 $0xC000, s11;
	s18 =	sshrl.u32 @!p1 s18, $0x9  }
0x23: {  	s19 =	sxor.u32 @!p1 $0xFFFFFFFF, s7;
	s16 =	sshrl.u32 @!p1 s16, $0x9;
	s18 =	smul.u32 @!p1 $0x300, s18  }
0x24: {  	s21 =	smul.u32 @!p1 $0x300, s10;
	s19 =	sshll.u32 @!p1 s19, $0xE;
	s16 =	sand.u32 @!p1 $0x7, s16  }
0x25: {  	s16 =	smul.u32 @!p1 $0x60, s16;
	s17 =	ssub.s32 @!p1 s17, s18;
	s18 =	sadd.s32 @!p1 s2, s20  }
0x26: {  	s19 =	sand.u32 @!p1 $0x4000, s19;
	s18 =	sadd.s32 @!p1 s21, s18;
	s20 =	sand.u32 @!p1 $0x7, s17  }
0x27: {  	s17 =	sshrl.u32 @!p1 s17, $0x3;
	s16 =	sadd.s32 @!p1 s16, s18;
	s18 =	sshll.u32 @!p1 s20, $0x12  }
0x28: {  	s16 =	sadd.s32 @!p1 s17, s16;
	s17 =	sor.u32 @!p1 $0x800, s18;
	s18 =	simm.s32 @!p1 $0x1800  }
0x29: {  	[tilespmem:s19], [sflag:$0x1] =	stream.strided.gather @!p1 [hbm4b:s16+s17], $0x4000, s18, s17, $0x38;
	[tilespmem:$0x10000] =	vst v63  }
0x2a: {  	p1 =	seq.s32 s7, $0x0  }
0x2b: {  	p2 =	seq.s32 @!p1 s7, $0x61  }
0x2c: {  	p1 =	por p1, p2  }
.Ltmp2:
0x2d: {  	_ = 	snop;
	(pc) =	sbr.rel @p1 .LBB1_7-.Ltmp2, $1  }
0x2e: {  	_ =	sdelay $0x3  }
0x2f: {  	s16 =	simm.s32 $0x1;
	_ =	swait.ge [sflag:s4], $0x4000  }
0x30: {  	s31 =	sshll.u32 s7, $0xE;
	s21 =	simm.s32 $0x0;
	p1 =	por $0x0, $0x0  }
0x31: {  	s22 =	simm.s32 $0x0;
	s23 =	simm.s32 $0x0;
	s16 =	simm.s32 @!p0 $0x0  }
0x32: {  	[sflag:s4] =	ssyncset.done $0x0;
	s19 =	sand.u32 $0x4000, s31;
	s16 =	sshll.u32 s16, $0x10  }
0x33: {  	[sflag:s4] =	ssyncadd.s32 $0xFFFFC000;
	s20 =	sshrl.u32 s16, $0x2;
	s16 =	sor.u32 $0x8000, s19  }
0x34: {  	s17 =	sor.u32 $0x40, s20;
	s18 =	sor.u32 $0x8410, s20;
	s20 =	sadd.s32 $0x8400, s20  }
.LBB1_3:
0x35: {  	v1 =	vld [tilespmem:s17+$0xFFFFFFD0]  }
0x36: {  	v2 =	vld [tilespmem:s17+$0x430]  }
0x37: {  	s24 =	sshll.u32 s23, $0xB;
	v4 =	vld [tilespmem:s17+$0xFFFFFFE0]  }
0x38: {  	v7 =	vld [tilespmem:s17+$0xFFFFFFF0];
	v0 =	vmov s24  }
0x39: {  	v8 =	vld [tilespmem:s17+$0x0]  }
0x3a: {  	s30 =	sand.u32 $0x300, s21;
	v9 =	vld [tilespmem:s17+$0x10]  }
0x3b: {  	s25 =	sand.u32 $0x80, s21;
	v10 =	vld [tilespmem:s17+$0x20];
	s24 =	sadd.s32 s30, s19  }
0x3c: {  	v11 =	vld [tilespmem:s17+$0x30];
	s24 =	sadd.s32 s25, s24;
	s25 =	simm.s32 $0x1;
	[tilespmem:s18+$0x60] =	vst v2  }
0x3d: {  	s31 =	sshll.u32 s22, $0x2;
	s25 =	simm.s32 @!p1 $0x0;
	[tilespmem:s18+$0xFFFFFC00] =	vst v1;
	v3 =	vld.idx.msk [tilespmem:v0+s24+$0x400 ss:$0x1], $0xffff  }
0x3e: {  	v6 =	vld [tilespmem:s17+$0x3D0];
	s25 =	sshll.u32 s25, $0x9;
	[tilespmem:s18+$0xFFFFFC10] =	vst v4;
	s24 =	sand.u32 $0xFFFFFC00, s31  }
0x3f: {  	v5 =	vld [tilespmem:s17+$0x3E0];
	[tilespmem:s18+$0xFFFFFC20] =	vst v7;
	s24 =	sor.u32 s25, s24  }
0x40: {  	[tilespmem:s18+$0xFFFFFC30] =	vst v8;
	v4 =	vld [tilespmem:s17+$0x400];
	s24 =	sshrl.u32 s24, $0x2  }
0x41: {  	[tilespmem:s18+$0xFFFFFC40] =	vst v9;
	v1 =	vld [tilespmem:s17+$0x410];
	s24 =	sadd.s32 s24, s20  }
0x42: {  	[tilespmem:s24+$0x0] =	vst v3;
	v3 =	vld [tilespmem:s17+$0x3F0]  }
0x43: {  	s28 =	simm.s32 $0x80;
	s27 =	simm.s32 $0x100;
	[tilespmem:s18+$0xFFFFFC50] =	vst v10;
	v2 =	vld [tilespmem:s17+$0x420]  }
0x44: {  	s26 =	smov.u32 s18;
	s29 =	sand.u32 $0x300, s28;
	v7 =	vld [tilespmem:s17+$0xFFFFFFC0];
	[tilespmem:s18+$0xFFFFFC60] =	vst v11;
	s25 =	sadd.s32 $0x80, s17  }
.LBB1_4:
0x45: {  	p2 =	sne.s32 s27, $0x380;
	v8 =	vld [tilespmem:s25+$0xFFFFFFD0];
	s28 =	sand.u32 $0x80, s28;
	s29 =	sadd.s32 s29, s19;
	[tilespmem:s26+$0x0] =	vst v6  }
0x46: {  	s29 =	sadd.s32 s28, s29;
	v6 =	vld [tilespmem:s25+$0x430];
	[tilespmem:s26+$0x10] =	vst v5;
	s28 =	smov.u32 s27  }
0x47: {  	v5 =	vld.idx.msk [tilespmem:v0+s29+$0x400 ss:$0x1], $0xffff;
	[tilespmem:s26+$0x20] =	vst v3  }
0x48: {  	v3 =	vld [tilespmem:s25+$0xFFFFFFE0];
	[tilespmem:s26+$0x30] =	vst v4  }
0x49: {  	v4 =	vld [tilespmem:s25+$0xFFFFFFF0];
	[tilespmem:s26+$0xFFFFFBF0] =	vst v7  }
0x4a: {  	v7 =	vld [tilespmem:s25+$0x0];
	[tilespmem:s26+$0x40] =	vst v1  }
0x4b: {  	v1 =	vld [tilespmem:s25+$0x10];
	[tilespmem:s26+$0x50] =	vst v2;
	s26 =	sadd.s32 $0x800, s26  }
0x4c: {  	s24 =	sadd.s32 $0x800, s24;
	v2 =	vld [tilespmem:s25+$0x20];
	[tilespmem:s26+$0x60] =	vst v6  }
0x4d: {  	v9 =	vld [tilespmem:s25+$0x30];
	[tilespmem:s24+$0x0] =	vst v5  }
0x4e: {  	[tilespmem:s26+$0xFFFFFC00] =	vst v8;
	v6 =	vld [tilespmem:s25+$0x3D0]  }
0x4f: {  	[tilespmem:s26+$0xFFFFFC10] =	vst v3;
	v5 =	vld [tilespmem:s25+$0x3E0]  }
.Ltmp3:
0x50: {  	[tilespmem:s26+$0xFFFFFC20] =	vst v4;
	v3 =	vld [tilespmem:s25+$0x3F0];
	(pc) =	sbr.rel @p2 .LBB1_4-.Ltmp3, $4  }
0x51: {  	[tilespmem:s26+$0xFFFFFC30] =	vst v7;
	v4 =	vld [tilespmem:s25+$0x400]  }
0x52: {  	[tilespmem:s26+$0xFFFFFC40] =	vst v1;
	v1 =	vld [tilespmem:s25+$0x410]  }
0x53: {  	[tilespmem:s26+$0xFFFFFC50] =	vst v2;
	v2 =	vld [tilespmem:s25+$0x420]  }
0x54: {  	s27 =	sadd.s32 $0x80, s27;
	s29 =	sand.u32 $0x300, s28;
	v7 =	vld [tilespmem:s25+$0xFFFFFFC0];
	[tilespmem:s26+$0xFFFFFC60] =	vst v9;
	s25 =	sadd.s32 $0x80, s25  }
0x55: {  	[tilespmem:s26+$0x0] =	vst v6  }
0x56: {  	[tilespmem:s26+$0x10] =	vst v5  }
0x57: {  	v49 =	vld [tilespmem:s25+$0x430];
	[tilespmem:s26+$0x20] =	vst v3  }
0x58: {  	v50 =	vld [tilespmem:s25+$0xFFFFFFD0];
	[tilespmem:s26+$0x30] =	vst v4  }
0x59: {  	v51 =	vld [tilespmem:s25+$0xFFFFFFE0];
	[tilespmem:s26+$0x40] =	vst v1  }
0x5a: {  	v52 =	vld [tilespmem:s25+$0xFFFFFFF0];
	[tilespmem:s26+$0x50] =	vst v2  }
0x5b: {  	s31 =	sadd.s32 $0x800, s26;
	v53 =	vld [tilespmem:s25+$0x0];
	[tilespmem:s26+$0xFFFFFBF0] =	vst v7  }
0x5c: {  	v54 =	vld [tilespmem:s25+$0x10];
	[tilespmem:s31+$0x60] =	vst v49  }
0x5d: {  	v55 =	vld [tilespmem:s25+$0x20];
	[tilespmem:s31+$0xFFFFFC00] =	vst v50  }
0x5e: {  	v56 =	vld [tilespmem:s25+$0x30];
	[tilespmem:s31+$0xFFFFFC10] =	vst v51  }
0x5f: {  	v57 =	vld [tilespmem:s25+$0x3D0];
	[tilespmem:s31+$0xFFFFFC20] =	vst v52  }
0x60: {  	v58 =	vld [tilespmem:s25+$0x3E0];
	[tilespmem:s31+$0xFFFFFC30] =	vst v53  }
0x61: {  	v59 =	vld [tilespmem:s25+$0x3F0];
	[tilespmem:s31+$0xFFFFFC40] =	vst v54  }
0x62: {  	v60 =	vld [tilespmem:s25+$0x400];
	[tilespmem:s31+$0xFFFFFC50] =	vst v55  }
0x63: {  	v61 =	vld [tilespmem:s25+$0xFFFFFFC0];
	[tilespmem:s31+$0xFFFFFC60] =	vst v56  }
0x64: {  	s27 =	sand.u32 $0x80, s28;
	s30 =	sadd.s32 s29, s19;
	v62 =	vld [tilespmem:s25+$0x410];
	[tilespmem:s31+$0x0] =	vst v57  }
0x65: {  	v63 =	vld [tilespmem:s25+$0x420];
	s23 =	sadd.s32 $0x1, s23;
	s27 =	sadd.s32 s27, s30;
	[tilespmem:s31+$0x10] =	vst v58  }
0x66: {  	p2 =	sne.s32 s23, $0x8;
	v0 =	vld.idx.msk [tilespmem:v0+s27+$0x400 ss:$0x1], $0xffff;
	[tilespmem:s31+$0x20] =	vst v59  }
.Ltmp4:
0x67: {  	[tilespmem:s31+$0x30] =	vst v60;
	(pc) =	sbr.rel @p2 .LBB1_3-.Ltmp4, $4  }
0x68: {  	[tilespmem:s31+$0xFFFFFBF0] =	vst v61  }
0x69: {  	[tilespmem:s31+$0x40] =	vst v62  }
0x6a: {  	s24 =	sadd.s32 $0x800, s24;
	s17 =	sadd.s32 $0x800, s17;
	[tilespmem:s31+$0x50] =	vst v63  }
0x6b: {  	s22 =	sadd.s32 $0x80, s22;
	p1 =	por !p1, !p1;
	s18 =	sadd.s32 $0x80, s18;
	[tilespmem:s24+$0x0] =	vst v0  }
0x6c: {  	s17 =	sshrl.u32 s15, $0x3  }
0x6d: {  	s18 =	sshll.u32 s13, $0x3;
	s17 =	smul.u32 $0x1800, s17  }
0x6e: {  	s27 =	sshll.u32 s15, $0x7;
	s18 =	sand.u32 $0xFFFFFC00, s18  }
0x6f: {  	s15 =	sand.u32 $0x380, s27;
	s17 =	sadd.s32 s17, s18  }
0x70: {  	s28 =	sand.u32 $0x7F, s13;
	s15 =	sor.u32 s15, s17  }
0x71: {  	s13 =	sor.u32 s28, s15;
	s15 =	smulhi.u32 $0xAAAAAAAB, s15  }
0x72: {  	s29 =	smulhi.u32 $0xAAAAAAAB, s13  }
0x73: {  	s14 =	smul.u32 $0xC000, s14  }
0x74: {  	s12 =	smul.u32 $0x1800, s12;
	s15 =	sshrl.u32 s15, $0x9;
	s17 =	sshrl.u32 s29, $0x9  }
0x75: {  	s15 =	sand.u32 $0x3F, s15;
	s17 =	smul.u32 $0x300, s17  }
0x76: {  	s15 =	smul.u32 $0x60, s15  }
.Ltmp5:
0x77: {  	s14 =	sadd.s32 s3, s14;
	s13 =	ssub.s32 s13, s17;
	(pc) =	sbr.rel .LBB1_7-.Ltmp5, $4  }
0x78: {  	s12 =	sadd.s32 s12, s14;
	s30 =	sand.u32 $0x7, s13  }
0x79: {  	s12 =	sadd.s32 s15, s12;
	s13 =	sshrl.u32 s13, $0x3;
	s14 =	sshll.u32 s30, $0x12  }
0x7a: {  	s12 =	sadd.s32 s13, s12;
	s31 =	sor.u32 $0x800, s14  }
0x7b: {  	[hbm4b:s12+s31] =	stream.strided.scatter [tilespmem:s16], [sflag:$0x2], $0x4000, s6, s31, $0x38;
	[tilespmem:$0x10000] =	vst v63  }
.LBB1_8:
0x7c: {  	_ =	sfence.sel $0x180000  }
0x7d: {  	s2 =	simm.s32 $0x1;
	[bflag:$0x0] =	sbarrier.arrive $0xFFFF  }
0x7e: {  	s31 =	simm.s32 $0x2;
	[sflag:s2] =	ssyncpa.u1 $0x1  }
0x7f: {  	[sflag:s31] =	ssyncpa.u1 $0x1  }
0x80: {  	p0 =	sne.s32 s1, $0x0;
	_ =	strace $0x9000004D  }
0x81: {  	s0 =	sadd.s32 @!p0 $0x100000, s0;
	[bflag:$0x2] =	sbarrier.arrive $0xFFFF  }
0x82: {  	[sflag:s0] =	ssyncadd.tile.s32 @!p0 $0x1;
	_ =	shalt  }
.Lfunc_end1:
_tile_overlayer_lowered:
.L_overlay_start_2:
0x83: {  	(tag) =	ssettag $0x2  }
0x84: {  	s0 =	rddreg [dreg:$0x0];
	s2 =	stileid.u32  }
0x85: {  	s1 =	rddreg [dreg:$0x1];
	p0 =	sne.s32 s2, $0x0  }
0x86: {  	s3 =	rddreg [dreg:$0x2];
	[bflag:$0x3] =	sbarrier.arrive $0xFFFF;
	s2 =	simm.s32 @!p0 $0x1C01  }
0x87: {  	[timem:s3], [sflag:s2] =	dma.local @!p0 [hbm:s0], s1  }
0x88: {  	s0 =	simm.s32 @!p0 $0x1  }
0x89: {  	_ =	swait.ge @!p0 [sflag:s0], s1  }
0x8a: {  	s1 =	ssub.s32 @!p0 $0x0, s1;
	[sflag:s0] =	ssyncset.done @!p0 $0x0  }
0x8b: {  	[sflag:s0] =	ssyncadd.s32 @!p0 s1  }
0x8c: {  	[bflag:$0x3] =	sbarrier.arrive $0xFFFF  }
0x8d: {  	_ =	shalt  }

// kernel: sparse-core-data-format-call.2.cloned.1.call-start
scs
called_computation.2_lowered:
.L_overlay_start_0:
0x0: {  	s2 =	sld [smem:$0x3FD9]  }
0x1: {  	s3 =	sld [smem:$0x3FFE];
	_ =	sdelay $0x1  }
0x2: {  	s1 =	srdreg.scid  }
0x3: {  	s0 =	sand.u32 $0x1, s1  }
0x4: {  	s15 =	sshll.u32 s0, $0xA;
	s2 =	sadd.s32 s3, s2  }
0x5: {  	s2 =	sadd.s32 s2, s15  }
0x6: {  	[smem:$0x3FC4] =	sst s2  }
0x7: {  	_ = 	snop  }
0x8: {  	s2 =	sld [smem:$0x3FD0];
	_ =	sdelay $0x2  }
0x9: {  	s16 =	simm.s32 $0xA;
	s4 =	simm.s32 $0x10  }
0xa: {  	[smem:s4], [sflag:s16] =	dma.local [hbm:s2], $0x1  }
0xb: {  	_ =	swait.eq [sflag:s16], $0x1  }
0xc: {  	[sflag:s16] =	ssyncset.done $0x0  }
0xd: {  	[sflag:s16] =	ssyncadd.s32 $0xFFFFFFFF  }
0xe: {  	s17 =	sld [smem:$0x10];
	(tm) =	ssettm $0x1  }
0xf: {  	s18 =	sld [smem:$0x3FFB];
	_ =	sdelay $0x3  }
0x10: {  	_ =	strace s18  }
0x11: {  	s3 =	sld [smem:$0x3FFC];
	_ =	sdelay $0x3  }
0x12: {  	_ =	strace s3  }
0x13: {  	s3 =	sld [smem:$0x3FFD];
	_ =	sdelay $0x3  }
0x14: {  	_ =	strace s3  }
0x15: {  	_ =	strace $0x8FFFFFFF  }
0x16: {  	s19 =	sld [smem:$0x3FDB];
	_ =	sdelay $0x1  }
0x17: {  	s20 =	simm.s32 $_scs_section_size  }
0x18: {  	s5 =	simm.s32 $_size__tile_overlayer_lowered;
	s6 =	simm.s32 $_tile_overlayer_lowered  }
0x19: {  	s23 =	simm.s32 $0x1BFF;
	s22 =	sshll.u32 s6, $0x1;
	s3 =	sadd.s32 s20, s19  }
0x1a: {  	s7 =	simm.s32 $0x0;
	s21 =	sshll.u32 s5, $0x1;
	s5 =	sadd.s32 s22, s3  }
0x1b: {  	[timem:s7], [sflag:s23] =	dma.local [hbm:s5], s21  }
0x1c: {  	_ =	swait.ge [sflag:s23], s21  }
0x1d: {  	s4 =	ssub.s32 $0x0, s21;
	[sflag:s23] =	ssyncset.done $0x0  }
0x1e: {  	[sflag:s23] =	ssyncadd.s32 s4;
	_ =	sdelay $0x1  }
0x1f: {  	s24 =	simm.s32 $0x1B8B  }
0x20: {  	_ =	swait.ge [sflag:s24], $0x1  }
0x21: {  	[sflag:s24] =	ssyncset.done $0x0  }
0x22: {  	s26 =	simm.s32 $0x1B8E;
	s25 =	sld [smem:$0x3FFE];
	[sflag:s24] =	ssyncadd.s32 $0xFFFFFFFF  }
0x23: {  	s27 =	simm.s32 $execute0_lowered;
	[smem:$0x3FD2] =	sst s26  }
0x24: {  	s5 =	sshll.u32 s27, $0x1;
	_ =	strace $0x80000046;
	[dreg:$0x1] =	wrdreg $0xFFFFFFFF  }
0x25: {  	s28 =	simm.s32 $_size_execute0_lowered;
	s3 =	sadd.s32 s3, s5;
	[dreg:$0x0] =	wrdreg $0x0  }
0x26: {  	s5 =	sshll.u32 s28, $0x1;
	[dreg:$0x2] =	wrdreg s3  }
0x27: {  	[dreg:$0x3] =	wrdreg s5  }
0x28: {  	[dreg:$0x4] =	wrdreg $0xC0  }
0x29: {  	_ =	task [dreg:s7], $0x5FFFF  }
0x2a: {  	[dreg:$0x1] =	wrdreg $0xFFFFFFFF  }
0x2b: {  	[dreg:$0x0] =	wrdreg $0x60  }
0x2c: {  	[dreg:$0x2] =	wrdreg s17  }
0x2d: {  	[dreg:$0x3] =	wrdreg s25  }
0x2e: {  	[dreg:$0x4] =	wrdreg $0x9  }
0x2f: {  	_ =	task.clear_ibuf [dreg:s7], $0x5FFFF;
	_ =	strace $0x90000046  }
0x30: {  	s29 =	simm.s32 $0x9;
	_ =	strace $0x80000048  }
0x31: {  	_ =	swait.ge [sflag:s29], $0x1  }
0x32: {  	[sflag:s29] =	ssyncadd.s32 $0xFFFFFFFF  }
0x33: {  	_ =	strace $0x90000048  }
0x34: {  	_ =	sfence  }
0x35: {  	s30 =	sld [smem:$0x0];
	_ =	sdelay $0x2  }
0x36: {  	s31 =	sshll.u32 s1, $0xD;
	s1 =	sshrl.u32 s1, $0x2  }
0x37: {  	s3 =	sand.u32 $0x4000, s31;
	s1 =	sadd.s32 s1, s30  }
0x38: {  	s0 =	sor.u32 s3, s0;
	s1 =	sshll.u32 s1, $0x11  }
0x39: {  	s0 =	sor.u32 s1, s0  }
0x3a: {  	s0 =	sadd.s32 $0x8F2B, s0  }
0x3b: {  	[sflag:s0] =	ssyncadd.remote.s32 $0x1  }
0x3c: {  	_ =	sfence.sel $0xFFFF  }
0x3d: {  	[dreg:$0x0] =	wrdreg $0xFFFFFFFF;
	(pc) =	sbr.abs _section_cstart, $3  }
0x3e: {  	[dreg:$0x1] =	wrdreg $0xFFFFFFFF  }
0x3f: {  	_ =	task.clear_ibuf [dreg:s7], $0x2FFFF;
	_ =	strace $0x9FFFFFFF  }
0x40: {  	(tm) =	ssettm $0x7FFFFFFF  }
0x41: {  	_ =	shalt  }
tec
execute0_lowered:
.L_overlay_start_1:
0x0: {  	(tag) =	ssettag $0x1  }
0x1: {  	s2 =	rddreg [dreg:$0x0]  }
0x2: {  	s1 =	rddreg [dreg:$0x1]  }
0x3: {  	s0 =	rddreg [dreg:$0x2]  }
0x4: {  	_ =	strace $0x80000047;
	s4 =	srdreg.scid;
	s6 =	simm.s32 $0x2  }
0x5: {  	s13 =	simm.s32 $0x0;
	p0 =	por $0x0, $0x0;
	s12 =	simm.s32 $0x0  }
0x6: {  	s15 =	simm.s32 $0x0;
	s14 =	simm.s32 $0x0;
	s8 =	simm.s32 $0x0  }
.Ltmp0:
0x7: {  	s9 =	simm.s32 $0x0;
	s10 =	simm.s32 $0x0;
	(pc) =	sbr.rel .LBB1_1-.Ltmp0, $4  }
0x8: {  	s7 =	simm.s32 $0x0;
	s3 =	sadd.s32 $0x1600, s1;
	s5 =	sshll.u32 s4, $0x4  }
0x9: {  	s1 =	stileid.u32;
	s4 =	simm.s32 $0x1;
	s5 =	sand.u32 $0x10, s5  }
0xa: {  	s22 =	simm.s32 $0x0;
	[sflag:s4] =	ssyncpa.u1 $0x0;
	s5 =	sor.u32 s1, s5  }
0xb: {  	[sflag:s6] =	ssyncpa.u1 $0x0;
	s6 =	simm.s32 $0x1800;
	s11 =	smov.u32 s5  }
.LBB1_7:
0xc: {  	s16 =	sadd.s32 $0x80, s8  }
0xd: {  	s12 =	sadd.s32 $0x40, s9;
	s17 =	smov.u32 s9;
	p2 =	sgt.s32 s16, $0x2FF  }
0xe: {  	s17 =	smov.u32 @p2 s12  }
0xf: {  	s18 =	smov.u32 s10;
	s12 =	sadd.s32 $0x2, s10;
	p3 =	sgt.s32 s17, $0x3F  }
0x10: {  	s18 =	smov.u32 @p3 s12  }
0x11: {  	s19 =	smov.u32 s11;
	s12 =	sadd.s32 $0x20, s11;
	p4 =	sgt.s32 s18, $0x7  }
0x12: {  	p1 =	slt.u32 s7, $0x2;
	s19 =	smov.u32 @p4 s12  }
0x13: {  	s7 =	sadd.s32 $0x1, s7;
	s16 =	simm.s32 @p2 $0x0;
	p2 =	sgt.s32 s19, $0x7F  }
0x14: {  	s13 =	smov.u32 s8;
	s19 =	smov.u32 @p2 s5;
	p2 =	sne.s32 s7, $0x62  }
.Ltmp1:
0x15: {  	s15 =	smov.u32 s10;
	s20 =	simm.s32 @!p1 $0x2;
	(pc) =	sbr.rel @!p2 .LBB1_8-.Ltmp1, $4  }
0x16: {  	s14 =	smov.u32 s11;
	p0 =	por !p0, !p0;
	_ =	swait.ge @!p1 [sflag:s20], $0x4000  }
0x17: {  	[sflag:s20] =	ssyncset.done @!p1 $0x0;
	s8 =	smov.u32 s16;
	s17 =	simm.s32 @p3 $0x0  }
0x18: {  	[sflag:s20] =	ssyncadd.s32 @!p1 $0xFFFFC000;
	s18 =	simm.s32 @p4 $0x0;
	s12 =	smov.u32 s9  }
0x19: {  	s9 =	smov.u32 s17;
	s10 =	smov.u32 s18;
	s11 =	smov.u32 s19  }
.LBB1_1:
0x1a: {  	p1 =	sgt.u32 s7, $0x5F  }
0x1b: {  	s16 =	sshrl.u32 @!p1 s9, $0x3  }
0x1c: {  	s17 =	sshll.u32 @!p1 s8, $0x3;
	s16 =	smul.u32 @!p1 $0x1800, s16  }
0x1d: {  	s18 =	sshll.u32 @!p1 s9, $0x7;
	s17 =	sand.u32 @!p1 $0xFFFFFC00, s17  }
0x1e: {  	s16 =	sadd.s32 @!p1 s16, s17;
	s17 =	sand.u32 @!p1 $0x380, s18  }
0x1f: {  	s18 =	sand.u32 @!p1 $0x7F, s8;
	s16 =	sor.u32 @!p1 s17, s16  }
0x20: {  	s17 =	sor.u32 @!p1 s18, s16  }
0x21: {  	s18 =	smulhi.u32 @!p1 $0xAAAAAAAB, s17  }
0x22: {  	s16 =	smulhi.u32 @!p1 $0xAAAAAAAB, s16  }
0x23: {  	s20 =	smul.u32 @!p1 $0xC000, s11;
	s18 =	sshrl.u32 @!p1 s18, $0x9  }
0x24: {  	s19 =	sxor.u32 @!p1 $0xFFFFFFFF, s7;
	s16 =	sshrl.u32 @!p1 s16, $0x9;
	s18 =	smul.u32 @!p1 $0x300, s18  }
0x25: {  	s21 =	smul.u32 @!p1 $0x1800, s10;
	s19 =	sshll.u32 @!p1 s19, $0xE;
	s16 =	sand.u32 @!p1 $0x3F, s16  }
0x26: {  	s16 =	smul.u32 @!p1 $0x60, s16;
	s17 =	ssub.s32 @!p1 s17, s18;
	s18 =	sadd.s32 @!p1 s2, s20  }
0x27: {  	s19 =	sand.u32 @!p1 $0x4000, s19;
	s18 =	sadd.s32 @!p1 s21, s18;
	s20 =	sand.u32 @!p1 $0x7, s17  }
0x28: {  	s17 =	sshrl.u32 @!p1 s17, $0x3;
	s16 =	sadd.s32 @!p1 s16, s18;
	s18 =	sshll.u32 @!p1 s20, $0x12  }
0x29: {  	s16 =	sadd.s32 @!p1 s17, s16;
	s17 =	sor.u32 @!p1 $0x400, s18;
	s18 =	simm.s32 @!p1 $0x1800  }
0x2a: {  	[tilespmem:s19], [sflag:$0x1] =	stream.strided.gather @!p1 [hbm4b:s16+s17], $0x4000, s18, s17, $0x38;
	[tilespmem:$0x10000] =	vst v63  }
0x2b: {  	p1 =	seq.s32 s7, $0x0  }
0x2c: {  	p2 =	seq.s32 @!p1 s7, $0x61  }
0x2d: {  	p1 =	por p1, p2  }
.Ltmp2:
0x2e: {  	_ = 	snop;
	(pc) =	sbr.rel @p1 .LBB1_7-.Ltmp2, $1  }
0x2f: {  	_ =	sdelay $0x3  }
0x30: {  	s16 =	simm.s32 $0x1;
	_ =	swait.ge [sflag:s4], $0x4000  }
0x31: {  	s17 =	sshll.u32 s7, $0xE;
	s19 =	simm.s32 $0x0;
	s16 =	simm.s32 @!p0 $0x0  }
0x32: {  	p2 =	por $0x1, $0x1;
	[sflag:s4] =	ssyncset.done $0x0;
	s16 =	sshll.u32 s16, $0x10  }
0x33: {  	s17 =	sand.u32 $0x4000, s17;
	[sflag:s4] =	ssyncadd.s32 $0xFFFFC000;
	s18 =	sshrl.u32 s16, $0x2  }
0x34: {  	s16 =	sor.u32 $0x8000, s17;
	s17 =	sadd.s32 $0x8040, s18;
	s18 =	sadd.s32 $0x40, s18  }
.LBB1_3:
0x35: {  	s20 =	sshll.u32 s19, $0xD  }
0x36: {  	s20 =	sand.u32 $0x3FFFE000, s20  }
0x37: {  	s20 =	sadd.s32 s20, s18  }
0x38: {  	v0 =	vmov s20;
	_ =	sdelay $0x4  }
0x39: {  	v6 =	vld.idx.msk [tilespmem:v0+s22+$0x30 ss:$0x1], $0xffff  }
0x3a: {  	v7 =	vld.idx.msk [tilespmem:v0+s22+$0xFFFFFFC0 ss:$0x1], $0xffff  }
0x3b: {  	v1 =	vld.idx.msk [tilespmem:v0+s22+$0xFFFFFFD0 ss:$0x1], $0xffff  }
0x3c: {  	s31 =	sshll.u32 s19, $0x7;
	v2 =	vld.idx.msk [tilespmem:v0+s22+$0xFFFFFFE0 ss:$0x1], $0xffff  }
0x3d: {  	s19 =	sand.u32 $0x3FFFFF80, s31;
	v3 =	vld.idx.msk [tilespmem:v0+s22+$0xFFFFFFF0 ss:$0x1], $0xffff  }
0x3e: {  	s19 =	sadd.s32 s19, s17;
	v4 =	vld.idx.msk [tilespmem:v0+s22+$0x0 ss:$0x1], $0xffff  }
0x3f: {  	v5 =	vld.idx.msk [tilespmem:v0+s22+$0x10 ss:$0x1], $0xffff;
	[tilespmem:s19+$0x30] =	vst v6  }
0x40: {  	p1 =	por p2, p2;
	s21 =	simm.s32 $0x400;
	s20 =	simm.s32 $0x80;
	[tilespmem:s19+$0xFFFFFFC0] =	vst v7;
	v6 =	vld.idx.msk [tilespmem:v0+s22+$0x20 ss:$0x1], $0xffff  }
.LBB1_4:
0x41: {  	p2 =	sne.s32 s21, $0x7E00;
	v7 =	vld.idx.msk [tilespmem:v0+s20+$0x30 ss:$0x1], $0xffff;
	[tilespmem:s19+$0xFFFFFFD0] =	vst v1  }
0x42: {  	v8 =	vld.idx.msk [tilespmem:v0+s20+$0xFFFFFFC0 ss:$0x1], $0xffff;
	[tilespmem:s19+$0xFFFFFFE0] =	vst v2  }
0x43: {  	v1 =	vld.idx.msk [tilespmem:v0+s20+$0xFFFFFFD0 ss:$0x1], $0xffff;
	[tilespmem:s19+$0xFFFFFFF0] =	vst v3  }
.Ltmp3:
0x44: {  	v2 =	vld.idx.msk [tilespmem:v0+s20+$0xFFFFFFE0 ss:$0x1], $0xffff;
	[tilespmem:s19+$0x0] =	vst v4;
	(pc) =	sbr.rel @p2 .LBB1_4-.Ltmp3, $4  }
0x45: {  	v3 =	vld.idx.msk [tilespmem:v0+s20+$0xFFFFFFF0 ss:$0x1], $0xffff;
	[tilespmem:s19+$0x10] =	vst v5  }
0x46: {  	v4 =	vld.idx.msk [tilespmem:v0+s20+$0x0 ss:$0x1], $0xffff;
	[tilespmem:s19+$0x20] =	vst v6;
	s19 =	sadd.s32 $0x100, s19  }
0x47: {  	v5 =	vld.idx.msk [tilespmem:v0+s20+$0x10 ss:$0x1], $0xffff;
	[tilespmem:s19+$0x30] =	vst v7  }
0x48: {  	[tilespmem:s19+$0xFFFFFFC0] =	vst v8;
	v6 =	vld.idx.msk [tilespmem:v0+s20+$0x20 ss:$0x1], $0xffff;
	s20 =	sshra.s32 s21, $0x2;
	s21 =	sadd.s32 $0x200, s21  }
0x49: {  	_ =	sdelay $0x2  }
0x4a: {  	[tilespmem:s19+$0xFFFFFFD0] =	vst v1  }
0x4b: {  	v56 =	vld.idx.msk [tilespmem:v0+s20+$0x30 ss:$0x1], $0xffff;
	[tilespmem:s19+$0xFFFFFFE0] =	vst v2  }
0x4c: {  	v57 =	vld.idx.msk [tilespmem:v0+s20+$0xFFFFFFC0 ss:$0x1], $0xffff;
	[tilespmem:s19+$0xFFFFFFF0] =	vst v3  }
0x4d: {  	v58 =	vld.idx.msk [tilespmem:v0+s20+$0xFFFFFFD0 ss:$0x1], $0xffff;
	[tilespmem:s19+$0x0] =	vst v4  }
0x4e: {  	v59 =	vld.idx.msk [tilespmem:v0+s20+$0xFFFFFFE0 ss:$0x1], $0xffff;
	[tilespmem:s19+$0x10] =	vst v5  }
0x4f: {  	v60 =	vld.idx.msk [tilespmem:v0+s20+$0xFFFFFFF0 ss:$0x1], $0xffff;
	s31 =	sadd.s32 $0x100, s19;
	[tilespmem:s19+$0x20] =	vst v6  }
0x50: {  	v61 =	vld.idx.msk [tilespmem:v0+s20+$0x0 ss:$0x1], $0xffff;
	[tilespmem:s31+$0x30] =	vst v56  }
0x51: {  	v62 =	vld.idx.msk [tilespmem:v0+s20+$0x10 ss:$0x1], $0xffff;
	[tilespmem:s31+$0xFFFFFFC0] =	vst v57  }
0x52: {  	v63 =	vld.idx.msk [tilespmem:v0+s20+$0x20 ss:$0x1], $0xffff;
	[tilespmem:s31+$0xFFFFFFD0] =	vst v58  }
.Ltmp4:
0x53: {  	[tilespmem:s31+$0xFFFFFFE0] =	vst v59;
	(pc) =	sbr.rel @p1 .LBB1_3-.Ltmp4, $4  }
0x54: {  	[tilespmem:s31+$0xFFFFFFF0] =	vst v60  }
0x55: {  	[tilespmem:s31+$0x0] =	vst v61  }
0x56: {  	[tilespmem:s31+$0x10] =	vst v62  }
0x57: {  	p2 =	por $0x0, $0x0;
	s19 =	simm.s32 $0x1;
	[tilespmem:s31+$0x20] =	vst v63  }
0x58: {  	s17 =	sshrl.u32 s15, $0x3  }
0x59: {  	s18 =	sshll.u32 s13, $0x3;
	s17 =	smul.u32 $0x1800, s17  }
0x5a: {  	s27 =	sshll.u32 s15, $0x7;
	s18 =	sand.u32 $0xFFFFFC00, s18  }
0x5b: {  	s15 =	sand.u32 $0x380, s27;
	s17 =	sadd.s32 s17, s18  }
0x5c: {  	s28 =	sand.u32 $0x7F, s13;
	s15 =	sor.u32 s15, s17  }
0x5d: {  	s13 =	sor.u32 s28, s15;
	s15 =	smulhi.u32 $0xAAAAAAAB, s15  }
0x5e: {  	s29 =	smulhi.u32 $0xAAAAAAAB, s13  }
0x5f: {  	s14 =	smul.u32 $0xC000, s14  }
0x60: {  	s12 =	smul.u32 $0x300, s12;
	s15 =	sshrl.u32 s15, $0x9;
	s17 =	sshrl.u32 s29, $0x9  }
0x61: {  	s15 =	sand.u32 $0x7, s15;
	s17 =	smul.u32 $0x300, s17  }
0x62: {  	s15 =	smul.u32 $0x60, s15  }
.Ltmp5:
0x63: {  	s14 =	sadd.s32 s3, s14;
	s13 =	ssub.s32 s13, s17;
	(pc) =	sbr.rel .LBB1_7-.Ltmp5, $4  }
0x64: {  	s12 =	sadd.s32 s12, s14;
	s30 =	sand.u32 $0x7, s13  }
0x65: {  	s12 =	sadd.s32 s15, s12;
	s13 =	sshrl.u32 s13, $0x3;
	s14 =	sshll.u32 s30, $0x12  }
0x66: {  	s12 =	sadd.s32 s13, s12;
	s31 =	sor.u32 $0x100, s14  }
0x67: {  	[hbm4b:s12+s31] =	stream.strided.scatter [tilespmem:s16], [sflag:$0x2], $0x4000, s6, s31, $0x38;
	[tilespmem:$0x10000] =	vst v63  }
.LBB1_8:
0x68: {  	_ =	sfence.sel $0x180000  }
0x69: {  	s2 =	simm.s32 $0x1;
	[bflag:$0x0] =	sbarrier.arrive $0xFFFF  }
0x6a: {  	s31 =	simm.s32 $0x2;
	[sflag:s2] =	ssyncpa.u1 $0x1  }
0x6b: {  	[sflag:s31] =	ssyncpa.u1 $0x1  }
0x6c: {  	p0 =	sne.s32 s1, $0x0;
	_ =	strace $0x90000047  }
0x6d: {  	s0 =	sadd.s32 @!p0 $0x100000, s0;
	[bflag:$0x2] =	sbarrier.arrive $0xFFFF  }
0x6e: {  	[sflag:s0] =	ssyncadd.tile.s32 @!p0 $0x1;
	_ =	shalt  }
.Lfunc_end1:
_tile_overlayer_lowered:
.L_overlay_start_2:
0x6f: {  	(tag) =	ssettag $0x2  }
0x70: {  	s0 =	rddreg [dreg:$0x0];
	s2 =	stileid.u32  }
0x71: {  	s1 =	rddreg [dreg:$0x1];
	p0 =	sne.s32 s2, $0x0  }
0x72: {  	s3 =	rddreg [dreg:$0x2];
	[bflag:$0x3] =	sbarrier.arrive $0xFFFF;
	s2 =	simm.s32 @!p0 $0x1C01  }
0x73: {  	[timem:s3], [sflag:s2] =	dma.local @!p0 [hbm:s0], s1  }
0x74: {  	s0 =	simm.s32 @!p0 $0x1  }
0x75: {  	_ =	swait.ge @!p0 [sflag:s0], s1  }
0x76: {  	s1 =	ssub.s32 @!p0 $0x0, s1;
	[sflag:s0] =	ssyncset.done @!p0 $0x0  }
0x77: {  	[sflag:s0] =	ssyncadd.s32 @!p0 s1  }
0x78: {  	[bflag:$0x3] =	sbarrier.arrive $0xFFFF  }
0x79: {  	_ =	shalt  }

// kernel: sparse-core-data-format-call.cloned.1.call-start
scs
called_computation_lowered:
.L_overlay_start_0:
0x0: {  	s2 =	sld [smem:$0x3FD9]  }
0x1: {  	s3 =	sld [smem:$0x3FFE];
	_ =	sdelay $0x1  }
0x2: {  	s1 =	srdreg.scid  }
0x3: {  	s0 =	sand.u32 $0x1, s1  }
0x4: {  	s15 =	sshll.u32 s0, $0xA;
	s2 =	sadd.s32 s3, s2  }
0x5: {  	s2 =	sadd.s32 s2, s15  }
0x6: {  	[smem:$0x3FC4] =	sst s2  }
0x7: {  	_ = 	snop  }
0x8: {  	s2 =	sld [smem:$0x3FD0];
	_ =	sdelay $0x2  }
0x9: {  	s16 =	simm.s32 $0xA;
	s4 =	simm.s32 $0x10  }
0xa: {  	[smem:s4], [sflag:s16] =	dma.local [hbm:s2], $0x1  }
0xb: {  	_ =	swait.eq [sflag:s16], $0x1  }
0xc: {  	[sflag:s16] =	ssyncset.done $0x0  }
0xd: {  	[sflag:s16] =	ssyncadd.s32 $0xFFFFFFFF  }
0xe: {  	s17 =	sld [smem:$0x10];
	(tm) =	ssettm $0x1  }
0xf: {  	s18 =	sld [smem:$0x3FFB];
	_ =	sdelay $0x3  }
0x10: {  	_ =	strace s18  }
0x11: {  	s3 =	sld [smem:$0x3FFC];
	_ =	sdelay $0x3  }
0x12: {  	_ =	strace s3  }
0x13: {  	s3 =	sld [smem:$0x3FFD];
	_ =	sdelay $0x3  }
0x14: {  	_ =	strace s3  }
0x15: {  	_ =	strace $0x8FFFFFFF  }
0x16: {  	s19 =	sld [smem:$0x3FDB];
	_ =	sdelay $0x1  }
0x17: {  	s20 =	simm.s32 $_scs_section_size  }
0x18: {  	s5 =	simm.s32 $_size__tile_overlayer_lowered;
	s6 =	simm.s32 $_tile_overlayer_lowered  }
0x19: {  	s23 =	simm.s32 $0x1BFF;
	s22 =	sshll.u32 s6, $0x1;
	s3 =	sadd.s32 s20, s19  }
0x1a: {  	s7 =	simm.s32 $0x0;
	s21 =	sshll.u32 s5, $0x1;
	s5 =	sadd.s32 s22, s3  }
0x1b: {  	[timem:s7], [sflag:s23] =	dma.local [hbm:s5], s21  }
0x1c: {  	_ =	swait.ge [sflag:s23], s21  }
0x1d: {  	s4 =	ssub.s32 $0x0, s21;
	[sflag:s23] =	ssyncset.done $0x0  }
0x1e: {  	[sflag:s23] =	ssyncadd.s32 s4;
	_ =	sdelay $0x1  }
0x1f: {  	s24 =	simm.s32 $0x1B8B  }
0x20: {  	_ =	swait.ge [sflag:s24], $0x1  }
0x21: {  	[sflag:s24] =	ssyncset.done $0x0  }
0x22: {  	s26 =	simm.s32 $0x1B8E;
	s25 =	sld [smem:$0x3FFE];
	[sflag:s24] =	ssyncadd.s32 $0xFFFFFFFF  }
0x23: {  	s27 =	simm.s32 $execute0_lowered;
	[smem:$0x3FD2] =	sst s26  }
0x24: {  	s5 =	sshll.u32 s27, $0x1;
	_ =	strace $0x8000004F;
	[dreg:$0x1] =	wrdreg $0xFFFFFFFF  }
0x25: {  	s28 =	simm.s32 $_size_execute0_lowered;
	s3 =	sadd.s32 s3, s5;
	[dreg:$0x0] =	wrdreg $0x0  }
0x26: {  	s5 =	sshll.u32 s28, $0x1;
	[dreg:$0x2] =	wrdreg s3  }
0x27: {  	[dreg:$0x3] =	wrdreg s5  }
0x28: {  	[dreg:$0x4] =	wrdreg $0xC0  }
0x29: {  	_ =	task [dreg:s7], $0x5FFFF  }
0x2a: {  	[dreg:$0x1] =	wrdreg $0xFFFFFFFF  }
0x2b: {  	[dreg:$0x0] =	wrdreg $0x60  }
0x2c: {  	[dreg:$0x2] =	wrdreg s25  }
0x2d: {  	[dreg:$0x3] =	wrdreg s17  }
0x2e: {  	[dreg:$0x4] =	wrdreg $0x9  }
0x2f: {  	_ =	task.clear_ibuf [dreg:s7], $0x5FFFF;
	_ =	strace $0x9000004F  }
0x30: {  	s29 =	simm.s32 $0x9;
	_ =	strace $0x80000051  }
0x31: {  	_ =	swait.ge [sflag:s29], $0x1  }
0x32: {  	[sflag:s29] =	ssyncadd.s32 $0xFFFFFFFF  }
0x33: {  	_ =	strace $0x90000051  }
0x34: {  	_ =	sfence  }
0x35: {  	s30 =	sld [smem:$0x0];
	_ =	sdelay $0x2  }
0x36: {  	s31 =	sshll.u32 s1, $0xD;
	s1 =	sshrl.u32 s1, $0x2  }
0x37: {  	s3 =	sand.u32 $0x4000, s31;
	s1 =	sadd.s32 s1, s30  }
0x38: {  	s0 =	sor.u32 s3, s0;
	s1 =	sshll.u32 s1, $0x11  }
0x39: {  	s0 =	sor.u32 s1, s0  }
0x3a: {  	s0 =	sadd.s32 $0x8F2B, s0  }
0x3b: {  	[sflag:s0] =	ssyncadd.remote.s32 $0x1  }
0x3c: {  	_ =	sfence.sel $0xFFFF  }
0x3d: {  	[dreg:$0x0] =	wrdreg $0xFFFFFFFF;
	(pc) =	sbr.abs _section_cstart, $3  }
0x3e: {  	[dreg:$0x1] =	wrdreg $0xFFFFFFFF  }
0x3f: {  	_ =	task.clear_ibuf [dreg:s7], $0x2FFFF;
	_ =	strace $0x9FFFFFFF  }
0x40: {  	(tm) =	ssettm $0x7FFFFFFF  }
0x41: {  	_ =	shalt  }
tec
execute0_lowered:
.L_overlay_start_1:
0x0: {  	(tag) =	ssettag $0x1  }
0x1: {  	s1 =	rddreg [dreg:$0x0]  }
0x2: {  	s2 =	rddreg [dreg:$0x1]  }
0x3: {  	s0 =	rddreg [dreg:$0x2]  }
0x4: {  	_ =	strace $0x80000050;
	s4 =	srdreg.scid;
	s6 =	simm.s32 $0x2  }
0x5: {  	s13 =	simm.s32 $0x0;
	p0 =	por $0x0, $0x0;
	s12 =	simm.s32 $0x0  }
0x6: {  	s15 =	simm.s32 $0x0;
	s14 =	simm.s32 $0x0;
	s8 =	simm.s32 $0x0  }
.Ltmp0:
0x7: {  	s9 =	simm.s32 $0x0;
	s10 =	simm.s32 $0x0;
	(pc) =	sbr.rel .LBB1_1-.Ltmp0, $4  }
0x8: {  	s7 =	simm.s32 $0x0;
	s3 =	sadd.s32 $0x1600, s1;
	s5 =	sshll.u32 s4, $0x4  }
0x9: {  	s1 =	stileid.u32;
	s4 =	simm.s32 $0x1;
	s5 =	sand.u32 $0x10, s5  }
0xa: {  	s22 =	simm.s32 $0x0;
	[sflag:s4] =	ssyncpa.u1 $0x0;
	s5 =	sor.u32 s1, s5  }
0xb: {  	[sflag:s6] =	ssyncpa.u1 $0x0;
	s6 =	simm.s32 $0xC0000;
	s11 =	smov.u32 s5  }
.LBB1_7:
0xc: {  	s16 =	sadd.s32 $0x80, s8  }
0xd: {  	s12 =	sadd.s32 $0x40, s9;
	s17 =	smov.u32 s9;
	p2 =	sgt.s32 s16, $0x2FF  }
0xe: {  	s17 =	smov.u32 @p2 s12  }
0xf: {  	s18 =	smov.u32 s10;
	s12 =	sadd.s32 $0x2, s10;
	p3 =	sgt.s32 s17, $0x3F  }
0x10: {  	s18 =	smov.u32 @p3 s12  }
0x11: {  	s19 =	smov.u32 s11;
	s12 =	sadd.s32 $0x20, s11;
	p4 =	sgt.s32 s18, $0x1F  }
0x12: {  	p1 =	slt.u32 s7, $0x2;
	s19 =	smov.u32 @p4 s12  }
0x13: {  	s7 =	sadd.s32 $0x1, s7;
	s16 =	simm.s32 @p2 $0x0;
	p2 =	sgt.s32 s19, $0x1F  }
0x14: {  	s13 =	smov.u32 s8;
	s19 =	smov.u32 @p2 s5;
	p2 =	sne.s32 s7, $0x62  }
.Ltmp1:
0x15: {  	s15 =	smov.u32 s10;
	s20 =	simm.s32 @!p1 $0x2;
	(pc) =	sbr.rel @!p2 .LBB1_8-.Ltmp1, $4  }
0x16: {  	s14 =	smov.u32 s11;
	p0 =	por !p0, !p0;
	_ =	swait.ge @!p1 [sflag:s20], $0x4000  }
0x17: {  	[sflag:s20] =	ssyncset.done @!p1 $0x0;
	s8 =	smov.u32 s16;
	s17 =	simm.s32 @p3 $0x0  }
0x18: {  	[sflag:s20] =	ssyncadd.s32 @!p1 $0xFFFFC000;
	s18 =	simm.s32 @p4 $0x0;
	s12 =	smov.u32 s9  }
0x19: {  	s9 =	smov.u32 s17;
	s10 =	smov.u32 s18;
	s11 =	smov.u32 s19  }
.LBB1_1:
0x1a: {  	p1 =	sgt.u32 s7, $0x5F  }
0x1b: {  	s16 =	sshrl.u32 @!p1 s9, $0x3  }
0x1c: {  	s17 =	sshll.u32 @!p1 s8, $0x3;
	s16 =	smul.u32 @!p1 $0x1800, s16  }
0x1d: {  	s18 =	sshll.u32 @!p1 s9, $0x7;
	s17 =	sand.u32 @!p1 $0xFFFFFC00, s17  }
0x1e: {  	s16 =	sadd.s32 @!p1 s16, s17;
	s17 =	sand.u32 @!p1 $0x380, s18  }
0x1f: {  	s18 =	sand.u32 @!p1 $0x7F, s8;
	s16 =	sor.u32 @!p1 s17, s16  }
0x20: {  	s17 =	sor.u32 @!p1 s18, s16  }
0x21: {  	s18 =	smulhi.u32 @!p1 $0xAAAAAAAB, s17  }
0x22: {  	s16 =	smulhi.u32 @!p1 $0xAAAAAAAB, s16  }
0x23: {  	s20 =	smul.u32 @!p1 $0x30000, s11;
	s18 =	sshrl.u32 @!p1 s18, $0x9  }
0x24: {  	s19 =	sxor.u32 @!p1 $0xFFFFFFFF, s7;
	s16 =	sshrl.u32 @!p1 s16, $0x9;
	s18 =	smul.u32 @!p1 $0x300, s18  }
0x25: {  	s21 =	smul.u32 @!p1 $0x1800, s10;
	s19 =	sshll.u32 @!p1 s19, $0xE;
	s16 =	sand.u32 @!p1 $0x3F, s16  }
0x26: {  	s16 =	smul.u32 @!p1 $0x60, s16;
	s17 =	ssub.s32 @!p1 s17, s18;
	s18 =	sadd.s32 @!p1 s3, s20  }
0x27: {  	s19 =	sand.u32 @!p1 $0x4000, s19;
	s18 =	sadd.s32 @!p1 s21, s18;
	s20 =	sand.u32 @!p1 $0x7, s17  }
0x28: {  	s17 =	sshrl.u32 @!p1 s17, $0x3;
	s16 =	sadd.s32 @!p1 s16, s18;
	s18 =	sshll.u32 @!p1 s20, $0x12  }
0x29: {  	s16 =	sadd.s32 @!p1 s17, s16;
	s17 =	sor.u32 @!p1 $0x400, s18;
	s18 =	simm.s32 @!p1 $0x1800  }
0x2a: {  	[tilespmem:s19], [sflag:$0x1] =	stream.strided.gather @!p1 [hbm4b:s16+s17], $0x4000, s18, s17, $0x38;
	[tilespmem:$0x10000] =	vst v63  }
0x2b: {  	p1 =	seq.s32 s7, $0x0  }
0x2c: {  	p2 =	seq.s32 @!p1 s7, $0x61  }
0x2d: {  	p1 =	por p1, p2  }
.Ltmp2:
0x2e: {  	_ = 	snop;
	(pc) =	sbr.rel @p1 .LBB1_7-.Ltmp2, $1  }
0x2f: {  	_ =	sdelay $0x3  }
0x30: {  	s16 =	simm.s32 $0x1;
	_ =	swait.ge [sflag:s4], $0x4000  }
0x31: {  	s17 =	sshll.u32 s7, $0xE;
	s19 =	simm.s32 $0x0;
	s16 =	simm.s32 @!p0 $0x0  }
0x32: {  	p2 =	por $0x1, $0x1;
	[sflag:s4] =	ssyncset.done $0x0;
	s16 =	sshll.u32 s16, $0x10  }
0x33: {  	s17 =	sand.u32 $0x4000, s17;
	[sflag:s4] =	ssyncadd.s32 $0xFFFFC000;
	s18 =	sshrl.u32 s16, $0x2  }
0x34: {  	s16 =	sor.u32 $0x8000, s17;
	s17 =	sadd.s32 $0x8040, s18;
	s18 =	sadd.s32 $0x40, s18  }
.LBB1_3:
0x35: {  	s20 =	sshll.u32 s19, $0xD  }
0x36: {  	s20 =	sand.u32 $0x3FFFE000, s20  }
0x37: {  	s20 =	sadd.s32 s20, s18  }
0x38: {  	v0 =	vmov s20;
	_ =	sdelay $0x4  }
0x39: {  	v6 =	vld.idx.msk [tilespmem:v0+s22+$0x30 ss:$0x1], $0xffff  }
0x3a: {  	v7 =	vld.idx.msk [tilespmem:v0+s22+$0xFFFFFFC0 ss:$0x1], $0xffff  }
0x3b: {  	v1 =	vld.idx.msk [tilespmem:v0+s22+$0xFFFFFFD0 ss:$0x1], $0xffff  }
0x3c: {  	s31 =	sshll.u32 s19, $0x7;
	v2 =	vld.idx.msk [tilespmem:v0+s22+$0xFFFFFFE0 ss:$0x1], $0xffff  }
0x3d: {  	s19 =	sand.u32 $0x3FFFFF80, s31;
	v3 =	vld.idx.msk [tilespmem:v0+s22+$0xFFFFFFF0 ss:$0x1], $0xffff  }
0x3e: {  	s19 =	sadd.s32 s19, s17;
	v4 =	vld.idx.msk [tilespmem:v0+s22+$0x0 ss:$0x1], $0xffff  }
0x3f: {  	v5 =	vld.idx.msk [tilespmem:v0+s22+$0x10 ss:$0x1], $0xffff;
	[tilespmem:s19+$0x30] =	vst v6  }
0x40: {  	p1 =	por p2, p2;
	s21 =	simm.s32 $0x400;
	s20 =	simm.s32 $0x80;
	[tilespmem:s19+$0xFFFFFFC0] =	vst v7;
	v6 =	vld.idx.msk [tilespmem:v0+s22+$0x20 ss:$0x1], $0xffff  }
.LBB1_4:
0x41: {  	p2 =	sne.s32 s21, $0x7E00;
	v7 =	vld.idx.msk [tilespmem:v0+s20+$0x30 ss:$0x1], $0xffff;
	[tilespmem:s19+$0xFFFFFFD0] =	vst v1  }
0x42: {  	v8 =	vld.idx.msk [tilespmem:v0+s20+$0xFFFFFFC0 ss:$0x1], $0xffff;
	[tilespmem:s19+$0xFFFFFFE0] =	vst v2  }
0x43: {  	v1 =	vld.idx.msk [tilespmem:v0+s20+$0xFFFFFFD0 ss:$0x1], $0xffff;
	[tilespmem:s19+$0xFFFFFFF0] =	vst v3  }
.Ltmp3:
0x44: {  	v2 =	vld.idx.msk [tilespmem:v0+s20+$0xFFFFFFE0 ss:$0x1], $0xffff;
	[tilespmem:s19+$0x0] =	vst v4;
	(pc) =	sbr.rel @p2 .LBB1_4-.Ltmp3, $4  }
0x45: {  	v3 =	vld.idx.msk [tilespmem:v0+s20+$0xFFFFFFF0 ss:$0x1], $0xffff;
	[tilespmem:s19+$0x10] =	vst v5  }
0x46: {  	v4 =	vld.idx.msk [tilespmem:v0+s20+$0x0 ss:$0x1], $0xffff;
	[tilespmem:s19+$0x20] =	vst v6;
	s19 =	sadd.s32 $0x100, s19  }
0x47: {  	v5 =	vld.idx.msk [tilespmem:v0+s20+$0x10 ss:$0x1], $0xffff;
	[tilespmem:s19+$0x30] =	vst v7  }
0x48: {  	[tilespmem:s19+$0xFFFFFFC0] =	vst v8;
	v6 =	vld.idx.msk [tilespmem:v0+s20+$0x20 ss:$0x1], $0xffff;
	s20 =	sshra.s32 s21, $0x2;
	s21 =	sadd.s32 $0x200, s21  }
0x49: {  	_ =	sdelay $0x2  }
0x4a: {  	[tilespmem:s19+$0xFFFFFFD0] =	vst v1  }
0x4b: {  	v56 =	vld.idx.msk [tilespmem:v0+s20+$0x30 ss:$0x1], $0xffff;
	[tilespmem:s19+$0xFFFFFFE0] =	vst v2  }
0x4c: {  	v57 =	vld.idx.msk [tilespmem:v0+s20+$0xFFFFFFC0 ss:$0x1], $0xffff;
	[tilespmem:s19+$0xFFFFFFF0] =	vst v3  }
0x4d: {  	v58 =	vld.idx.msk [tilespmem:v0+s20+$0xFFFFFFD0 ss:$0x1], $0xffff;
	[tilespmem:s19+$0x0] =	vst v4  }
0x4e: {  	v59 =	vld.idx.msk [tilespmem:v0+s20+$0xFFFFFFE0 ss:$0x1], $0xffff;
	[tilespmem:s19+$0x10] =	vst v5  }
0x4f: {  	v60 =	vld.idx.msk [tilespmem:v0+s20+$0xFFFFFFF0 ss:$0x1], $0xffff;
	s31 =	sadd.s32 $0x100, s19;
	[tilespmem:s19+$0x20] =	vst v6  }
0x50: {  	v61 =	vld.idx.msk [tilespmem:v0+s20+$0x0 ss:$0x1], $0xffff;
	[tilespmem:s31+$0x30] =	vst v56  }
0x51: {  	v62 =	vld.idx.msk [tilespmem:v0+s20+$0x10 ss:$0x1], $0xffff;
	[tilespmem:s31+$0xFFFFFFC0] =	vst v57  }
0x52: {  	v63 =	vld.idx.msk [tilespmem:v0+s20+$0x20 ss:$0x1], $0xffff;
	[tilespmem:s31+$0xFFFFFFD0] =	vst v58  }
.Ltmp4:
0x53: {  	[tilespmem:s31+$0xFFFFFFE0] =	vst v59;
	(pc) =	sbr.rel @p1 .LBB1_3-.Ltmp4, $4  }
0x54: {  	[tilespmem:s31+$0xFFFFFFF0] =	vst v60  }
0x55: {  	[tilespmem:s31+$0x0] =	vst v61  }
0x56: {  	[tilespmem:s31+$0x10] =	vst v62  }
0x57: {  	p2 =	por $0x0, $0x0;
	s19 =	simm.s32 $0x1;
	[tilespmem:s31+$0x20] =	vst v63  }
0x58: {  	s17 =	sshrl.u32 s15, $0x3  }
0x59: {  	s18 =	sshll.u32 s13, $0x3;
	s17 =	smul.u32 $0x1800, s17  }
0x5a: {  	s27 =	sshll.u32 s15, $0x7;
	s18 =	sand.u32 $0xFFFFFC00, s18  }
0x5b: {  	s15 =	sand.u32 $0x380, s27;
	s17 =	sadd.s32 s17, s18  }
0x5c: {  	s28 =	sand.u32 $0x7F, s13;
	s15 =	sor.u32 s15, s17  }
0x5d: {  	s13 =	sor.u32 s28, s15;
	s15 =	smulhi.u32 $0xAAAAAAAB, s15  }
0x5e: {  	s29 =	smulhi.u32 $0xAAAAAAAB, s13  }
0x5f: {  	s14 =	smul.u32 $0xC00, s14  }
0x60: {  	s12 =	smul.u32 $0x18000, s12;
	s15 =	sshrl.u32 s15, $0x9;
	s17 =	sshrl.u32 s29, $0x9  }
0x61: {  	s15 =	sand.u32 $0x1F, s15;
	s17 =	smul.u32 $0x300, s17  }
0x62: {  	s15 =	smul.u32 $0x60, s15  }
.Ltmp5:
0x63: {  	s14 =	sadd.s32 s2, s14;
	s13 =	ssub.s32 s13, s17;
	(pc) =	sbr.rel .LBB1_7-.Ltmp5, $4  }
0x64: {  	s12 =	sadd.s32 s12, s14;
	s30 =	sand.u32 $0x7, s13  }
0x65: {  	s12 =	sadd.s32 s15, s12;
	s13 =	sshrl.u32 s13, $0x3;
	s14 =	sshll.u32 s30, $0x12  }
0x66: {  	s12 =	sadd.s32 s13, s12;
	s31 =	sor.u32 $0x100, s14  }
0x67: {  	[hbm4b:s12+s31] =	stream.strided.scatter [tilespmem:s16], [sflag:$0x2], $0x4000, s6, s31, $0x38;
	[tilespmem:$0x10000] =	vst v63  }
.LBB1_8:
0x68: {  	_ =	sfence.sel $0x180000  }
0x69: {  	s2 =	simm.s32 $0x1;
	[bflag:$0x0] =	sbarrier.arrive $0xFFFF  }
0x6a: {  	s31 =	simm.s32 $0x2;
	[sflag:s2] =	ssyncpa.u1 $0x1  }
0x6b: {  	[sflag:s31] =	ssyncpa.u1 $0x1  }
0x6c: {  	p0 =	sne.s32 s1, $0x0;
	_ =	strace $0x90000050  }
0x6d: {  	s0 =	sadd.s32 @!p0 $0x100000, s0;
	[bflag:$0x2] =	sbarrier.arrive $0xFFFF  }
0x6e: {  	[sflag:s0] =	ssyncadd.tile.s32 @!p0 $0x1;
	_ =	shalt  }
.Lfunc_end1:
_tile_overlayer_lowered:
.L_overlay_start_2:
0x6f: {  	(tag) =	ssettag $0x2  }
0x70: {  	s0 =	rddreg [dreg:$0x0];
	s2 =	stileid.u32  }
0x71: {  	s1 =	rddreg [dreg:$0x1];
	p0 =	sne.s32 s2, $0x0  }
0x72: {  	s3 =	rddreg [dreg:$0x2];
	[bflag:$0x3] =	sbarrier.arrive $0xFFFF;
	s2 =	simm.s32 @!p0 $0x1C01  }
0x73: {  	[timem:s3], [sflag:s2] =	dma.local @!p0 [hbm:s0], s1  }
0x74: {  	s0 =	simm.s32 @!p0 $0x1  }
0x75: {  	_ =	swait.ge @!p0 [sflag:s0], s1  }
0x76: {  	s1 =	ssub.s32 @!p0 $0x0, s1;
	[sflag:s0] =	ssyncset.done @!p0 $0x0  }
0x77: {  	[sflag:s0] =	ssyncadd.s32 @!p0 s1  }
0x78: {  	[bflag:$0x3] =	sbarrier.arrive $0xFFFF  }
0x79: {  	_ =	shalt  }

</sc_bundles>
